<compile_context>
chip_gen: v7x
topology: tpu7x:2x2x1
jax: 0.10.2.dev20260603
libtpu: 0.0.44.dev20260713+nightly
codegen_flags: <defaults>
</compile_context>

<pallas_src>
import functools

import jax
import jax.numpy as jnp
from jax import lax
from jax.experimental import pallas as pl
from jax.experimental.pallas import tpu as pltpu
from jax.experimental.pallas import tpu_sc as plsc



def _linear_body(x_ref, w_ref, b_ref, o_ref):
    o_ref[...] = (
        jnp.dot(x_ref[...], w_ref[...], preferred_element_type=jnp.float32)
        + b_ref[...]
    )


def _linear(x, w, b, block_rows=None):
    m, k = x.shape
    _, n = w.shape
    if block_rows is None:
        block_rows = m
    grid = (m // block_rows,)
    return pl.pallas_call(
        _linear_body,
        grid=grid,
        in_specs=[
            pl.BlockSpec((block_rows, k), lambda i: (i, 0)),
            pl.BlockSpec((k, n), lambda i: (0, 0)),
            pl.BlockSpec((1, n), lambda i: (0, 0)),
        ],
        out_specs=pl.BlockSpec((block_rows, n), lambda i: (i, 0)),
        out_shape=jax.ShapeDtypeStruct((m, n), jnp.float32),
    )(x, w, b.reshape(1, -1))


def _edge_body(xj_ref, xi_ref, e_ref, wxi_ref, wxj_ref, wee_ref, bg_ref,
               bn_ref, be_ref, msg_ref, eout_ref):
    h = e_ref.shape[1]
    p_i = jnp.dot(xi_ref[...], wxi_ref[...], preferred_element_type=jnp.float32)
    p_j = jnp.dot(xj_ref[...], wxj_ref[...], preferred_element_type=jnp.float32)
    p_e = jnp.dot(e_ref[...], wee_ref[...], preferred_element_type=jnp.float32)
    gate = jax.nn.sigmoid(p_i[:, :h] + p_e[:, :h] + bg_ref[...])
    msg_ref[...] = gate * (p_j[:, :h] + p_e[:, h:2 * h] + bn_ref[...])
    newe = p_i[:, h:] + p_j[:, h:] + p_e[:, 2 * h:] + be_ref[...]
    eout_ref[...] = e_ref[...] + jnp.maximum(newe, 0.0)


def _edge_layer(gath, e, wxi, wxj, wee, bg, bn, be, n_edges, block_edges):
    hdim = e.shape[1]
    nblk = n_edges // block_edges
    return pl.pallas_call(
        _edge_body,
        grid=(nblk,),
        in_specs=[
            pl.BlockSpec((block_edges, hdim), lambda i: (i, 0)),
            pl.BlockSpec((block_edges, hdim), lambda i: (i + nblk, 0)),
            pl.BlockSpec((block_edges, hdim), lambda i: (i, 0)),
            pl.BlockSpec((hdim, 2 * hdim), lambda i: (0, 0)),
            pl.BlockSpec((hdim, 2 * hdim), lambda i: (0, 0)),
            pl.BlockSpec((hdim, 3 * hdim), lambda i: (0, 0)),
            pl.BlockSpec((1, hdim), lambda i: (0, 0)),
            pl.BlockSpec((1, hdim), lambda i: (0, 0)),
            pl.BlockSpec((1, hdim), lambda i: (0, 0)),
        ],
        out_specs=[
            pl.BlockSpec((block_edges, hdim), lambda i: (i, 0)),
            pl.BlockSpec((block_edges, hdim), lambda i: (i, 0)),
        ],
        out_shape=[
            jax.ShapeDtypeStruct((n_edges, hdim), jnp.float32),
            jax.ShapeDtypeStruct((n_edges, hdim), jnp.float32),
        ],
    )(gath, gath, e, wxi, wxj, wee, bg.reshape(1, -1), bn.reshape(1, -1),
      be.reshape(1, -1))


def _edge_last_body(xj_ref, xi_ref, e_ref, wgx_ref, wnx_ref, wge_ref, bg_ref,
                    bn_ref, msg_ref):
    h = e_ref.shape[1]
    p_i = jnp.dot(xi_ref[...], wgx_ref[...], preferred_element_type=jnp.float32)
    p_j = jnp.dot(xj_ref[...], wnx_ref[...], preferred_element_type=jnp.float32)
    p_e = jnp.dot(e_ref[...], wge_ref[...], preferred_element_type=jnp.float32)
    gate = jax.nn.sigmoid(p_i + p_e[:, :h] + bg_ref[...])
    msg_ref[...] = gate * (p_j + p_e[:, h:] + bn_ref[...])


def _edge_layer_last(gath, e, wgx, wnx, wge, bg, bn, n_edges, block_edges):
    hdim = e.shape[1]
    nblk = n_edges // block_edges
    return pl.pallas_call(
        _edge_last_body,
        grid=(nblk,),
        in_specs=[
            pl.BlockSpec((block_edges, hdim), lambda i: (i, 0)),
            pl.BlockSpec((block_edges, hdim), lambda i: (i + nblk, 0)),
            pl.BlockSpec((block_edges, hdim), lambda i: (i, 0)),
            pl.BlockSpec((hdim, hdim), lambda i: (0, 0)),
            pl.BlockSpec((hdim, hdim), lambda i: (0, 0)),
            pl.BlockSpec((hdim, 2 * hdim), lambda i: (0, 0)),
            pl.BlockSpec((1, hdim), lambda i: (0, 0)),
            pl.BlockSpec((1, hdim), lambda i: (0, 0)),
        ],
        out_specs=pl.BlockSpec((block_edges, hdim), lambda i: (i, 0)),
        out_shape=jax.ShapeDtypeStruct((n_edges, hdim), jnp.float32),
    )(gath, gath, e, wgx, wnx, wge, bg.reshape(1, -1), bn.reshape(1, -1))


def _node_update_body(h_ref, p0_ref, p1_ref, o_ref):
    o_ref[...] = h_ref[...] + jnp.maximum(p0_ref[...] + p1_ref[...], 0.0)


def _node_update(h, partials, n_pad, block_rows=80):
    n, hdim = h.shape
    p1_blk = n_pad // block_rows
    return pl.pallas_call(
        _node_update_body,
        grid=(n // block_rows,),
        in_specs=[
            pl.BlockSpec((block_rows, hdim), lambda i: (i, 0)),
            pl.BlockSpec((block_rows, hdim), lambda i: (i, 0)),
            pl.BlockSpec((block_rows, hdim), lambda i: (i + p1_blk, 0)),
        ],
        out_specs=pl.BlockSpec((block_rows, hdim), lambda i: (i, 0)),
        out_shape=jax.ShapeDtypeStruct((n, hdim), jnp.float32),
    )(h, partials, partials)


def _final_body(h_ref, p0_ref, p1_ref, w1_ref, b1_ref, w2_ref, b2_ref, o_ref):
    hn = h_ref[...] + jnp.maximum(p0_ref[...] + p1_ref[...], 0.0)
    t = jnp.maximum(
        jnp.dot(hn, w1_ref[...], preferred_element_type=jnp.float32)
        + b1_ref[...], 0.0)
    o_ref[...] = jnp.sum(t * w2_ref[...], axis=1, keepdims=True) + b2_ref[...]


def _final(h, partials, w1, b1, w2, b2, n_pad, block_rows=80):
    n, hdim = h.shape
    h2 = w1.shape[1]
    p1_blk = n_pad // block_rows
    return pl.pallas_call(
        _final_body,
        grid=(n // block_rows,),
        in_specs=[
            pl.BlockSpec((block_rows, hdim), lambda i: (i, 0)),
            pl.BlockSpec((block_rows, hdim), lambda i: (i, 0)),
            pl.BlockSpec((block_rows, hdim), lambda i: (i + p1_blk, 0)),
            pl.BlockSpec((hdim, h2), lambda i: (0, 0)),
            pl.BlockSpec((1, h2), lambda i: (0, 0)),
            pl.BlockSpec((1, h2), lambda i: (0, 0)),
            pl.BlockSpec((1, 1), lambda i: (0, 0)),
        ],
        out_specs=pl.BlockSpec((block_rows, 1), lambda i: (i, 0)),
        out_shape=jax.ShapeDtypeStruct((n, 1), jnp.float32),
    )(h, partials, partials, w1, b1.reshape(1, -1), w2.reshape(1, -1),
      b2.reshape(1, 1))



_NC = 2
_NS = 16
_NW = _NC * _NS


def _make_sc_gather(n_idx, n_rows, hdim, k, nbuf):
    ch = n_idx // _NW
    nsteps = ch // k
    assert ch % k == 0 and nsteps % nbuf == 0 and k % 8 == 0 and k <= 128
    mesh = plsc.VectorSubcoreMesh(core_axis_name="c", subcore_axis_name="s",
                                  num_cores=_NC, num_subcores=_NS)

    @functools.partial(
        pl.kernel,
        out_type=jax.ShapeDtypeStruct((n_idx, hdim), jnp.float32),
        mesh=mesh,
        scratch_types=[
            pltpu.VMEM((nsteps, k), jnp.int32),
            pltpu.VMEM((nbuf, k, hdim), jnp.float32),
            pltpu.SemaphoreType.DMA,
            pltpu.SemaphoreType.DMA,
        ],
    )
    def gather_kernel(table_hbm, idx_hbm, out_hbm, idx_v, bufs, gsem, ssem):
        c = lax.axis_index("c")
        s = lax.axis_index("s")
        w = c * _NS + s
        base = w * ch
        pltpu.sync_copy(idx_hbm.at[w], idx_v)
        for b in range(nbuf):
            pltpu.async_copy(table_hbm.at[idx_v.at[b]], bufs.at[b], gsem)

        def group(gi, carry):
            for b in range(nbuf):
                step = gi * nbuf + b
                pltpu.make_async_copy(
                    table_hbm.at[idx_v.at[0]], bufs.at[b], gsem).wait()
                pltpu.async_copy(
                    bufs.at[b], out_hbm.at[pl.ds(base + step * k, k)], ssem)
                pltpu.make_async_copy(
                    bufs.at[b], out_hbm.at[pl.ds(base, k)], ssem).wait()
                nstep = step + nbuf

                @pl.when(nstep < nsteps)
                def _():
                    pltpu.async_copy(
                        table_hbm.at[idx_v.at[nstep]], bufs.at[b], gsem)
            return carry

        lax.fori_loop(0, nsteps // nbuf, group, 0)

    return gather_kernel


def _make_sc_scatter(n_edges, n_nodes, hdim, k, nbuf):
    ec = n_edges // _NW
    nsteps = ec // k
    rz = n_nodes // _NS
    ngroups, ntail = divmod(nsteps, nbuf)
    assert ec % k == 0 and n_nodes % (8 * _NS) == 0
    mesh = plsc.VectorSubcoreMesh(core_axis_name="c", subcore_axis_name="s",
                                  num_cores=_NC, num_subcores=_NS)

    @functools.partial(
        pl.kernel,
        out_type=jax.ShapeDtypeStruct((_NC * n_nodes, hdim), jnp.float32),
        mesh=mesh,
        scratch_types=[
            pltpu.VMEM((nsteps, k), jnp.int32),
            pltpu.VMEM((nbuf, k, hdim), jnp.float32),
            pltpu.VMEM_SHARED((n_nodes, hdim), jnp.float32),
            pltpu.SemaphoreType.DMA,
            pltpu.SemaphoreType.DMA,
        ],
    )
    def scatter_kernel(msg_hbm, idx_hbm, zeros_hbm, out_hbm, idx_v, bufs, acc,
                       gsem, asem):
        c = lax.axis_index("c")
        s = lax.axis_index("s")
        w = c * _NS + s
        base = w * ec
        pltpu.sync_copy(zeros_hbm.at[pl.ds(s * rz, rz)], acc.at[pl.ds(s * rz, rz)])
        pltpu.sync_copy(idx_hbm.at[w], idx_v)
        plsc.subcore_barrier()
        for b in range(nbuf):
            pltpu.async_copy(
                msg_hbm.at[pl.ds(base + b * k, k)], bufs.at[b], gsem)

        def _step(step, b):
            pltpu.make_async_copy(
                msg_hbm.at[pl.ds(base, k)], bufs.at[b], gsem).wait()
            pltpu.async_copy(
                bufs.at[b], acc.at[idx_v.at[step]], asem, add=True)
            pltpu.make_async_copy(
                bufs.at[b], acc.at[idx_v.at[0]], asem).wait()
            nstep = step + nbuf

            @pl.when(nstep < nsteps)
            def _():
                pltpu.async_copy(
                    msg_hbm.at[pl.ds(base + nstep * k, k)], bufs.at[b], gsem)

        def group(gi, carry):
            for b in range(nbuf):
                _step(gi * nbuf + b, b)
            return carry

        lax.fori_loop(0, ngroups, group, 0)
        for t in range(ntail):
            _step(ngroups * nbuf + t, t)
        plsc.subcore_barrier()
        pltpu.sync_copy(acc.at[pl.ds(s * rz, rz)],
                        out_hbm.at[pl.ds(c * n_nodes + s * rz, rz)])

    return scatter_kernel




def kernel(x, edge_index, edge_attr, W_ne, b_ne, W_ee, b_ee, Wn, bn, Wg, bg,
           We, be, W1, b1, W2, b2):
    n, _ = x.shape
    e_cnt = edge_index.shape[1]
    hdim = W_ne.shape[1]
    n_layers = Wn.shape[0]

    gk = 80
    sk = 80
    n_pad = ((n + 639) // 640) * 640
    gather_fn = _make_sc_gather(2 * e_cnt, n, hdim, gk, nbuf=5)
    scatter_fn = _make_sc_scatter(e_cnt, n_pad, hdim, sk, nbuf=3)

    row = edge_index[0]
    col = edge_index[1]
    idx_all = jnp.concatenate([row, col]).reshape(
        _NW, (2 * e_cnt) // (_NW * gk), gk)
    col_r = col.reshape(_NW, e_cnt // (_NW * sk), sk)
    zeros = jnp.zeros((n_pad, hdim), jnp.float32)

    h = _linear(x, W_ne, b_ne)
    e = _linear(edge_attr, W_ee, b_ee, block_rows=4000)

    for l in range(n_layers):
        wg_x, wg_e = Wg[l, :hdim], Wg[l, hdim:]
        wn_x, wn_e = Wn[l, :hdim], Wn[l, hdim:]
        we_r, we_c, we_e = We[l, :hdim], We[l, hdim:2 * hdim], We[l, 2 * hdim:]
        gath = gather_fn(h, idx_all)
        if l < n_layers - 1:
            wxi = jnp.concatenate([wg_x, we_c], axis=1)
            wxj = jnp.concatenate([wn_x, we_r], axis=1)
            wee = jnp.concatenate([wg_e, wn_e, we_e], axis=1)
            msg, e = _edge_layer(gath, e, wxi, wxj, wee, bg[l], bn[l], be[l],
                                 e_cnt, block_edges=2560)
        else:
            wge = jnp.concatenate([wg_e, wn_e], axis=1)
            msg = _edge_layer_last(gath, e, wg_x, wn_x, wge, bg[l], bn[l],
                                   e_cnt, block_edges=2560)
        partials = scatter_fn(msg, col_r, zeros)
        if l < n_layers - 1:
            h = _node_update(h, partials, n_pad)
        else:
            out = _final(h, partials, W1, b1, W2, b2, n_pad)
    return out

# --- scband reference (transcript-rebuilt; emitter-appended) ---
"""Pipeline reference for scband-atomic-charge-gnn-52673478918910 (READ-ONLY COPY).

The authoritative reference and input builder live on the scoring server;
editing this copy changes nothing except your own understanding.
"""

import jax, jax.numpy as jnp
import numpy as np

N = 10000
E = 320000
D_NODE = 128
D_EDGE = 16
H = 128
L = 3
OUT = 1

def setup_inputs(seed: int = 0) -> dict:
    key = jax.random.key(seed)
    ks = jax.random.split(key, 24)
    x = jax.random.normal(ks[0], (N, D_NODE), dtype=jnp.float32)
    edge_index = jax.random.randint(ks[1], (2, E), 0, N, dtype=jnp.int32)
    edge_attr = jax.random.normal(ks[2], (E, D_EDGE), dtype=jnp.float32)
    s = 0.05
    params = {
        'W_ne': jax.random.normal(ks[3], (D_NODE, H), dtype=jnp.float32) * s,
        'b_ne': jnp.zeros((H,), dtype=jnp.float32),
        'W_ee': jax.random.normal(ks[4], (D_EDGE, H), dtype=jnp.float32) * s,
        'b_ee': jnp.zeros((H,), dtype=jnp.float32),
        'Wn': jax.random.normal(ks[5], (L, 2 * H, H), dtype=jnp.float32) * s,
        'bn': jnp.zeros((L, H), dtype=jnp.float32),
        'Wg': jax.random.normal(ks[6], (L, 2 * H, H), dtype=jnp.float32) * s,
        'bg': jnp.zeros((L, H), dtype=jnp.float32),
        'We': jax.random.normal(ks[7], (L, 3 * H, H), dtype=jnp.float32) * s,
        'be': jnp.zeros((L, H), dtype=jnp.float32),
        'W1': jax.random.normal(ks[8], (H, H // 2), dtype=jnp.float32) * s,
        'b1': jnp.zeros((H // 2,), dtype=jnp.float32),
        'W2': jax.random.normal(ks[9], (H // 2, OUT), dtype=jnp.float32) * s,
        'b2': jnp.zeros((OUT,), dtype=jnp.float32),
    }
    return {'x': x, 'edge_index': edge_index, 'edge_attr': edge_attr, **params}

def reference(x, edge_index, edge_attr, W_ne, b_ne, W_ee, b_ee, Wn, bn, Wg, bg, We, be, W1, b1, W2, b2):
    h = x @ W_ne + b_ne
    e = edge_attr @ W_ee + b_ee
    row = edge_index[0]
    col = edge_index[1]
    for l in range(L):
        x_i = h[col]  # target nodes (PyG x_i)
        x_j = h[row]  # source nodes (PyG x_j)
        gate = jax.nn.sigmoid(jnp.concatenate([x_i, e], axis=-1) @ Wg[l] + bg[l])
        msg = gate * (jnp.concatenate([x_j, e], axis=-1) @ Wn[l] + bn[l])
        aggr = jax.ops.segment_sum(msg, col, num_segments=h.shape[0])
        new_e = jnp.concatenate([h[row], h[col], e], axis=-1) @ We[l] + be[l]
        h = h + jax.nn.relu(aggr)
        e = e + jax.nn.relu(new_e)
    out = jax.nn.relu(h @ W1 + b1) @ W2 + b2
    return out

if __name__ == "__main__":
    import jax
    _d = setup_inputs()
    print(jax.jit(kernel)(*tuple(_d.values())))

</pallas_src>

<mosaic_0001>
#map = affine_map<(d0, d1) -> (0, 0)>
#map1 = affine_map<(d0, d1) -> (0, 0, 0)>
module attributes {stable_mosaic.version = 14 : i64} {
  func.func @scatter_kernel(%arg0: i32, %arg1: i32, %arg2: memref<320000x128xf32, #tpu.memory_space<hbm>>, %arg3: memref<32x125x80xi32, #tpu.memory_space<hbm>>, %arg4: memref<10240x128xf32, #tpu.memory_space<hbm>>, %arg5: memref<20480x128xf32, #tpu.memory_space<hbm>>, %arg6: memref<125x80xi32, #tpu.memory_space<vmem>>, %arg7: memref<3x80x128xf32, #tpu.memory_space<vmem>>, %arg8: memref<10240x128xf32, #tpu.memory_space<vmem_shared>>, %arg9: memref<!tpu.dma_semaphore, #tpu.memory_space<semaphore_mem>>, %arg10: memref<!tpu.dma_semaphore, #tpu.memory_space<semaphore_mem>>) attributes {dimension_semantics = [#tpu.dimension_semantics<core_parallel>, #tpu.dimension_semantics<subcore_parallel>], iteration_bounds = array<i64: 2, 16>, scalar_prefetch = 0 : i64, scratch_operands = 5 : i64, tpu.core_type = #tpu.core_type<sc_vector_subcore>, window_params = [{transform_indices = #map}, {transform_indices = #map1}, {transform_indices = #map}, {transform_indices = #map}]} {
    %mul3A = arith.constant 16 : i32
    %mul3A_0 = arith.muli %arg0, %mul3A : i32
    %add3A = arith.addi %mul3A_0, %arg1 : i32
    %mul3A_1 = arith.constant 10000 : i32
    %mul3A_2 = arith.muli %add3A, %mul3A_1 : i32
    %mul3A_3 = arith.constant 640 : i32
    %mul3A_4 = arith.muli %arg1, %mul3A_3 : i32
    %mul3A_5 = arith.constant 640 : i32
    %mul3A_6 = arith.muli %arg1, %mul3A_5 : i32
    "tpu.region"() ({
      %run_scoped3A = tpu.sem_alloc : memref<!tpu.dma_semaphore, #tpu.memory_space<semaphore_mem>>
      %dma_start3A_137 = arith.constant 0 : i32
      %dma_start3A_138 = tpu.memref_slice %arg8[%mul3A_6, %dma_start3A_137] : memref<10240x128xf32, #tpu.memory_space<vmem_shared>> -> memref<640x128xf32, #tpu.memory_space<vmem_shared>>
      %dma_start3A_139 = arith.constant 0 : i32
      %dma_start3A_140 = tpu.memref_slice %arg4[%mul3A_4, %dma_start3A_139] : memref<10240x128xf32, #tpu.memory_space<hbm>> -> memref<640x128xf32, #tpu.memory_space<hbm>>
      tpu.enqueue_dma source(%dma_start3A_140 : memref<640x128xf32, #tpu.memory_space<hbm>>) target(%dma_start3A_138 : memref<640x128xf32, #tpu.memory_space<vmem_shared>>) target_semaphore(%run_scoped3A : memref<!tpu.dma_semaphore, #tpu.memory_space<semaphore_mem>>)
      %dma_wait3A_141 = arith.constant 0 : i32
      %dma_wait3A_142 = tpu.memref_slice %arg8[%mul3A_6, %dma_wait3A_141] : memref<10240x128xf32, #tpu.memory_space<vmem_shared>> -> memref<640x128xf32, #tpu.memory_space<vmem_shared>>
      %dma_wait3A_143 = arith.constant 0 : i32
      %dma_wait3A_144 = tpu.memref_slice %arg4[%mul3A_4, %dma_wait3A_143] : memref<10240x128xf32, #tpu.memory_space<hbm>> -> memref<640x128xf32, #tpu.memory_space<hbm>>
      tpu.wait_dma2 semaphore(%run_scoped3A : memref<!tpu.dma_semaphore, #tpu.memory_space<semaphore_mem>>) src(%dma_wait3A_144 : memref<640x128xf32, #tpu.memory_space<hbm>>) dst(%dma_wait3A_142 : memref<640x128xf32, #tpu.memory_space<vmem_shared>>)
      tpu.yield
    }) : () -> ()
    "tpu.region"() ({
      %run_scoped3A = tpu.sem_alloc : memref<!tpu.dma_semaphore, #tpu.memory_space<semaphore_mem>>
      %dma_start3A_137 = arith.constant 0 : i32
      %dma_start3A_138 = arith.constant 0 : i32
      %dma_start3A_139 = tpu.memref_slice %arg3[%add3A, %dma_start3A_137, %dma_start3A_138] : memref<32x125x80xi32, #tpu.memory_space<hbm>> -> memref<1x125x80xi32, #tpu.memory_space<hbm>>
      %dma_start3A_140 = tpu.memref_squeeze %dma_start3A_139 : memref<1x125x80xi32, #tpu.memory_space<hbm>> -> memref<125x80xi32, #tpu.memory_space<hbm>>
      %dma_start3A_141 = arith.constant 0 : i32
      %dma_start3A_142 = arith.constant 0 : i32
      %dma_start3A_143 = tpu.memref_slice %arg3[%add3A, %dma_start3A_141, %dma_start3A_142] : memref<32x125x80xi32, #tpu.memory_space<hbm>> -> memref<1x125x80xi32, #tpu.memory_space<hbm>>
      %dma_start3A_144 = tpu.memref_squeeze %dma_start3A_143 : memref<1x125x80xi32, #tpu.memory_space<hbm>> -> memref<125x80xi32, #tpu.memory_space<hbm>>
      tpu.enqueue_dma source(%dma_start3A_144 : memref<125x80xi32, #tpu.memory_space<hbm>>) target(%arg6 : memref<125x80xi32, #tpu.memory_space<vmem>>) target_semaphore(%run_scoped3A : memref<!tpu.dma_semaphore, #tpu.memory_space<semaphore_mem>>)
      %dma_wait3A_145 = arith.constant 0 : i32
      %dma_wait3A_146 = arith.constant 0 : i32
      %dma_wait3A_147 = tpu.memref_slice %arg3[%add3A, %dma_wait3A_145, %dma_wait3A_146] : memref<32x125x80xi32, #tpu.memory_space<hbm>> -> memref<1x125x80xi32, #tpu.memory_space<hbm>>
      %dma_wait3A_148 = tpu.memref_squeeze %dma_wait3A_147 : memref<1x125x80xi32, #tpu.memory_space<hbm>> -> memref<125x80xi32, #tpu.memory_space<hbm>>
      %dma_wait3A_149 = arith.constant 0 : i32
      %dma_wait3A_150 = arith.constant 0 : i32
      %dma_wait3A_151 = tpu.memref_slice %arg3[%add3A, %dma_wait3A_149, %dma_wait3A_150] : memref<32x125x80xi32, #tpu.memory_space<hbm>> -> memref<1x125x80xi32, #tpu.memory_space<hbm>>
      %dma_wait3A_152 = tpu.memref_squeeze %dma_wait3A_151 : memref<1x125x80xi32, #tpu.memory_space<hbm>> -> memref<125x80xi32, #tpu.memory_space<hbm>>
      tpu.wait_dma2 semaphore(%run_scoped3A : memref<!tpu.dma_semaphore, #tpu.memory_space<semaphore_mem>>) src(%dma_wait3A_152 : memref<125x80xi32, #tpu.memory_space<hbm>>) dst(%arg6 : memref<125x80xi32, #tpu.memory_space<vmem>>)
      tpu.yield
    }) : () -> ()
    %barrier3A = arith.constant 0 : index
    tpu.barrier barrier_id(%barrier3A)
    %add3A_7 = arith.constant 0 : i32
    %add3A_8 = arith.addi %mul3A_2, %add3A_7 : i32
    %dma_start3A = arith.constant 0 : i32
    %dma_start3A_9 = arith.constant 0 : i32
    %dma_start3A_10 = arith.constant 0 : i32
    %dma_start3A_11 = tpu.memref_slice %arg7[%dma_start3A, %dma_start3A_9, %dma_start3A_10] : memref<3x80x128xf32, #tpu.memory_space<vmem>> -> memref<1x80x128xf32, #tpu.memory_space<vmem>>
    %dma_start3A_12 = tpu.memref_squeeze %dma_start3A_11 : memref<1x80x128xf32, #tpu.memory_space<vmem>> -> memref<80x128xf32, #tpu.memory_space<vmem>>
    %dma_start3A_13 = arith.constant 0 : i32
    %dma_start3A_14 = tpu.memref_slice %arg2[%add3A_8, %dma_start3A_13] : memref<320000x128xf32, #tpu.memory_space<hbm>> -> memref<80x128xf32, #tpu.memory_space<hbm>>
    %dma_start3A_15 = arith.constant 0 : i32
    %dma_start3A_16 = arith.constant 0 : i32
    %dma_start3A_17 = tpu.memref_slice %arg7[%dma_start3A, %dma_start3A_15, %dma_start3A_16] : memref<3x80x128xf32, #tpu.memory_space<vmem>> -> memref<1x80x128xf32, #tpu.memory_space<vmem>>
    %dma_start3A_18 = tpu.memref_squeeze %dma_start3A_17 : memref<1x80x128xf32, #tpu.memory_space<vmem>> -> memref<80x128xf32, #tpu.memory_space<vmem>>
    %dma_start3A_19 = arith.constant 0 : i32
    %dma_start3A_20 = tpu.memref_slice %arg2[%add3A_8, %dma_start3A_19] : memref<320000x128xf32, #tpu.memory_space<hbm>> -> memref<80x128xf32, #tpu.memory_space<hbm>>
    tpu.enqueue_dma source(%dma_start3A_20 : memref<80x128xf32, #tpu.memory_space<hbm>>) target(%dma_start3A_18 : memref<80x128xf32, #tpu.memory_space<vmem>>) target_semaphore(%arg9 : memref<!tpu.dma_semaphore, #tpu.memory_space<semaphore_mem>>)
    %add3A_21 = arith.constant 80 : i32
    %add3A_22 = arith.addi %mul3A_2, %add3A_21 : i32
    %dma_start3A_23 = arith.constant 1 : i32
    %dma_start3A_24 = arith.constant 0 : i32
    %dma_start3A_25 = arith.constant 0 : i32
    %dma_start3A_26 = tpu.memref_slice %arg7[%dma_start3A_23, %dma_start3A_24, %dma_start3A_25] : memref<3x80x128xf32, #tpu.memory_space<vmem>> -> memref<1x80x128xf32, #tpu.memory_space<vmem>>
    %dma_start3A_27 = tpu.memref_squeeze %dma_start3A_26 : memref<1x80x128xf32, #tpu.memory_space<vmem>> -> memref<80x128xf32, #tpu.memory_space<vmem>>
    %dma_start3A_28 = arith.constant 0 : i32
    %dma_start3A_29 = tpu.memref_slice %arg2[%add3A_22, %dma_start3A_28] : memref<320000x128xf32, #tpu.memory_space<hbm>> -> memref<80x128xf32, #tpu.memory_space<hbm>>
    %dma_start3A_30 = arith.constant 0 : i32
    %dma_start3A_31 = arith.constant 0 : i32
    %dma_start3A_32 = tpu.memref_slice %arg7[%dma_start3A_23, %dma_start3A_30, %dma_start3A_31] : memref<3x80x128xf32, #tpu.memory_space<vmem>> -> memref<1x80x128xf32, #tpu.memory_space<vmem>>
    %dma_start3A_33 = tpu.memref_squeeze %dma_start3A_32 : memref<1x80x128xf32, #tpu.memory_space<vmem>> -> memref<80x128xf32, #tpu.memory_space<vmem>>
    %dma_start3A_34 = arith.constant 0 : i32
    %dma_start3A_35 = tpu.memref_slice %arg2[%add3A_22, %dma_start3A_34] : memref<320000x128xf32, #tpu.memory_space<hbm>> -> memref<80x128xf32, #tpu.memory_space<hbm>>
    tpu.enqueue_dma source(%dma_start3A_35 : memref<80x128xf32, #tpu.memory_space<hbm>>) target(%dma_start3A_33 : memref<80x128xf32, #tpu.memory_space<vmem>>) target_semaphore(%arg9 : memref<!tpu.dma_semaphore, #tpu.memory_space<semaphore_mem>>)
    %add3A_36 = arith.constant 160 : i32
    %add3A_37 = arith.addi %mul3A_2, %add3A_36 : i32
    %dma_start3A_38 = arith.constant 2 : i32
    %dma_start3A_39 = arith.constant 0 : i32
    %dma_start3A_40 = arith.constant 0 : i32
    %dma_start3A_41 = tpu.memref_slice %arg7[%dma_start3A_38, %dma_start3A_39, %dma_start3A_40] : memref<3x80x128xf32, #tpu.memory_space<vmem>> -> memref<1x80x128xf32, #tpu.memory_space<vmem>>
    %dma_start3A_42 = tpu.memref_squeeze %dma_start3A_41 : memref<1x80x128xf32, #tpu.memory_space<vmem>> -> memref<80x128xf32, #tpu.memory_space<vmem>>
    %dma_start3A_43 = arith.constant 0 : i32
    %dma_start3A_44 = tpu.memref_slice %arg2[%add3A_37, %dma_start3A_43] : memref<320000x128xf32, #tpu.memory_space<hbm>> -> memref<80x128xf32, #tpu.memory_space<hbm>>
    %dma_start3A_45 = arith.constant 0 : i32
    %dma_start3A_46 = arith.constant 0 : i32
    %dma_start3A_47 = tpu.memref_slice %arg7[%dma_start3A_38, %dma_start3A_45, %dma_start3A_46] : memref<3x80x128xf32, #tpu.memory_space<vmem>> -> memref<1x80x128xf32, #tpu.memory_space<vmem>>
    %dma_start3A_48 = tpu.memref_squeeze %dma_start3A_47 : memref<1x80x128xf32, #tpu.memory_space<vmem>> -> memref<80x128xf32, #tpu.memory_space<vmem>>
    %dma_start3A_49 = arith.constant 0 : i32
    %dma_start3A_50 = tpu.memref_slice %arg2[%add3A_37, %dma_start3A_49] : memref<320000x128xf32, #tpu.memory_space<hbm>> -> memref<80x128xf32, #tpu.memory_space<hbm>>
    tpu.enqueue_dma source(%dma_start3A_50 : memref<80x128xf32, #tpu.memory_space<hbm>>) target(%dma_start3A_48 : memref<80x128xf32, #tpu.memory_space<vmem>>) target_semaphore(%arg9 : memref<!tpu.dma_semaphore, #tpu.memory_space<semaphore_mem>>)
    %scan3A = arith.constant 0 : i32
    %scan3A_51 = arith.constant 0 : i32
    %scan3A_52 = arith.constant 41 : i32
    %scan3A_53 = arith.addi %scan3A_51, %scan3A_52 : i32
    %scan3A_54 = arith.constant 1 : i32
    scf.for %scan3A_137 = %scan3A_51 to %scan3A_53 step %scan3A_54  : i32 {
      %mul3A_138 = arith.constant 3 : i32
      %mul3A_139 = arith.muli %scan3A_137, %mul3A_138 : i32
      %add3A_140 = arith.constant 0 : i32
      %add3A_141 = arith.addi %mul3A_139, %add3A_140 : i32
      %dma_wait3A_142 = arith.constant 0 : i32
      %dma_wait3A_143 = arith.constant 0 : i32
      %dma_wait3A_144 = arith.constant 0 : i32
      %dma_wait3A_145 = tpu.memref_slice %arg7[%dma_wait3A_142, %dma_wait3A_143, %dma_wait3A_144] : memref<3x80x128xf32, #tpu.memory_space<vmem>> -> memref<1x80x128xf32, #tpu.memory_space<vmem>>
      %dma_wait3A_146 = tpu.memref_squeeze %dma_wait3A_145 : memref<1x80x128xf32, #tpu.memory_space<vmem>> -> memref<80x128xf32, #tpu.memory_space<vmem>>
      %dma_wait3A_147 = arith.constant 0 : i32
      %dma_wait3A_148 = tpu.memref_slice %arg2[%mul3A_2, %dma_wait3A_147] : memref<320000x128xf32, #tpu.memory_space<hbm>> -> memref<80x128xf32, #tpu.memory_space<hbm>>
      %dma_wait3A_149 = arith.constant 0 : i32
      %dma_wait3A_150 = arith.constant 0 : i32
      %dma_wait3A_151 = tpu.memref_slice %arg7[%dma_wait3A_142, %dma_wait3A_149, %dma_wait3A_150] : memref<3x80x128xf32, #tpu.memory_space<vmem>> -> memref<1x80x128xf32, #tpu.memory_space<vmem>>
      %dma_wait3A_152 = tpu.memref_squeeze %dma_wait3A_151 : memref<1x80x128xf32, #tpu.memory_space<vmem>> -> memref<80x128xf32, #tpu.memory_space<vmem>>
      %dma_wait3A_153 = arith.constant 0 : i32
      %dma_wait3A_154 = tpu.memref_slice %arg2[%mul3A_2, %dma_wait3A_153] : memref<320000x128xf32, #tpu.memory_space<hbm>> -> memref<80x128xf32, #tpu.memory_space<hbm>>
      tpu.wait_dma2 semaphore(%arg9 : memref<!tpu.dma_semaphore, #tpu.memory_space<semaphore_mem>>) src(%dma_wait3A_154 : memref<80x128xf32, #tpu.memory_space<hbm>>) dst(%dma_wait3A_152 : memref<80x128xf32, #tpu.memory_space<vmem>>)
      %dma_start3A_155 = arith.constant 0 : i32
      %dma_start3A_156 = arith.constant 0 : i32
      %dma_start3A_157 = arith.constant 0 : i32
      %dma_start3A_158 = tpu.memref_slice %arg7[%dma_start3A_155, %dma_start3A_156, %dma_start3A_157] : memref<3x80x128xf32, #tpu.memory_space<vmem>> -> memref<1x80x128xf32, #tpu.memory_space<vmem>>
      %dma_start3A_159 = tpu.memref_squeeze %dma_start3A_158 : memref<1x80x128xf32, #tpu.memory_space<vmem>> -> memref<80x128xf32, #tpu.memory_space<vmem>>
      %dma_start3A_160 = arith.constant 0 : i32
      %dma_start3A_161 = tpu.memref_slice %arg6[%add3A_141, %dma_start3A_160] : memref<125x80xi32, #tpu.memory_space<vmem>> -> memref<1x80xi32, #tpu.memory_space<vmem>>
      %dma_start3A_162 = tpu.memref_squeeze %dma_start3A_161 : memref<1x80xi32, #tpu.memory_space<vmem>> -> memref<80xi32, #tpu.memory_space<vmem>>
      %dma_start3A_163 = arith.constant 0 : i32
      %dma_start3A_164 = arith.constant 0 : i32
      %dma_start3A_165 = tpu.memref_slice %arg8[%dma_start3A_163, %dma_start3A_164] : memref<10240x128xf32, #tpu.memory_space<vmem_shared>> -> memref<10240x128xf32, #tpu.memory_space<vmem_shared>>
      tpu.enqueue_indirect_dma source(%dma_start3A_159 : memref<80x128xf32, #tpu.memory_space<vmem>>) target(%dma_start3A_165 : memref<10240x128xf32, #tpu.memory_space<vmem_shared>>) offsets(%dma_start3A_162 : memref<80xi32, #tpu.memory_space<vmem>>) semaphore(%arg10 : memref<!tpu.dma_semaphore, #tpu.memory_space<semaphore_mem>>) {add = true}
      %dma_wait3A_166 = arith.constant 0 : i32
      %dma_wait3A_167 = arith.constant 0 : i32
      %dma_wait3A_168 = arith.constant 0 : i32
      %dma_wait3A_169 = arith.constant 0 : i32
      %dma_wait3A_170 = tpu.memref_slice %arg7[%dma_wait3A_166, %dma_wait3A_168, %dma_wait3A_169] : memref<3x80x128xf32, #tpu.memory_space<vmem>> -> memref<1x80x128xf32, #tpu.memory_space<vmem>>
      %dma_wait3A_171 = tpu.memref_squeeze %dma_wait3A_170 : memref<1x80x128xf32, #tpu.memory_space<vmem>> -> memref<80x128xf32, #tpu.memory_space<vmem>>
      %dma_wait3A_172 = arith.constant 0 : i32
      %dma_wait3A_173 = tpu.memref_slice %arg6[%dma_wait3A_167, %dma_wait3A_172] : memref<125x80xi32, #tpu.memory_space<vmem>> -> memref<1x80xi32, #tpu.memory_space<vmem>>
      %dma_wait3A_174 = tpu.memref_squeeze %dma_wait3A_173 : memref<1x80xi32, #tpu.memory_space<vmem>> -> memref<80xi32, #tpu.memory_space<vmem>>
      %dma_wait3A_175 = arith.constant 0 : i32
      %dma_wait3A_176 = arith.constant 0 : i32
      %dma_wait3A_177 = tpu.memref_slice %arg8[%dma_wait3A_175, %dma_wait3A_176] : memref<10240x128xf32, #tpu.memory_space<vmem_shared>> -> memref<10240x128xf32, #tpu.memory_space<vmem_shared>>
      tpu.wait_indirect_dma semaphore(%arg10 : memref<!tpu.dma_semaphore, #tpu.memory_space<semaphore_mem>>) src(%dma_wait3A_171 : memref<80x128xf32, #tpu.memory_space<vmem>>) dst(%dma_wait3A_177 : memref<10240x128xf32, #tpu.memory_space<vmem_shared>>)
      %add3A_178 = arith.constant 3 : i32
      %add3A_179 = arith.addi %add3A_141, %add3A_178 : i32
      %lt3A = arith.constant 125 : i32
      %lt3A_180 = arith.cmpi slt, %add3A_179, %lt3A : i32
      %convert_element_type3A = arith.extui %lt3A_180 : i1 to i32
      %cond3A = arith.constant 0 : i32
      %cond3A_181 = arith.cmpi ne, %convert_element_type3A, %cond3A : i32
      scf.if %cond3A_181 {
        %mul3A_276 = arith.constant 80 : i32
        %mul3A_277 = arith.muli %add3A_179, %mul3A_276 : i32
        %add3A_278 = arith.addi %mul3A_2, %mul3A_277 : i32
        %dma_start3A_279 = arith.constant 0 : i32
        %dma_start3A_280 = arith.constant 0 : i32
        %dma_start3A_281 = arith.constant 0 : i32
        %dma_start3A_282 = tpu.memref_slice %arg7[%dma_start3A_279, %dma_start3A_280, %dma_start3A_281] : memref<3x80x128xf32, #tpu.memory_space<vmem>> -> memref<1x80x128xf32, #tpu.memory_space<vmem>>
        %dma_start3A_283 = tpu.memref_squeeze %dma_start3A_282 : memref<1x80x128xf32, #tpu.memory_space<vmem>> -> memref<80x128xf32, #tpu.memory_space<vmem>>
        %dma_start3A_284 = arith.constant 0 : i32
        %dma_start3A_285 = tpu.memref_slice %arg2[%add3A_278, %dma_start3A_284] : memref<320000x128xf32, #tpu.memory_space<hbm>> -> memref<80x128xf32, #tpu.memory_space<hbm>>
        %dma_start3A_286 = arith.constant 0 : i32
        %dma_start3A_287 = arith.constant 0 : i32
        %dma_start3A_288 = tpu.memref_slice %arg7[%dma_start3A_279, %dma_start3A_286, %dma_start3A_287] : memref<3x80x128xf32, #tpu.memory_space<vmem>> -> memref<1x80x128xf32, #tpu.memory_space<vmem>>
        %dma_start3A_289 = tpu.memref_squeeze %dma_start3A_288 : memref<1x80x128xf32, #tpu.memory_space<vmem>> -> memref<80x128xf32, #tpu.memory_space<vmem>>
        %dma_start3A_290 = arith.constant 0 : i32
        %dma_start3A_291 = tpu.memref_slice %arg2[%add3A_278, %dma_start3A_290] : memref<320000x128xf32, #tpu.memory_space<hbm>> -> memref<80x128xf32, #tpu.memory_space<hbm>>
        tpu.enqueue_dma source(%dma_start3A_291 : memref<80x128xf32, #tpu.memory_space<hbm>>) target(%dma_start3A_289 : memref<80x128xf32, #tpu.memory_space<vmem>>) target_semaphore(%arg9 : memref<!tpu.dma_semaphore, #tpu.memory_space<semaphore_mem>>)
      } else {
      }
      %mul3A_182 = arith.constant 3 : i32
      %mul3A_183 = arith.muli %scan3A_137, %mul3A_182 : i32
      %add3A_184 = arith.constant 1 : i32
      %add3A_185 = arith.addi %mul3A_183, %add3A_184 : i32
      %dma_wait3A_186 = arith.constant 1 : i32
      %dma_wait3A_187 = arith.constant 0 : i32
      %dma_wait3A_188 = arith.constant 0 : i32
      %dma_wait3A_189 = tpu.memref_slice %arg7[%dma_wait3A_186, %dma_wait3A_187, %dma_wait3A_188] : memref<3x80x128xf32, #tpu.memory_space<vmem>> -> memref<1x80x128xf32, #tpu.memory_space<vmem>>
      %dma_wait3A_190 = tpu.memref_squeeze %dma_wait3A_189 : memref<1x80x128xf32, #tpu.memory_space<vmem>> -> memref<80x128xf32, #tpu.memory_space<vmem>>
      %dma_wait3A_191 = arith.constant 0 : i32
      %dma_wait3A_192 = tpu.memref_slice %arg2[%mul3A_2, %dma_wait3A_191] : memref<320000x128xf32, #tpu.memory_space<hbm>> -> memref<80x128xf32, #tpu.memory_space<hbm>>
      %dma_wait3A_193 = arith.constant 0 : i32
      %dma_wait3A_194 = arith.constant 0 : i32
      %dma_wait3A_195 = tpu.memref_slice %arg7[%dma_wait3A_186, %dma_wait3A_193, %dma_wait3A_194] : memref<3x80x128xf32, #tpu.memory_space<vmem>> -> memref<1x80x128xf32, #tpu.memory_space<vmem>>
      %dma_wait3A_196 = tpu.memref_squeeze %dma_wait3A_195 : memref<1x80x128xf32, #tpu.memory_space<vmem>> -> memref<80x128xf32, #tpu.memory_space<vmem>>
      %dma_wait3A_197 = arith.constant 0 : i32
      %dma_wait3A_198 = tpu.memref_slice %arg2[%mul3A_2, %dma_wait3A_197] : memref<320000x128xf32, #tpu.memory_space<hbm>> -> memref<80x128xf32, #tpu.memory_space<hbm>>
      tpu.wait_dma2 semaphore(%arg9 : memref<!tpu.dma_semaphore, #tpu.memory_space<semaphore_mem>>) src(%dma_wait3A_198 : memref<80x128xf32, #tpu.memory_space<hbm>>) dst(%dma_wait3A_196 : memref<80x128xf32, #tpu.memory_space<vmem>>)
      %dma_start3A_199 = arith.constant 1 : i32
      %dma_start3A_200 = arith.constant 0 : i32
      %dma_start3A_201 = arith.constant 0 : i32
      %dma_start3A_202 = tpu.memref_slice %arg7[%dma_start3A_199, %dma_start3A_200, %dma_start3A_201] : memref<3x80x128xf32, #tpu.memory_space<vmem>> -> memref<1x80x128xf32, #tpu.memory_space<vmem>>
      %dma_start3A_203 = tpu.memref_squeeze %dma_start3A_202 : memref<1x80x128xf32, #tpu.memory_space<vmem>> -> memref<80x128xf32, #tpu.memory_space<vmem>>
      %dma_start3A_204 = arith.constant 0 : i32
      %dma_start3A_205 = tpu.memref_slice %arg6[%add3A_185, %dma_start3A_204] : memref<125x80xi32, #tpu.memory_space<vmem>> -> memref<1x80xi32, #tpu.memory_space<vmem>>
      %dma_start3A_206 = tpu.memref_squeeze %dma_start3A_205 : memref<1x80xi32, #tpu.memory_space<vmem>> -> memref<80xi32, #tpu.memory_space<vmem>>
      %dma_start3A_207 = arith.constant 0 : i32
      %dma_start3A_208 = arith.constant 0 : i32
      %dma_start3A_209 = tpu.memref_slice %arg8[%dma_start3A_207, %dma_start3A_208] : memref<10240x128xf32, #tpu.memory_space<vmem_shared>> -> memref<10240x128xf32, #tpu.memory_space<vmem_shared>>
      tpu.enqueue_indirect_dma source(%dma_start3A_203 : memref<80x128xf32, #tpu.memory_space<vmem>>) target(%dma_start3A_209 : memref<10240x128xf32, #tpu.memory_space<vmem_shared>>) offsets(%dma_start3A_206 : memref<80xi32, #tpu.memory_space<vmem>>) semaphore(%arg10 : memref<!tpu.dma_semaphore, #tpu.memory_space<semaphore_mem>>) {add = true}
      %dma_wait3A_210 = arith.constant 1 : i32
      %dma_wait3A_211 = arith.constant 0 : i32
      %dma_wait3A_212 = arith.constant 0 : i32
      %dma_wait3A_213 = arith.constant 0 : i32
      %dma_wait3A_214 = tpu.memref_slice %arg7[%dma_wait3A_210, %dma_wait3A_212, %dma_wait3A_213] : memref<3x80x128xf32, #tpu.memory_space<vmem>> -> memref<1x80x128xf32, #tpu.memory_space<vmem>>
      %dma_wait3A_215 = tpu.memref_squeeze %dma_wait3A_214 : memref<1x80x128xf32, #tpu.memory_space<vmem>> -> memref<80x128xf32, #tpu.memory_space<vmem>>
      %dma_wait3A_216 = arith.constant 0 : i32
      %dma_wait3A_217 = tpu.memref_slice %arg6[%dma_wait3A_211, %dma_wait3A_216] : memref<125x80xi32, #tpu.memory_space<vmem>> -> memref<1x80xi32, #tpu.memory_space<vmem>>
      %dma_wait3A_218 = tpu.memref_squeeze %dma_wait3A_217 : memref<1x80xi32, #tpu.memory_space<vmem>> -> memref<80xi32, #tpu.memory_space<vmem>>
      %dma_wait3A_219 = arith.constant 0 : i32
      %dma_wait3A_220 = arith.constant 0 : i32
      %dma_wait3A_221 = tpu.memref_slice %arg8[%dma_wait3A_219, %dma_wait3A_220] : memref<10240x128xf32, #tpu.memory_space<vmem_shared>> -> memref<10240x128xf32, #tpu.memory_space<vmem_shared>>
      tpu.wait_indirect_dma semaphore(%arg10 : memref<!tpu.dma_semaphore, #tpu.memory_space<semaphore_mem>>) src(%dma_wait3A_215 : memref<80x128xf32, #tpu.memory_space<vmem>>) dst(%dma_wait3A_221 : memref<10240x128xf32, #tpu.memory_space<vmem_shared>>)
      %add3A_222 = arith.constant 3 : i32
      %add3A_223 = arith.addi %add3A_185, %add3A_222 : i32
      %lt3A_224 = arith.constant 125 : i32
      %lt3A_225 = arith.cmpi slt, %add3A_223, %lt3A_224 : i32
      %convert_element_type3A_226 = arith.extui %lt3A_225 : i1 to i32
      %cond3A_227 = arith.constant 0 : i32
      %cond3A_228 = arith.cmpi ne, %convert_element_type3A_226, %cond3A_227 : i32
      scf.if %cond3A_228 {
        %mul3A_276 = arith.constant 80 : i32
        %mul3A_277 = arith.muli %add3A_223, %mul3A_276 : i32
        %add3A_278 = arith.addi %mul3A_2, %mul3A_277 : i32
        %dma_start3A_279 = arith.constant 1 : i32
        %dma_start3A_280 = arith.constant 0 : i32
        %dma_start3A_281 = arith.constant 0 : i32
        %dma_start3A_282 = tpu.memref_slice %arg7[%dma_start3A_279, %dma_start3A_280, %dma_start3A_281] : memref<3x80x128xf32, #tpu.memory_space<vmem>> -> memref<1x80x128xf32, #tpu.memory_space<vmem>>
        %dma_start3A_283 = tpu.memref_squeeze %dma_start3A_282 : memref<1x80x128xf32, #tpu.memory_space<vmem>> -> memref<80x128xf32, #tpu.memory_space<vmem>>
        %dma_start3A_284 = arith.constant 0 : i32
        %dma_start3A_285 = tpu.memref_slice %arg2[%add3A_278, %dma_start3A_284] : memref<320000x128xf32, #tpu.memory_space<hbm>> -> memref<80x128xf32, #tpu.memory_space<hbm>>
        %dma_start3A_286 = arith.constant 0 : i32
        %dma_start3A_287 = arith.constant 0 : i32
        %dma_start3A_288 = tpu.memref_slice %arg7[%dma_start3A_279, %dma_start3A_286, %dma_start3A_287] : memref<3x80x128xf32, #tpu.memory_space<vmem>> -> memref<1x80x128xf32, #tpu.memory_space<vmem>>
        %dma_start3A_289 = tpu.memref_squeeze %dma_start3A_288 : memref<1x80x128xf32, #tpu.memory_space<vmem>> -> memref<80x128xf32, #tpu.memory_space<vmem>>
        %dma_start3A_290 = arith.constant 0 : i32
        %dma_start3A_291 = tpu.memref_slice %arg2[%add3A_278, %dma_start3A_290] : memref<320000x128xf32, #tpu.memory_space<hbm>> -> memref<80x128xf32, #tpu.memory_space<hbm>>
        tpu.enqueue_dma source(%dma_start3A_291 : memref<80x128xf32, #tpu.memory_space<hbm>>) target(%dma_start3A_289 : memref<80x128xf32, #tpu.memory_space<vmem>>) target_semaphore(%arg9 : memref<!tpu.dma_semaphore, #tpu.memory_space<semaphore_mem>>)
      } else {
      }
      %mul3A_229 = arith.constant 3 : i32
      %mul3A_230 = arith.muli %scan3A_137, %mul3A_229 : i32
      %add3A_231 = arith.constant 2 : i32
      %add3A_232 = arith.addi %mul3A_230, %add3A_231 : i32
      %dma_wait3A_233 = arith.constant 2 : i32
      %dma_wait3A_234 = arith.constant 0 : i32
      %dma_wait3A_235 = arith.constant 0 : i32
      %dma_wait3A_236 = tpu.memref_slice %arg7[%dma_wait3A_233, %dma_wait3A_234, %dma_wait3A_235] : memref<3x80x128xf32, #tpu.memory_space<vmem>> -> memref<1x80x128xf32, #tpu.memory_space<vmem>>
      %dma_wait3A_237 = tpu.memref_squeeze %dma_wait3A_236 : memref<1x80x128xf32, #tpu.memory_space<vmem>> -> memref<80x128xf32, #tpu.memory_space<vmem>>
      %dma_wait3A_238 = arith.constant 0 : i32
      %dma_wait3A_239 = tpu.memref_slice %arg2[%mul3A_2, %dma_wait3A_238] : memref<320000x128xf32, #tpu.memory_space<hbm>> -> memref<80x128xf32, #tpu.memory_space<hbm>>
      %dma_wait3A_240 = arith.constant 0 : i32
      %dma_wait3A_241 = arith.constant 0 : i32
      %dma_wait3A_242 = tpu.memref_slice %arg7[%dma_wait3A_233, %dma_wait3A_240, %dma_wait3A_241] : memref<3x80x128xf32, #tpu.memory_space<vmem>> -> memref<1x80x128xf32, #tpu.memory_space<vmem>>
      %dma_wait3A_243 = tpu.memref_squeeze %dma_wait3A_242 : memref<1x80x128xf32, #tpu.memory_space<vmem>> -> memref<80x128xf32, #tpu.memory_space<vmem>>
      %dma_wait3A_244 = arith.constant 0 : i32
      %dma_wait3A_245 = tpu.memref_slice %arg2[%mul3A_2, %dma_wait3A_244] : memref<320000x128xf32, #tpu.memory_space<hbm>> -> memref<80x128xf32, #tpu.memory_space<hbm>>
      tpu.wait_dma2 semaphore(%arg9 : memref<!tpu.dma_semaphore, #tpu.memory_space<semaphore_mem>>) src(%dma_wait3A_245 : memref<80x128xf32, #tpu.memory_space<hbm>>) dst(%dma_wait3A_243 : memref<80x128xf32, #tpu.memory_space<vmem>>)
      %dma_start3A_246 = arith.constant 2 : i32
      %dma_start3A_247 = arith.constant 0 : i32
      %dma_start3A_248 = arith.constant 0 : i32
      %dma_start3A_249 = tpu.memref_slice %arg7[%dma_start3A_246, %dma_start3A_247, %dma_start3A_248] : memref<3x80x128xf32, #tpu.memory_space<vmem>> -> memref<1x80x128xf32, #tpu.memory_space<vmem>>
      %dma_start3A_250 = tpu.memref_squeeze %dma_start3A_249 : memref<1x80x128xf32, #tpu.memory_space<vmem>> -> memref<80x128xf32, #tpu.memory_space<vmem>>
      %dma_start3A_251 = arith.constant 0 : i32
      %dma_start3A_252 = tpu.memref_slice %arg6[%add3A_232, %dma_start3A_251] : memref<125x80xi32, #tpu.memory_space<vmem>> -> memref<1x80xi32, #tpu.memory_space<vmem>>
      %dma_start3A_253 = tpu.memref_squeeze %dma_start3A_252 : memref<1x80xi32, #tpu.memory_space<vmem>> -> memref<80xi32, #tpu.memory_space<vmem>>
      %dma_start3A_254 = arith.constant 0 : i32
      %dma_start3A_255 = arith.constant 0 : i32
      %dma_start3A_256 = tpu.memref_slice %arg8[%dma_start3A_254, %dma_start3A_255] : memref<10240x128xf32, #tpu.memory_space<vmem_shared>> -> memref<10240x128xf32, #tpu.memory_space<vmem_shared>>
      tpu.enqueue_indirect_dma source(%dma_start3A_250 : memref<80x128xf32, #tpu.memory_space<vmem>>) target(%dma_start3A_256 : memref<10240x128xf32, #tpu.memory_space<vmem_shared>>) offsets(%dma_start3A_253 : memref<80xi32, #tpu.memory_space<vmem>>) semaphore(%arg10 : memref<!tpu.dma_semaphore, #tpu.memory_space<semaphore_mem>>) {add = true}
      %dma_wait3A_257 = arith.constant 2 : i32
      %dma_wait3A_258 = arith.constant 0 : i32
      %dma_wait3A_259 = arith.constant 0 : i32
      %dma_wait3A_260 = arith.constant 0 : i32
      %dma_wait3A_261 = tpu.memref_slice %arg7[%dma_wait3A_257, %dma_wait3A_259, %dma_wait3A_260] : memref<3x80x128xf32, #tpu.memory_space<vmem>> -> memref<1x80x128xf32, #tpu.memory_space<vmem>>
      %dma_wait3A_262 = tpu.memref_squeeze %dma_wait3A_261 : memref<1x80x128xf32, #tpu.memory_space<vmem>> -> memref<80x128xf32, #tpu.memory_space<vmem>>
      %dma_wait3A_263 = arith.constant 0 : i32
      %dma_wait3A_264 = tpu.memref_slice %arg6[%dma_wait3A_258, %dma_wait3A_263] : memref<125x80xi32, #tpu.memory_space<vmem>> -> memref<1x80xi32, #tpu.memory_space<vmem>>
      %dma_wait3A_265 = tpu.memref_squeeze %dma_wait3A_264 : memref<1x80xi32, #tpu.memory_space<vmem>> -> memref<80xi32, #tpu.memory_space<vmem>>
      %dma_wait3A_266 = arith.constant 0 : i32
      %dma_wait3A_267 = arith.constant 0 : i32
      %dma_wait3A_268 = tpu.memref_slice %arg8[%dma_wait3A_266, %dma_wait3A_267] : memref<10240x128xf32, #tpu.memory_space<vmem_shared>> -> memref<10240x128xf32, #tpu.memory_space<vmem_shared>>
      tpu.wait_indirect_dma semaphore(%arg10 : memref<!tpu.dma_semaphore, #tpu.memory_space<semaphore_mem>>) src(%dma_wait3A_262 : memref<80x128xf32, #tpu.memory_space<vmem>>) dst(%dma_wait3A_268 : memref<10240x128xf32, #tpu.memory_space<vmem_shared>>)
      %add3A_269 = arith.constant 3 : i32
      %add3A_270 = arith.addi %add3A_232, %add3A_269 : i32
      %lt3A_271 = arith.constant 125 : i32
      %lt3A_272 = arith.cmpi slt, %add3A_270, %lt3A_271 : i32
      %convert_element_type3A_273 = arith.extui %lt3A_272 : i1 to i32
      %cond3A_274 = arith.constant 0 : i32
      %cond3A_275 = arith.cmpi ne, %convert_element_type3A_273, %cond3A_274 : i32
      scf.if %cond3A_275 {
        %mul3A_276 = arith.constant 80 : i32
        %mul3A_277 = arith.muli %add3A_270, %mul3A_276 : i32
        %add3A_278 = arith.addi %mul3A_2, %mul3A_277 : i32
        %dma_start3A_279 = arith.constant 2 : i32
        %dma_start3A_280 = arith.constant 0 : i32
        %dma_start3A_281 = arith.constant 0 : i32
        %dma_start3A_282 = tpu.memref_slice %arg7[%dma_start3A_279, %dma_start3A_280, %dma_start3A_281] : memref<3x80x128xf32, #tpu.memory_space<vmem>> -> memref<1x80x128xf32, #tpu.memory_space<vmem>>
        %dma_start3A_283 = tpu.memref_squeeze %dma_start3A_282 : memref<1x80x128xf32, #tpu.memory_space<vmem>> -> memref<80x128xf32, #tpu.memory_space<vmem>>
        %dma_start3A_284 = arith.constant 0 : i32
        %dma_start3A_285 = tpu.memref_slice %arg2[%add3A_278, %dma_start3A_284] : memref<320000x128xf32, #tpu.memory_space<hbm>> -> memref<80x128xf32, #tpu.memory_space<hbm>>
        %dma_start3A_286 = arith.constant 0 : i32
        %dma_start3A_287 = arith.constant 0 : i32
        %dma_start3A_288 = tpu.memref_slice %arg7[%dma_start3A_279, %dma_start3A_286, %dma_start3A_287] : memref<3x80x128xf32, #tpu.memory_space<vmem>> -> memref<1x80x128xf32, #tpu.memory_space<vmem>>
        %dma_start3A_289 = tpu.memref_squeeze %dma_start3A_288 : memref<1x80x128xf32, #tpu.memory_space<vmem>> -> memref<80x128xf32, #tpu.memory_space<vmem>>
        %dma_start3A_290 = arith.constant 0 : i32
        %dma_start3A_291 = tpu.memref_slice %arg2[%add3A_278, %dma_start3A_290] : memref<320000x128xf32, #tpu.memory_space<hbm>> -> memref<80x128xf32, #tpu.memory_space<hbm>>
        tpu.enqueue_dma source(%dma_start3A_291 : memref<80x128xf32, #tpu.memory_space<hbm>>) target(%dma_start3A_289 : memref<80x128xf32, #tpu.memory_space<vmem>>) target_semaphore(%arg9 : memref<!tpu.dma_semaphore, #tpu.memory_space<semaphore_mem>>)
      } else {
      }
    }
    %scan3A_55 = arith.constant 41 : i32
    %dma_wait3A = arith.constant 0 : i32
    %dma_wait3A_56 = arith.constant 0 : i32
    %dma_wait3A_57 = arith.constant 0 : i32
    %dma_wait3A_58 = tpu.memref_slice %arg7[%dma_wait3A, %dma_wait3A_56, %dma_wait3A_57] : memref<3x80x128xf32, #tpu.memory_space<vmem>> -> memref<1x80x128xf32, #tpu.memory_space<vmem>>
    %dma_wait3A_59 = tpu.memref_squeeze %dma_wait3A_58 : memref<1x80x128xf32, #tpu.memory_space<vmem>> -> memref<80x128xf32, #tpu.memory_space<vmem>>
    %dma_wait3A_60 = arith.constant 0 : i32
    %dma_wait3A_61 = tpu.memref_slice %arg2[%mul3A_2, %dma_wait3A_60] : memref<320000x128xf32, #tpu.memory_space<hbm>> -> memref<80x128xf32, #tpu.memory_space<hbm>>
    %dma_wait3A_62 = arith.constant 0 : i32
    %dma_wait3A_63 = arith.constant 0 : i32
    %dma_wait3A_64 = tpu.memref_slice %arg7[%dma_wait3A, %dma_wait3A_62, %dma_wait3A_63] : memref<3x80x128xf32, #tpu.memory_space<vmem>> -> memref<1x80x128xf32, #tpu.memory_space<vmem>>
    %dma_wait3A_65 = tpu.memref_squeeze %dma_wait3A_64 : memref<1x80x128xf32, #tpu.memory_space<vmem>> -> memref<80x128xf32, #tpu.memory_space<vmem>>
    %dma_wait3A_66 = arith.constant 0 : i32
    %dma_wait3A_67 = tpu.memref_slice %arg2[%mul3A_2, %dma_wait3A_66] : memref<320000x128xf32, #tpu.memory_space<hbm>> -> memref<80x128xf32, #tpu.memory_space<hbm>>
    tpu.wait_dma2 semaphore(%arg9 : memref<!tpu.dma_semaphore, #tpu.memory_space<semaphore_mem>>) src(%dma_wait3A_67 : memref<80x128xf32, #tpu.memory_space<hbm>>) dst(%dma_wait3A_65 : memref<80x128xf32, #tpu.memory_space<vmem>>)
    %dma_start3A_68 = arith.constant 0 : i32
    %dma_start3A_69 = arith.constant 123 : i32
    %dma_start3A_70 = arith.constant 0 : i32
    %dma_start3A_71 = arith.constant 0 : i32
    %dma_start3A_72 = tpu.memref_slice %arg7[%dma_start3A_68, %dma_start3A_70, %dma_start3A_71] : memref<3x80x128xf32, #tpu.memory_space<vmem>> -> memref<1x80x128xf32, #tpu.memory_space<vmem>>
    %dma_start3A_73 = tpu.memref_squeeze %dma_start3A_72 : memref<1x80x128xf32, #tpu.memory_space<vmem>> -> memref<80x128xf32, #tpu.memory_space<vmem>>
    %dma_start3A_74 = arith.constant 0 : i32
    %dma_start3A_75 = tpu.memref_slice %arg6[%dma_start3A_69, %dma_start3A_74] : memref<125x80xi32, #tpu.memory_space<vmem>> -> memref<1x80xi32, #tpu.memory_space<vmem>>
    %dma_start3A_76 = tpu.memref_squeeze %dma_start3A_75 : memref<1x80xi32, #tpu.memory_space<vmem>> -> memref<80xi32, #tpu.memory_space<vmem>>
    %dma_start3A_77 = arith.constant 0 : i32
    %dma_start3A_78 = arith.constant 0 : i32
    %dma_start3A_79 = tpu.memref_slice %arg8[%dma_start3A_77, %dma_start3A_78] : memref<10240x128xf32, #tpu.memory_space<vmem_shared>> -> memref<10240x128xf32, #tpu.memory_space<vmem_shared>>
    tpu.enqueue_indirect_dma source(%dma_start3A_73 : memref<80x128xf32, #tpu.memory_space<vmem>>) target(%dma_start3A_79 : memref<10240x128xf32, #tpu.memory_space<vmem_shared>>) offsets(%dma_start3A_76 : memref<80xi32, #tpu.memory_space<vmem>>) semaphore(%arg10 : memref<!tpu.dma_semaphore, #tpu.memory_space<semaphore_mem>>) {add = true}
    %dma_wait3A_80 = arith.constant 0 : i32
    %dma_wait3A_81 = arith.constant 0 : i32
    %dma_wait3A_82 = arith.constant 0 : i32
    %dma_wait3A_83 = arith.constant 0 : i32
    %dma_wait3A_84 = tpu.memref_slice %arg7[%dma_wait3A_80, %dma_wait3A_82, %dma_wait3A_83] : memref<3x80x128xf32, #tpu.memory_space<vmem>> -> memref<1x80x128xf32, #tpu.memory_space<vmem>>
    %dma_wait3A_85 = tpu.memref_squeeze %dma_wait3A_84 : memref<1x80x128xf32, #tpu.memory_space<vmem>> -> memref<80x128xf32, #tpu.memory_space<vmem>>
    %dma_wait3A_86 = arith.constant 0 : i32
    %dma_wait3A_87 = tpu.memref_slice %arg6[%dma_wait3A_81, %dma_wait3A_86] : memref<125x80xi32, #tpu.memory_space<vmem>> -> memref<1x80xi32, #tpu.memory_space<vmem>>
    %dma_wait3A_88 = tpu.memref_squeeze %dma_wait3A_87 : memref<1x80xi32, #tpu.memory_space<vmem>> -> memref<80xi32, #tpu.memory_space<vmem>>
    %dma_wait3A_89 = arith.constant 0 : i32
    %dma_wait3A_90 = arith.constant 0 : i32
    %dma_wait3A_91 = tpu.memref_slice %arg8[%dma_wait3A_89, %dma_wait3A_90] : memref<10240x128xf32, #tpu.memory_space<vmem_shared>> -> memref<10240x128xf32, #tpu.memory_space<vmem_shared>>
    tpu.wait_indirect_dma semaphore(%arg10 : memref<!tpu.dma_semaphore, #tpu.memory_space<semaphore_mem>>) src(%dma_wait3A_85 : memref<80x128xf32, #tpu.memory_space<vmem>>) dst(%dma_wait3A_91 : memref<10240x128xf32, #tpu.memory_space<vmem_shared>>)
    %dma_wait3A_92 = arith.constant 1 : i32
    %dma_wait3A_93 = arith.constant 0 : i32
    %dma_wait3A_94 = arith.constant 0 : i32
    %dma_wait3A_95 = tpu.memref_slice %arg7[%dma_wait3A_92, %dma_wait3A_93, %dma_wait3A_94] : memref<3x80x128xf32, #tpu.memory_space<vmem>> -> memref<1x80x128xf32, #tpu.memory_space<vmem>>
    %dma_wait3A_96 = tpu.memref_squeeze %dma_wait3A_95 : memref<1x80x128xf32, #tpu.memory_space<vmem>> -> memref<80x128xf32, #tpu.memory_space<vmem>>
    %dma_wait3A_97 = arith.constant 0 : i32
    %dma_wait3A_98 = tpu.memref_slice %arg2[%mul3A_2, %dma_wait3A_97] : memref<320000x128xf32, #tpu.memory_space<hbm>> -> memref<80x128xf32, #tpu.memory_space<hbm>>
    %dma_wait3A_99 = arith.constant 0 : i32
    %dma_wait3A_100 = arith.constant 0 : i32
    %dma_wait3A_101 = tpu.memref_slice %arg7[%dma_wait3A_92, %dma_wait3A_99, %dma_wait3A_100] : memref<3x80x128xf32, #tpu.memory_space<vmem>> -> memref<1x80x128xf32, #tpu.memory_space<vmem>>
    %dma_wait3A_102 = tpu.memref_squeeze %dma_wait3A_101 : memref<1x80x128xf32, #tpu.memory_space<vmem>> -> memref<80x128xf32, #tpu.memory_space<vmem>>
    %dma_wait3A_103 = arith.constant 0 : i32
    %dma_wait3A_104 = tpu.memref_slice %arg2[%mul3A_2, %dma_wait3A_103] : memref<320000x128xf32, #tpu.memory_space<hbm>> -> memref<80x128xf32, #tpu.memory_space<hbm>>
    tpu.wait_dma2 semaphore(%arg9 : memref<!tpu.dma_semaphore, #tpu.memory_space<semaphore_mem>>) src(%dma_wait3A_104 : memref<80x128xf32, #tpu.memory_space<hbm>>) dst(%dma_wait3A_102 : memref<80x128xf32, #tpu.memory_space<vmem>>)
    %dma_start3A_105 = arith.constant 1 : i32
    %dma_start3A_106 = arith.constant 124 : i32
    %dma_start3A_107 = arith.constant 0 : i32
    %dma_start3A_108 = arith.constant 0 : i32
    %dma_start3A_109 = tpu.memref_slice %arg7[%dma_start3A_105, %dma_start3A_107, %dma_start3A_108] : memref<3x80x128xf32, #tpu.memory_space<vmem>> -> memref<1x80x128xf32, #tpu.memory_space<vmem>>
    %dma_start3A_110 = tpu.memref_squeeze %dma_start3A_109 : memref<1x80x128xf32, #tpu.memory_space<vmem>> -> memref<80x128xf32, #tpu.memory_space<vmem>>
    %dma_start3A_111 = arith.constant 0 : i32
    %dma_start3A_112 = tpu.memref_slice %arg6[%dma_start3A_106, %dma_start3A_111] : memref<125x80xi32, #tpu.memory_space<vmem>> -> memref<1x80xi32, #tpu.memory_space<vmem>>
    %dma_start3A_113 = tpu.memref_squeeze %dma_start3A_112 : memref<1x80xi32, #tpu.memory_space<vmem>> -> memref<80xi32, #tpu.memory_space<vmem>>
    %dma_start3A_114 = arith.constant 0 : i32
    %dma_start3A_115 = arith.constant 0 : i32
    %dma_start3A_116 = tpu.memref_slice %arg8[%dma_start3A_114, %dma_start3A_115] : memref<10240x128xf32, #tpu.memory_space<vmem_shared>> -> memref<10240x128xf32, #tpu.memory_space<vmem_shared>>
    tpu.enqueue_indirect_dma source(%dma_start3A_110 : memref<80x128xf32, #tpu.memory_space<vmem>>) target(%dma_start3A_116 : memref<10240x128xf32, #tpu.memory_space<vmem_shared>>) offsets(%dma_start3A_113 : memref<80xi32, #tpu.memory_space<vmem>>) semaphore(%arg10 : memref<!tpu.dma_semaphore, #tpu.memory_space<semaphore_mem>>) {add = true}
    %dma_wait3A_117 = arith.constant 1 : i32
    %dma_wait3A_118 = arith.constant 0 : i32
    %dma_wait3A_119 = arith.constant 0 : i32
    %dma_wait3A_120 = arith.constant 0 : i32
    %dma_wait3A_121 = tpu.memref_slice %arg7[%dma_wait3A_117, %dma_wait3A_119, %dma_wait3A_120] : memref<3x80x128xf32, #tpu.memory_space<vmem>> -> memref<1x80x128xf32, #tpu.memory_space<vmem>>
    %dma_wait3A_122 = tpu.memref_squeeze %dma_wait3A_121 : memref<1x80x128xf32, #tpu.memory_space<vmem>> -> memref<80x128xf32, #tpu.memory_space<vmem>>
    %dma_wait3A_123 = arith.constant 0 : i32
    %dma_wait3A_124 = tpu.memref_slice %arg6[%dma_wait3A_118, %dma_wait3A_123] : memref<125x80xi32, #tpu.memory_space<vmem>> -> memref<1x80xi32, #tpu.memory_space<vmem>>
    %dma_wait3A_125 = tpu.memref_squeeze %dma_wait3A_124 : memref<1x80xi32, #tpu.memory_space<vmem>> -> memref<80xi32, #tpu.memory_space<vmem>>
    %dma_wait3A_126 = arith.constant 0 : i32
    %dma_wait3A_127 = arith.constant 0 : i32
    %dma_wait3A_128 = tpu.memref_slice %arg8[%dma_wait3A_126, %dma_wait3A_127] : memref<10240x128xf32, #tpu.memory_space<vmem_shared>> -> memref<10240x128xf32, #tpu.memory_space<vmem_shared>>
    tpu.wait_indirect_dma semaphore(%arg10 : memref<!tpu.dma_semaphore, #tpu.memory_space<semaphore_mem>>) src(%dma_wait3A_122 : memref<80x128xf32, #tpu.memory_space<vmem>>) dst(%dma_wait3A_128 : memref<10240x128xf32, #tpu.memory_space<vmem_shared>>)
    %barrier3A_129 = arith.constant 0 : index
    tpu.barrier barrier_id(%barrier3A_129)
    %mul3A_130 = arith.constant 640 : i32
    %mul3A_131 = arith.muli %arg1, %mul3A_130 : i32
    %mul3A_132 = arith.constant 10240 : i32
    %mul3A_133 = arith.muli %arg0, %mul3A_132 : i32
    %mul3A_134 = arith.constant 640 : i32
    %mul3A_135 = arith.muli %arg1, %mul3A_134 : i32
    %add3A_136 = arith.addi %mul3A_133, %mul3A_135 : i32
    "tpu.region"() ({
      %run_scoped3A = tpu.sem_alloc : memref<!tpu.dma_semaphore, #tpu.memory_space<semaphore_mem>>
      %dma_start3A_137 = arith.constant 0 : i32
      %dma_start3A_138 = tpu.memref_slice %arg5[%add3A_136, %dma_start3A_137] : memref<20480x128xf32, #tpu.memory_space<hbm>> -> memref<640x128xf32, #tpu.memory_space<hbm>>
      %dma_start3A_139 = arith.constant 0 : i32
      %dma_start3A_140 = tpu.memref_slice %arg8[%mul3A_131, %dma_start3A_139] : memref<10240x128xf32, #tpu.memory_space<vmem_shared>> -> memref<640x128xf32, #tpu.memory_space<vmem_shared>>
      tpu.enqueue_dma source(%dma_start3A_140 : memref<640x128xf32, #tpu.memory_space<vmem_shared>>) target(%dma_start3A_138 : memref<640x128xf32, #tpu.memory_space<hbm>>) target_semaphore(%run_scoped3A : memref<!tpu.dma_semaphore, #tpu.memory_space<semaphore_mem>>)
      %dma_wait3A_141 = arith.constant 0 : i32
      %dma_wait3A_142 = tpu.memref_slice %arg5[%add3A_136, %dma_wait3A_141] : memref<20480x128xf32, #tpu.memory_space<hbm>> -> memref<640x128xf32, #tpu.memory_space<hbm>>
      %dma_wait3A_143 = arith.constant 0 : i32
      %dma_wait3A_144 = tpu.memref_slice %arg8[%mul3A_131, %dma_wait3A_143] : memref<10240x128xf32, #tpu.memory_space<vmem_shared>> -> memref<640x128xf32, #tpu.memory_space<vmem_shared>>
      tpu.wait_dma2 semaphore(%run_scoped3A : memref<!tpu.dma_semaphore, #tpu.memory_space<semaphore_mem>>) src(%dma_wait3A_144 : memref<640x128xf32, #tpu.memory_space<vmem_shared>>) dst(%dma_wait3A_142 : memref<640x128xf32, #tpu.memory_space<hbm>>)
      tpu.yield
    }) : () -> ()
    return
  }
}

#map = affine_map<(d0, d1) -> (0, 0)>
#map1 = affine_map<(d0, d1) -> (0, 0, 0)>
module attributes {stable_mosaic.version = 14 : i64} {
  func.func @gather_kernel(%arg0: i32, %arg1: i32, %arg2: memref<10000x128xf32, #tpu.memory_space<hbm>>, %arg3: memref<32x250x80xi32, #tpu.memory_space<hbm>>, %arg4: memref<640000x128xf32, #tpu.memory_space<hbm>>, %arg5: memref<250x80xi32, #tpu.memory_space<vmem>>, %arg6: memref<5x80x128xf32, #tpu.memory_space<vmem>>, %arg7: memref<!tpu.dma_semaphore, #tpu.memory_space<semaphore_mem>>, %arg8: memref<!tpu.dma_semaphore, #tpu.memory_space<semaphore_mem>>) attributes {dimension_semantics = [#tpu.dimension_semantics<core_parallel>, #tpu.dimension_semantics<subcore_parallel>], iteration_bounds = array<i64: 2, 16>, scalar_prefetch = 0 : i64, scratch_operands = 4 : i64, tpu.core_type = #tpu.core_type<sc_vector_subcore>, window_params = [{transform_indices = #map}, {transform_indices = #map1}, {transform_indices = #map}]} {
    %mul3A = arith.constant 16 : i32
    %mul3A_0 = arith.muli %arg0, %mul3A : i32
    %add3A = arith.addi %mul3A_0, %arg1 : i32
    %mul3A_1 = arith.constant 20000 : i32
    %mul3A_2 = arith.muli %add3A, %mul3A_1 : i32
    "tpu.region"() ({
      %run_scoped3A = tpu.sem_alloc : memref<!tpu.dma_semaphore, #tpu.memory_space<semaphore_mem>>
      %dma_start3A_67 = arith.constant 0 : i32
      %dma_start3A_68 = arith.constant 0 : i32
      %dma_start3A_69 = tpu.memref_slice %arg3[%add3A, %dma_start3A_67, %dma_start3A_68] : memref<32x250x80xi32, #tpu.memory_space<hbm>> -> memref<1x250x80xi32, #tpu.memory_space<hbm>>
      %dma_start3A_70 = tpu.memref_squeeze %dma_start3A_69 : memref<1x250x80xi32, #tpu.memory_space<hbm>> -> memref<250x80xi32, #tpu.memory_space<hbm>>
      %dma_start3A_71 = arith.constant 0 : i32
      %dma_start3A_72 = arith.constant 0 : i32
      %dma_start3A_73 = tpu.memref_slice %arg3[%add3A, %dma_start3A_71, %dma_start3A_72] : memref<32x250x80xi32, #tpu.memory_space<hbm>> -> memref<1x250x80xi32, #tpu.memory_space<hbm>>
      %dma_start3A_74 = tpu.memref_squeeze %dma_start3A_73 : memref<1x250x80xi32, #tpu.memory_space<hbm>> -> memref<250x80xi32, #tpu.memory_space<hbm>>
      tpu.enqueue_dma source(%dma_start3A_74 : memref<250x80xi32, #tpu.memory_space<hbm>>) target(%arg5 : memref<250x80xi32, #tpu.memory_space<vmem>>) target_semaphore(%run_scoped3A : memref<!tpu.dma_semaphore, #tpu.memory_space<semaphore_mem>>)
      %dma_wait3A = arith.constant 0 : i32
      %dma_wait3A_75 = arith.constant 0 : i32
      %dma_wait3A_76 = tpu.memref_slice %arg3[%add3A, %dma_wait3A, %dma_wait3A_75] : memref<32x250x80xi32, #tpu.memory_space<hbm>> -> memref<1x250x80xi32, #tpu.memory_space<hbm>>
      %dma_wait3A_77 = tpu.memref_squeeze %dma_wait3A_76 : memref<1x250x80xi32, #tpu.memory_space<hbm>> -> memref<250x80xi32, #tpu.memory_space<hbm>>
      %dma_wait3A_78 = arith.constant 0 : i32
      %dma_wait3A_79 = arith.constant 0 : i32
      %dma_wait3A_80 = tpu.memref_slice %arg3[%add3A, %dma_wait3A_78, %dma_wait3A_79] : memref<32x250x80xi32, #tpu.memory_space<hbm>> -> memref<1x250x80xi32, #tpu.memory_space<hbm>>
      %dma_wait3A_81 = tpu.memref_squeeze %dma_wait3A_80 : memref<1x250x80xi32, #tpu.memory_space<hbm>> -> memref<250x80xi32, #tpu.memory_space<hbm>>
      tpu.wait_dma2 semaphore(%run_scoped3A : memref<!tpu.dma_semaphore, #tpu.memory_space<semaphore_mem>>) src(%dma_wait3A_81 : memref<250x80xi32, #tpu.memory_space<hbm>>) dst(%arg5 : memref<250x80xi32, #tpu.memory_space<vmem>>)
      tpu.yield
    }) : () -> ()
    %dma_start3A = arith.constant 0 : i32
    %dma_start3A_3 = arith.constant 0 : i32
    %dma_start3A_4 = arith.constant 0 : i32
    %dma_start3A_5 = arith.constant 0 : i32
    %dma_start3A_6 = tpu.memref_slice %arg6[%dma_start3A_3, %dma_start3A_4, %dma_start3A_5] : memref<5x80x128xf32, #tpu.memory_space<vmem>> -> memref<1x80x128xf32, #tpu.memory_space<vmem>>
    %dma_start3A_7 = tpu.memref_squeeze %dma_start3A_6 : memref<1x80x128xf32, #tpu.memory_space<vmem>> -> memref<80x128xf32, #tpu.memory_space<vmem>>
    %dma_start3A_8 = arith.constant 0 : i32
    %dma_start3A_9 = tpu.memref_slice %arg5[%dma_start3A, %dma_start3A_8] : memref<250x80xi32, #tpu.memory_space<vmem>> -> memref<1x80xi32, #tpu.memory_space<vmem>>
    %dma_start3A_10 = tpu.memref_squeeze %dma_start3A_9 : memref<1x80xi32, #tpu.memory_space<vmem>> -> memref<80xi32, #tpu.memory_space<vmem>>
    %dma_start3A_11 = arith.constant 0 : i32
    %dma_start3A_12 = arith.constant 0 : i32
    %dma_start3A_13 = tpu.memref_slice %arg2[%dma_start3A_11, %dma_start3A_12] : memref<10000x128xf32, #tpu.memory_space<hbm>> -> memref<10000x128xf32, #tpu.memory_space<hbm>>
    tpu.enqueue_indirect_dma source(%dma_start3A_13 : memref<10000x128xf32, #tpu.memory_space<hbm>>) target(%dma_start3A_7 : memref<80x128xf32, #tpu.memory_space<vmem>>) offsets(%dma_start3A_10 : memref<80xi32, #tpu.memory_space<vmem>>) semaphore(%arg7 : memref<!tpu.dma_semaphore, #tpu.memory_space<semaphore_mem>>)
    %dma_start3A_14 = arith.constant 1 : i32
    %dma_start3A_15 = arith.constant 1 : i32
    %dma_start3A_16 = arith.constant 0 : i32
    %dma_start3A_17 = arith.constant 0 : i32
    %dma_start3A_18 = tpu.memref_slice %arg6[%dma_start3A_15, %dma_start3A_16, %dma_start3A_17] : memref<5x80x128xf32, #tpu.memory_space<vmem>> -> memref<1x80x128xf32, #tpu.memory_space<vmem>>
    %dma_start3A_19 = tpu.memref_squeeze %dma_start3A_18 : memref<1x80x128xf32, #tpu.memory_space<vmem>> -> memref<80x128xf32, #tpu.memory_space<vmem>>
    %dma_start3A_20 = arith.constant 0 : i32
    %dma_start3A_21 = tpu.memref_slice %arg5[%dma_start3A_14, %dma_start3A_20] : memref<250x80xi32, #tpu.memory_space<vmem>> -> memref<1x80xi32, #tpu.memory_space<vmem>>
    %dma_start3A_22 = tpu.memref_squeeze %dma_start3A_21 : memref<1x80xi32, #tpu.memory_space<vmem>> -> memref<80xi32, #tpu.memory_space<vmem>>
    %dma_start3A_23 = arith.constant 0 : i32
    %dma_start3A_24 = arith.constant 0 : i32
    %dma_start3A_25 = tpu.memref_slice %arg2[%dma_start3A_23, %dma_start3A_24] : memref<10000x128xf32, #tpu.memory_space<hbm>> -> memref<10000x128xf32, #tpu.memory_space<hbm>>
    tpu.enqueue_indirect_dma source(%dma_start3A_25 : memref<10000x128xf32, #tpu.memory_space<hbm>>) target(%dma_start3A_19 : memref<80x128xf32, #tpu.memory_space<vmem>>) offsets(%dma_start3A_22 : memref<80xi32, #tpu.memory_space<vmem>>) semaphore(%arg7 : memref<!tpu.dma_semaphore, #tpu.memory_space<semaphore_mem>>)
    %dma_start3A_26 = arith.constant 2 : i32
    %dma_start3A_27 = arith.constant 2 : i32
    %dma_start3A_28 = arith.constant 0 : i32
    %dma_start3A_29 = arith.constant 0 : i32
    %dma_start3A_30 = tpu.memref_slice %arg6[%dma_start3A_27, %dma_start3A_28, %dma_start3A_29] : memref<5x80x128xf32, #tpu.memory_space<vmem>> -> memref<1x80x128xf32, #tpu.memory_space<vmem>>
    %dma_start3A_31 = tpu.memref_squeeze %dma_start3A_30 : memref<1x80x128xf32, #tpu.memory_space<vmem>> -> memref<80x128xf32, #tpu.memory_space<vmem>>
    %dma_start3A_32 = arith.constant 0 : i32
    %dma_start3A_33 = tpu.memref_slice %arg5[%dma_start3A_26, %dma_start3A_32] : memref<250x80xi32, #tpu.memory_space<vmem>> -> memref<1x80xi32, #tpu.memory_space<vmem>>
    %dma_start3A_34 = tpu.memref_squeeze %dma_start3A_33 : memref<1x80xi32, #tpu.memory_space<vmem>> -> memref<80xi32, #tpu.memory_space<vmem>>
    %dma_start3A_35 = arith.constant 0 : i32
    %dma_start3A_36 = arith.constant 0 : i32
    %dma_start3A_37 = tpu.memref_slice %arg2[%dma_start3A_35, %dma_start3A_36] : memref<10000x128xf32, #tpu.memory_space<hbm>> -> memref<10000x128xf32, #tpu.memory_space<hbm>>
    tpu.enqueue_indirect_dma source(%dma_start3A_37 : memref<10000x128xf32, #tpu.memory_space<hbm>>) target(%dma_start3A_31 : memref<80x128xf32, #tpu.memory_space<vmem>>) offsets(%dma_start3A_34 : memref<80xi32, #tpu.memory_space<vmem>>) semaphore(%arg7 : memref<!tpu.dma_semaphore, #tpu.memory_space<semaphore_mem>>)
    %dma_start3A_38 = arith.constant 3 : i32
    %dma_start3A_39 = arith.constant 3 : i32
    %dma_start3A_40 = arith.constant 0 : i32
    %dma_start3A_41 = arith.constant 0 : i32
    %dma_start3A_42 = tpu.memref_slice %arg6[%dma_start3A_39, %dma_start3A_40, %dma_start3A_41] : memref<5x80x128xf32, #tpu.memory_space<vmem>> -> memref<1x80x128xf32, #tpu.memory_space<vmem>>
    %dma_start3A_43 = tpu.memref_squeeze %dma_start3A_42 : memref<1x80x128xf32, #tpu.memory_space<vmem>> -> memref<80x128xf32, #tpu.memory_space<vmem>>
    %dma_start3A_44 = arith.constant 0 : i32
    %dma_start3A_45 = tpu.memref_slice %arg5[%dma_start3A_38, %dma_start3A_44] : memref<250x80xi32, #tpu.memory_space<vmem>> -> memref<1x80xi32, #tpu.memory_space<vmem>>
    %dma_start3A_46 = tpu.memref_squeeze %dma_start3A_45 : memref<1x80xi32, #tpu.memory_space<vmem>> -> memref<80xi32, #tpu.memory_space<vmem>>
    %dma_start3A_47 = arith.constant 0 : i32
    %dma_start3A_48 = arith.constant 0 : i32
    %dma_start3A_49 = tpu.memref_slice %arg2[%dma_start3A_47, %dma_start3A_48] : memref<10000x128xf32, #tpu.memory_space<hbm>> -> memref<10000x128xf32, #tpu.memory_space<hbm>>
    tpu.enqueue_indirect_dma source(%dma_start3A_49 : memref<10000x128xf32, #tpu.memory_space<hbm>>) target(%dma_start3A_43 : memref<80x128xf32, #tpu.memory_space<vmem>>) offsets(%dma_start3A_46 : memref<80xi32, #tpu.memory_space<vmem>>) semaphore(%arg7 : memref<!tpu.dma_semaphore, #tpu.memory_space<semaphore_mem>>)
    %dma_start3A_50 = arith.constant 4 : i32
    %dma_start3A_51 = arith.constant 4 : i32
    %dma_start3A_52 = arith.constant 0 : i32
    %dma_start3A_53 = arith.constant 0 : i32
    %dma_start3A_54 = tpu.memref_slice %arg6[%dma_start3A_51, %dma_start3A_52, %dma_start3A_53] : memref<5x80x128xf32, #tpu.memory_space<vmem>> -> memref<1x80x128xf32, #tpu.memory_space<vmem>>
    %dma_start3A_55 = tpu.memref_squeeze %dma_start3A_54 : memref<1x80x128xf32, #tpu.memory_space<vmem>> -> memref<80x128xf32, #tpu.memory_space<vmem>>
    %dma_start3A_56 = arith.constant 0 : i32
    %dma_start3A_57 = tpu.memref_slice %arg5[%dma_start3A_50, %dma_start3A_56] : memref<250x80xi32, #tpu.memory_space<vmem>> -> memref<1x80xi32, #tpu.memory_space<vmem>>
    %dma_start3A_58 = tpu.memref_squeeze %dma_start3A_57 : memref<1x80xi32, #tpu.memory_space<vmem>> -> memref<80xi32, #tpu.memory_space<vmem>>
    %dma_start3A_59 = arith.constant 0 : i32
    %dma_start3A_60 = arith.constant 0 : i32
    %dma_start3A_61 = tpu.memref_slice %arg2[%dma_start3A_59, %dma_start3A_60] : memref<10000x128xf32, #tpu.memory_space<hbm>> -> memref<10000x128xf32, #tpu.memory_space<hbm>>
    tpu.enqueue_indirect_dma source(%dma_start3A_61 : memref<10000x128xf32, #tpu.memory_space<hbm>>) target(%dma_start3A_55 : memref<80x128xf32, #tpu.memory_space<vmem>>) offsets(%dma_start3A_58 : memref<80xi32, #tpu.memory_space<vmem>>) semaphore(%arg7 : memref<!tpu.dma_semaphore, #tpu.memory_space<semaphore_mem>>)
    %scan3A = arith.constant 0 : i32
    %scan3A_62 = arith.constant 0 : i32
    %scan3A_63 = arith.constant 50 : i32
    %scan3A_64 = arith.addi %scan3A_62, %scan3A_63 : i32
    %scan3A_65 = arith.constant 1 : i32
    scf.for %scan3A_67 = %scan3A_62 to %scan3A_64 step %scan3A_65  : i32 {
      %mul3A_68 = arith.constant 5 : i32
      %mul3A_69 = arith.muli %scan3A_67, %mul3A_68 : i32
      %add3A_70 = arith.constant 0 : i32
      %add3A_71 = arith.addi %mul3A_69, %add3A_70 : i32
      %dma_wait3A = arith.constant 0 : i32
      %dma_wait3A_72 = arith.constant 0 : i32
      %dma_wait3A_73 = arith.constant 0 : i32
      %dma_wait3A_74 = arith.constant 0 : i32
      %dma_wait3A_75 = tpu.memref_slice %arg6[%dma_wait3A_72, %dma_wait3A_73, %dma_wait3A_74] : memref<5x80x128xf32, #tpu.memory_space<vmem>> -> memref<1x80x128xf32, #tpu.memory_space<vmem>>
      %dma_wait3A_76 = tpu.memref_squeeze %dma_wait3A_75 : memref<1x80x128xf32, #tpu.memory_space<vmem>> -> memref<80x128xf32, #tpu.memory_space<vmem>>
      %dma_wait3A_77 = arith.constant 0 : i32
      %dma_wait3A_78 = tpu.memref_slice %arg5[%dma_wait3A, %dma_wait3A_77] : memref<250x80xi32, #tpu.memory_space<vmem>> -> memref<1x80xi32, #tpu.memory_space<vmem>>
      %dma_wait3A_79 = tpu.memref_squeeze %dma_wait3A_78 : memref<1x80xi32, #tpu.memory_space<vmem>> -> memref<80xi32, #tpu.memory_space<vmem>>
      %dma_wait3A_80 = arith.constant 0 : i32
      %dma_wait3A_81 = arith.constant 0 : i32
      %dma_wait3A_82 = tpu.memref_slice %arg2[%dma_wait3A_80, %dma_wait3A_81] : memref<10000x128xf32, #tpu.memory_space<hbm>> -> memref<10000x128xf32, #tpu.memory_space<hbm>>
      tpu.wait_indirect_dma semaphore(%arg7 : memref<!tpu.dma_semaphore, #tpu.memory_space<semaphore_mem>>) src(%dma_wait3A_82 : memref<10000x128xf32, #tpu.memory_space<hbm>>) dst(%dma_wait3A_76 : memref<80x128xf32, #tpu.memory_space<vmem>>)
      %mul3A_83 = arith.constant 80 : i32
      %mul3A_84 = arith.muli %add3A_71, %mul3A_83 : i32
      %add3A_85 = arith.addi %mul3A_2, %mul3A_84 : i32
      %dma_start3A_86 = arith.constant 0 : i32
      %dma_start3A_87 = arith.constant 0 : i32
      %dma_start3A_88 = arith.constant 0 : i32
      %dma_start3A_89 = tpu.memref_slice %arg6[%dma_start3A_86, %dma_start3A_87, %dma_start3A_88] : memref<5x80x128xf32, #tpu.memory_space<vmem>> -> memref<1x80x128xf32, #tpu.memory_space<vmem>>
      %dma_start3A_90 = tpu.memref_squeeze %dma_start3A_89 : memref<1x80x128xf32, #tpu.memory_space<vmem>> -> memref<80x128xf32, #tpu.memory_space<vmem>>
      %dma_start3A_91 = arith.constant 0 : i32
      %dma_start3A_92 = tpu.memref_slice %arg4[%add3A_85, %dma_start3A_91] : memref<640000x128xf32, #tpu.memory_space<hbm>> -> memref<80x128xf32, #tpu.memory_space<hbm>>
      %dma_start3A_93 = arith.constant 0 : i32
      %dma_start3A_94 = tpu.memref_slice %arg4[%add3A_85, %dma_start3A_93] : memref<640000x128xf32, #tpu.memory_space<hbm>> -> memref<80x128xf32, #tpu.memory_space<hbm>>
      %dma_start3A_95 = arith.constant 0 : i32
      %dma_start3A_96 = arith.constant 0 : i32
      %dma_start3A_97 = tpu.memref_slice %arg6[%dma_start3A_86, %dma_start3A_95, %dma_start3A_96] : memref<5x80x128xf32, #tpu.memory_space<vmem>> -> memref<1x80x128xf32, #tpu.memory_space<vmem>>
      %dma_start3A_98 = tpu.memref_squeeze %dma_start3A_97 : memref<1x80x128xf32, #tpu.memory_space<vmem>> -> memref<80x128xf32, #tpu.memory_space<vmem>>
      tpu.enqueue_dma source(%dma_start3A_98 : memref<80x128xf32, #tpu.memory_space<vmem>>) target(%dma_start3A_94 : memref<80x128xf32, #tpu.memory_space<hbm>>) target_semaphore(%arg8 : memref<!tpu.dma_semaphore, #tpu.memory_space<semaphore_mem>>)
      %dma_wait3A_99 = arith.constant 0 : i32
      %dma_wait3A_100 = arith.constant 0 : i32
      %dma_wait3A_101 = arith.constant 0 : i32
      %dma_wait3A_102 = tpu.memref_slice %arg6[%dma_wait3A_99, %dma_wait3A_100, %dma_wait3A_101] : memref<5x80x128xf32, #tpu.memory_space<vmem>> -> memref<1x80x128xf32, #tpu.memory_space<vmem>>
      %dma_wait3A_103 = tpu.memref_squeeze %dma_wait3A_102 : memref<1x80x128xf32, #tpu.memory_space<vmem>> -> memref<80x128xf32, #tpu.memory_space<vmem>>
      %dma_wait3A_104 = arith.constant 0 : i32
      %dma_wait3A_105 = tpu.memref_slice %arg4[%mul3A_2, %dma_wait3A_104] : memref<640000x128xf32, #tpu.memory_space<hbm>> -> memref<80x128xf32, #tpu.memory_space<hbm>>
      %dma_wait3A_106 = arith.constant 0 : i32
      %dma_wait3A_107 = tpu.memref_slice %arg4[%mul3A_2, %dma_wait3A_106] : memref<640000x128xf32, #tpu.memory_space<hbm>> -> memref<80x128xf32, #tpu.memory_space<hbm>>
      %dma_wait3A_108 = arith.constant 0 : i32
      %dma_wait3A_109 = arith.constant 0 : i32
      %dma_wait3A_110 = tpu.memref_slice %arg6[%dma_wait3A_99, %dma_wait3A_108, %dma_wait3A_109] : memref<5x80x128xf32, #tpu.memory_space<vmem>> -> memref<1x80x128xf32, #tpu.memory_space<vmem>>
      %dma_wait3A_111 = tpu.memref_squeeze %dma_wait3A_110 : memref<1x80x128xf32, #tpu.memory_space<vmem>> -> memref<80x128xf32, #tpu.memory_space<vmem>>
      tpu.wait_dma2 semaphore(%arg8 : memref<!tpu.dma_semaphore, #tpu.memory_space<semaphore_mem>>) src(%dma_wait3A_111 : memref<80x128xf32, #tpu.memory_space<vmem>>) dst(%dma_wait3A_107 : memref<80x128xf32, #tpu.memory_space<hbm>>)
      %add3A_112 = arith.constant 5 : i32
      %add3A_113 = arith.addi %add3A_71, %add3A_112 : i32
      %lt3A = arith.constant 250 : i32
      %lt3A_114 = arith.cmpi slt, %add3A_113, %lt3A : i32
      %convert_element_type3A = arith.extui %lt3A_114 : i1 to i32
      %cond3A = arith.constant 0 : i32
      %cond3A_115 = arith.cmpi ne, %convert_element_type3A, %cond3A : i32
      scf.if %cond3A_115 {
        %dma_start3A_324 = arith.constant 0 : i32
        %dma_start3A_325 = arith.constant 0 : i32
        %dma_start3A_326 = arith.constant 0 : i32
        %dma_start3A_327 = tpu.memref_slice %arg6[%dma_start3A_324, %dma_start3A_325, %dma_start3A_326] : memref<5x80x128xf32, #tpu.memory_space<vmem>> -> memref<1x80x128xf32, #tpu.memory_space<vmem>>
        %dma_start3A_328 = tpu.memref_squeeze %dma_start3A_327 : memref<1x80x128xf32, #tpu.memory_space<vmem>> -> memref<80x128xf32, #tpu.memory_space<vmem>>
        %dma_start3A_329 = arith.constant 0 : i32
        %dma_start3A_330 = tpu.memref_slice %arg5[%add3A_113, %dma_start3A_329] : memref<250x80xi32, #tpu.memory_space<vmem>> -> memref<1x80xi32, #tpu.memory_space<vmem>>
        %dma_start3A_331 = tpu.memref_squeeze %dma_start3A_330 : memref<1x80xi32, #tpu.memory_space<vmem>> -> memref<80xi32, #tpu.memory_space<vmem>>
        %dma_start3A_332 = arith.constant 0 : i32
        %dma_start3A_333 = arith.constant 0 : i32
        %dma_start3A_334 = tpu.memref_slice %arg2[%dma_start3A_332, %dma_start3A_333] : memref<10000x128xf32, #tpu.memory_space<hbm>> -> memref<10000x128xf32, #tpu.memory_space<hbm>>
        tpu.enqueue_indirect_dma source(%dma_start3A_334 : memref<10000x128xf32, #tpu.memory_space<hbm>>) target(%dma_start3A_328 : memref<80x128xf32, #tpu.memory_space<vmem>>) offsets(%dma_start3A_331 : memref<80xi32, #tpu.memory_space<vmem>>) semaphore(%arg7 : memref<!tpu.dma_semaphore, #tpu.memory_space<semaphore_mem>>)
      } else {
      }
      %mul3A_116 = arith.constant 5 : i32
      %mul3A_117 = arith.muli %scan3A_67, %mul3A_116 : i32
      %add3A_118 = arith.constant 1 : i32
      %add3A_119 = arith.addi %mul3A_117, %add3A_118 : i32
      %dma_wait3A_120 = arith.constant 0 : i32
      %dma_wait3A_121 = arith.constant 1 : i32
      %dma_wait3A_122 = arith.constant 0 : i32
      %dma_wait3A_123 = arith.constant 0 : i32
      %dma_wait3A_124 = tpu.memref_slice %arg6[%dma_wait3A_121, %dma_wait3A_122, %dma_wait3A_123] : memref<5x80x128xf32, #tpu.memory_space<vmem>> -> memref<1x80x128xf32, #tpu.memory_space<vmem>>
      %dma_wait3A_125 = tpu.memref_squeeze %dma_wait3A_124 : memref<1x80x128xf32, #tpu.memory_space<vmem>> -> memref<80x128xf32, #tpu.memory_space<vmem>>
      %dma_wait3A_126 = arith.constant 0 : i32
      %dma_wait3A_127 = tpu.memref_slice %arg5[%dma_wait3A_120, %dma_wait3A_126] : memref<250x80xi32, #tpu.memory_space<vmem>> -> memref<1x80xi32, #tpu.memory_space<vmem>>
      %dma_wait3A_128 = tpu.memref_squeeze %dma_wait3A_127 : memref<1x80xi32, #tpu.memory_space<vmem>> -> memref<80xi32, #tpu.memory_space<vmem>>
      %dma_wait3A_129 = arith.constant 0 : i32
      %dma_wait3A_130 = arith.constant 0 : i32
      %dma_wait3A_131 = tpu.memref_slice %arg2[%dma_wait3A_129, %dma_wait3A_130] : memref<10000x128xf32, #tpu.memory_space<hbm>> -> memref<10000x128xf32, #tpu.memory_space<hbm>>
      tpu.wait_indirect_dma semaphore(%arg7 : memref<!tpu.dma_semaphore, #tpu.memory_space<semaphore_mem>>) src(%dma_wait3A_131 : memref<10000x128xf32, #tpu.memory_space<hbm>>) dst(%dma_wait3A_125 : memref<80x128xf32, #tpu.memory_space<vmem>>)
      %mul3A_132 = arith.constant 80 : i32
      %mul3A_133 = arith.muli %add3A_119, %mul3A_132 : i32
      %add3A_134 = arith.addi %mul3A_2, %mul3A_133 : i32
      %dma_start3A_135 = arith.constant 1 : i32
      %dma_start3A_136 = arith.constant 0 : i32
      %dma_start3A_137 = arith.constant 0 : i32
      %dma_start3A_138 = tpu.memref_slice %arg6[%dma_start3A_135, %dma_start3A_136, %dma_start3A_137] : memref<5x80x128xf32, #tpu.memory_space<vmem>> -> memref<1x80x128xf32, #tpu.memory_space<vmem>>
      %dma_start3A_139 = tpu.memref_squeeze %dma_start3A_138 : memref<1x80x128xf32, #tpu.memory_space<vmem>> -> memref<80x128xf32, #tpu.memory_space<vmem>>
      %dma_start3A_140 = arith.constant 0 : i32
      %dma_start3A_141 = tpu.memref_slice %arg4[%add3A_134, %dma_start3A_140] : memref<640000x128xf32, #tpu.memory_space<hbm>> -> memref<80x128xf32, #tpu.memory_space<hbm>>
      %dma_start3A_142 = arith.constant 0 : i32
      %dma_start3A_143 = tpu.memref_slice %arg4[%add3A_134, %dma_start3A_142] : memref<640000x128xf32, #tpu.memory_space<hbm>> -> memref<80x128xf32, #tpu.memory_space<hbm>>
      %dma_start3A_144 = arith.constant 0 : i32
      %dma_start3A_145 = arith.constant 0 : i32
      %dma_start3A_146 = tpu.memref_slice %arg6[%dma_start3A_135, %dma_start3A_144, %dma_start3A_145] : memref<5x80x128xf32, #tpu.memory_space<vmem>> -> memref<1x80x128xf32, #tpu.memory_space<vmem>>
      %dma_start3A_147 = tpu.memref_squeeze %dma_start3A_146 : memref<1x80x128xf32, #tpu.memory_space<vmem>> -> memref<80x128xf32, #tpu.memory_space<vmem>>
      tpu.enqueue_dma source(%dma_start3A_147 : memref<80x128xf32, #tpu.memory_space<vmem>>) target(%dma_start3A_143 : memref<80x128xf32, #tpu.memory_space<hbm>>) target_semaphore(%arg8 : memref<!tpu.dma_semaphore, #tpu.memory_space<semaphore_mem>>)
      %dma_wait3A_148 = arith.constant 1 : i32
      %dma_wait3A_149 = arith.constant 0 : i32
      %dma_wait3A_150 = arith.constant 0 : i32
      %dma_wait3A_151 = tpu.memref_slice %arg6[%dma_wait3A_148, %dma_wait3A_149, %dma_wait3A_150] : memref<5x80x128xf32, #tpu.memory_space<vmem>> -> memref<1x80x128xf32, #tpu.memory_space<vmem>>
      %dma_wait3A_152 = tpu.memref_squeeze %dma_wait3A_151 : memref<1x80x128xf32, #tpu.memory_space<vmem>> -> memref<80x128xf32, #tpu.memory_space<vmem>>
      %dma_wait3A_153 = arith.constant 0 : i32
      %dma_wait3A_154 = tpu.memref_slice %arg4[%mul3A_2, %dma_wait3A_153] : memref<640000x128xf32, #tpu.memory_space<hbm>> -> memref<80x128xf32, #tpu.memory_space<hbm>>
      %dma_wait3A_155 = arith.constant 0 : i32
      %dma_wait3A_156 = tpu.memref_slice %arg4[%mul3A_2, %dma_wait3A_155] : memref<640000x128xf32, #tpu.memory_space<hbm>> -> memref<80x128xf32, #tpu.memory_space<hbm>>
      %dma_wait3A_157 = arith.constant 0 : i32
      %dma_wait3A_158 = arith.constant 0 : i32
      %dma_wait3A_159 = tpu.memref_slice %arg6[%dma_wait3A_148, %dma_wait3A_157, %dma_wait3A_158] : memref<5x80x128xf32, #tpu.memory_space<vmem>> -> memref<1x80x128xf32, #tpu.memory_space<vmem>>
      %dma_wait3A_160 = tpu.memref_squeeze %dma_wait3A_159 : memref<1x80x128xf32, #tpu.memory_space<vmem>> -> memref<80x128xf32, #tpu.memory_space<vmem>>
      tpu.wait_dma2 semaphore(%arg8 : memref<!tpu.dma_semaphore, #tpu.memory_space<semaphore_mem>>) src(%dma_wait3A_160 : memref<80x128xf32, #tpu.memory_space<vmem>>) dst(%dma_wait3A_156 : memref<80x128xf32, #tpu.memory_space<hbm>>)
      %add3A_161 = arith.constant 5 : i32
      %add3A_162 = arith.addi %add3A_119, %add3A_161 : i32
      %lt3A_163 = arith.constant 250 : i32
      %lt3A_164 = arith.cmpi slt, %add3A_162, %lt3A_163 : i32
      %convert_element_type3A_165 = arith.extui %lt3A_164 : i1 to i32
      %cond3A_166 = arith.constant 0 : i32
      %cond3A_167 = arith.cmpi ne, %convert_element_type3A_165, %cond3A_166 : i32
      scf.if %cond3A_167 {
        %dma_start3A_324 = arith.constant 1 : i32
        %dma_start3A_325 = arith.constant 0 : i32
        %dma_start3A_326 = arith.constant 0 : i32
        %dma_start3A_327 = tpu.memref_slice %arg6[%dma_start3A_324, %dma_start3A_325, %dma_start3A_326] : memref<5x80x128xf32, #tpu.memory_space<vmem>> -> memref<1x80x128xf32, #tpu.memory_space<vmem>>
        %dma_start3A_328 = tpu.memref_squeeze %dma_start3A_327 : memref<1x80x128xf32, #tpu.memory_space<vmem>> -> memref<80x128xf32, #tpu.memory_space<vmem>>
        %dma_start3A_329 = arith.constant 0 : i32
        %dma_start3A_330 = tpu.memref_slice %arg5[%add3A_162, %dma_start3A_329] : memref<250x80xi32, #tpu.memory_space<vmem>> -> memref<1x80xi32, #tpu.memory_space<vmem>>
        %dma_start3A_331 = tpu.memref_squeeze %dma_start3A_330 : memref<1x80xi32, #tpu.memory_space<vmem>> -> memref<80xi32, #tpu.memory_space<vmem>>
        %dma_start3A_332 = arith.constant 0 : i32
        %dma_start3A_333 = arith.constant 0 : i32
        %dma_start3A_334 = tpu.memref_slice %arg2[%dma_start3A_332, %dma_start3A_333] : memref<10000x128xf32, #tpu.memory_space<hbm>> -> memref<10000x128xf32, #tpu.memory_space<hbm>>
        tpu.enqueue_indirect_dma source(%dma_start3A_334 : memref<10000x128xf32, #tpu.memory_space<hbm>>) target(%dma_start3A_328 : memref<80x128xf32, #tpu.memory_space<vmem>>) offsets(%dma_start3A_331 : memref<80xi32, #tpu.memory_space<vmem>>) semaphore(%arg7 : memref<!tpu.dma_semaphore, #tpu.memory_space<semaphore_mem>>)
      } else {
      }
      %mul3A_168 = arith.constant 5 : i32
      %mul3A_169 = arith.muli %scan3A_67, %mul3A_168 : i32
      %add3A_170 = arith.constant 2 : i32
      %add3A_171 = arith.addi %mul3A_169, %add3A_170 : i32
      %dma_wait3A_172 = arith.constant 0 : i32
      %dma_wait3A_173 = arith.constant 2 : i32
      %dma_wait3A_174 = arith.constant 0 : i32
      %dma_wait3A_175 = arith.constant 0 : i32
      %dma_wait3A_176 = tpu.memref_slice %arg6[%dma_wait3A_173, %dma_wait3A_174, %dma_wait3A_175] : memref<5x80x128xf32, #tpu.memory_space<vmem>> -> memref<1x80x128xf32, #tpu.memory_space<vmem>>
      %dma_wait3A_177 = tpu.memref_squeeze %dma_wait3A_176 : memref<1x80x128xf32, #tpu.memory_space<vmem>> -> memref<80x128xf32, #tpu.memory_space<vmem>>
      %dma_wait3A_178 = arith.constant 0 : i32
      %dma_wait3A_179 = tpu.memref_slice %arg5[%dma_wait3A_172, %dma_wait3A_178] : memref<250x80xi32, #tpu.memory_space<vmem>> -> memref<1x80xi32, #tpu.memory_space<vmem>>
      %dma_wait3A_180 = tpu.memref_squeeze %dma_wait3A_179 : memref<1x80xi32, #tpu.memory_space<vmem>> -> memref<80xi32, #tpu.memory_space<vmem>>
      %dma_wait3A_181 = arith.constant 0 : i32
      %dma_wait3A_182 = arith.constant 0 : i32
      %dma_wait3A_183 = tpu.memref_slice %arg2[%dma_wait3A_181, %dma_wait3A_182] : memref<10000x128xf32, #tpu.memory_space<hbm>> -> memref<10000x128xf32, #tpu.memory_space<hbm>>
      tpu.wait_indirect_dma semaphore(%arg7 : memref<!tpu.dma_semaphore, #tpu.memory_space<semaphore_mem>>) src(%dma_wait3A_183 : memref<10000x128xf32, #tpu.memory_space<hbm>>) dst(%dma_wait3A_177 : memref<80x128xf32, #tpu.memory_space<vmem>>)
      %mul3A_184 = arith.constant 80 : i32
      %mul3A_185 = arith.muli %add3A_171, %mul3A_184 : i32
      %add3A_186 = arith.addi %mul3A_2, %mul3A_185 : i32
      %dma_start3A_187 = arith.constant 2 : i32
      %dma_start3A_188 = arith.constant 0 : i32
      %dma_start3A_189 = arith.constant 0 : i32
      %dma_start3A_190 = tpu.memref_slice %arg6[%dma_start3A_187, %dma_start3A_188, %dma_start3A_189] : memref<5x80x128xf32, #tpu.memory_space<vmem>> -> memref<1x80x128xf32, #tpu.memory_space<vmem>>
      %dma_start3A_191 = tpu.memref_squeeze %dma_start3A_190 : memref<1x80x128xf32, #tpu.memory_space<vmem>> -> memref<80x128xf32, #tpu.memory_space<vmem>>
      %dma_start3A_192 = arith.constant 0 : i32
      %dma_start3A_193 = tpu.memref_slice %arg4[%add3A_186, %dma_start3A_192] : memref<640000x128xf32, #tpu.memory_space<hbm>> -> memref<80x128xf32, #tpu.memory_space<hbm>>
      %dma_start3A_194 = arith.constant 0 : i32
      %dma_start3A_195 = tpu.memref_slice %arg4[%add3A_186, %dma_start3A_194] : memref<640000x128xf32, #tpu.memory_space<hbm>> -> memref<80x128xf32, #tpu.memory_space<hbm>>
      %dma_start3A_196 = arith.constant 0 : i32
      %dma_start3A_197 = arith.constant 0 : i32
      %dma_start3A_198 = tpu.memref_slice %arg6[%dma_start3A_187, %dma_start3A_196, %dma_start3A_197] : memref<5x80x128xf32, #tpu.memory_space<vmem>> -> memref<1x80x128xf32, #tpu.memory_space<vmem>>
      %dma_start3A_199 = tpu.memref_squeeze %dma_start3A_198 : memref<1x80x128xf32, #tpu.memory_space<vmem>> -> memref<80x128xf32, #tpu.memory_space<vmem>>
      tpu.enqueue_dma source(%dma_start3A_199 : memref<80x128xf32, #tpu.memory_space<vmem>>) target(%dma_start3A_195 : memref<80x128xf32, #tpu.memory_space<hbm>>) target_semaphore(%arg8 : memref<!tpu.dma_semaphore, #tpu.memory_space<semaphore_mem>>)
      %dma_wait3A_200 = arith.constant 2 : i32
      %dma_wait3A_201 = arith.constant 0 : i32
      %dma_wait3A_202 = arith.constant 0 : i32
      %dma_wait3A_203 = tpu.memref_slice %arg6[%dma_wait3A_200, %dma_wait3A_201, %dma_wait3A_202] : memref<5x80x128xf32, #tpu.memory_space<vmem>> -> memref<1x80x128xf32, #tpu.memory_space<vmem>>
      %dma_wait3A_204 = tpu.memref_squeeze %dma_wait3A_203 : memref<1x80x128xf32, #tpu.memory_space<vmem>> -> memref<80x128xf32, #tpu.memory_space<vmem>>
      %dma_wait3A_205 = arith.constant 0 : i32
      %dma_wait3A_206 = tpu.memref_slice %arg4[%mul3A_2, %dma_wait3A_205] : memref<640000x128xf32, #tpu.memory_space<hbm>> -> memref<80x128xf32, #tpu.memory_space<hbm>>
      %dma_wait3A_207 = arith.constant 0 : i32
      %dma_wait3A_208 = tpu.memref_slice %arg4[%mul3A_2, %dma_wait3A_207] : memref<640000x128xf32, #tpu.memory_space<hbm>> -> memref<80x128xf32, #tpu.memory_space<hbm>>
      %dma_wait3A_209 = arith.constant 0 : i32
      %dma_wait3A_210 = arith.constant 0 : i32
      %dma_wait3A_211 = tpu.memref_slice %arg6[%dma_wait3A_200, %dma_wait3A_209, %dma_wait3A_210] : memref<5x80x128xf32, #tpu.memory_space<vmem>> -> memref<1x80x128xf32, #tpu.memory_space<vmem>>
      %dma_wait3A_212 = tpu.memref_squeeze %dma_wait3A_211 : memref<1x80x128xf32, #tpu.memory_space<vmem>> -> memref<80x128xf32, #tpu.memory_space<vmem>>
      tpu.wait_dma2 semaphore(%arg8 : memref<!tpu.dma_semaphore, #tpu.memory_space<semaphore_mem>>) src(%dma_wait3A_212 : memref<80x128xf32, #tpu.memory_space<vmem>>) dst(%dma_wait3A_208 : memref<80x128xf32, #tpu.memory_space<hbm>>)
      %add3A_213 = arith.constant 5 : i32
      %add3A_214 = arith.addi %add3A_171, %add3A_213 : i32
      %lt3A_215 = arith.constant 250 : i32
      %lt3A_216 = arith.cmpi slt, %add3A_214, %lt3A_215 : i32
      %convert_element_type3A_217 = arith.extui %lt3A_216 : i1 to i32
      %cond3A_218 = arith.constant 0 : i32
      %cond3A_219 = arith.cmpi ne, %convert_element_type3A_217, %cond3A_218 : i32
      scf.if %cond3A_219 {
        %dma_start3A_324 = arith.constant 2 : i32
        %dma_start3A_325 = arith.constant 0 : i32
        %dma_start3A_326 = arith.constant 0 : i32
        %dma_start3A_327 = tpu.memref_slice %arg6[%dma_start3A_324, %dma_start3A_325, %dma_start3A_326] : memref<5x80x128xf32, #tpu.memory_space<vmem>> -> memref<1x80x128xf32, #tpu.memory_space<vmem>>
        %dma_start3A_328 = tpu.memref_squeeze %dma_start3A_327 : memref<1x80x128xf32, #tpu.memory_space<vmem>> -> memref<80x128xf32, #tpu.memory_space<vmem>>
        %dma_start3A_329 = arith.constant 0 : i32
        %dma_start3A_330 = tpu.memref_slice %arg5[%add3A_214, %dma_start3A_329] : memref<250x80xi32, #tpu.memory_space<vmem>> -> memref<1x80xi32, #tpu.memory_space<vmem>>
        %dma_start3A_331 = tpu.memref_squeeze %dma_start3A_330 : memref<1x80xi32, #tpu.memory_space<vmem>> -> memref<80xi32, #tpu.memory_space<vmem>>
        %dma_start3A_332 = arith.constant 0 : i32
        %dma_start3A_333 = arith.constant 0 : i32
        %dma_start3A_334 = tpu.memref_slice %arg2[%dma_start3A_332, %dma_start3A_333] : memref<10000x128xf32, #tpu.memory_space<hbm>> -> memref<10000x128xf32, #tpu.memory_space<hbm>>
        tpu.enqueue_indirect_dma source(%dma_start3A_334 : memref<10000x128xf32, #tpu.memory_space<hbm>>) target(%dma_start3A_328 : memref<80x128xf32, #tpu.memory_space<vmem>>) offsets(%dma_start3A_331 : memref<80xi32, #tpu.memory_space<vmem>>) semaphore(%arg7 : memref<!tpu.dma_semaphore, #tpu.memory_space<semaphore_mem>>)
      } else {
      }
      %mul3A_220 = arith.constant 5 : i32
      %mul3A_221 = arith.muli %scan3A_67, %mul3A_220 : i32
      %add3A_222 = arith.constant 3 : i32
      %add3A_223 = arith.addi %mul3A_221, %add3A_222 : i32
      %dma_wait3A_224 = arith.constant 0 : i32
      %dma_wait3A_225 = arith.constant 3 : i32
      %dma_wait3A_226 = arith.constant 0 : i32
      %dma_wait3A_227 = arith.constant 0 : i32
      %dma_wait3A_228 = tpu.memref_slice %arg6[%dma_wait3A_225, %dma_wait3A_226, %dma_wait3A_227] : memref<5x80x128xf32, #tpu.memory_space<vmem>> -> memref<1x80x128xf32, #tpu.memory_space<vmem>>
      %dma_wait3A_229 = tpu.memref_squeeze %dma_wait3A_228 : memref<1x80x128xf32, #tpu.memory_space<vmem>> -> memref<80x128xf32, #tpu.memory_space<vmem>>
      %dma_wait3A_230 = arith.constant 0 : i32
      %dma_wait3A_231 = tpu.memref_slice %arg5[%dma_wait3A_224, %dma_wait3A_230] : memref<250x80xi32, #tpu.memory_space<vmem>> -> memref<1x80xi32, #tpu.memory_space<vmem>>
      %dma_wait3A_232 = tpu.memref_squeeze %dma_wait3A_231 : memref<1x80xi32, #tpu.memory_space<vmem>> -> memref<80xi32, #tpu.memory_space<vmem>>
      %dma_wait3A_233 = arith.constant 0 : i32
      %dma_wait3A_234 = arith.constant 0 : i32
      %dma_wait3A_235 = tpu.memref_slice %arg2[%dma_wait3A_233, %dma_wait3A_234] : memref<10000x128xf32, #tpu.memory_space<hbm>> -> memref<10000x128xf32, #tpu.memory_space<hbm>>
      tpu.wait_indirect_dma semaphore(%arg7 : memref<!tpu.dma_semaphore, #tpu.memory_space<semaphore_mem>>) src(%dma_wait3A_235 : memref<10000x128xf32, #tpu.memory_space<hbm>>) dst(%dma_wait3A_229 : memref<80x128xf32, #tpu.memory_space<vmem>>)
      %mul3A_236 = arith.constant 80 : i32
      %mul3A_237 = arith.muli %add3A_223, %mul3A_236 : i32
      %add3A_238 = arith.addi %mul3A_2, %mul3A_237 : i32
      %dma_start3A_239 = arith.constant 3 : i32
      %dma_start3A_240 = arith.constant 0 : i32
      %dma_start3A_241 = arith.constant 0 : i32
      %dma_start3A_242 = tpu.memref_slice %arg6[%dma_start3A_239, %dma_start3A_240, %dma_start3A_241] : memref<5x80x128xf32, #tpu.memory_space<vmem>> -> memref<1x80x128xf32, #tpu.memory_space<vmem>>
      %dma_start3A_243 = tpu.memref_squeeze %dma_start3A_242 : memref<1x80x128xf32, #tpu.memory_space<vmem>> -> memref<80x128xf32, #tpu.memory_space<vmem>>
      %dma_start3A_244 = arith.constant 0 : i32
      %dma_start3A_245 = tpu.memref_slice %arg4[%add3A_238, %dma_start3A_244] : memref<640000x128xf32, #tpu.memory_space<hbm>> -> memref<80x128xf32, #tpu.memory_space<hbm>>
      %dma_start3A_246 = arith.constant 0 : i32
      %dma_start3A_247 = tpu.memref_slice %arg4[%add3A_238, %dma_start3A_246] : memref<640000x128xf32, #tpu.memory_space<hbm>> -> memref<80x128xf32, #tpu.memory_space<hbm>>
      %dma_start3A_248 = arith.constant 0 : i32
      %dma_start3A_249 = arith.constant 0 : i32
      %dma_start3A_250 = tpu.memref_slice %arg6[%dma_start3A_239, %dma_start3A_248, %dma_start3A_249] : memref<5x80x128xf32, #tpu.memory_space<vmem>> -> memref<1x80x128xf32, #tpu.memory_space<vmem>>
      %dma_start3A_251 = tpu.memref_squeeze %dma_start3A_250 : memref<1x80x128xf32, #tpu.memory_space<vmem>> -> memref<80x128xf32, #tpu.memory_space<vmem>>
      tpu.enqueue_dma source(%dma_start3A_251 : memref<80x128xf32, #tpu.memory_space<vmem>>) target(%dma_start3A_247 : memref<80x128xf32, #tpu.memory_space<hbm>>) target_semaphore(%arg8 : memref<!tpu.dma_semaphore, #tpu.memory_space<semaphore_mem>>)
      %dma_wait3A_252 = arith.constant 3 : i32
      %dma_wait3A_253 = arith.constant 0 : i32
      %dma_wait3A_254 = arith.constant 0 : i32
      %dma_wait3A_255 = tpu.memref_slice %arg6[%dma_wait3A_252, %dma_wait3A_253, %dma_wait3A_254] : memref<5x80x128xf32, #tpu.memory_space<vmem>> -> memref<1x80x128xf32, #tpu.memory_space<vmem>>
      %dma_wait3A_256 = tpu.memref_squeeze %dma_wait3A_255 : memref<1x80x128xf32, #tpu.memory_space<vmem>> -> memref<80x128xf32, #tpu.memory_space<vmem>>
      %dma_wait3A_257 = arith.constant 0 : i32
      %dma_wait3A_258 = tpu.memref_slice %arg4[%mul3A_2, %dma_wait3A_257] : memref<640000x128xf32, #tpu.memory_space<hbm>> -> memref<80x128xf32, #tpu.memory_space<hbm>>
      %dma_wait3A_259 = arith.constant 0 : i32
      %dma_wait3A_260 = tpu.memref_slice %arg4[%mul3A_2, %dma_wait3A_259] : memref<640000x128xf32, #tpu.memory_space<hbm>> -> memref<80x128xf32, #tpu.memory_space<hbm>>
      %dma_wait3A_261 = arith.constant 0 : i32
      %dma_wait3A_262 = arith.constant 0 : i32
      %dma_wait3A_263 = tpu.memref_slice %arg6[%dma_wait3A_252, %dma_wait3A_261, %dma_wait3A_262] : memref<5x80x128xf32, #tpu.memory_space<vmem>> -> memref<1x80x128xf32, #tpu.memory_space<vmem>>
      %dma_wait3A_264 = tpu.memref_squeeze %dma_wait3A_263 : memref<1x80x128xf32, #tpu.memory_space<vmem>> -> memref<80x128xf32, #tpu.memory_space<vmem>>
      tpu.wait_dma2 semaphore(%arg8 : memref<!tpu.dma_semaphore, #tpu.memory_space<semaphore_mem>>) src(%dma_wait3A_264 : memref<80x128xf32, #tpu.memory_space<vmem>>) dst(%dma_wait3A_260 : memref<80x128xf32, #tpu.memory_space<hbm>>)
      %add3A_265 = arith.constant 5 : i32
      %add3A_266 = arith.addi %add3A_223, %add3A_265 : i32
      %lt3A_267 = arith.constant 250 : i32
      %lt3A_268 = arith.cmpi slt, %add3A_266, %lt3A_267 : i32
      %convert_element_type3A_269 = arith.extui %lt3A_268 : i1 to i32
      %cond3A_270 = arith.constant 0 : i32
      %cond3A_271 = arith.cmpi ne, %convert_element_type3A_269, %cond3A_270 : i32
      scf.if %cond3A_271 {
        %dma_start3A_324 = arith.constant 3 : i32
        %dma_start3A_325 = arith.constant 0 : i32
        %dma_start3A_326 = arith.constant 0 : i32
        %dma_start3A_327 = tpu.memref_slice %arg6[%dma_start3A_324, %dma_start3A_325, %dma_start3A_326] : memref<5x80x128xf32, #tpu.memory_space<vmem>> -> memref<1x80x128xf32, #tpu.memory_space<vmem>>
        %dma_start3A_328 = tpu.memref_squeeze %dma_start3A_327 : memref<1x80x128xf32, #tpu.memory_space<vmem>> -> memref<80x128xf32, #tpu.memory_space<vmem>>
        %dma_start3A_329 = arith.constant 0 : i32
        %dma_start3A_330 = tpu.memref_slice %arg5[%add3A_266, %dma_start3A_329] : memref<250x80xi32, #tpu.memory_space<vmem>> -> memref<1x80xi32, #tpu.memory_space<vmem>>
        %dma_start3A_331 = tpu.memref_squeeze %dma_start3A_330 : memref<1x80xi32, #tpu.memory_space<vmem>> -> memref<80xi32, #tpu.memory_space<vmem>>
        %dma_start3A_332 = arith.constant 0 : i32
        %dma_start3A_333 = arith.constant 0 : i32
        %dma_start3A_334 = tpu.memref_slice %arg2[%dma_start3A_332, %dma_start3A_333] : memref<10000x128xf32, #tpu.memory_space<hbm>> -> memref<10000x128xf32, #tpu.memory_space<hbm>>
        tpu.enqueue_indirect_dma source(%dma_start3A_334 : memref<10000x128xf32, #tpu.memory_space<hbm>>) target(%dma_start3A_328 : memref<80x128xf32, #tpu.memory_space<vmem>>) offsets(%dma_start3A_331 : memref<80xi32, #tpu.memory_space<vmem>>) semaphore(%arg7 : memref<!tpu.dma_semaphore, #tpu.memory_space<semaphore_mem>>)
      } else {
      }
      %mul3A_272 = arith.constant 5 : i32
      %mul3A_273 = arith.muli %scan3A_67, %mul3A_272 : i32
      %add3A_274 = arith.constant 4 : i32
      %add3A_275 = arith.addi %mul3A_273, %add3A_274 : i32
      %dma_wait3A_276 = arith.constant 0 : i32
      %dma_wait3A_277 = arith.constant 4 : i32
      %dma_wait3A_278 = arith.constant 0 : i32
      %dma_wait3A_279 = arith.constant 0 : i32
      %dma_wait3A_280 = tpu.memref_slice %arg6[%dma_wait3A_277, %dma_wait3A_278, %dma_wait3A_279] : memref<5x80x128xf32, #tpu.memory_space<vmem>> -> memref<1x80x128xf32, #tpu.memory_space<vmem>>
      %dma_wait3A_281 = tpu.memref_squeeze %dma_wait3A_280 : memref<1x80x128xf32, #tpu.memory_space<vmem>> -> memref<80x128xf32, #tpu.memory_space<vmem>>
      %dma_wait3A_282 = arith.constant 0 : i32
      %dma_wait3A_283 = tpu.memref_slice %arg5[%dma_wait3A_276, %dma_wait3A_282] : memref<250x80xi32, #tpu.memory_space<vmem>> -> memref<1x80xi32, #tpu.memory_space<vmem>>
      %dma_wait3A_284 = tpu.memref_squeeze %dma_wait3A_283 : memref<1x80xi32, #tpu.memory_space<vmem>> -> memref<80xi32, #tpu.memory_space<vmem>>
      %dma_wait3A_285 = arith.constant 0 : i32
      %dma_wait3A_286 = arith.constant 0 : i32
      %dma_wait3A_287 = tpu.memref_slice %arg2[%dma_wait3A_285, %dma_wait3A_286] : memref<10000x128xf32, #tpu.memory_space<hbm>> -> memref<10000x128xf32, #tpu.memory_space<hbm>>
      tpu.wait_indirect_dma semaphore(%arg7 : memref<!tpu.dma_semaphore, #tpu.memory_space<semaphore_mem>>) src(%dma_wait3A_287 : memref<10000x128xf32, #tpu.memory_space<hbm>>) dst(%dma_wait3A_281 : memref<80x128xf32, #tpu.memory_space<vmem>>)
      %mul3A_288 = arith.constant 80 : i32
      %mul3A_289 = arith.muli %add3A_275, %mul3A_288 : i32
      %add3A_290 = arith.addi %mul3A_2, %mul3A_289 : i32
      %dma_start3A_291 = arith.constant 4 : i32
      %dma_start3A_292 = arith.constant 0 : i32
      %dma_start3A_293 = arith.constant 0 : i32
      %dma_start3A_294 = tpu.memref_slice %arg6[%dma_start3A_291, %dma_start3A_292, %dma_start3A_293] : memref<5x80x128xf32, #tpu.memory_space<vmem>> -> memref<1x80x128xf32, #tpu.memory_space<vmem>>
      %dma_start3A_295 = tpu.memref_squeeze %dma_start3A_294 : memref<1x80x128xf32, #tpu.memory_space<vmem>> -> memref<80x128xf32, #tpu.memory_space<vmem>>
      %dma_start3A_296 = arith.constant 0 : i32
      %dma_start3A_297 = tpu.memref_slice %arg4[%add3A_290, %dma_start3A_296] : memref<640000x128xf32, #tpu.memory_space<hbm>> -> memref<80x128xf32, #tpu.memory_space<hbm>>
      %dma_start3A_298 = arith.constant 0 : i32
      %dma_start3A_299 = tpu.memref_slice %arg4[%add3A_290, %dma_start3A_298] : memref<640000x128xf32, #tpu.memory_space<hbm>> -> memref<80x128xf32, #tpu.memory_space<hbm>>
      %dma_start3A_300 = arith.constant 0 : i32
      %dma_start3A_301 = arith.constant 0 : i32
      %dma_start3A_302 = tpu.memref_slice %arg6[%dma_start3A_291, %dma_start3A_300, %dma_start3A_301] : memref<5x80x128xf32, #tpu.memory_space<vmem>> -> memref<1x80x128xf32, #tpu.memory_space<vmem>>
      %dma_start3A_303 = tpu.memref_squeeze %dma_start3A_302 : memref<1x80x128xf32, #tpu.memory_space<vmem>> -> memref<80x128xf32, #tpu.memory_space<vmem>>
      tpu.enqueue_dma source(%dma_start3A_303 : memref<80x128xf32, #tpu.memory_space<vmem>>) target(%dma_start3A_299 : memref<80x128xf32, #tpu.memory_space<hbm>>) target_semaphore(%arg8 : memref<!tpu.dma_semaphore, #tpu.memory_space<semaphore_mem>>)
      %dma_wait3A_304 = arith.constant 4 : i32
      %dma_wait3A_305 = arith.constant 0 : i32
      %dma_wait3A_306 = arith.constant 0 : i32
      %dma_wait3A_307 = tpu.memref_slice %arg6[%dma_wait3A_304, %dma_wait3A_305, %dma_wait3A_306] : memref<5x80x128xf32, #tpu.memory_space<vmem>> -> memref<1x80x128xf32, #tpu.memory_space<vmem>>
      %dma_wait3A_308 = tpu.memref_squeeze %dma_wait3A_307 : memref<1x80x128xf32, #tpu.memory_space<vmem>> -> memref<80x128xf32, #tpu.memory_space<vmem>>
      %dma_wait3A_309 = arith.constant 0 : i32
      %dma_wait3A_310 = tpu.memref_slice %arg4[%mul3A_2, %dma_wait3A_309] : memref<640000x128xf32, #tpu.memory_space<hbm>> -> memref<80x128xf32, #tpu.memory_space<hbm>>
      %dma_wait3A_311 = arith.constant 0 : i32
      %dma_wait3A_312 = tpu.memref_slice %arg4[%mul3A_2, %dma_wait3A_311] : memref<640000x128xf32, #tpu.memory_space<hbm>> -> memref<80x128xf32, #tpu.memory_space<hbm>>
      %dma_wait3A_313 = arith.constant 0 : i32
      %dma_wait3A_314 = arith.constant 0 : i32
      %dma_wait3A_315 = tpu.memref_slice %arg6[%dma_wait3A_304, %dma_wait3A_313, %dma_wait3A_314] : memref<5x80x128xf32, #tpu.memory_space<vmem>> -> memref<1x80x128xf32, #tpu.memory_space<vmem>>
      %dma_wait3A_316 = tpu.memref_squeeze %dma_wait3A_315 : memref<1x80x128xf32, #tpu.memory_space<vmem>> -> memref<80x128xf32, #tpu.memory_space<vmem>>
      tpu.wait_dma2 semaphore(%arg8 : memref<!tpu.dma_semaphore, #tpu.memory_space<semaphore_mem>>) src(%dma_wait3A_316 : memref<80x128xf32, #tpu.memory_space<vmem>>) dst(%dma_wait3A_312 : memref<80x128xf32, #tpu.memory_space<hbm>>)
      %add3A_317 = arith.constant 5 : i32
      %add3A_318 = arith.addi %add3A_275, %add3A_317 : i32
      %lt3A_319 = arith.constant 250 : i32
      %lt3A_320 = arith.cmpi slt, %add3A_318, %lt3A_319 : i32
      %convert_element_type3A_321 = arith.extui %lt3A_320 : i1 to i32
      %cond3A_322 = arith.constant 0 : i32
      %cond3A_323 = arith.cmpi ne, %convert_element_type3A_321, %cond3A_322 : i32
      scf.if %cond3A_323 {
        %dma_start3A_324 = arith.constant 4 : i32
        %dma_start3A_325 = arith.constant 0 : i32
        %dma_start3A_326 = arith.constant 0 : i32
        %dma_start3A_327 = tpu.memref_slice %arg6[%dma_start3A_324, %dma_start3A_325, %dma_start3A_326] : memref<5x80x128xf32, #tpu.memory_space<vmem>> -> memref<1x80x128xf32, #tpu.memory_space<vmem>>
        %dma_start3A_328 = tpu.memref_squeeze %dma_start3A_327 : memref<1x80x128xf32, #tpu.memory_space<vmem>> -> memref<80x128xf32, #tpu.memory_space<vmem>>
        %dma_start3A_329 = arith.constant 0 : i32
        %dma_start3A_330 = tpu.memref_slice %arg5[%add3A_318, %dma_start3A_329] : memref<250x80xi32, #tpu.memory_space<vmem>> -> memref<1x80xi32, #tpu.memory_space<vmem>>
        %dma_start3A_331 = tpu.memref_squeeze %dma_start3A_330 : memref<1x80xi32, #tpu.memory_space<vmem>> -> memref<80xi32, #tpu.memory_space<vmem>>
        %dma_start3A_332 = arith.constant 0 : i32
        %dma_start3A_333 = arith.constant 0 : i32
        %dma_start3A_334 = tpu.memref_slice %arg2[%dma_start3A_332, %dma_start3A_333] : memref<10000x128xf32, #tpu.memory_space<hbm>> -> memref<10000x128xf32, #tpu.memory_space<hbm>>
        tpu.enqueue_indirect_dma source(%dma_start3A_334 : memref<10000x128xf32, #tpu.memory_space<hbm>>) target(%dma_start3A_328 : memref<80x128xf32, #tpu.memory_space<vmem>>) offsets(%dma_start3A_331 : memref<80xi32, #tpu.memory_space<vmem>>) semaphore(%arg7 : memref<!tpu.dma_semaphore, #tpu.memory_space<semaphore_mem>>)
      } else {
      }
    }
    %scan3A_66 = arith.constant 50 : i32
    return
  }
}

#map = affine_map<(d0, d1) -> (0, 0)>
#map1 = affine_map<(d0, d1) -> (0, 0, 0)>
module attributes {stable_mosaic.version = 14 : i64} {
  func.func @gather_kernel(%arg0: i32, %arg1: i32, %arg2: memref<10000x128xf32, #tpu.memory_space<hbm>>, %arg3: memref<32x250x80xi32, #tpu.memory_space<hbm>>, %arg4: memref<640000x128xf32, #tpu.memory_space<hbm>>, %arg5: memref<250x80xi32, #tpu.memory_space<vmem>>, %arg6: memref<5x80x128xf32, #tpu.memory_space<vmem>>, %arg7: memref<!tpu.dma_semaphore, #tpu.memory_space<semaphore_mem>>, %arg8: memref<!tpu.dma_semaphore, #tpu.memory_space<semaphore_mem>>) attributes {dimension_semantics = [#tpu.dimension_semantics<core_parallel>, #tpu.dimension_semantics<subcore_parallel>], iteration_bounds = array<i64: 2, 16>, scalar_prefetch = 0 : i64, scratch_operands = 4 : i64, tpu.core_type = #tpu.core_type<sc_vector_subcore>, window_params = [{transform_indices = #map}, {transform_indices = #map1}, {transform_indices = #map}]} {
    %mul3A = arith.constant 16 : i32
    %mul3A_0 = arith.muli %arg0, %mul3A : i32
    %add3A = arith.addi %mul3A_0, %arg1 : i32
    %mul3A_1 = arith.constant 20000 : i32
    %mul3A_2 = arith.muli %add3A, %mul3A_1 : i32
    "tpu.region"() ({
      %run_scoped3A = tpu.sem_alloc : memref<!tpu.dma_semaphore, #tpu.memory_space<semaphore_mem>>
      %dma_start3A_67 = arith.constant 0 : i32
      %dma_start3A_68 = arith.constant 0 : i32
      %dma_start3A_69 = tpu.memref_slice %arg3[%add3A, %dma_start3A_67, %dma_start3A_68] : memref<32x250x80xi32, #tpu.memory_space<hbm>> -> memref<1x250x80xi32, #tpu.memory_space<hbm>>
      %dma_start3A_70 = tpu.memref_squeeze %dma_start3A_69 : memref<1x250x80xi32, #tpu.memory_space<hbm>> -> memref<250x80xi32, #tpu.memory_space<hbm>>
      %dma_start3A_71 = arith.constant 0 : i32
      %dma_start3A_72 = arith.constant 0 : i32
      %dma_start3A_73 = tpu.memref_slice %arg3[%add3A, %dma_start3A_71, %dma_start3A_72] : memref<32x250x80xi32, #tpu.memory_space<hbm>> -> memref<1x250x80xi32, #tpu.memory_space<hbm>>
      %dma_start3A_74 = tpu.memref_squeeze %dma_start3A_73 : memref<1x250x80xi32, #tpu.memory_space<hbm>> -> memref<250x80xi32, #tpu.memory_space<hbm>>
      tpu.enqueue_dma source(%dma_start3A_74 : memref<250x80xi32, #tpu.memory_space<hbm>>) target(%arg5 : memref<250x80xi32, #tpu.memory_space<vmem>>) target_semaphore(%run_scoped3A : memref<!tpu.dma_semaphore, #tpu.memory_space<semaphore_mem>>)
      %dma_wait3A = arith.constant 0 : i32
      %dma_wait3A_75 = arith.constant 0 : i32
      %dma_wait3A_76 = tpu.memref_slice %arg3[%add3A, %dma_wait3A, %dma_wait3A_75] : memref<32x250x80xi32, #tpu.memory_space<hbm>> -> memref<1x250x80xi32, #tpu.memory_space<hbm>>
      %dma_wait3A_77 = tpu.memref_squeeze %dma_wait3A_76 : memref<1x250x80xi32, #tpu.memory_space<hbm>> -> memref<250x80xi32, #tpu.memory_space<hbm>>
      %dma_wait3A_78 = arith.constant 0 : i32
      %dma_wait3A_79 = arith.constant 0 : i32
      %dma_wait3A_80 = tpu.memref_slice %arg3[%add3A, %dma_wait3A_78, %dma_wait3A_79] : memref<32x250x80xi32, #tpu.memory_space<hbm>> -> memref<1x250x80xi32, #tpu.memory_space<hbm>>
      %dma_wait3A_81 = tpu.memref_squeeze %dma_wait3A_80 : memref<1x250x80xi32, #tpu.memory_space<hbm>> -> memref<250x80xi32, #tpu.memory_space<hbm>>
      tpu.wait_dma2 semaphore(%run_scoped3A : memref<!tpu.dma_semaphore, #tpu.memory_space<semaphore_mem>>) src(%dma_wait3A_81 : memref<250x80xi32, #tpu.memory_space<hbm>>) dst(%arg5 : memref<250x80xi32, #tpu.memory_space<vmem>>)
      tpu.yield
    }) : () -> ()
    %dma_start3A = arith.constant 0 : i32
    %dma_start3A_3 = arith.constant 0 : i32
    %dma_start3A_4 = arith.constant 0 : i32
    %dma_start3A_5 = arith.constant 0 : i32
    %dma_start3A_6 = tpu.memref_slice %arg6[%dma_start3A_3, %dma_start3A_4, %dma_start3A_5] : memref<5x80x128xf32, #tpu.memory_space<vmem>> -> memref<1x80x128xf32, #tpu.memory_space<vmem>>
    %dma_start3A_7 = tpu.memref_squeeze %dma_start3A_6 : memref<1x80x128xf32, #tpu.memory_space<vmem>> -> memref<80x128xf32, #tpu.memory_space<vmem>>
    %dma_start3A_8 = arith.constant 0 : i32
    %dma_start3A_9 = tpu.memref_slice %arg5[%dma_start3A, %dma_start3A_8] : memref<250x80xi32, #tpu.memory_space<vmem>> -> memref<1x80xi32, #tpu.memory_space<vmem>>
    %dma_start3A_10 = tpu.memref_squeeze %dma_start3A_9 : memref<1x80xi32, #tpu.memory_space<vmem>> -> memref<80xi32, #tpu.memory_space<vmem>>
    %dma_start3A_11 = arith.constant 0 : i32
    %dma_start3A_12 = arith.constant 0 : i32
    %dma_start3A_13 = tpu.memref_slice %arg2[%dma_start3A_11, %dma_start3A_12] : memref<10000x128xf32, #tpu.memory_space<hbm>> -> memref<10000x128xf32, #tpu.memory_space<hbm>>
    tpu.enqueue_indirect_dma source(%dma_start3A_13 : memref<10000x128xf32, #tpu.memory_space<hbm>>) target(%dma_start3A_7 : memref<80x128xf32, #tpu.memory_space<vmem>>) offsets(%dma_start3A_10 : memref<80xi32, #tpu.memory_space<vmem>>) semaphore(%arg7 : memref<!tpu.dma_semaphore, #tpu.memory_space<semaphore_mem>>)
    %dma_start3A_14 = arith.constant 1 : i32
    %dma_start3A_15 = arith.constant 1 : i32
    %dma_start3A_16 = arith.constant 0 : i32
    %dma_start3A_17 = arith.constant 0 : i32
    %dma_start3A_18 = tpu.memref_slice %arg6[%dma_start3A_15, %dma_start3A_16, %dma_start3A_17] : memref<5x80x128xf32, #tpu.memory_space<vmem>> -> memref<1x80x128xf32, #tpu.memory_space<vmem>>
    %dma_start3A_19 = tpu.memref_squeeze %dma_start3A_18 : memref<1x80x128xf32, #tpu.memory_space<vmem>> -> memref<80x128xf32, #tpu.memory_space<vmem>>
    %dma_start3A_20 = arith.constant 0 : i32
    %dma_start3A_21 = tpu.memref_slice %arg5[%dma_start3A_14, %dma_start3A_20] : memref<250x80xi32, #tpu.memory_space<vmem>> -> memref<1x80xi32, #tpu.memory_space<vmem>>
    %dma_start3A_22 = tpu.memref_squeeze %dma_start3A_21 : memref<1x80xi32, #tpu.memory_space<vmem>> -> memref<80xi32, #tpu.memory_space<vmem>>
    %dma_start3A_23 = arith.constant 0 : i32
    %dma_start3A_24 = arith.constant 0 : i32
    %dma_start3A_25 = tpu.memref_slice %arg2[%dma_start3A_23, %dma_start3A_24] : memref<10000x128xf32, #tpu.memory_space<hbm>> -> memref<10000x128xf32, #tpu.memory_space<hbm>>
    tpu.enqueue_indirect_dma source(%dma_start3A_25 : memref<10000x128xf32, #tpu.memory_space<hbm>>) target(%dma_start3A_19 : memref<80x128xf32, #tpu.memory_space<vmem>>) offsets(%dma_start3A_22 : memref<80xi32, #tpu.memory_space<vmem>>) semaphore(%arg7 : memref<!tpu.dma_semaphore, #tpu.memory_space<semaphore_mem>>)
    %dma_start3A_26 = arith.constant 2 : i32
    %dma_start3A_27 = arith.constant 2 : i32
    %dma_start3A_28 = arith.constant 0 : i32
    %dma_start3A_29 = arith.constant 0 : i32
    %dma_start3A_30 = tpu.memref_slice %arg6[%dma_start3A_27, %dma_start3A_28, %dma_start3A_29] : memref<5x80x128xf32, #tpu.memory_space<vmem>> -> memref<1x80x128xf32, #tpu.memory_space<vmem>>
    %dma_start3A_31 = tpu.memref_squeeze %dma_start3A_30 : memref<1x80x128xf32, #tpu.memory_space<vmem>> -> memref<80x128xf32, #tpu.memory_space<vmem>>
    %dma_start3A_32 = arith.constant 0 : i32
    %dma_start3A_33 = tpu.memref_slice %arg5[%dma_start3A_26, %dma_start3A_32] : memref<250x80xi32, #tpu.memory_space<vmem>> -> memref<1x80xi32, #tpu.memory_space<vmem>>
    %dma_start3A_34 = tpu.memref_squeeze %dma_start3A_33 : memref<1x80xi32, #tpu.memory_space<vmem>> -> memref<80xi32, #tpu.memory_space<vmem>>
    %dma_start3A_35 = arith.constant 0 : i32
    %dma_start3A_36 = arith.constant 0 : i32
    %dma_start3A_37 = tpu.memref_slice %arg2[%dma_start3A_35, %dma_start3A_36] : memref<10000x128xf32, #tpu.memory_space<hbm>> -> memref<10000x128xf32, #tpu.memory_space<hbm>>
    tpu.enqueue_indirect_dma source(%dma_start3A_37 : memref<10000x128xf32, #tpu.memory_space<hbm>>) target(%dma_start3A_31 : memref<80x128xf32, #tpu.memory_space<vmem>>) offsets(%dma_start3A_34 : memref<80xi32, #tpu.memory_space<vmem>>) semaphore(%arg7 : memref<!tpu.dma_semaphore, #tpu.memory_space<semaphore_mem>>)
    %dma_start3A_38 = arith.constant 3 : i32
    %dma_start3A_39 = arith.constant 3 : i32
    %dma_start3A_40 = arith.constant 0 : i32
    %dma_start3A_41 = arith.constant 0 : i32
    %dma_start3A_42 = tpu.memref_slice %arg6[%dma_start3A_39, %dma_start3A_40, %dma_start3A_41] : memref<5x80x128xf32, #tpu.memory_space<vmem>> -> memref<1x80x128xf32, #tpu.memory_space<vmem>>
    %dma_start3A_43 = tpu.memref_squeeze %dma_start3A_42 : memref<1x80x128xf32, #tpu.memory_space<vmem>> -> memref<80x128xf32, #tpu.memory_space<vmem>>
    %dma_start3A_44 = arith.constant 0 : i32
    %dma_start3A_45 = tpu.memref_slice %arg5[%dma_start3A_38, %dma_start3A_44] : memref<250x80xi32, #tpu.memory_space<vmem>> -> memref<1x80xi32, #tpu.memory_space<vmem>>
    %dma_start3A_46 = tpu.memref_squeeze %dma_start3A_45 : memref<1x80xi32, #tpu.memory_space<vmem>> -> memref<80xi32, #tpu.memory_space<vmem>>
    %dma_start3A_47 = arith.constant 0 : i32
    %dma_start3A_48 = arith.constant 0 : i32
    %dma_start3A_49 = tpu.memref_slice %arg2[%dma_start3A_47, %dma_start3A_48] : memref<10000x128xf32, #tpu.memory_space<hbm>> -> memref<10000x128xf32, #tpu.memory_space<hbm>>
    tpu.enqueue_indirect_dma source(%dma_start3A_49 : memref<10000x128xf32, #tpu.memory_space<hbm>>) target(%dma_start3A_43 : memref<80x128xf32, #tpu.memory_space<vmem>>) offsets(%dma_start3A_46 : memref<80xi32, #tpu.memory_space<vmem>>) semaphore(%arg7 : memref<!tpu.dma_semaphore, #tpu.memory_space<semaphore_mem>>)
    %dma_start3A_50 = arith.constant 4 : i32
    %dma_start3A_51 = arith.constant 4 : i32
    %dma_start3A_52 = arith.constant 0 : i32
    %dma_start3A_53 = arith.constant 0 : i32
    %dma_start3A_54 = tpu.memref_slice %arg6[%dma_start3A_51, %dma_start3A_52, %dma_start3A_53] : memref<5x80x128xf32, #tpu.memory_space<vmem>> -> memref<1x80x128xf32, #tpu.memory_space<vmem>>
    %dma_start3A_55 = tpu.memref_squeeze %dma_start3A_54 : memref<1x80x128xf32, #tpu.memory_space<vmem>> -> memref<80x128xf32, #tpu.memory_space<vmem>>
    %dma_start3A_56 = arith.constant 0 : i32
    %dma_start3A_57 = tpu.memref_slice %arg5[%dma_start3A_50, %dma_start3A_56] : memref<250x80xi32, #tpu.memory_space<vmem>> -> memref<1x80xi32, #tpu.memory_space<vmem>>
    %dma_start3A_58 = tpu.memref_squeeze %dma_start3A_57 : memref<1x80xi32, #tpu.memory_space<vmem>> -> memref<80xi32, #tpu.memory_space<vmem>>
    %dma_start3A_59 = arith.constant 0 : i32
    %dma_start3A_60 = arith.constant 0 : i32
    %dma_start3A_61 = tpu.memref_slice %arg2[%dma_start3A_59, %dma_start3A_60] : memref<10000x128xf32, #tpu.memory_space<hbm>> -> memref<10000x128xf32, #tpu.memory_space<hbm>>
    tpu.enqueue_indirect_dma source(%dma_start3A_61 : memref<10000x128xf32, #tpu.memory_space<hbm>>) target(%dma_start3A_55 : memref<80x128xf32, #tpu.memory_space<vmem>>) offsets(%dma_start3A_58 : memref<80xi32, #tpu.memory_space<vmem>>) semaphore(%arg7 : memref<!tpu.dma_semaphore, #tpu.memory_space<semaphore_mem>>)
    %scan3A = arith.constant 0 : i32
    %scan3A_62 = arith.constant 0 : i32
    %scan3A_63 = arith.constant 50 : i32
    %scan3A_64 = arith.addi %scan3A_62, %scan3A_63 : i32
    %scan3A_65 = arith.constant 1 : i32
    scf.for %scan3A_67 = %scan3A_62 to %scan3A_64 step %scan3A_65  : i32 {
      %mul3A_68 = arith.constant 5 : i32
      %mul3A_69 = arith.muli %scan3A_67, %mul3A_68 : i32
      %add3A_70 = arith.constant 0 : i32
      %add3A_71 = arith.addi %mul3A_69, %add3A_70 : i32
      %dma_wait3A = arith.constant 0 : i32
      %dma_wait3A_72 = arith.constant 0 : i32
      %dma_wait3A_73 = arith.constant 0 : i32
      %dma_wait3A_74 = arith.constant 0 : i32
      %dma_wait3A_75 = tpu.memref_slice %arg6[%dma_wait3A_72, %dma_wait3A_73, %dma_wait3A_74] : memref<5x80x128xf32, #tpu.memory_space<vmem>> -> memref<1x80x128xf32, #tpu.memory_space<vmem>>
      %dma_wait3A_76 = tpu.memref_squeeze %dma_wait3A_75 : memref<1x80x128xf32, #tpu.memory_space<vmem>> -> memref<80x128xf32, #tpu.memory_space<vmem>>
      %dma_wait3A_77 = arith.constant 0 : i32
      %dma_wait3A_78 = tpu.memref_slice %arg5[%dma_wait3A, %dma_wait3A_77] : memref<250x80xi32, #tpu.memory_space<vmem>> -> memref<1x80xi32, #tpu.memory_space<vmem>>
      %dma_wait3A_79 = tpu.memref_squeeze %dma_wait3A_78 : memref<1x80xi32, #tpu.memory_space<vmem>> -> memref<80xi32, #tpu.memory_space<vmem>>
      %dma_wait3A_80 = arith.constant 0 : i32
      %dma_wait3A_81 = arith.constant 0 : i32
      %dma_wait3A_82 = tpu.memref_slice %arg2[%dma_wait3A_80, %dma_wait3A_81] : memref<10000x128xf32, #tpu.memory_space<hbm>> -> memref<10000x128xf32, #tpu.memory_space<hbm>>
      tpu.wait_indirect_dma semaphore(%arg7 : memref<!tpu.dma_semaphore, #tpu.memory_space<semaphore_mem>>) src(%dma_wait3A_82 : memref<10000x128xf32, #tpu.memory_space<hbm>>) dst(%dma_wait3A_76 : memref<80x128xf32, #tpu.memory_space<vmem>>)
      %mul3A_83 = arith.constant 80 : i32
      %mul3A_84 = arith.muli %add3A_71, %mul3A_83 : i32
      %add3A_85 = arith.addi %mul3A_2, %mul3A_84 : i32
      %dma_start3A_86 = arith.constant 0 : i32
      %dma_start3A_87 = arith.constant 0 : i32
      %dma_start3A_88 = arith.constant 0 : i32
      %dma_start3A_89 = tpu.memref_slice %arg6[%dma_start3A_86, %dma_start3A_87, %dma_start3A_88] : memref<5x80x128xf32, #tpu.memory_space<vmem>> -> memref<1x80x128xf32, #tpu.memory_space<vmem>>
      %dma_start3A_90 = tpu.memref_squeeze %dma_start3A_89 : memref<1x80x128xf32, #tpu.memory_space<vmem>> -> memref<80x128xf32, #tpu.memory_space<vmem>>
      %dma_start3A_91 = arith.constant 0 : i32
      %dma_start3A_92 = tpu.memref_slice %arg4[%add3A_85, %dma_start3A_91] : memref<640000x128xf32, #tpu.memory_space<hbm>> -> memref<80x128xf32, #tpu.memory_space<hbm>>
      %dma_start3A_93 = arith.constant 0 : i32
      %dma_start3A_94 = tpu.memref_slice %arg4[%add3A_85, %dma_start3A_93] : memref<640000x128xf32, #tpu.memory_space<hbm>> -> memref<80x128xf32, #tpu.memory_space<hbm>>
      %dma_start3A_95 = arith.constant 0 : i32
      %dma_start3A_96 = arith.constant 0 : i32
      %dma_start3A_97 = tpu.memref_slice %arg6[%dma_start3A_86, %dma_start3A_95, %dma_start3A_96] : memref<5x80x128xf32, #tpu.memory_space<vmem>> -> memref<1x80x128xf32, #tpu.memory_space<vmem>>
      %dma_start3A_98 = tpu.memref_squeeze %dma_start3A_97 : memref<1x80x128xf32, #tpu.memory_space<vmem>> -> memref<80x128xf32, #tpu.memory_space<vmem>>
      tpu.enqueue_dma source(%dma_start3A_98 : memref<80x128xf32, #tpu.memory_space<vmem>>) target(%dma_start3A_94 : memref<80x128xf32, #tpu.memory_space<hbm>>) target_semaphore(%arg8 : memref<!tpu.dma_semaphore, #tpu.memory_space<semaphore_mem>>)
      %dma_wait3A_99 = arith.constant 0 : i32
      %dma_wait3A_100 = arith.constant 0 : i32
      %dma_wait3A_101 = arith.constant 0 : i32
      %dma_wait3A_102 = tpu.memref_slice %arg6[%dma_wait3A_99, %dma_wait3A_100, %dma_wait3A_101] : memref<5x80x128xf32, #tpu.memory_space<vmem>> -> memref<1x80x128xf32, #tpu.memory_space<vmem>>
      %dma_wait3A_103 = tpu.memref_squeeze %dma_wait3A_102 : memref<1x80x128xf32, #tpu.memory_space<vmem>> -> memref<80x128xf32, #tpu.memory_space<vmem>>
      %dma_wait3A_104 = arith.constant 0 : i32
      %dma_wait3A_105 = tpu.memref_slice %arg4[%mul3A_2, %dma_wait3A_104] : memref<640000x128xf32, #tpu.memory_space<hbm>> -> memref<80x128xf32, #tpu.memory_space<hbm>>
      %dma_wait3A_106 = arith.constant 0 : i32
      %dma_wait3A_107 = tpu.memref_slice %arg4[%mul3A_2, %dma_wait3A_106] : memref<640000x128xf32, #tpu.memory_space<hbm>> -> memref<80x128xf32, #tpu.memory_space<hbm>>
      %dma_wait3A_108 = arith.constant 0 : i32
      %dma_wait3A_109 = arith.constant 0 : i32
      %dma_wait3A_110 = tpu.memref_slice %arg6[%dma_wait3A_99, %dma_wait3A_108, %dma_wait3A_109] : memref<5x80x128xf32, #tpu.memory_space<vmem>> -> memref<1x80x128xf32, #tpu.memory_space<vmem>>
      %dma_wait3A_111 = tpu.memref_squeeze %dma_wait3A_110 : memref<1x80x128xf32, #tpu.memory_space<vmem>> -> memref<80x128xf32, #tpu.memory_space<vmem>>
      tpu.wait_dma2 semaphore(%arg8 : memref<!tpu.dma_semaphore, #tpu.memory_space<semaphore_mem>>) src(%dma_wait3A_111 : memref<80x128xf32, #tpu.memory_space<vmem>>) dst(%dma_wait3A_107 : memref<80x128xf32, #tpu.memory_space<hbm>>)
      %add3A_112 = arith.constant 5 : i32
      %add3A_113 = arith.addi %add3A_71, %add3A_112 : i32
      %lt3A = arith.constant 250 : i32
      %lt3A_114 = arith.cmpi slt, %add3A_113, %lt3A : i32
      %convert_element_type3A = arith.extui %lt3A_114 : i1 to i32
      %cond3A = arith.constant 0 : i32
      %cond3A_115 = arith.cmpi ne, %convert_element_type3A, %cond3A : i32
      scf.if %cond3A_115 {
        %dma_start3A_324 = arith.constant 0 : i32
        %dma_start3A_325 = arith.constant 0 : i32
        %dma_start3A_326 = arith.constant 0 : i32
        %dma_start3A_327 = tpu.memref_slice %arg6[%dma_start3A_324, %dma_start3A_325, %dma_start3A_326] : memref<5x80x128xf32, #tpu.memory_space<vmem>> -> memref<1x80x128xf32, #tpu.memory_space<vmem>>
        %dma_start3A_328 = tpu.memref_squeeze %dma_start3A_327 : memref<1x80x128xf32, #tpu.memory_space<vmem>> -> memref<80x128xf32, #tpu.memory_space<vmem>>
        %dma_start3A_329 = arith.constant 0 : i32
        %dma_start3A_330 = tpu.memref_slice %arg5[%add3A_113, %dma_start3A_329] : memref<250x80xi32, #tpu.memory_space<vmem>> -> memref<1x80xi32, #tpu.memory_space<vmem>>
        %dma_start3A_331 = tpu.memref_squeeze %dma_start3A_330 : memref<1x80xi32, #tpu.memory_space<vmem>> -> memref<80xi32, #tpu.memory_space<vmem>>
        %dma_start3A_332 = arith.constant 0 : i32
        %dma_start3A_333 = arith.constant 0 : i32
        %dma_start3A_334 = tpu.memref_slice %arg2[%dma_start3A_332, %dma_start3A_333] : memref<10000x128xf32, #tpu.memory_space<hbm>> -> memref<10000x128xf32, #tpu.memory_space<hbm>>
        tpu.enqueue_indirect_dma source(%dma_start3A_334 : memref<10000x128xf32, #tpu.memory_space<hbm>>) target(%dma_start3A_328 : memref<80x128xf32, #tpu.memory_space<vmem>>) offsets(%dma_start3A_331 : memref<80xi32, #tpu.memory_space<vmem>>) semaphore(%arg7 : memref<!tpu.dma_semaphore, #tpu.memory_space<semaphore_mem>>)
      } else {
      }
      %mul3A_116 = arith.constant 5 : i32
      %mul3A_117 = arith.muli %scan3A_67, %mul3A_116 : i32
      %add3A_118 = arith.constant 1 : i32
      %add3A_119 = arith.addi %mul3A_117, %add3A_118 : i32
      %dma_wait3A_120 = arith.constant 0 : i32
      %dma_wait3A_121 = arith.constant 1 : i32
      %dma_wait3A_122 = arith.constant 0 : i32
      %dma_wait3A_123 = arith.constant 0 : i32
      %dma_wait3A_124 = tpu.memref_slice %arg6[%dma_wait3A_121, %dma_wait3A_122, %dma_wait3A_123] : memref<5x80x128xf32, #tpu.memory_space<vmem>> -> memref<1x80x128xf32, #tpu.memory_space<vmem>>
      %dma_wait3A_125 = tpu.memref_squeeze %dma_wait3A_124 : memref<1x80x128xf32, #tpu.memory_space<vmem>> -> memref<80x128xf32, #tpu.memory_space<vmem>>
      %dma_wait3A_126 = arith.constant 0 : i32
      %dma_wait3A_127 = tpu.memref_slice %arg5[%dma_wait3A_120, %dma_wait3A_126] : memref<250x80xi32, #tpu.memory_space<vmem>> -> memref<1x80xi32, #tpu.memory_space<vmem>>
      %dma_wait3A_128 = tpu.memref_squeeze %dma_wait3A_127 : memref<1x80xi32, #tpu.memory_space<vmem>> -> memref<80xi32, #tpu.memory_space<vmem>>
      %dma_wait3A_129 = arith.constant 0 : i32
      %dma_wait3A_130 = arith.constant 0 : i32
      %dma_wait3A_131 = tpu.memref_slice %arg2[%dma_wait3A_129, %dma_wait3A_130] : memref<10000x128xf32, #tpu.memory_space<hbm>> -> memref<10000x128xf32, #tpu.memory_space<hbm>>
      tpu.wait_indirect_dma semaphore(%arg7 : memref<!tpu.dma_semaphore, #tpu.memory_space<semaphore_mem>>) src(%dma_wait3A_131 : memref<10000x128xf32, #tpu.memory_space<hbm>>) dst(%dma_wait3A_125 : memref<80x128xf32, #tpu.memory_space<vmem>>)
      %mul3A_132 = arith.constant 80 : i32
      %mul3A_133 = arith.muli %add3A_119, %mul3A_132 : i32
      %add3A_134 = arith.addi %mul3A_2, %mul3A_133 : i32
      %dma_start3A_135 = arith.constant 1 : i32
      %dma_start3A_136 = arith.constant 0 : i32
      %dma_start3A_137 = arith.constant 0 : i32
      %dma_start3A_138 = tpu.memref_slice %arg6[%dma_start3A_135, %dma_start3A_136, %dma_start3A_137] : memref<5x80x128xf32, #tpu.memory_space<vmem>> -> memref<1x80x128xf32, #tpu.memory_space<vmem>>
      %dma_start3A_139 = tpu.memref_squeeze %dma_start3A_138 : memref<1x80x128xf32, #tpu.memory_space<vmem>> -> memref<80x128xf32, #tpu.memory_space<vmem>>
      %dma_start3A_140 = arith.constant 0 : i32
      %dma_start3A_141 = tpu.memref_slice %arg4[%add3A_134, %dma_start3A_140] : memref<640000x128xf32, #tpu.memory_space<hbm>> -> memref<80x128xf32, #tpu.memory_space<hbm>>
      %dma_start3A_142 = arith.constant 0 : i32
      %dma_start3A_143 = tpu.memref_slice %arg4[%add3A_134, %dma_start3A_142] : memref<640000x128xf32, #tpu.memory_space<hbm>> -> memref<80x128xf32, #tpu.memory_space<hbm>>
      %dma_start3A_144 = arith.constant 0 : i32
      %dma_start3A_145 = arith.constant 0 : i32
      %dma_start3A_146 = tpu.memref_slice %arg6[%dma_start3A_135, %dma_start3A_144, %dma_start3A_145] : memref<5x80x128xf32, #tpu.memory_space<vmem>> -> memref<1x80x128xf32, #tpu.memory_space<vmem>>
      %dma_start3A_147 = tpu.memref_squeeze %dma_start3A_146 : memref<1x80x128xf32, #tpu.memory_space<vmem>> -> memref<80x128xf32, #tpu.memory_space<vmem>>
      tpu.enqueue_dma source(%dma_start3A_147 : memref<80x128xf32, #tpu.memory_space<vmem>>) target(%dma_start3A_143 : memref<80x128xf32, #tpu.memory_space<hbm>>) target_semaphore(%arg8 : memref<!tpu.dma_semaphore, #tpu.memory_space<semaphore_mem>>)
      %dma_wait3A_148 = arith.constant 1 : i32
      %dma_wait3A_149 = arith.constant 0 : i32
      %dma_wait3A_150 = arith.constant 0 : i32
      %dma_wait3A_151 = tpu.memref_slice %arg6[%dma_wait3A_148, %dma_wait3A_149, %dma_wait3A_150] : memref<5x80x128xf32, #tpu.memory_space<vmem>> -> memref<1x80x128xf32, #tpu.memory_space<vmem>>
      %dma_wait3A_152 = tpu.memref_squeeze %dma_wait3A_151 : memref<1x80x128xf32, #tpu.memory_space<vmem>> -> memref<80x128xf32, #tpu.memory_space<vmem>>
      %dma_wait3A_153 = arith.constant 0 : i32
      %dma_wait3A_154 = tpu.memref_slice %arg4[%mul3A_2, %dma_wait3A_153] : memref<640000x128xf32, #tpu.memory_space<hbm>> -> memref<80x128xf32, #tpu.memory_space<hbm>>
      %dma_wait3A_155 = arith.constant 0 : i32
      %dma_wait3A_156 = tpu.memref_slice %arg4[%mul3A_2, %dma_wait3A_155] : memref<640000x128xf32, #tpu.memory_space<hbm>> -> memref<80x128xf32, #tpu.memory_space<hbm>>
      %dma_wait3A_157 = arith.constant 0 : i32
      %dma_wait3A_158 = arith.constant 0 : i32
      %dma_wait3A_159 = tpu.memref_slice %arg6[%dma_wait3A_148, %dma_wait3A_157, %dma_wait3A_158] : memref<5x80x128xf32, #tpu.memory_space<vmem>> -> memref<1x80x128xf32, #tpu.memory_space<vmem>>
      %dma_wait3A_160 = tpu.memref_squeeze %dma_wait3A_159 : memref<1x80x128xf32, #tpu.memory_space<vmem>> -> memref<80x128xf32, #tpu.memory_space<vmem>>
      tpu.wait_dma2 semaphore(%arg8 : memref<!tpu.dma_semaphore, #tpu.memory_space<semaphore_mem>>) src(%dma_wait3A_160 : memref<80x128xf32, #tpu.memory_space<vmem>>) dst(%dma_wait3A_156 : memref<80x128xf32, #tpu.memory_space<hbm>>)
      %add3A_161 = arith.constant 5 : i32
      %add3A_162 = arith.addi %add3A_119, %add3A_161 : i32
      %lt3A_163 = arith.constant 250 : i32
      %lt3A_164 = arith.cmpi slt, %add3A_162, %lt3A_163 : i32
      %convert_element_type3A_165 = arith.extui %lt3A_164 : i1 to i32
      %cond3A_166 = arith.constant 0 : i32
      %cond3A_167 = arith.cmpi ne, %convert_element_type3A_165, %cond3A_166 : i32
      scf.if %cond3A_167 {
        %dma_start3A_324 = arith.constant 1 : i32
        %dma_start3A_325 = arith.constant 0 : i32
        %dma_start3A_326 = arith.constant 0 : i32
        %dma_start3A_327 = tpu.memref_slice %arg6[%dma_start3A_324, %dma_start3A_325, %dma_start3A_326] : memref<5x80x128xf32, #tpu.memory_space<vmem>> -> memref<1x80x128xf32, #tpu.memory_space<vmem>>
        %dma_start3A_328 = tpu.memref_squeeze %dma_start3A_327 : memref<1x80x128xf32, #tpu.memory_space<vmem>> -> memref<80x128xf32, #tpu.memory_space<vmem>>
        %dma_start3A_329 = arith.constant 0 : i32
        %dma_start3A_330 = tpu.memref_slice %arg5[%add3A_162, %dma_start3A_329] : memref<250x80xi32, #tpu.memory_space<vmem>> -> memref<1x80xi32, #tpu.memory_space<vmem>>
        %dma_start3A_331 = tpu.memref_squeeze %dma_start3A_330 : memref<1x80xi32, #tpu.memory_space<vmem>> -> memref<80xi32, #tpu.memory_space<vmem>>
        %dma_start3A_332 = arith.constant 0 : i32
        %dma_start3A_333 = arith.constant 0 : i32
        %dma_start3A_334 = tpu.memref_slice %arg2[%dma_start3A_332, %dma_start3A_333] : memref<10000x128xf32, #tpu.memory_space<hbm>> -> memref<10000x128xf32, #tpu.memory_space<hbm>>
        tpu.enqueue_indirect_dma source(%dma_start3A_334 : memref<10000x128xf32, #tpu.memory_space<hbm>>) target(%dma_start3A_328 : memref<80x128xf32, #tpu.memory_space<vmem>>) offsets(%dma_start3A_331 : memref<80xi32, #tpu.memory_space<vmem>>) semaphore(%arg7 : memref<!tpu.dma_semaphore, #tpu.memory_space<semaphore_mem>>)
      } else {
      }
      %mul3A_168 = arith.constant 5 : i32
      %mul3A_169 = arith.muli %scan3A_67, %mul3A_168 : i32
      %add3A_170 = arith.constant 2 : i32
      %add3A_171 = arith.addi %mul3A_169, %add3A_170 : i32
      %dma_wait3A_172 = arith.constant 0 : i32
      %dma_wait3A_173 = arith.constant 2 : i32
      %dma_wait3A_174 = arith.constant 0 : i32
      %dma_wait3A_175 = arith.constant 0 : i32
      %dma_wait3A_176 = tpu.memref_slice %arg6[%dma_wait3A_173, %dma_wait3A_174, %dma_wait3A_175] : memref<5x80x128xf32, #tpu.memory_space<vmem>> -> memref<1x80x128xf32, #tpu.memory_space<vmem>>
      %dma_wait3A_177 = tpu.memref_squeeze %dma_wait3A_176 : memref<1x80x128xf32, #tpu.memory_space<vmem>> -> memref<80x128xf32, #tpu.memory_space<vmem>>
      %dma_wait3A_178 = arith.constant 0 : i32
      %dma_wait3A_179 = tpu.memref_slice %arg5[%dma_wait3A_172, %dma_wait3A_178] : memref<250x80xi32, #tpu.memory_space<vmem>> -> memref<1x80xi32, #tpu.memory_space<vmem>>
      %dma_wait3A_180 = tpu.memref_squeeze %dma_wait3A_179 : memref<1x80xi32, #tpu.memory_space<vmem>> -> memref<80xi32, #tpu.memory_space<vmem>>
      %dma_wait3A_181 = arith.constant 0 : i32
      %dma_wait3A_182 = arith.constant 0 : i32
      %dma_wait3A_183 = tpu.memref_slice %arg2[%dma_wait3A_181, %dma_wait3A_182] : memref<10000x128xf32, #tpu.memory_space<hbm>> -> memref<10000x128xf32, #tpu.memory_space<hbm>>
      tpu.wait_indirect_dma semaphore(%arg7 : memref<!tpu.dma_semaphore, #tpu.memory_space<semaphore_mem>>) src(%dma_wait3A_183 : memref<10000x128xf32, #tpu.memory_space<hbm>>) dst(%dma_wait3A_177 : memref<80x128xf32, #tpu.memory_space<vmem>>)
      %mul3A_184 = arith.constant 80 : i32
      %mul3A_185 = arith.muli %add3A_171, %mul3A_184 : i32
      %add3A_186 = arith.addi %mul3A_2, %mul3A_185 : i32
      %dma_start3A_187 = arith.constant 2 : i32
      %dma_start3A_188 = arith.constant 0 : i32
      %dma_start3A_189 = arith.constant 0 : i32
      %dma_start3A_190 = tpu.memref_slice %arg6[%dma_start3A_187, %dma_start3A_188, %dma_start3A_189] : memref<5x80x128xf32, #tpu.memory_space<vmem>> -> memref<1x80x128xf32, #tpu.memory_space<vmem>>
      %dma_start3A_191 = tpu.memref_squeeze %dma_start3A_190 : memref<1x80x128xf32, #tpu.memory_space<vmem>> -> memref<80x128xf32, #tpu.memory_space<vmem>>
      %dma_start3A_192 = arith.constant 0 : i32
      %dma_start3A_193 = tpu.memref_slice %arg4[%add3A_186, %dma_start3A_192] : memref<640000x128xf32, #tpu.memory_space<hbm>> -> memref<80x128xf32, #tpu.memory_space<hbm>>
      %dma_start3A_194 = arith.constant 0 : i32
      %dma_start3A_195 = tpu.memref_slice %arg4[%add3A_186, %dma_start3A_194] : memref<640000x128xf32, #tpu.memory_space<hbm>> -> memref<80x128xf32, #tpu.memory_space<hbm>>
      %dma_start3A_196 = arith.constant 0 : i32
      %dma_start3A_197 = arith.constant 0 : i32
      %dma_start3A_198 = tpu.memref_slice %arg6[%dma_start3A_187, %dma_start3A_196, %dma_start3A_197] : memref<5x80x128xf32, #tpu.memory_space<vmem>> -> memref<1x80x128xf32, #tpu.memory_space<vmem>>
      %dma_start3A_199 = tpu.memref_squeeze %dma_start3A_198 : memref<1x80x128xf32, #tpu.memory_space<vmem>> -> memref<80x128xf32, #tpu.memory_space<vmem>>
      tpu.enqueue_dma source(%dma_start3A_199 : memref<80x128xf32, #tpu.memory_space<vmem>>) target(%dma_start3A_195 : memref<80x128xf32, #tpu.memory_space<hbm>>) target_semaphore(%arg8 : memref<!tpu.dma_semaphore, #tpu.memory_space<semaphore_mem>>)
      %dma_wait3A_200 = arith.constant 2 : i32
      %dma_wait3A_201 = arith.constant 0 : i32
      %dma_wait3A_202 = arith.constant 0 : i32
      %dma_wait3A_203 = tpu.memref_slice %arg6[%dma_wait3A_200, %dma_wait3A_201, %dma_wait3A_202] : memref<5x80x128xf32, #tpu.memory_space<vmem>> -> memref<1x80x128xf32, #tpu.memory_space<vmem>>
      %dma_wait3A_204 = tpu.memref_squeeze %dma_wait3A_203 : memref<1x80x128xf32, #tpu.memory_space<vmem>> -> memref<80x128xf32, #tpu.memory_space<vmem>>
      %dma_wait3A_205 = arith.constant 0 : i32
      %dma_wait3A_206 = tpu.memref_slice %arg4[%mul3A_2, %dma_wait3A_205] : memref<640000x128xf32, #tpu.memory_space<hbm>> -> memref<80x128xf32, #tpu.memory_space<hbm>>
      %dma_wait3A_207 = arith.constant 0 : i32
      %dma_wait3A_208 = tpu.memref_slice %arg4[%mul3A_2, %dma_wait3A_207] : memref<640000x128xf32, #tpu.memory_space<hbm>> -> memref<80x128xf32, #tpu.memory_space<hbm>>
      %dma_wait3A_209 = arith.constant 0 : i32
      %dma_wait3A_210 = arith.constant 0 : i32
      %dma_wait3A_211 = tpu.memref_slice %arg6[%dma_wait3A_200, %dma_wait3A_209, %dma_wait3A_210] : memref<5x80x128xf32, #tpu.memory_space<vmem>> -> memref<1x80x128xf32, #tpu.memory_space<vmem>>
      %dma_wait3A_212 = tpu.memref_squeeze %dma_wait3A_211 : memref<1x80x128xf32, #tpu.memory_space<vmem>> -> memref<80x128xf32, #tpu.memory_space<vmem>>
      tpu.wait_dma2 semaphore(%arg8 : memref<!tpu.dma_semaphore, #tpu.memory_space<semaphore_mem>>) src(%dma_wait3A_212 : memref<80x128xf32, #tpu.memory_space<vmem>>) dst(%dma_wait3A_208 : memref<80x128xf32, #tpu.memory_space<hbm>>)
      %add3A_213 = arith.constant 5 : i32
      %add3A_214 = arith.addi %add3A_171, %add3A_213 : i32
      %lt3A_215 = arith.constant 250 : i32
      %lt3A_216 = arith.cmpi slt, %add3A_214, %lt3A_215 : i32
      %convert_element_type3A_217 = arith.extui %lt3A_216 : i1 to i32
      %cond3A_218 = arith.constant 0 : i32
      %cond3A_219 = arith.cmpi ne, %convert_element_type3A_217, %cond3A_218 : i32
      scf.if %cond3A_219 {
        %dma_start3A_324 = arith.constant 2 : i32
        %dma_start3A_325 = arith.constant 0 : i32
        %dma_start3A_326 = arith.constant 0 : i32
        %dma_start3A_327 = tpu.memref_slice %arg6[%dma_start3A_324, %dma_start3A_325, %dma_start3A_326] : memref<5x80x128xf32, #tpu.memory_space<vmem>> -> memref<1x80x128xf32, #tpu.memory_space<vmem>>
        %dma_start3A_328 = tpu.memref_squeeze %dma_start3A_327 : memref<1x80x128xf32, #tpu.memory_space<vmem>> -> memref<80x128xf32, #tpu.memory_space<vmem>>
        %dma_start3A_329 = arith.constant 0 : i32
        %dma_start3A_330 = tpu.memref_slice %arg5[%add3A_214, %dma_start3A_329] : memref<250x80xi32, #tpu.memory_space<vmem>> -> memref<1x80xi32, #tpu.memory_space<vmem>>
        %dma_start3A_331 = tpu.memref_squeeze %dma_start3A_330 : memref<1x80xi32, #tpu.memory_space<vmem>> -> memref<80xi32, #tpu.memory_space<vmem>>
        %dma_start3A_332 = arith.constant 0 : i32
        %dma_start3A_333 = arith.constant 0 : i32
        %dma_start3A_334 = tpu.memref_slice %arg2[%dma_start3A_332, %dma_start3A_333] : memref<10000x128xf32, #tpu.memory_space<hbm>> -> memref<10000x128xf32, #tpu.memory_space<hbm>>
        tpu.enqueue_indirect_dma source(%dma_start3A_334 : memref<10000x128xf32, #tpu.memory_space<hbm>>) target(%dma_start3A_328 : memref<80x128xf32, #tpu.memory_space<vmem>>) offsets(%dma_start3A_331 : memref<80xi32, #tpu.memory_space<vmem>>) semaphore(%arg7 : memref<!tpu.dma_semaphore, #tpu.memory_space<semaphore_mem>>)
      } else {
      }
      %mul3A_220 = arith.constant 5 : i32
      %mul3A_221 = arith.muli %scan3A_67, %mul3A_220 : i32
      %add3A_222 = arith.constant 3 : i32
      %add3A_223 = arith.addi %mul3A_221, %add3A_222 : i32
      %dma_wait3A_224 = arith.constant 0 : i32
      %dma_wait3A_225 = arith.constant 3 : i32
      %dma_wait3A_226 = arith.constant 0 : i32
      %dma_wait3A_227 = arith.constant 0 : i32
      %dma_wait3A_228 = tpu.memref_slice %arg6[%dma_wait3A_225, %dma_wait3A_226, %dma_wait3A_227] : memref<5x80x128xf32, #tpu.memory_space<vmem>> -> memref<1x80x128xf32, #tpu.memory_space<vmem>>
      %dma_wait3A_229 = tpu.memref_squeeze %dma_wait3A_228 : memref<1x80x128xf32, #tpu.memory_space<vmem>> -> memref<80x128xf32, #tpu.memory_space<vmem>>
      %dma_wait3A_230 = arith.constant 0 : i32
      %dma_wait3A_231 = tpu.memref_slice %arg5[%dma_wait3A_224, %dma_wait3A_230] : memref<250x80xi32, #tpu.memory_space<vmem>> -> memref<1x80xi32, #tpu.memory_space<vmem>>
      %dma_wait3A_232 = tpu.memref_squeeze %dma_wait3A_231 : memref<1x80xi32, #tpu.memory_space<vmem>> -> memref<80xi32, #tpu.memory_space<vmem>>
      %dma_wait3A_233 = arith.constant 0 : i32
      %dma_wait3A_234 = arith.constant 0 : i32
      %dma_wait3A_235 = tpu.memref_slice %arg2[%dma_wait3A_233, %dma_wait3A_234] : memref<10000x128xf32, #tpu.memory_space<hbm>> -> memref<10000x128xf32, #tpu.memory_space<hbm>>
      tpu.wait_indirect_dma semaphore(%arg7 : memref<!tpu.dma_semaphore, #tpu.memory_space<semaphore_mem>>) src(%dma_wait3A_235 : memref<10000x128xf32, #tpu.memory_space<hbm>>) dst(%dma_wait3A_229 : memref<80x128xf32, #tpu.memory_space<vmem>>)
      %mul3A_236 = arith.constant 80 : i32
      %mul3A_237 = arith.muli %add3A_223, %mul3A_236 : i32
      %add3A_238 = arith.addi %mul3A_2, %mul3A_237 : i32
      %dma_start3A_239 = arith.constant 3 : i32
      %dma_start3A_240 = arith.constant 0 : i32
      %dma_start3A_241 = arith.constant 0 : i32
      %dma_start3A_242 = tpu.memref_slice %arg6[%dma_start3A_239, %dma_start3A_240, %dma_start3A_241] : memref<5x80x128xf32, #tpu.memory_space<vmem>> -> memref<1x80x128xf32, #tpu.memory_space<vmem>>
      %dma_start3A_243 = tpu.memref_squeeze %dma_start3A_242 : memref<1x80x128xf32, #tpu.memory_space<vmem>> -> memref<80x128xf32, #tpu.memory_space<vmem>>
      %dma_start3A_244 = arith.constant 0 : i32
      %dma_start3A_245 = tpu.memref_slice %arg4[%add3A_238, %dma_start3A_244] : memref<640000x128xf32, #tpu.memory_space<hbm>> -> memref<80x128xf32, #tpu.memory_space<hbm>>
      %dma_start3A_246 = arith.constant 0 : i32
      %dma_start3A_247 = tpu.memref_slice %arg4[%add3A_238, %dma_start3A_246] : memref<640000x128xf32, #tpu.memory_space<hbm>> -> memref<80x128xf32, #tpu.memory_space<hbm>>
      %dma_start3A_248 = arith.constant 0 : i32
      %dma_start3A_249 = arith.constant 0 : i32
      %dma_start3A_250 = tpu.memref_slice %arg6[%dma_start3A_239, %dma_start3A_248, %dma_start3A_249] : memref<5x80x128xf32, #tpu.memory_space<vmem>> -> memref<1x80x128xf32, #tpu.memory_space<vmem>>
      %dma_start3A_251 = tpu.memref_squeeze %dma_start3A_250 : memref<1x80x128xf32, #tpu.memory_space<vmem>> -> memref<80x128xf32, #tpu.memory_space<vmem>>
      tpu.enqueue_dma source(%dma_start3A_251 : memref<80x128xf32, #tpu.memory_space<vmem>>) target(%dma_start3A_247 : memref<80x128xf32, #tpu.memory_space<hbm>>) target_semaphore(%arg8 : memref<!tpu.dma_semaphore, #tpu.memory_space<semaphore_mem>>)
      %dma_wait3A_252 = arith.constant 3 : i32
      %dma_wait3A_253 = arith.constant 0 : i32
      %dma_wait3A_254 = arith.constant 0 : i32
      %dma_wait3A_255 = tpu.memref_slice %arg6[%dma_wait3A_252, %dma_wait3A_253, %dma_wait3A_254] : memref<5x80x128xf32, #tpu.memory_space<vmem>> -> memref<1x80x128xf32, #tpu.memory_space<vmem>>
      %dma_wait3A_256 = tpu.memref_squeeze %dma_wait3A_255 : memref<1x80x128xf32, #tpu.memory_space<vmem>> -> memref<80x128xf32, #tpu.memory_space<vmem>>
      %dma_wait3A_257 = arith.constant 0 : i32
      %dma_wait3A_258 = tpu.memref_slice %arg4[%mul3A_2, %dma_wait3A_257] : memref<640000x128xf32, #tpu.memory_space<hbm>> -> memref<80x128xf32, #tpu.memory_space<hbm>>
      %dma_wait3A_259 = arith.constant 0 : i32
      %dma_wait3A_260 = tpu.memref_slice %arg4[%mul3A_2, %dma_wait3A_259] : memref<640000x128xf32, #tpu.memory_space<hbm>> -> memref<80x128xf32, #tpu.memory_space<hbm>>
      %dma_wait3A_261 = arith.constant 0 : i32
      %dma_wait3A_262 = arith.constant 0 : i32
      %dma_wait3A_263 = tpu.memref_slice %arg6[%dma_wait3A_252, %dma_wait3A_261, %dma_wait3A_262] : memref<5x80x128xf32, #tpu.memory_space<vmem>> -> memref<1x80x128xf32, #tpu.memory_space<vmem>>
      %dma_wait3A_264 = tpu.memref_squeeze %dma_wait3A_263 : memref<1x80x128xf32, #tpu.memory_space<vmem>> -> memref<80x128xf32, #tpu.memory_space<vmem>>
      tpu.wait_dma2 semaphore(%arg8 : memref<!tpu.dma_semaphore, #tpu.memory_space<semaphore_mem>>) src(%dma_wait3A_264 : memref<80x128xf32, #tpu.memory_space<vmem>>) dst(%dma_wait3A_260 : memref<80x128xf32, #tpu.memory_space<hbm>>)
      %add3A_265 = arith.constant 5 : i32
      %add3A_266 = arith.addi %add3A_223, %add3A_265 : i32
      %lt3A_267 = arith.constant 250 : i32
      %lt3A_268 = arith.cmpi slt, %add3A_266, %lt3A_267 : i32
      %convert_element_type3A_269 = arith.extui %lt3A_268 : i1 to i32
      %cond3A_270 = arith.constant 0 : i32
      %cond3A_271 = arith.cmpi ne, %convert_element_type3A_269, %cond3A_270 : i32
      scf.if %cond3A_271 {
        %dma_start3A_324 = arith.constant 3 : i32
        %dma_start3A_325 = arith.constant 0 : i32
        %dma_start3A_326 = arith.constant 0 : i32
        %dma_start3A_327 = tpu.memref_slice %arg6[%dma_start3A_324, %dma_start3A_325, %dma_start3A_326] : memref<5x80x128xf32, #tpu.memory_space<vmem>> -> memref<1x80x128xf32, #tpu.memory_space<vmem>>
        %dma_start3A_328 = tpu.memref_squeeze %dma_start3A_327 : memref<1x80x128xf32, #tpu.memory_space<vmem>> -> memref<80x128xf32, #tpu.memory_space<vmem>>
        %dma_start3A_329 = arith.constant 0 : i32
        %dma_start3A_330 = tpu.memref_slice %arg5[%add3A_266, %dma_start3A_329] : memref<250x80xi32, #tpu.memory_space<vmem>> -> memref<1x80xi32, #tpu.memory_space<vmem>>
        %dma_start3A_331 = tpu.memref_squeeze %dma_start3A_330 : memref<1x80xi32, #tpu.memory_space<vmem>> -> memref<80xi32, #tpu.memory_space<vmem>>
        %dma_start3A_332 = arith.constant 0 : i32
        %dma_start3A_333 = arith.constant 0 : i32
        %dma_start3A_334 = tpu.memref_slice %arg2[%dma_start3A_332, %dma_start3A_333] : memref<10000x128xf32, #tpu.memory_space<hbm>> -> memref<10000x128xf32, #tpu.memory_space<hbm>>
        tpu.enqueue_indirect_dma source(%dma_start3A_334 : memref<10000x128xf32, #tpu.memory_space<hbm>>) target(%dma_start3A_328 : memref<80x128xf32, #tpu.memory_space<vmem>>) offsets(%dma_start3A_331 : memref<80xi32, #tpu.memory_space<vmem>>) semaphore(%arg7 : memref<!tpu.dma_semaphore, #tpu.memory_space<semaphore_mem>>)
      } else {
      }
      %mul3A_272 = arith.constant 5 : i32
      %mul3A_273 = arith.muli %scan3A_67, %mul3A_272 : i32
      %add3A_274 = arith.constant 4 : i32
      %add3A_275 = arith.addi %mul3A_273, %add3A_274 : i32
      %dma_wait3A_276 = arith.constant 0 : i32
      %dma_wait3A_277 = arith.constant 4 : i32
      %dma_wait3A_278 = arith.constant 0 : i32
      %dma_wait3A_279 = arith.constant 0 : i32
      %dma_wait3A_280 = tpu.memref_slice %arg6[%dma_wait3A_277, %dma_wait3A_278, %dma_wait3A_279] : memref<5x80x128xf32, #tpu.memory_space<vmem>> -> memref<1x80x128xf32, #tpu.memory_space<vmem>>
      %dma_wait3A_281 = tpu.memref_squeeze %dma_wait3A_280 : memref<1x80x128xf32, #tpu.memory_space<vmem>> -> memref<80x128xf32, #tpu.memory_space<vmem>>
      %dma_wait3A_282 = arith.constant 0 : i32
      %dma_wait3A_283 = tpu.memref_slice %arg5[%dma_wait3A_276, %dma_wait3A_282] : memref<250x80xi32, #tpu.memory_space<vmem>> -> memref<1x80xi32, #tpu.memory_space<vmem>>
      %dma_wait3A_284 = tpu.memref_squeeze %dma_wait3A_283 : memref<1x80xi32, #tpu.memory_space<vmem>> -> memref<80xi32, #tpu.memory_space<vmem>>
      %dma_wait3A_285 = arith.constant 0 : i32
      %dma_wait3A_286 = arith.constant 0 : i32
      %dma_wait3A_287 = tpu.memref_slice %arg2[%dma_wait3A_285, %dma_wait3A_286] : memref<10000x128xf32, #tpu.memory_space<hbm>> -> memref<10000x128xf32, #tpu.memory_space<hbm>>
      tpu.wait_indirect_dma semaphore(%arg7 : memref<!tpu.dma_semaphore, #tpu.memory_space<semaphore_mem>>) src(%dma_wait3A_287 : memref<10000x128xf32, #tpu.memory_space<hbm>>) dst(%dma_wait3A_281 : memref<80x128xf32, #tpu.memory_space<vmem>>)
      %mul3A_288 = arith.constant 80 : i32
      %mul3A_289 = arith.muli %add3A_275, %mul3A_288 : i32
      %add3A_290 = arith.addi %mul3A_2, %mul3A_289 : i32
      %dma_start3A_291 = arith.constant 4 : i32
      %dma_start3A_292 = arith.constant 0 : i32
      %dma_start3A_293 = arith.constant 0 : i32
      %dma_start3A_294 = tpu.memref_slice %arg6[%dma_start3A_291, %dma_start3A_292, %dma_start3A_293] : memref<5x80x128xf32, #tpu.memory_space<vmem>> -> memref<1x80x128xf32, #tpu.memory_space<vmem>>
      %dma_start3A_295 = tpu.memref_squeeze %dma_start3A_294 : memref<1x80x128xf32, #tpu.memory_space<vmem>> -> memref<80x128xf32, #tpu.memory_space<vmem>>
      %dma_start3A_296 = arith.constant 0 : i32
      %dma_start3A_297 = tpu.memref_slice %arg4[%add3A_290, %dma_start3A_296] : memref<640000x128xf32, #tpu.memory_space<hbm>> -> memref<80x128xf32, #tpu.memory_space<hbm>>
      %dma_start3A_298 = arith.constant 0 : i32
      %dma_start3A_299 = tpu.memref_slice %arg4[%add3A_290, %dma_start3A_298] : memref<640000x128xf32, #tpu.memory_space<hbm>> -> memref<80x128xf32, #tpu.memory_space<hbm>>
      %dma_start3A_300 = arith.constant 0 : i32
      %dma_start3A_301 = arith.constant 0 : i32
      %dma_start3A_302 = tpu.memref_slice %arg6[%dma_start3A_291, %dma_start3A_300, %dma_start3A_301] : memref<5x80x128xf32, #tpu.memory_space<vmem>> -> memref<1x80x128xf32, #tpu.memory_space<vmem>>
      %dma_start3A_303 = tpu.memref_squeeze %dma_start3A_302 : memref<1x80x128xf32, #tpu.memory_space<vmem>> -> memref<80x128xf32, #tpu.memory_space<vmem>>
      tpu.enqueue_dma source(%dma_start3A_303 : memref<80x128xf32, #tpu.memory_space<vmem>>) target(%dma_start3A_299 : memref<80x128xf32, #tpu.memory_space<hbm>>) target_semaphore(%arg8 : memref<!tpu.dma_semaphore, #tpu.memory_space<semaphore_mem>>)
      %dma_wait3A_304 = arith.constant 4 : i32
      %dma_wait3A_305 = arith.constant 0 : i32
      %dma_wait3A_306 = arith.constant 0 : i32
      %dma_wait3A_307 = tpu.memref_slice %arg6[%dma_wait3A_304, %dma_wait3A_305, %dma_wait3A_306] : memref<5x80x128xf32, #tpu.memory_space<vmem>> -> memref<1x80x128xf32, #tpu.memory_space<vmem>>
      %dma_wait3A_308 = tpu.memref_squeeze %dma_wait3A_307 : memref<1x80x128xf32, #tpu.memory_space<vmem>> -> memref<80x128xf32, #tpu.memory_space<vmem>>
      %dma_wait3A_309 = arith.constant 0 : i32
      %dma_wait3A_310 = tpu.memref_slice %arg4[%mul3A_2, %dma_wait3A_309] : memref<640000x128xf32, #tpu.memory_space<hbm>> -> memref<80x128xf32, #tpu.memory_space<hbm>>
      %dma_wait3A_311 = arith.constant 0 : i32
      %dma_wait3A_312 = tpu.memref_slice %arg4[%mul3A_2, %dma_wait3A_311] : memref<640000x128xf32, #tpu.memory_space<hbm>> -> memref<80x128xf32, #tpu.memory_space<hbm>>
      %dma_wait3A_313 = arith.constant 0 : i32
      %dma_wait3A_314 = arith.constant 0 : i32
      %dma_wait3A_315 = tpu.memref_slice %arg6[%dma_wait3A_304, %dma_wait3A_313, %dma_wait3A_314] : memref<5x80x128xf32, #tpu.memory_space<vmem>> -> memref<1x80x128xf32, #tpu.memory_space<vmem>>
      %dma_wait3A_316 = tpu.memref_squeeze %dma_wait3A_315 : memref<1x80x128xf32, #tpu.memory_space<vmem>> -> memref<80x128xf32, #tpu.memory_space<vmem>>
      tpu.wait_dma2 semaphore(%arg8 : memref<!tpu.dma_semaphore, #tpu.memory_space<semaphore_mem>>) src(%dma_wait3A_316 : memref<80x128xf32, #tpu.memory_space<vmem>>) dst(%dma_wait3A_312 : memref<80x128xf32, #tpu.memory_space<hbm>>)
      %add3A_317 = arith.constant 5 : i32
      %add3A_318 = arith.addi %add3A_275, %add3A_317 : i32
      %lt3A_319 = arith.constant 250 : i32
      %lt3A_320 = arith.cmpi slt, %add3A_318, %lt3A_319 : i32
      %convert_element_type3A_321 = arith.extui %lt3A_320 : i1 to i32
      %cond3A_322 = arith.constant 0 : i32
      %cond3A_323 = arith.cmpi ne, %convert_element_type3A_321, %cond3A_322 : i32
      scf.if %cond3A_323 {
        %dma_start3A_324 = arith.constant 4 : i32
        %dma_start3A_325 = arith.constant 0 : i32
        %dma_start3A_326 = arith.constant 0 : i32
        %dma_start3A_327 = tpu.memref_slice %arg6[%dma_start3A_324, %dma_start3A_325, %dma_start3A_326] : memref<5x80x128xf32, #tpu.memory_space<vmem>> -> memref<1x80x128xf32, #tpu.memory_space<vmem>>
        %dma_start3A_328 = tpu.memref_squeeze %dma_start3A_327 : memref<1x80x128xf32, #tpu.memory_space<vmem>> -> memref<80x128xf32, #tpu.memory_space<vmem>>
        %dma_start3A_329 = arith.constant 0 : i32
        %dma_start3A_330 = tpu.memref_slice %arg5[%add3A_318, %dma_start3A_329] : memref<250x80xi32, #tpu.memory_space<vmem>> -> memref<1x80xi32, #tpu.memory_space<vmem>>
        %dma_start3A_331 = tpu.memref_squeeze %dma_start3A_330 : memref<1x80xi32, #tpu.memory_space<vmem>> -> memref<80xi32, #tpu.memory_space<vmem>>
        %dma_start3A_332 = arith.constant 0 : i32
        %dma_start3A_333 = arith.constant 0 : i32
        %dma_start3A_334 = tpu.memref_slice %arg2[%dma_start3A_332, %dma_start3A_333] : memref<10000x128xf32, #tpu.memory_space<hbm>> -> memref<10000x128xf32, #tpu.memory_space<hbm>>
        tpu.enqueue_indirect_dma source(%dma_start3A_334 : memref<10000x128xf32, #tpu.memory_space<hbm>>) target(%dma_start3A_328 : memref<80x128xf32, #tpu.memory_space<vmem>>) offsets(%dma_start3A_331 : memref<80xi32, #tpu.memory_space<vmem>>) semaphore(%arg7 : memref<!tpu.dma_semaphore, #tpu.memory_space<semaphore_mem>>)
      } else {
      }
    }
    %scan3A_66 = arith.constant 50 : i32
    return
  }
}

#map = affine_map<(d0, d1) -> (0, 0)>
#map1 = affine_map<(d0, d1) -> (0, 0, 0)>
module attributes {stable_mosaic.version = 14 : i64} {
  func.func @scatter_kernel(%arg0: i32, %arg1: i32, %arg2: memref<320000x128xf32, #tpu.memory_space<hbm>>, %arg3: memref<32x125x80xi32, #tpu.memory_space<hbm>>, %arg4: memref<10240x128xf32, #tpu.memory_space<hbm>>, %arg5: memref<20480x128xf32, #tpu.memory_space<hbm>>, %arg6: memref<125x80xi32, #tpu.memory_space<vmem>>, %arg7: memref<3x80x128xf32, #tpu.memory_space<vmem>>, %arg8: memref<10240x128xf32, #tpu.memory_space<vmem_shared>>, %arg9: memref<!tpu.dma_semaphore, #tpu.memory_space<semaphore_mem>>, %arg10: memref<!tpu.dma_semaphore, #tpu.memory_space<semaphore_mem>>) attributes {dimension_semantics = [#tpu.dimension_semantics<core_parallel>, #tpu.dimension_semantics<subcore_parallel>], iteration_bounds = array<i64: 2, 16>, scalar_prefetch = 0 : i64, scratch_operands = 5 : i64, tpu.core_type = #tpu.core_type<sc_vector_subcore>, window_params = [{transform_indices = #map}, {transform_indices = #map1}, {transform_indices = #map}, {transform_indices = #map}]} {
    %mul3A = arith.constant 16 : i32
    %mul3A_0 = arith.muli %arg0, %mul3A : i32
    %add3A = arith.addi %mul3A_0, %arg1 : i32
    %mul3A_1 = arith.constant 10000 : i32
    %mul3A_2 = arith.muli %add3A, %mul3A_1 : i32
    %mul3A_3 = arith.constant 640 : i32
    %mul3A_4 = arith.muli %arg1, %mul3A_3 : i32
    %mul3A_5 = arith.constant 640 : i32
    %mul3A_6 = arith.muli %arg1, %mul3A_5 : i32
    "tpu.region"() ({
      %run_scoped3A = tpu.sem_alloc : memref<!tpu.dma_semaphore, #tpu.memory_space<semaphore_mem>>
      %dma_start3A_137 = arith.constant 0 : i32
      %dma_start3A_138 = tpu.memref_slice %arg8[%mul3A_6, %dma_start3A_137] : memref<10240x128xf32, #tpu.memory_space<vmem_shared>> -> memref<640x128xf32, #tpu.memory_space<vmem_shared>>
      %dma_start3A_139 = arith.constant 0 : i32
      %dma_start3A_140 = tpu.memref_slice %arg4[%mul3A_4, %dma_start3A_139] : memref<10240x128xf32, #tpu.memory_space<hbm>> -> memref<640x128xf32, #tpu.memory_space<hbm>>
      tpu.enqueue_dma source(%dma_start3A_140 : memref<640x128xf32, #tpu.memory_space<hbm>>) target(%dma_start3A_138 : memref<640x128xf32, #tpu.memory_space<vmem_shared>>) target_semaphore(%run_scoped3A : memref<!tpu.dma_semaphore, #tpu.memory_space<semaphore_mem>>)
      %dma_wait3A_141 = arith.constant 0 : i32
      %dma_wait3A_142 = tpu.memref_slice %arg8[%mul3A_6, %dma_wait3A_141] : memref<10240x128xf32, #tpu.memory_space<vmem_shared>> -> memref<640x128xf32, #tpu.memory_space<vmem_shared>>
      %dma_wait3A_143 = arith.constant 0 : i32
      %dma_wait3A_144 = tpu.memref_slice %arg4[%mul3A_4, %dma_wait3A_143] : memref<10240x128xf32, #tpu.memory_space<hbm>> -> memref<640x128xf32, #tpu.memory_space<hbm>>
      tpu.wait_dma2 semaphore(%run_scoped3A : memref<!tpu.dma_semaphore, #tpu.memory_space<semaphore_mem>>) src(%dma_wait3A_144 : memref<640x128xf32, #tpu.memory_space<hbm>>) dst(%dma_wait3A_142 : memref<640x128xf32, #tpu.memory_space<vmem_shared>>)
      tpu.yield
    }) : () -> ()
    "tpu.region"() ({
      %run_scoped3A = tpu.sem_alloc : memref<!tpu.dma_semaphore, #tpu.memory_space<semaphore_mem>>
      %dma_start3A_137 = arith.constant 0 : i32
      %dma_start3A_138 = arith.constant 0 : i32
      %dma_start3A_139 = tpu.memref_slice %arg3[%add3A, %dma_start3A_137, %dma_start3A_138] : memref<32x125x80xi32, #tpu.memory_space<hbm>> -> memref<1x125x80xi32, #tpu.memory_space<hbm>>
      %dma_start3A_140 = tpu.memref_squeeze %dma_start3A_139 : memref<1x125x80xi32, #tpu.memory_space<hbm>> -> memref<125x80xi32, #tpu.memory_space<hbm>>
      %dma_start3A_141 = arith.constant 0 : i32
      %dma_start3A_142 = arith.constant 0 : i32
      %dma_start3A_143 = tpu.memref_slice %arg3[%add3A, %dma_start3A_141, %dma_start3A_142] : memref<32x125x80xi32, #tpu.memory_space<hbm>> -> memref<1x125x80xi32, #tpu.memory_space<hbm>>
      %dma_start3A_144 = tpu.memref_squeeze %dma_start3A_143 : memref<1x125x80xi32, #tpu.memory_space<hbm>> -> memref<125x80xi32, #tpu.memory_space<hbm>>
      tpu.enqueue_dma source(%dma_start3A_144 : memref<125x80xi32, #tpu.memory_space<hbm>>) target(%arg6 : memref<125x80xi32, #tpu.memory_space<vmem>>) target_semaphore(%run_scoped3A : memref<!tpu.dma_semaphore, #tpu.memory_space<semaphore_mem>>)
      %dma_wait3A_145 = arith.constant 0 : i32
      %dma_wait3A_146 = arith.constant 0 : i32
      %dma_wait3A_147 = tpu.memref_slice %arg3[%add3A, %dma_wait3A_145, %dma_wait3A_146] : memref<32x125x80xi32, #tpu.memory_space<hbm>> -> memref<1x125x80xi32, #tpu.memory_space<hbm>>
      %dma_wait3A_148 = tpu.memref_squeeze %dma_wait3A_147 : memref<1x125x80xi32, #tpu.memory_space<hbm>> -> memref<125x80xi32, #tpu.memory_space<hbm>>
      %dma_wait3A_149 = arith.constant 0 : i32
      %dma_wait3A_150 = arith.constant 0 : i32
      %dma_wait3A_151 = tpu.memref_slice %arg3[%add3A, %dma_wait3A_149, %dma_wait3A_150] : memref<32x125x80xi32, #tpu.memory_space<hbm>> -> memref<1x125x80xi32, #tpu.memory_space<hbm>>
      %dma_wait3A_152 = tpu.memref_squeeze %dma_wait3A_151 : memref<1x125x80xi32, #tpu.memory_space<hbm>> -> memref<125x80xi32, #tpu.memory_space<hbm>>
      tpu.wait_dma2 semaphore(%run_scoped3A : memref<!tpu.dma_semaphore, #tpu.memory_space<semaphore_mem>>) src(%dma_wait3A_152 : memref<125x80xi32, #tpu.memory_space<hbm>>) dst(%arg6 : memref<125x80xi32, #tpu.memory_space<vmem>>)
      tpu.yield
    }) : () -> ()
    %barrier3A = arith.constant 0 : index
    tpu.barrier barrier_id(%barrier3A)
    %add3A_7 = arith.constant 0 : i32
    %add3A_8 = arith.addi %mul3A_2, %add3A_7 : i32
    %dma_start3A = arith.constant 0 : i32
    %dma_start3A_9 = arith.constant 0 : i32
    %dma_start3A_10 = arith.constant 0 : i32
    %dma_start3A_11 = tpu.memref_slice %arg7[%dma_start3A, %dma_start3A_9, %dma_start3A_10] : memref<3x80x128xf32, #tpu.memory_space<vmem>> -> memref<1x80x128xf32, #tpu.memory_space<vmem>>
    %dma_start3A_12 = tpu.memref_squeeze %dma_start3A_11 : memref<1x80x128xf32, #tpu.memory_space<vmem>> -> memref<80x128xf32, #tpu.memory_space<vmem>>
    %dma_start3A_13 = arith.constant 0 : i32
    %dma_start3A_14 = tpu.memref_slice %arg2[%add3A_8, %dma_start3A_13] : memref<320000x128xf32, #tpu.memory_space<hbm>> -> memref<80x128xf32, #tpu.memory_space<hbm>>
    %dma_start3A_15 = arith.constant 0 : i32
    %dma_start3A_16 = arith.constant 0 : i32
    %dma_start3A_17 = tpu.memref_slice %arg7[%dma_start3A, %dma_start3A_15, %dma_start3A_16] : memref<3x80x128xf32, #tpu.memory_space<vmem>> -> memref<1x80x128xf32, #tpu.memory_space<vmem>>
    %dma_start3A_18 = tpu.memref_squeeze %dma_start3A_17 : memref<1x80x128xf32, #tpu.memory_space<vmem>> -> memref<80x128xf32, #tpu.memory_space<vmem>>
    %dma_start3A_19 = arith.constant 0 : i32
    %dma_start3A_20 = tpu.memref_slice %arg2[%add3A_8, %dma_start3A_19] : memref<320000x128xf32, #tpu.memory_space<hbm>> -> memref<80x128xf32, #tpu.memory_space<hbm>>
    tpu.enqueue_dma source(%dma_start3A_20 : memref<80x128xf32, #tpu.memory_space<hbm>>) target(%dma_start3A_18 : memref<80x128xf32, #tpu.memory_space<vmem>>) target_semaphore(%arg9 : memref<!tpu.dma_semaphore, #tpu.memory_space<semaphore_mem>>)
    %add3A_21 = arith.constant 80 : i32
    %add3A_22 = arith.addi %mul3A_2, %add3A_21 : i32
    %dma_start3A_23 = arith.constant 1 : i32
    %dma_start3A_24 = arith.constant 0 : i32
    %dma_start3A_25 = arith.constant 0 : i32
    %dma_start3A_26 = tpu.memref_slice %arg7[%dma_start3A_23, %dma_start3A_24, %dma_start3A_25] : memref<3x80x128xf32, #tpu.memory_space<vmem>> -> memref<1x80x128xf32, #tpu.memory_space<vmem>>
    %dma_start3A_27 = tpu.memref_squeeze %dma_start3A_26 : memref<1x80x128xf32, #tpu.memory_space<vmem>> -> memref<80x128xf32, #tpu.memory_space<vmem>>
    %dma_start3A_28 = arith.constant 0 : i32
    %dma_start3A_29 = tpu.memref_slice %arg2[%add3A_22, %dma_start3A_28] : memref<320000x128xf32, #tpu.memory_space<hbm>> -> memref<80x128xf32, #tpu.memory_space<hbm>>
    %dma_start3A_30 = arith.constant 0 : i32
    %dma_start3A_31 = arith.constant 0 : i32
    %dma_start3A_32 = tpu.memref_slice %arg7[%dma_start3A_23, %dma_start3A_30, %dma_start3A_31] : memref<3x80x128xf32, #tpu.memory_space<vmem>> -> memref<1x80x128xf32, #tpu.memory_space<vmem>>
    %dma_start3A_33 = tpu.memref_squeeze %dma_start3A_32 : memref<1x80x128xf32, #tpu.memory_space<vmem>> -> memref<80x128xf32, #tpu.memory_space<vmem>>
    %dma_start3A_34 = arith.constant 0 : i32
    %dma_start3A_35 = tpu.memref_slice %arg2[%add3A_22, %dma_start3A_34] : memref<320000x128xf32, #tpu.memory_space<hbm>> -> memref<80x128xf32, #tpu.memory_space<hbm>>
    tpu.enqueue_dma source(%dma_start3A_35 : memref<80x128xf32, #tpu.memory_space<hbm>>) target(%dma_start3A_33 : memref<80x128xf32, #tpu.memory_space<vmem>>) target_semaphore(%arg9 : memref<!tpu.dma_semaphore, #tpu.memory_space<semaphore_mem>>)
    %add3A_36 = arith.constant 160 : i32
    %add3A_37 = arith.addi %mul3A_2, %add3A_36 : i32
    %dma_start3A_38 = arith.constant 2 : i32
    %dma_start3A_39 = arith.constant 0 : i32
    %dma_start3A_40 = arith.constant 0 : i32
    %dma_start3A_41 = tpu.memref_slice %arg7[%dma_start3A_38, %dma_start3A_39, %dma_start3A_40] : memref<3x80x128xf32, #tpu.memory_space<vmem>> -> memref<1x80x128xf32, #tpu.memory_space<vmem>>
    %dma_start3A_42 = tpu.memref_squeeze %dma_start3A_41 : memref<1x80x128xf32, #tpu.memory_space<vmem>> -> memref<80x128xf32, #tpu.memory_space<vmem>>
    %dma_start3A_43 = arith.constant 0 : i32
    %dma_start3A_44 = tpu.memref_slice %arg2[%add3A_37, %dma_start3A_43] : memref<320000x128xf32, #tpu.memory_space<hbm>> -> memref<80x128xf32, #tpu.memory_space<hbm>>
    %dma_start3A_45 = arith.constant 0 : i32
    %dma_start3A_46 = arith.constant 0 : i32
    %dma_start3A_47 = tpu.memref_slice %arg7[%dma_start3A_38, %dma_start3A_45, %dma_start3A_46] : memref<3x80x128xf32, #tpu.memory_space<vmem>> -> memref<1x80x128xf32, #tpu.memory_space<vmem>>
    %dma_start3A_48 = tpu.memref_squeeze %dma_start3A_47 : memref<1x80x128xf32, #tpu.memory_space<vmem>> -> memref<80x128xf32, #tpu.memory_space<vmem>>
    %dma_start3A_49 = arith.constant 0 : i32
    %dma_start3A_50 = tpu.memref_slice %arg2[%add3A_37, %dma_start3A_49] : memref<320000x128xf32, #tpu.memory_space<hbm>> -> memref<80x128xf32, #tpu.memory_space<hbm>>
    tpu.enqueue_dma source(%dma_start3A_50 : memref<80x128xf32, #tpu.memory_space<hbm>>) target(%dma_start3A_48 : memref<80x128xf32, #tpu.memory_space<vmem>>) target_semaphore(%arg9 : memref<!tpu.dma_semaphore, #tpu.memory_space<semaphore_mem>>)
    %scan3A = arith.constant 0 : i32
    %scan3A_51 = arith.constant 0 : i32
    %scan3A_52 = arith.constant 41 : i32
    %scan3A_53 = arith.addi %scan3A_51, %scan3A_52 : i32
    %scan3A_54 = arith.constant 1 : i32
    scf.for %scan3A_137 = %scan3A_51 to %scan3A_53 step %scan3A_54  : i32 {
      %mul3A_138 = arith.constant 3 : i32
      %mul3A_139 = arith.muli %scan3A_137, %mul3A_138 : i32
      %add3A_140 = arith.constant 0 : i32
      %add3A_141 = arith.addi %mul3A_139, %add3A_140 : i32
      %dma_wait3A_142 = arith.constant 0 : i32
      %dma_wait3A_143 = arith.constant 0 : i32
      %dma_wait3A_144 = arith.constant 0 : i32
      %dma_wait3A_145 = tpu.memref_slice %arg7[%dma_wait3A_142, %dma_wait3A_143, %dma_wait3A_144] : memref<3x80x128xf32, #tpu.memory_space<vmem>> -> memref<1x80x128xf32, #tpu.memory_space<vmem>>
      %dma_wait3A_146 = tpu.memref_squeeze %dma_wait3A_145 : memref<1x80x128xf32, #tpu.memory_space<vmem>> -> memref<80x128xf32, #tpu.memory_space<vmem>>
      %dma_wait3A_147 = arith.constant 0 : i32
      %dma_wait3A_148 = tpu.memref_slice %arg2[%mul3A_2, %dma_wait3A_147] : memref<320000x128xf32, #tpu.memory_space<hbm>> -> memref<80x128xf32, #tpu.memory_space<hbm>>
      %dma_wait3A_149 = arith.constant 0 : i32
      %dma_wait3A_150 = arith.constant 0 : i32
      %dma_wait3A_151 = tpu.memref_slice %arg7[%dma_wait3A_142, %dma_wait3A_149, %dma_wait3A_150] : memref<3x80x128xf32, #tpu.memory_space<vmem>> -> memref<1x80x128xf32, #tpu.memory_space<vmem>>
      %dma_wait3A_152 = tpu.memref_squeeze %dma_wait3A_151 : memref<1x80x128xf32, #tpu.memory_space<vmem>> -> memref<80x128xf32, #tpu.memory_space<vmem>>
      %dma_wait3A_153 = arith.constant 0 : i32
      %dma_wait3A_154 = tpu.memref_slice %arg2[%mul3A_2, %dma_wait3A_153] : memref<320000x128xf32, #tpu.memory_space<hbm>> -> memref<80x128xf32, #tpu.memory_space<hbm>>
      tpu.wait_dma2 semaphore(%arg9 : memref<!tpu.dma_semaphore, #tpu.memory_space<semaphore_mem>>) src(%dma_wait3A_154 : memref<80x128xf32, #tpu.memory_space<hbm>>) dst(%dma_wait3A_152 : memref<80x128xf32, #tpu.memory_space<vmem>>)
      %dma_start3A_155 = arith.constant 0 : i32
      %dma_start3A_156 = arith.constant 0 : i32
      %dma_start3A_157 = arith.constant 0 : i32
      %dma_start3A_158 = tpu.memref_slice %arg7[%dma_start3A_155, %dma_start3A_156, %dma_start3A_157] : memref<3x80x128xf32, #tpu.memory_space<vmem>> -> memref<1x80x128xf32, #tpu.memory_space<vmem>>
      %dma_start3A_159 = tpu.memref_squeeze %dma_start3A_158 : memref<1x80x128xf32, #tpu.memory_space<vmem>> -> memref<80x128xf32, #tpu.memory_space<vmem>>
      %dma_start3A_160 = arith.constant 0 : i32
      %dma_start3A_161 = tpu.memref_slice %arg6[%add3A_141, %dma_start3A_160] : memref<125x80xi32, #tpu.memory_space<vmem>> -> memref<1x80xi32, #tpu.memory_space<vmem>>
      %dma_start3A_162 = tpu.memref_squeeze %dma_start3A_161 : memref<1x80xi32, #tpu.memory_space<vmem>> -> memref<80xi32, #tpu.memory_space<vmem>>
      %dma_start3A_163 = arith.constant 0 : i32
      %dma_start3A_164 = arith.constant 0 : i32
      %dma_start3A_165 = tpu.memref_slice %arg8[%dma_start3A_163, %dma_start3A_164] : memref<10240x128xf32, #tpu.memory_space<vmem_shared>> -> memref<10240x128xf32, #tpu.memory_space<vmem_shared>>
      tpu.enqueue_indirect_dma source(%dma_start3A_159 : memref<80x128xf32, #tpu.memory_space<vmem>>) target(%dma_start3A_165 : memref<10240x128xf32, #tpu.memory_space<vmem_shared>>) offsets(%dma_start3A_162 : memref<80xi32, #tpu.memory_space<vmem>>) semaphore(%arg10 : memref<!tpu.dma_semaphore, #tpu.memory_space<semaphore_mem>>) {add = true}
      %dma_wait3A_166 = arith.constant 0 : i32
      %dma_wait3A_167 = arith.constant 0 : i32
      %dma_wait3A_168 = arith.constant 0 : i32
      %dma_wait3A_169 = arith.constant 0 : i32
      %dma_wait3A_170 = tpu.memref_slice %arg7[%dma_wait3A_166, %dma_wait3A_168, %dma_wait3A_169] : memref<3x80x128xf32, #tpu.memory_space<vmem>> -> memref<1x80x128xf32, #tpu.memory_space<vmem>>
      %dma_wait3A_171 = tpu.memref_squeeze %dma_wait3A_170 : memref<1x80x128xf32, #tpu.memory_space<vmem>> -> memref<80x128xf32, #tpu.memory_space<vmem>>
      %dma_wait3A_172 = arith.constant 0 : i32
      %dma_wait3A_173 = tpu.memref_slice %arg6[%dma_wait3A_167, %dma_wait3A_172] : memref<125x80xi32, #tpu.memory_space<vmem>> -> memref<1x80xi32, #tpu.memory_space<vmem>>
      %dma_wait3A_174 = tpu.memref_squeeze %dma_wait3A_173 : memref<1x80xi32, #tpu.memory_space<vmem>> -> memref<80xi32, #tpu.memory_space<vmem>>
      %dma_wait3A_175 = arith.constant 0 : i32
      %dma_wait3A_176 = arith.constant 0 : i32
      %dma_wait3A_177 = tpu.memref_slice %arg8[%dma_wait3A_175, %dma_wait3A_176] : memref<10240x128xf32, #tpu.memory_space<vmem_shared>> -> memref<10240x128xf32, #tpu.memory_space<vmem_shared>>
      tpu.wait_indirect_dma semaphore(%arg10 : memref<!tpu.dma_semaphore, #tpu.memory_space<semaphore_mem>>) src(%dma_wait3A_171 : memref<80x128xf32, #tpu.memory_space<vmem>>) dst(%dma_wait3A_177 : memref<10240x128xf32, #tpu.memory_space<vmem_shared>>)
      %add3A_178 = arith.constant 3 : i32
      %add3A_179 = arith.addi %add3A_141, %add3A_178 : i32
      %lt3A = arith.constant 125 : i32
      %lt3A_180 = arith.cmpi slt, %add3A_179, %lt3A : i32
      %convert_element_type3A = arith.extui %lt3A_180 : i1 to i32
      %cond3A = arith.constant 0 : i32
      %cond3A_181 = arith.cmpi ne, %convert_element_type3A, %cond3A : i32
      scf.if %cond3A_181 {
        %mul3A_276 = arith.constant 80 : i32
        %mul3A_277 = arith.muli %add3A_179, %mul3A_276 : i32
        %add3A_278 = arith.addi %mul3A_2, %mul3A_277 : i32
        %dma_start3A_279 = arith.constant 0 : i32
        %dma_start3A_280 = arith.constant 0 : i32
        %dma_start3A_281 = arith.constant 0 : i32
        %dma_start3A_282 = tpu.memref_slice %arg7[%dma_start3A_279, %dma_start3A_280, %dma_start3A_281] : memref<3x80x128xf32, #tpu.memory_space<vmem>> -> memref<1x80x128xf32, #tpu.memory_space<vmem>>
        %dma_start3A_283 = tpu.memref_squeeze %dma_start3A_282 : memref<1x80x128xf32, #tpu.memory_space<vmem>> -> memref<80x128xf32, #tpu.memory_space<vmem>>
        %dma_start3A_284 = arith.constant 0 : i32
        %dma_start3A_285 = tpu.memref_slice %arg2[%add3A_278, %dma_start3A_284] : memref<320000x128xf32, #tpu.memory_space<hbm>> -> memref<80x128xf32, #tpu.memory_space<hbm>>
        %dma_start3A_286 = arith.constant 0 : i32
        %dma_start3A_287 = arith.constant 0 : i32
        %dma_start3A_288 = tpu.memref_slice %arg7[%dma_start3A_279, %dma_start3A_286, %dma_start3A_287] : memref<3x80x128xf32, #tpu.memory_space<vmem>> -> memref<1x80x128xf32, #tpu.memory_space<vmem>>
        %dma_start3A_289 = tpu.memref_squeeze %dma_start3A_288 : memref<1x80x128xf32, #tpu.memory_space<vmem>> -> memref<80x128xf32, #tpu.memory_space<vmem>>
        %dma_start3A_290 = arith.constant 0 : i32
        %dma_start3A_291 = tpu.memref_slice %arg2[%add3A_278, %dma_start3A_290] : memref<320000x128xf32, #tpu.memory_space<hbm>> -> memref<80x128xf32, #tpu.memory_space<hbm>>
        tpu.enqueue_dma source(%dma_start3A_291 : memref<80x128xf32, #tpu.memory_space<hbm>>) target(%dma_start3A_289 : memref<80x128xf32, #tpu.memory_space<vmem>>) target_semaphore(%arg9 : memref<!tpu.dma_semaphore, #tpu.memory_space<semaphore_mem>>)
      } else {
      }
      %mul3A_182 = arith.constant 3 : i32
      %mul3A_183 = arith.muli %scan3A_137, %mul3A_182 : i32
      %add3A_184 = arith.constant 1 : i32
      %add3A_185 = arith.addi %mul3A_183, %add3A_184 : i32
      %dma_wait3A_186 = arith.constant 1 : i32
      %dma_wait3A_187 = arith.constant 0 : i32
      %dma_wait3A_188 = arith.constant 0 : i32
      %dma_wait3A_189 = tpu.memref_slice %arg7[%dma_wait3A_186, %dma_wait3A_187, %dma_wait3A_188] : memref<3x80x128xf32, #tpu.memory_space<vmem>> -> memref<1x80x128xf32, #tpu.memory_space<vmem>>
      %dma_wait3A_190 = tpu.memref_squeeze %dma_wait3A_189 : memref<1x80x128xf32, #tpu.memory_space<vmem>> -> memref<80x128xf32, #tpu.memory_space<vmem>>
      %dma_wait3A_191 = arith.constant 0 : i32
      %dma_wait3A_192 = tpu.memref_slice %arg2[%mul3A_2, %dma_wait3A_191] : memref<320000x128xf32, #tpu.memory_space<hbm>> -> memref<80x128xf32, #tpu.memory_space<hbm>>
      %dma_wait3A_193 = arith.constant 0 : i32
      %dma_wait3A_194 = arith.constant 0 : i32
      %dma_wait3A_195 = tpu.memref_slice %arg7[%dma_wait3A_186, %dma_wait3A_193, %dma_wait3A_194] : memref<3x80x128xf32, #tpu.memory_space<vmem>> -> memref<1x80x128xf32, #tpu.memory_space<vmem>>
      %dma_wait3A_196 = tpu.memref_squeeze %dma_wait3A_195 : memref<1x80x128xf32, #tpu.memory_space<vmem>> -> memref<80x128xf32, #tpu.memory_space<vmem>>
      %dma_wait3A_197 = arith.constant 0 : i32
      %dma_wait3A_198 = tpu.memref_slice %arg2[%mul3A_2, %dma_wait3A_197] : memref<320000x128xf32, #tpu.memory_space<hbm>> -> memref<80x128xf32, #tpu.memory_space<hbm>>
      tpu.wait_dma2 semaphore(%arg9 : memref<!tpu.dma_semaphore, #tpu.memory_space<semaphore_mem>>) src(%dma_wait3A_198 : memref<80x128xf32, #tpu.memory_space<hbm>>) dst(%dma_wait3A_196 : memref<80x128xf32, #tpu.memory_space<vmem>>)
      %dma_start3A_199 = arith.constant 1 : i32
      %dma_start3A_200 = arith.constant 0 : i32
      %dma_start3A_201 = arith.constant 0 : i32
      %dma_start3A_202 = tpu.memref_slice %arg7[%dma_start3A_199, %dma_start3A_200, %dma_start3A_201] : memref<3x80x128xf32, #tpu.memory_space<vmem>> -> memref<1x80x128xf32, #tpu.memory_space<vmem>>
      %dma_start3A_203 = tpu.memref_squeeze %dma_start3A_202 : memref<1x80x128xf32, #tpu.memory_space<vmem>> -> memref<80x128xf32, #tpu.memory_space<vmem>>
      %dma_start3A_204 = arith.constant 0 : i32
      %dma_start3A_205 = tpu.memref_slice %arg6[%add3A_185, %dma_start3A_204] : memref<125x80xi32, #tpu.memory_space<vmem>> -> memref<1x80xi32, #tpu.memory_space<vmem>>
      %dma_start3A_206 = tpu.memref_squeeze %dma_start3A_205 : memref<1x80xi32, #tpu.memory_space<vmem>> -> memref<80xi32, #tpu.memory_space<vmem>>
      %dma_start3A_207 = arith.constant 0 : i32
      %dma_start3A_208 = arith.constant 0 : i32
      %dma_start3A_209 = tpu.memref_slice %arg8[%dma_start3A_207, %dma_start3A_208] : memref<10240x128xf32, #tpu.memory_space<vmem_shared>> -> memref<10240x128xf32, #tpu.memory_space<vmem_shared>>
      tpu.enqueue_indirect_dma source(%dma_start3A_203 : memref<80x128xf32, #tpu.memory_space<vmem>>) target(%dma_start3A_209 : memref<10240x128xf32, #tpu.memory_space<vmem_shared>>) offsets(%dma_start3A_206 : memref<80xi32, #tpu.memory_space<vmem>>) semaphore(%arg10 : memref<!tpu.dma_semaphore, #tpu.memory_space<semaphore_mem>>) {add = true}
      %dma_wait3A_210 = arith.constant 1 : i32
      %dma_wait3A_211 = arith.constant 0 : i32
      %dma_wait3A_212 = arith.constant 0 : i32
      %dma_wait3A_213 = arith.constant 0 : i32
      %dma_wait3A_214 = tpu.memref_slice %arg7[%dma_wait3A_210, %dma_wait3A_212, %dma_wait3A_213] : memref<3x80x128xf32, #tpu.memory_space<vmem>> -> memref<1x80x128xf32, #tpu.memory_space<vmem>>
      %dma_wait3A_215 = tpu.memref_squeeze %dma_wait3A_214 : memref<1x80x128xf32, #tpu.memory_space<vmem>> -> memref<80x128xf32, #tpu.memory_space<vmem>>
      %dma_wait3A_216 = arith.constant 0 : i32
      %dma_wait3A_217 = tpu.memref_slice %arg6[%dma_wait3A_211, %dma_wait3A_216] : memref<125x80xi32, #tpu.memory_space<vmem>> -> memref<1x80xi32, #tpu.memory_space<vmem>>
      %dma_wait3A_218 = tpu.memref_squeeze %dma_wait3A_217 : memref<1x80xi32, #tpu.memory_space<vmem>> -> memref<80xi32, #tpu.memory_space<vmem>>
      %dma_wait3A_219 = arith.constant 0 : i32
      %dma_wait3A_220 = arith.constant 0 : i32
      %dma_wait3A_221 = tpu.memref_slice %arg8[%dma_wait3A_219, %dma_wait3A_220] : memref<10240x128xf32, #tpu.memory_space<vmem_shared>> -> memref<10240x128xf32, #tpu.memory_space<vmem_shared>>
      tpu.wait_indirect_dma semaphore(%arg10 : memref<!tpu.dma_semaphore, #tpu.memory_space<semaphore_mem>>) src(%dma_wait3A_215 : memref<80x128xf32, #tpu.memory_space<vmem>>) dst(%dma_wait3A_221 : memref<10240x128xf32, #tpu.memory_space<vmem_shared>>)
      %add3A_222 = arith.constant 3 : i32
      %add3A_223 = arith.addi %add3A_185, %add3A_222 : i32
      %lt3A_224 = arith.constant 125 : i32
      %lt3A_225 = arith.cmpi slt, %add3A_223, %lt3A_224 : i32
      %convert_element_type3A_226 = arith.extui %lt3A_225 : i1 to i32
      %cond3A_227 = arith.constant 0 : i32
      %cond3A_228 = arith.cmpi ne, %convert_element_type3A_226, %cond3A_227 : i32
      scf.if %cond3A_228 {
        %mul3A_276 = arith.constant 80 : i32
        %mul3A_277 = arith.muli %add3A_223, %mul3A_276 : i32
        %add3A_278 = arith.addi %mul3A_2, %mul3A_277 : i32
        %dma_start3A_279 = arith.constant 1 : i32
        %dma_start3A_280 = arith.constant 0 : i32
        %dma_start3A_281 = arith.constant 0 : i32
        %dma_start3A_282 = tpu.memref_slice %arg7[%dma_start3A_279, %dma_start3A_280, %dma_start3A_281] : memref<3x80x128xf32, #tpu.memory_space<vmem>> -> memref<1x80x128xf32, #tpu.memory_space<vmem>>
        %dma_start3A_283 = tpu.memref_squeeze %dma_start3A_282 : memref<1x80x128xf32, #tpu.memory_space<vmem>> -> memref<80x128xf32, #tpu.memory_space<vmem>>
        %dma_start3A_284 = arith.constant 0 : i32
        %dma_start3A_285 = tpu.memref_slice %arg2[%add3A_278, %dma_start3A_284] : memref<320000x128xf32, #tpu.memory_space<hbm>> -> memref<80x128xf32, #tpu.memory_space<hbm>>
        %dma_start3A_286 = arith.constant 0 : i32
        %dma_start3A_287 = arith.constant 0 : i32
        %dma_start3A_288 = tpu.memref_slice %arg7[%dma_start3A_279, %dma_start3A_286, %dma_start3A_287] : memref<3x80x128xf32, #tpu.memory_space<vmem>> -> memref<1x80x128xf32, #tpu.memory_space<vmem>>
        %dma_start3A_289 = tpu.memref_squeeze %dma_start3A_288 : memref<1x80x128xf32, #tpu.memory_space<vmem>> -> memref<80x128xf32, #tpu.memory_space<vmem>>
        %dma_start3A_290 = arith.constant 0 : i32
        %dma_start3A_291 = tpu.memref_slice %arg2[%add3A_278, %dma_start3A_290] : memref<320000x128xf32, #tpu.memory_space<hbm>> -> memref<80x128xf32, #tpu.memory_space<hbm>>
        tpu.enqueue_dma source(%dma_start3A_291 : memref<80x128xf32, #tpu.memory_space<hbm>>) target(%dma_start3A_289 : memref<80x128xf32, #tpu.memory_space<vmem>>) target_semaphore(%arg9 : memref<!tpu.dma_semaphore, #tpu.memory_space<semaphore_mem>>)
      } else {
      }
      %mul3A_229 = arith.constant 3 : i32
      %mul3A_230 = arith.muli %scan3A_137, %mul3A_229 : i32
      %add3A_231 = arith.constant 2 : i32
      %add3A_232 = arith.addi %mul3A_230, %add3A_231 : i32
      %dma_wait3A_233 = arith.constant 2 : i32
      %dma_wait3A_234 = arith.constant 0 : i32
      %dma_wait3A_235 = arith.constant 0 : i32
      %dma_wait3A_236 = tpu.memref_slice %arg7[%dma_wait3A_233, %dma_wait3A_234, %dma_wait3A_235] : memref<3x80x128xf32, #tpu.memory_space<vmem>> -> memref<1x80x128xf32, #tpu.memory_space<vmem>>
      %dma_wait3A_237 = tpu.memref_squeeze %dma_wait3A_236 : memref<1x80x128xf32, #tpu.memory_space<vmem>> -> memref<80x128xf32, #tpu.memory_space<vmem>>
      %dma_wait3A_238 = arith.constant 0 : i32
      %dma_wait3A_239 = tpu.memref_slice %arg2[%mul3A_2, %dma_wait3A_238] : memref<320000x128xf32, #tpu.memory_space<hbm>> -> memref<80x128xf32, #tpu.memory_space<hbm>>
      %dma_wait3A_240 = arith.constant 0 : i32
      %dma_wait3A_241 = arith.constant 0 : i32
      %dma_wait3A_242 = tpu.memref_slice %arg7[%dma_wait3A_233, %dma_wait3A_240, %dma_wait3A_241] : memref<3x80x128xf32, #tpu.memory_space<vmem>> -> memref<1x80x128xf32, #tpu.memory_space<vmem>>
      %dma_wait3A_243 = tpu.memref_squeeze %dma_wait3A_242 : memref<1x80x128xf32, #tpu.memory_space<vmem>> -> memref<80x128xf32, #tpu.memory_space<vmem>>
      %dma_wait3A_244 = arith.constant 0 : i32
      %dma_wait3A_245 = tpu.memref_slice %arg2[%mul3A_2, %dma_wait3A_244] : memref<320000x128xf32, #tpu.memory_space<hbm>> -> memref<80x128xf32, #tpu.memory_space<hbm>>
      tpu.wait_dma2 semaphore(%arg9 : memref<!tpu.dma_semaphore, #tpu.memory_space<semaphore_mem>>) src(%dma_wait3A_245 : memref<80x128xf32, #tpu.memory_space<hbm>>) dst(%dma_wait3A_243 : memref<80x128xf32, #tpu.memory_space<vmem>>)
      %dma_start3A_246 = arith.constant 2 : i32
      %dma_start3A_247 = arith.constant 0 : i32
      %dma_start3A_248 = arith.constant 0 : i32
      %dma_start3A_249 = tpu.memref_slice %arg7[%dma_start3A_246, %dma_start3A_247, %dma_start3A_248] : memref<3x80x128xf32, #tpu.memory_space<vmem>> -> memref<1x80x128xf32, #tpu.memory_space<vmem>>
      %dma_start3A_250 = tpu.memref_squeeze %dma_start3A_249 : memref<1x80x128xf32, #tpu.memory_space<vmem>> -> memref<80x128xf32, #tpu.memory_space<vmem>>
      %dma_start3A_251 = arith.constant 0 : i32
      %dma_start3A_252 = tpu.memref_slice %arg6[%add3A_232, %dma_start3A_251] : memref<125x80xi32, #tpu.memory_space<vmem>> -> memref<1x80xi32, #tpu.memory_space<vmem>>
      %dma_start3A_253 = tpu.memref_squeeze %dma_start3A_252 : memref<1x80xi32, #tpu.memory_space<vmem>> -> memref<80xi32, #tpu.memory_space<vmem>>
      %dma_start3A_254 = arith.constant 0 : i32
      %dma_start3A_255 = arith.constant 0 : i32
      %dma_start3A_256 = tpu.memref_slice %arg8[%dma_start3A_254, %dma_start3A_255] : memref<10240x128xf32, #tpu.memory_space<vmem_shared>> -> memref<10240x128xf32, #tpu.memory_space<vmem_shared>>
      tpu.enqueue_indirect_dma source(%dma_start3A_250 : memref<80x128xf32, #tpu.memory_space<vmem>>) target(%dma_start3A_256 : memref<10240x128xf32, #tpu.memory_space<vmem_shared>>) offsets(%dma_start3A_253 : memref<80xi32, #tpu.memory_space<vmem>>) semaphore(%arg10 : memref<!tpu.dma_semaphore, #tpu.memory_space<semaphore_mem>>) {add = true}
      %dma_wait3A_257 = arith.constant 2 : i32
      %dma_wait3A_258 = arith.constant 0 : i32
      %dma_wait3A_259 = arith.constant 0 : i32
      %dma_wait3A_260 = arith.constant 0 : i32
      %dma_wait3A_261 = tpu.memref_slice %arg7[%dma_wait3A_257, %dma_wait3A_259, %dma_wait3A_260] : memref<3x80x128xf32, #tpu.memory_space<vmem>> -> memref<1x80x128xf32, #tpu.memory_space<vmem>>
      %dma_wait3A_262 = tpu.memref_squeeze %dma_wait3A_261 : memref<1x80x128xf32, #tpu.memory_space<vmem>> -> memref<80x128xf32, #tpu.memory_space<vmem>>
      %dma_wait3A_263 = arith.constant 0 : i32
      %dma_wait3A_264 = tpu.memref_slice %arg6[%dma_wait3A_258, %dma_wait3A_263] : memref<125x80xi32, #tpu.memory_space<vmem>> -> memref<1x80xi32, #tpu.memory_space<vmem>>
      %dma_wait3A_265 = tpu.memref_squeeze %dma_wait3A_264 : memref<1x80xi32, #tpu.memory_space<vmem>> -> memref<80xi32, #tpu.memory_space<vmem>>
      %dma_wait3A_266 = arith.constant 0 : i32
      %dma_wait3A_267 = arith.constant 0 : i32
      %dma_wait3A_268 = tpu.memref_slice %arg8[%dma_wait3A_266, %dma_wait3A_267] : memref<10240x128xf32, #tpu.memory_space<vmem_shared>> -> memref<10240x128xf32, #tpu.memory_space<vmem_shared>>
      tpu.wait_indirect_dma semaphore(%arg10 : memref<!tpu.dma_semaphore, #tpu.memory_space<semaphore_mem>>) src(%dma_wait3A_262 : memref<80x128xf32, #tpu.memory_space<vmem>>) dst(%dma_wait3A_268 : memref<10240x128xf32, #tpu.memory_space<vmem_shared>>)
      %add3A_269 = arith.constant 3 : i32
      %add3A_270 = arith.addi %add3A_232, %add3A_269 : i32
      %lt3A_271 = arith.constant 125 : i32
      %lt3A_272 = arith.cmpi slt, %add3A_270, %lt3A_271 : i32
      %convert_element_type3A_273 = arith.extui %lt3A_272 : i1 to i32
      %cond3A_274 = arith.constant 0 : i32
      %cond3A_275 = arith.cmpi ne, %convert_element_type3A_273, %cond3A_274 : i32
      scf.if %cond3A_275 {
        %mul3A_276 = arith.constant 80 : i32
        %mul3A_277 = arith.muli %add3A_270, %mul3A_276 : i32
        %add3A_278 = arith.addi %mul3A_2, %mul3A_277 : i32
        %dma_start3A_279 = arith.constant 2 : i32
        %dma_start3A_280 = arith.constant 0 : i32
        %dma_start3A_281 = arith.constant 0 : i32
        %dma_start3A_282 = tpu.memref_slice %arg7[%dma_start3A_279, %dma_start3A_280, %dma_start3A_281] : memref<3x80x128xf32, #tpu.memory_space<vmem>> -> memref<1x80x128xf32, #tpu.memory_space<vmem>>
        %dma_start3A_283 = tpu.memref_squeeze %dma_start3A_282 : memref<1x80x128xf32, #tpu.memory_space<vmem>> -> memref<80x128xf32, #tpu.memory_space<vmem>>
        %dma_start3A_284 = arith.constant 0 : i32
        %dma_start3A_285 = tpu.memref_slice %arg2[%add3A_278, %dma_start3A_284] : memref<320000x128xf32, #tpu.memory_space<hbm>> -> memref<80x128xf32, #tpu.memory_space<hbm>>
        %dma_start3A_286 = arith.constant 0 : i32
        %dma_start3A_287 = arith.constant 0 : i32
        %dma_start3A_288 = tpu.memref_slice %arg7[%dma_start3A_279, %dma_start3A_286, %dma_start3A_287] : memref<3x80x128xf32, #tpu.memory_space<vmem>> -> memref<1x80x128xf32, #tpu.memory_space<vmem>>
        %dma_start3A_289 = tpu.memref_squeeze %dma_start3A_288 : memref<1x80x128xf32, #tpu.memory_space<vmem>> -> memref<80x128xf32, #tpu.memory_space<vmem>>
        %dma_start3A_290 = arith.constant 0 : i32
        %dma_start3A_291 = tpu.memref_slice %arg2[%add3A_278, %dma_start3A_290] : memref<320000x128xf32, #tpu.memory_space<hbm>> -> memref<80x128xf32, #tpu.memory_space<hbm>>
        tpu.enqueue_dma source(%dma_start3A_291 : memref<80x128xf32, #tpu.memory_space<hbm>>) target(%dma_start3A_289 : memref<80x128xf32, #tpu.memory_space<vmem>>) target_semaphore(%arg9 : memref<!tpu.dma_semaphore, #tpu.memory_space<semaphore_mem>>)
      } else {
      }
    }
    %scan3A_55 = arith.constant 41 : i32
    %dma_wait3A = arith.constant 0 : i32
    %dma_wait3A_56 = arith.constant 0 : i32
    %dma_wait3A_57 = arith.constant 0 : i32
    %dma_wait3A_58 = tpu.memref_slice %arg7[%dma_wait3A, %dma_wait3A_56, %dma_wait3A_57] : memref<3x80x128xf32, #tpu.memory_space<vmem>> -> memref<1x80x128xf32, #tpu.memory_space<vmem>>
    %dma_wait3A_59 = tpu.memref_squeeze %dma_wait3A_58 : memref<1x80x128xf32, #tpu.memory_space<vmem>> -> memref<80x128xf32, #tpu.memory_space<vmem>>
    %dma_wait3A_60 = arith.constant 0 : i32
    %dma_wait3A_61 = tpu.memref_slice %arg2[%mul3A_2, %dma_wait3A_60] : memref<320000x128xf32, #tpu.memory_space<hbm>> -> memref<80x128xf32, #tpu.memory_space<hbm>>
    %dma_wait3A_62 = arith.constant 0 : i32
    %dma_wait3A_63 = arith.constant 0 : i32
    %dma_wait3A_64 = tpu.memref_slice %arg7[%dma_wait3A, %dma_wait3A_62, %dma_wait3A_63] : memref<3x80x128xf32, #tpu.memory_space<vmem>> -> memref<1x80x128xf32, #tpu.memory_space<vmem>>
    %dma_wait3A_65 = tpu.memref_squeeze %dma_wait3A_64 : memref<1x80x128xf32, #tpu.memory_space<vmem>> -> memref<80x128xf32, #tpu.memory_space<vmem>>
    %dma_wait3A_66 = arith.constant 0 : i32
    %dma_wait3A_67 = tpu.memref_slice %arg2[%mul3A_2, %dma_wait3A_66] : memref<320000x128xf32, #tpu.memory_space<hbm>> -> memref<80x128xf32, #tpu.memory_space<hbm>>
    tpu.wait_dma2 semaphore(%arg9 : memref<!tpu.dma_semaphore, #tpu.memory_space<semaphore_mem>>) src(%dma_wait3A_67 : memref<80x128xf32, #tpu.memory_space<hbm>>) dst(%dma_wait3A_65 : memref<80x128xf32, #tpu.memory_space<vmem>>)
    %dma_start3A_68 = arith.constant 0 : i32
    %dma_start3A_69 = arith.constant 123 : i32
    %dma_start3A_70 = arith.constant 0 : i32
    %dma_start3A_71 = arith.constant 0 : i32
    %dma_start3A_72 = tpu.memref_slice %arg7[%dma_start3A_68, %dma_start3A_70, %dma_start3A_71] : memref<3x80x128xf32, #tpu.memory_space<vmem>> -> memref<1x80x128xf32, #tpu.memory_space<vmem>>
    %dma_start3A_73 = tpu.memref_squeeze %dma_start3A_72 : memref<1x80x128xf32, #tpu.memory_space<vmem>> -> memref<80x128xf32, #tpu.memory_space<vmem>>
    %dma_start3A_74 = arith.constant 0 : i32
    %dma_start3A_75 = tpu.memref_slice %arg6[%dma_start3A_69, %dma_start3A_74] : memref<125x80xi32, #tpu.memory_space<vmem>> -> memref<1x80xi32, #tpu.memory_space<vmem>>
    %dma_start3A_76 = tpu.memref_squeeze %dma_start3A_75 : memref<1x80xi32, #tpu.memory_space<vmem>> -> memref<80xi32, #tpu.memory_space<vmem>>
    %dma_start3A_77 = arith.constant 0 : i32
    %dma_start3A_78 = arith.constant 0 : i32
    %dma_start3A_79 = tpu.memref_slice %arg8[%dma_start3A_77, %dma_start3A_78] : memref<10240x128xf32, #tpu.memory_space<vmem_shared>> -> memref<10240x128xf32, #tpu.memory_space<vmem_shared>>
    tpu.enqueue_indirect_dma source(%dma_start3A_73 : memref<80x128xf32, #tpu.memory_space<vmem>>) target(%dma_start3A_79 : memref<10240x128xf32, #tpu.memory_space<vmem_shared>>) offsets(%dma_start3A_76 : memref<80xi32, #tpu.memory_space<vmem>>) semaphore(%arg10 : memref<!tpu.dma_semaphore, #tpu.memory_space<semaphore_mem>>) {add = true}
    %dma_wait3A_80 = arith.constant 0 : i32
    %dma_wait3A_81 = arith.constant 0 : i32
    %dma_wait3A_82 = arith.constant 0 : i32
    %dma_wait3A_83 = arith.constant 0 : i32
    %dma_wait3A_84 = tpu.memref_slice %arg7[%dma_wait3A_80, %dma_wait3A_82, %dma_wait3A_83] : memref<3x80x128xf32, #tpu.memory_space<vmem>> -> memref<1x80x128xf32, #tpu.memory_space<vmem>>
    %dma_wait3A_85 = tpu.memref_squeeze %dma_wait3A_84 : memref<1x80x128xf32, #tpu.memory_space<vmem>> -> memref<80x128xf32, #tpu.memory_space<vmem>>
    %dma_wait3A_86 = arith.constant 0 : i32
    %dma_wait3A_87 = tpu.memref_slice %arg6[%dma_wait3A_81, %dma_wait3A_86] : memref<125x80xi32, #tpu.memory_space<vmem>> -> memref<1x80xi32, #tpu.memory_space<vmem>>
    %dma_wait3A_88 = tpu.memref_squeeze %dma_wait3A_87 : memref<1x80xi32, #tpu.memory_space<vmem>> -> memref<80xi32, #tpu.memory_space<vmem>>
    %dma_wait3A_89 = arith.constant 0 : i32
    %dma_wait3A_90 = arith.constant 0 : i32
    %dma_wait3A_91 = tpu.memref_slice %arg8[%dma_wait3A_89, %dma_wait3A_90] : memref<10240x128xf32, #tpu.memory_space<vmem_shared>> -> memref<10240x128xf32, #tpu.memory_space<vmem_shared>>
    tpu.wait_indirect_dma semaphore(%arg10 : memref<!tpu.dma_semaphore, #tpu.memory_space<semaphore_mem>>) src(%dma_wait3A_85 : memref<80x128xf32, #tpu.memory_space<vmem>>) dst(%dma_wait3A_91 : memref<10240x128xf32, #tpu.memory_space<vmem_shared>>)
    %dma_wait3A_92 = arith.constant 1 : i32
    %dma_wait3A_93 = arith.constant 0 : i32
    %dma_wait3A_94 = arith.constant 0 : i32
    %dma_wait3A_95 = tpu.memref_slice %arg7[%dma_wait3A_92, %dma_wait3A_93, %dma_wait3A_94] : memref<3x80x128xf32, #tpu.memory_space<vmem>> -> memref<1x80x128xf32, #tpu.memory_space<vmem>>
    %dma_wait3A_96 = tpu.memref_squeeze %dma_wait3A_95 : memref<1x80x128xf32, #tpu.memory_space<vmem>> -> memref<80x128xf32, #tpu.memory_space<vmem>>
    %dma_wait3A_97 = arith.constant 0 : i32
    %dma_wait3A_98 = tpu.memref_slice %arg2[%mul3A_2, %dma_wait3A_97] : memref<320000x128xf32, #tpu.memory_space<hbm>> -> memref<80x128xf32, #tpu.memory_space<hbm>>
    %dma_wait3A_99 = arith.constant 0 : i32
    %dma_wait3A_100 = arith.constant 0 : i32
    %dma_wait3A_101 = tpu.memref_slice %arg7[%dma_wait3A_92, %dma_wait3A_99, %dma_wait3A_100] : memref<3x80x128xf32, #tpu.memory_space<vmem>> -> memref<1x80x128xf32, #tpu.memory_space<vmem>>
    %dma_wait3A_102 = tpu.memref_squeeze %dma_wait3A_101 : memref<1x80x128xf32, #tpu.memory_space<vmem>> -> memref<80x128xf32, #tpu.memory_space<vmem>>
    %dma_wait3A_103 = arith.constant 0 : i32
    %dma_wait3A_104 = tpu.memref_slice %arg2[%mul3A_2, %dma_wait3A_103] : memref<320000x128xf32, #tpu.memory_space<hbm>> -> memref<80x128xf32, #tpu.memory_space<hbm>>
    tpu.wait_dma2 semaphore(%arg9 : memref<!tpu.dma_semaphore, #tpu.memory_space<semaphore_mem>>) src(%dma_wait3A_104 : memref<80x128xf32, #tpu.memory_space<hbm>>) dst(%dma_wait3A_102 : memref<80x128xf32, #tpu.memory_space<vmem>>)
    %dma_start3A_105 = arith.constant 1 : i32
    %dma_start3A_106 = arith.constant 124 : i32
    %dma_start3A_107 = arith.constant 0 : i32
    %dma_start3A_108 = arith.constant 0 : i32
    %dma_start3A_109 = tpu.memref_slice %arg7[%dma_start3A_105, %dma_start3A_107, %dma_start3A_108] : memref<3x80x128xf32, #tpu.memory_space<vmem>> -> memref<1x80x128xf32, #tpu.memory_space<vmem>>
    %dma_start3A_110 = tpu.memref_squeeze %dma_start3A_109 : memref<1x80x128xf32, #tpu.memory_space<vmem>> -> memref<80x128xf32, #tpu.memory_space<vmem>>
    %dma_start3A_111 = arith.constant 0 : i32
    %dma_start3A_112 = tpu.memref_slice %arg6[%dma_start3A_106, %dma_start3A_111] : memref<125x80xi32, #tpu.memory_space<vmem>> -> memref<1x80xi32, #tpu.memory_space<vmem>>
    %dma_start3A_113 = tpu.memref_squeeze %dma_start3A_112 : memref<1x80xi32, #tpu.memory_space<vmem>> -> memref<80xi32, #tpu.memory_space<vmem>>
    %dma_start3A_114 = arith.constant 0 : i32
    %dma_start3A_115 = arith.constant 0 : i32
    %dma_start3A_116 = tpu.memref_slice %arg8[%dma_start3A_114, %dma_start3A_115] : memref<10240x128xf32, #tpu.memory_space<vmem_shared>> -> memref<10240x128xf32, #tpu.memory_space<vmem_shared>>
    tpu.enqueue_indirect_dma source(%dma_start3A_110 : memref<80x128xf32, #tpu.memory_space<vmem>>) target(%dma_start3A_116 : memref<10240x128xf32, #tpu.memory_space<vmem_shared>>) offsets(%dma_start3A_113 : memref<80xi32, #tpu.memory_space<vmem>>) semaphore(%arg10 : memref<!tpu.dma_semaphore, #tpu.memory_space<semaphore_mem>>) {add = true}
    %dma_wait3A_117 = arith.constant 1 : i32
    %dma_wait3A_118 = arith.constant 0 : i32
    %dma_wait3A_119 = arith.constant 0 : i32
    %dma_wait3A_120 = arith.constant 0 : i32
    %dma_wait3A_121 = tpu.memref_slice %arg7[%dma_wait3A_117, %dma_wait3A_119, %dma_wait3A_120] : memref<3x80x128xf32, #tpu.memory_space<vmem>> -> memref<1x80x128xf32, #tpu.memory_space<vmem>>
    %dma_wait3A_122 = tpu.memref_squeeze %dma_wait3A_121 : memref<1x80x128xf32, #tpu.memory_space<vmem>> -> memref<80x128xf32, #tpu.memory_space<vmem>>
    %dma_wait3A_123 = arith.constant 0 : i32
    %dma_wait3A_124 = tpu.memref_slice %arg6[%dma_wait3A_118, %dma_wait3A_123] : memref<125x80xi32, #tpu.memory_space<vmem>> -> memref<1x80xi32, #tpu.memory_space<vmem>>
    %dma_wait3A_125 = tpu.memref_squeeze %dma_wait3A_124 : memref<1x80xi32, #tpu.memory_space<vmem>> -> memref<80xi32, #tpu.memory_space<vmem>>
    %dma_wait3A_126 = arith.constant 0 : i32
    %dma_wait3A_127 = arith.constant 0 : i32
    %dma_wait3A_128 = tpu.memref_slice %arg8[%dma_wait3A_126, %dma_wait3A_127] : memref<10240x128xf32, #tpu.memory_space<vmem_shared>> -> memref<10240x128xf32, #tpu.memory_space<vmem_shared>>
    tpu.wait_indirect_dma semaphore(%arg10 : memref<!tpu.dma_semaphore, #tpu.memory_space<semaphore_mem>>) src(%dma_wait3A_122 : memref<80x128xf32, #tpu.memory_space<vmem>>) dst(%dma_wait3A_128 : memref<10240x128xf32, #tpu.memory_space<vmem_shared>>)
    %barrier3A_129 = arith.constant 0 : index
    tpu.barrier barrier_id(%barrier3A_129)
    %mul3A_130 = arith.constant 640 : i32
    %mul3A_131 = arith.muli %arg1, %mul3A_130 : i32
    %mul3A_132 = arith.constant 10240 : i32
    %mul3A_133 = arith.muli %arg0, %mul3A_132 : i32
    %mul3A_134 = arith.constant 640 : i32
    %mul3A_135 = arith.muli %arg1, %mul3A_134 : i32
    %add3A_136 = arith.addi %mul3A_133, %mul3A_135 : i32
    "tpu.region"() ({
      %run_scoped3A = tpu.sem_alloc : memref<!tpu.dma_semaphore, #tpu.memory_space<semaphore_mem>>
      %dma_start3A_137 = arith.constant 0 : i32
      %dma_start3A_138 = tpu.memref_slice %arg5[%add3A_136, %dma_start3A_137] : memref<20480x128xf32, #tpu.memory_space<hbm>> -> memref<640x128xf32, #tpu.memory_space<hbm>>
      %dma_start3A_139 = arith.constant 0 : i32
      %dma_start3A_140 = tpu.memref_slice %arg8[%mul3A_131, %dma_start3A_139] : memref<10240x128xf32, #tpu.memory_space<vmem_shared>> -> memref<640x128xf32, #tpu.memory_space<vmem_shared>>
      tpu.enqueue_dma source(%dma_start3A_140 : memref<640x128xf32, #tpu.memory_space<vmem_shared>>) target(%dma_start3A_138 : memref<640x128xf32, #tpu.memory_space<hbm>>) target_semaphore(%run_scoped3A : memref<!tpu.dma_semaphore, #tpu.memory_space<semaphore_mem>>)
      %dma_wait3A_141 = arith.constant 0 : i32
      %dma_wait3A_142 = tpu.memref_slice %arg5[%add3A_136, %dma_wait3A_141] : memref<20480x128xf32, #tpu.memory_space<hbm>> -> memref<640x128xf32, #tpu.memory_space<hbm>>
      %dma_wait3A_143 = arith.constant 0 : i32
      %dma_wait3A_144 = tpu.memref_slice %arg8[%mul3A_131, %dma_wait3A_143] : memref<10240x128xf32, #tpu.memory_space<vmem_shared>> -> memref<640x128xf32, #tpu.memory_space<vmem_shared>>
      tpu.wait_dma2 semaphore(%run_scoped3A : memref<!tpu.dma_semaphore, #tpu.memory_space<semaphore_mem>>) src(%dma_wait3A_144 : memref<640x128xf32, #tpu.memory_space<vmem_shared>>) dst(%dma_wait3A_142 : memref<640x128xf32, #tpu.memory_space<hbm>>)
      tpu.yield
    }) : () -> ()
    return
  }
}

#map = affine_map<(d0, d1) -> (0, 0)>
#map1 = affine_map<(d0, d1) -> (0, 0, 0)>
module attributes {stable_mosaic.version = 14 : i64} {
  func.func @gather_kernel(%arg0: i32, %arg1: i32, %arg2: memref<10000x128xf32, #tpu.memory_space<hbm>>, %arg3: memref<32x250x80xi32, #tpu.memory_space<hbm>>, %arg4: memref<640000x128xf32, #tpu.memory_space<hbm>>, %arg5: memref<250x80xi32, #tpu.memory_space<vmem>>, %arg6: memref<5x80x128xf32, #tpu.memory_space<vmem>>, %arg7: memref<!tpu.dma_semaphore, #tpu.memory_space<semaphore_mem>>, %arg8: memref<!tpu.dma_semaphore, #tpu.memory_space<semaphore_mem>>) attributes {dimension_semantics = [#tpu.dimension_semantics<core_parallel>, #tpu.dimension_semantics<subcore_parallel>], iteration_bounds = array<i64: 2, 16>, scalar_prefetch = 0 : i64, scratch_operands = 4 : i64, tpu.core_type = #tpu.core_type<sc_vector_subcore>, window_params = [{transform_indices = #map}, {transform_indices = #map1}, {transform_indices = #map}]} {
    %mul3A = arith.constant 16 : i32
    %mul3A_0 = arith.muli %arg0, %mul3A : i32
    %add3A = arith.addi %mul3A_0, %arg1 : i32
    %mul3A_1 = arith.constant 20000 : i32
    %mul3A_2 = arith.muli %add3A, %mul3A_1 : i32
    "tpu.region"() ({
      %run_scoped3A = tpu.sem_alloc : memref<!tpu.dma_semaphore, #tpu.memory_space<semaphore_mem>>
      %dma_start3A_67 = arith.constant 0 : i32
      %dma_start3A_68 = arith.constant 0 : i32
      %dma_start3A_69 = tpu.memref_slice %arg3[%add3A, %dma_start3A_67, %dma_start3A_68] : memref<32x250x80xi32, #tpu.memory_space<hbm>> -> memref<1x250x80xi32, #tpu.memory_space<hbm>>
      %dma_start3A_70 = tpu.memref_squeeze %dma_start3A_69 : memref<1x250x80xi32, #tpu.memory_space<hbm>> -> memref<250x80xi32, #tpu.memory_space<hbm>>
      %dma_start3A_71 = arith.constant 0 : i32
      %dma_start3A_72 = arith.constant 0 : i32
      %dma_start3A_73 = tpu.memref_slice %arg3[%add3A, %dma_start3A_71, %dma_start3A_72] : memref<32x250x80xi32, #tpu.memory_space<hbm>> -> memref<1x250x80xi32, #tpu.memory_space<hbm>>
      %dma_start3A_74 = tpu.memref_squeeze %dma_start3A_73 : memref<1x250x80xi32, #tpu.memory_space<hbm>> -> memref<250x80xi32, #tpu.memory_space<hbm>>
      tpu.enqueue_dma source(%dma_start3A_74 : memref<250x80xi32, #tpu.memory_space<hbm>>) target(%arg5 : memref<250x80xi32, #tpu.memory_space<vmem>>) target_semaphore(%run_scoped3A : memref<!tpu.dma_semaphore, #tpu.memory_space<semaphore_mem>>)
      %dma_wait3A = arith.constant 0 : i32
      %dma_wait3A_75 = arith.constant 0 : i32
      %dma_wait3A_76 = tpu.memref_slice %arg3[%add3A, %dma_wait3A, %dma_wait3A_75] : memref<32x250x80xi32, #tpu.memory_space<hbm>> -> memref<1x250x80xi32, #tpu.memory_space<hbm>>
      %dma_wait3A_77 = tpu.memref_squeeze %dma_wait3A_76 : memref<1x250x80xi32, #tpu.memory_space<hbm>> -> memref<250x80xi32, #tpu.memory_space<hbm>>
      %dma_wait3A_78 = arith.constant 0 : i32
      %dma_wait3A_79 = arith.constant 0 : i32
      %dma_wait3A_80 = tpu.memref_slice %arg3[%add3A, %dma_wait3A_78, %dma_wait3A_79] : memref<32x250x80xi32, #tpu.memory_space<hbm>> -> memref<1x250x80xi32, #tpu.memory_space<hbm>>
      %dma_wait3A_81 = tpu.memref_squeeze %dma_wait3A_80 : memref<1x250x80xi32, #tpu.memory_space<hbm>> -> memref<250x80xi32, #tpu.memory_space<hbm>>
      tpu.wait_dma2 semaphore(%run_scoped3A : memref<!tpu.dma_semaphore, #tpu.memory_space<semaphore_mem>>) src(%dma_wait3A_81 : memref<250x80xi32, #tpu.memory_space<hbm>>) dst(%arg5 : memref<250x80xi32, #tpu.memory_space<vmem>>)
      tpu.yield
    }) : () -> ()
    %dma_start3A = arith.constant 0 : i32
    %dma_start3A_3 = arith.constant 0 : i32
    %dma_start3A_4 = arith.constant 0 : i32
    %dma_start3A_5 = arith.constant 0 : i32
    %dma_start3A_6 = tpu.memref_slice %arg6[%dma_start3A_3, %dma_start3A_4, %dma_start3A_5] : memref<5x80x128xf32, #tpu.memory_space<vmem>> -> memref<1x80x128xf32, #tpu.memory_space<vmem>>
    %dma_start3A_7 = tpu.memref_squeeze %dma_start3A_6 : memref<1x80x128xf32, #tpu.memory_space<vmem>> -> memref<80x128xf32, #tpu.memory_space<vmem>>
    %dma_start3A_8 = arith.constant 0 : i32
    %dma_start3A_9 = tpu.memref_slice %arg5[%dma_start3A, %dma_start3A_8] : memref<250x80xi32, #tpu.memory_space<vmem>> -> memref<1x80xi32, #tpu.memory_space<vmem>>
    %dma_start3A_10 = tpu.memref_squeeze %dma_start3A_9 : memref<1x80xi32, #tpu.memory_space<vmem>> -> memref<80xi32, #tpu.memory_space<vmem>>
    %dma_start3A_11 = arith.constant 0 : i32
    %dma_start3A_12 = arith.constant 0 : i32
    %dma_start3A_13 = tpu.memref_slice %arg2[%dma_start3A_11, %dma_start3A_12] : memref<10000x128xf32, #tpu.memory_space<hbm>> -> memref<10000x128xf32, #tpu.memory_space<hbm>>
    tpu.enqueue_indirect_dma source(%dma_start3A_13 : memref<10000x128xf32, #tpu.memory_space<hbm>>) target(%dma_start3A_7 : memref<80x128xf32, #tpu.memory_space<vmem>>) offsets(%dma_start3A_10 : memref<80xi32, #tpu.memory_space<vmem>>) semaphore(%arg7 : memref<!tpu.dma_semaphore, #tpu.memory_space<semaphore_mem>>)
    %dma_start3A_14 = arith.constant 1 : i32
    %dma_start3A_15 = arith.constant 1 : i32
    %dma_start3A_16 = arith.constant 0 : i32
    %dma_start3A_17 = arith.constant 0 : i32
    %dma_start3A_18 = tpu.memref_slice %arg6[%dma_start3A_15, %dma_start3A_16, %dma_start3A_17] : memref<5x80x128xf32, #tpu.memory_space<vmem>> -> memref<1x80x128xf32, #tpu.memory_space<vmem>>
    %dma_start3A_19 = tpu.memref_squeeze %dma_start3A_18 : memref<1x80x128xf32, #tpu.memory_space<vmem>> -> memref<80x128xf32, #tpu.memory_space<vmem>>
    %dma_start3A_20 = arith.constant 0 : i32
    %dma_start3A_21 = tpu.memref_slice %arg5[%dma_start3A_14, %dma_start3A_20] : memref<250x80xi32, #tpu.memory_space<vmem>> -> memref<1x80xi32, #tpu.memory_space<vmem>>
    %dma_start3A_22 = tpu.memref_squeeze %dma_start3A_21 : memref<1x80xi32, #tpu.memory_space<vmem>> -> memref<80xi32, #tpu.memory_space<vmem>>
    %dma_start3A_23 = arith.constant 0 : i32
    %dma_start3A_24 = arith.constant 0 : i32
    %dma_start3A_25 = tpu.memref_slice %arg2[%dma_start3A_23, %dma_start3A_24] : memref<10000x128xf32, #tpu.memory_space<hbm>> -> memref<10000x128xf32, #tpu.memory_space<hbm>>
    tpu.enqueue_indirect_dma source(%dma_start3A_25 : memref<10000x128xf32, #tpu.memory_space<hbm>>) target(%dma_start3A_19 : memref<80x128xf32, #tpu.memory_space<vmem>>) offsets(%dma_start3A_22 : memref<80xi32, #tpu.memory_space<vmem>>) semaphore(%arg7 : memref<!tpu.dma_semaphore, #tpu.memory_space<semaphore_mem>>)
    %dma_start3A_26 = arith.constant 2 : i32
    %dma_start3A_27 = arith.constant 2 : i32
    %dma_start3A_28 = arith.constant 0 : i32
    %dma_start3A_29 = arith.constant 0 : i32
    %dma_start3A_30 = tpu.memref_slice %arg6[%dma_start3A_27, %dma_start3A_28, %dma_start3A_29] : memref<5x80x128xf32, #tpu.memory_space<vmem>> -> memref<1x80x128xf32, #tpu.memory_space<vmem>>
    %dma_start3A_31 = tpu.memref_squeeze %dma_start3A_30 : memref<1x80x128xf32, #tpu.memory_space<vmem>> -> memref<80x128xf32, #tpu.memory_space<vmem>>
    %dma_start3A_32 = arith.constant 0 : i32
    %dma_start3A_33 = tpu.memref_slice %arg5[%dma_start3A_26, %dma_start3A_32] : memref<250x80xi32, #tpu.memory_space<vmem>> -> memref<1x80xi32, #tpu.memory_space<vmem>>
    %dma_start3A_34 = tpu.memref_squeeze %dma_start3A_33 : memref<1x80xi32, #tpu.memory_space<vmem>> -> memref<80xi32, #tpu.memory_space<vmem>>
    %dma_start3A_35 = arith.constant 0 : i32
    %dma_start3A_36 = arith.constant 0 : i32
    %dma_start3A_37 = tpu.memref_slice %arg2[%dma_start3A_35, %dma_start3A_36] : memref<10000x128xf32, #tpu.memory_space<hbm>> -> memref<10000x128xf32, #tpu.memory_space<hbm>>
    tpu.enqueue_indirect_dma source(%dma_start3A_37 : memref<10000x128xf32, #tpu.memory_space<hbm>>) target(%dma_start3A_31 : memref<80x128xf32, #tpu.memory_space<vmem>>) offsets(%dma_start3A_34 : memref<80xi32, #tpu.memory_space<vmem>>) semaphore(%arg7 : memref<!tpu.dma_semaphore, #tpu.memory_space<semaphore_mem>>)
    %dma_start3A_38 = arith.constant 3 : i32
    %dma_start3A_39 = arith.constant 3 : i32
    %dma_start3A_40 = arith.constant 0 : i32
    %dma_start3A_41 = arith.constant 0 : i32
    %dma_start3A_42 = tpu.memref_slice %arg6[%dma_start3A_39, %dma_start3A_40, %dma_start3A_41] : memref<5x80x128xf32, #tpu.memory_space<vmem>> -> memref<1x80x128xf32, #tpu.memory_space<vmem>>
    %dma_start3A_43 = tpu.memref_squeeze %dma_start3A_42 : memref<1x80x128xf32, #tpu.memory_space<vmem>> -> memref<80x128xf32, #tpu.memory_space<vmem>>
    %dma_start3A_44 = arith.constant 0 : i32
    %dma_start3A_45 = tpu.memref_slice %arg5[%dma_start3A_38, %dma_start3A_44] : memref<250x80xi32, #tpu.memory_space<vmem>> -> memref<1x80xi32, #tpu.memory_space<vmem>>
    %dma_start3A_46 = tpu.memref_squeeze %dma_start3A_45 : memref<1x80xi32, #tpu.memory_space<vmem>> -> memref<80xi32, #tpu.memory_space<vmem>>
    %dma_start3A_47 = arith.constant 0 : i32
    %dma_start3A_48 = arith.constant 0 : i32
    %dma_start3A_49 = tpu.memref_slice %arg2[%dma_start3A_47, %dma_start3A_48] : memref<10000x128xf32, #tpu.memory_space<hbm>> -> memref<10000x128xf32, #tpu.memory_space<hbm>>
    tpu.enqueue_indirect_dma source(%dma_start3A_49 : memref<10000x128xf32, #tpu.memory_space<hbm>>) target(%dma_start3A_43 : memref<80x128xf32, #tpu.memory_space<vmem>>) offsets(%dma_start3A_46 : memref<80xi32, #tpu.memory_space<vmem>>) semaphore(%arg7 : memref<!tpu.dma_semaphore, #tpu.memory_space<semaphore_mem>>)
    %dma_start3A_50 = arith.constant 4 : i32
    %dma_start3A_51 = arith.constant 4 : i32
    %dma_start3A_52 = arith.constant 0 : i32
    %dma_start3A_53 = arith.constant 0 : i32
    %dma_start3A_54 = tpu.memref_slice %arg6[%dma_start3A_51, %dma_start3A_52, %dma_start3A_53] : memref<5x80x128xf32, #tpu.memory_space<vmem>> -> memref<1x80x128xf32, #tpu.memory_space<vmem>>
    %dma_start3A_55 = tpu.memref_squeeze %dma_start3A_54 : memref<1x80x128xf32, #tpu.memory_space<vmem>> -> memref<80x128xf32, #tpu.memory_space<vmem>>
    %dma_start3A_56 = arith.constant 0 : i32
    %dma_start3A_57 = tpu.memref_slice %arg5[%dma_start3A_50, %dma_start3A_56] : memref<250x80xi32, #tpu.memory_space<vmem>> -> memref<1x80xi32, #tpu.memory_space<vmem>>
    %dma_start3A_58 = tpu.memref_squeeze %dma_start3A_57 : memref<1x80xi32, #tpu.memory_space<vmem>> -> memref<80xi32, #tpu.memory_space<vmem>>
    %dma_start3A_59 = arith.constant 0 : i32
    %dma_start3A_60 = arith.constant 0 : i32
    %dma_start3A_61 = tpu.memref_slice %arg2[%dma_start3A_59, %dma_start3A_60] : memref<10000x128xf32, #tpu.memory_space<hbm>> -> memref<10000x128xf32, #tpu.memory_space<hbm>>
    tpu.enqueue_indirect_dma source(%dma_start3A_61 : memref<10000x128xf32, #tpu.memory_space<hbm>>) target(%dma_start3A_55 : memref<80x128xf32, #tpu.memory_space<vmem>>) offsets(%dma_start3A_58 : memref<80xi32, #tpu.memory_space<vmem>>) semaphore(%arg7 : memref<!tpu.dma_semaphore, #tpu.memory_space<semaphore_mem>>)
    %scan3A = arith.constant 0 : i32
    %scan3A_62 = arith.constant 0 : i32
    %scan3A_63 = arith.constant 50 : i32
    %scan3A_64 = arith.addi %scan3A_62, %scan3A_63 : i32
    %scan3A_65 = arith.constant 1 : i32
    scf.for %scan3A_67 = %scan3A_62 to %scan3A_64 step %scan3A_65  : i32 {
      %mul3A_68 = arith.constant 5 : i32
      %mul3A_69 = arith.muli %scan3A_67, %mul3A_68 : i32
      %add3A_70 = arith.constant 0 : i32
      %add3A_71 = arith.addi %mul3A_69, %add3A_70 : i32
      %dma_wait3A = arith.constant 0 : i32
      %dma_wait3A_72 = arith.constant 0 : i32
      %dma_wait3A_73 = arith.constant 0 : i32
      %dma_wait3A_74 = arith.constant 0 : i32
      %dma_wait3A_75 = tpu.memref_slice %arg6[%dma_wait3A_72, %dma_wait3A_73, %dma_wait3A_74] : memref<5x80x128xf32, #tpu.memory_space<vmem>> -> memref<1x80x128xf32, #tpu.memory_space<vmem>>
      %dma_wait3A_76 = tpu.memref_squeeze %dma_wait3A_75 : memref<1x80x128xf32, #tpu.memory_space<vmem>> -> memref<80x128xf32, #tpu.memory_space<vmem>>
      %dma_wait3A_77 = arith.constant 0 : i32
      %dma_wait3A_78 = tpu.memref_slice %arg5[%dma_wait3A, %dma_wait3A_77] : memref<250x80xi32, #tpu.memory_space<vmem>> -> memref<1x80xi32, #tpu.memory_space<vmem>>
      %dma_wait3A_79 = tpu.memref_squeeze %dma_wait3A_78 : memref<1x80xi32, #tpu.memory_space<vmem>> -> memref<80xi32, #tpu.memory_space<vmem>>
      %dma_wait3A_80 = arith.constant 0 : i32
      %dma_wait3A_81 = arith.constant 0 : i32
      %dma_wait3A_82 = tpu.memref_slice %arg2[%dma_wait3A_80, %dma_wait3A_81] : memref<10000x128xf32, #tpu.memory_space<hbm>> -> memref<10000x128xf32, #tpu.memory_space<hbm>>
      tpu.wait_indirect_dma semaphore(%arg7 : memref<!tpu.dma_semaphore, #tpu.memory_space<semaphore_mem>>) src(%dma_wait3A_82 : memref<10000x128xf32, #tpu.memory_space<hbm>>) dst(%dma_wait3A_76 : memref<80x128xf32, #tpu.memory_space<vmem>>)
      %mul3A_83 = arith.constant 80 : i32
      %mul3A_84 = arith.muli %add3A_71, %mul3A_83 : i32
      %add3A_85 = arith.addi %mul3A_2, %mul3A_84 : i32
      %dma_start3A_86 = arith.constant 0 : i32
      %dma_start3A_87 = arith.constant 0 : i32
      %dma_start3A_88 = arith.constant 0 : i32
      %dma_start3A_89 = tpu.memref_slice %arg6[%dma_start3A_86, %dma_start3A_87, %dma_start3A_88] : memref<5x80x128xf32, #tpu.memory_space<vmem>> -> memref<1x80x128xf32, #tpu.memory_space<vmem>>
      %dma_start3A_90 = tpu.memref_squeeze %dma_start3A_89 : memref<1x80x128xf32, #tpu.memory_space<vmem>> -> memref<80x128xf32, #tpu.memory_space<vmem>>
      %dma_start3A_91 = arith.constant 0 : i32
      %dma_start3A_92 = tpu.memref_slice %arg4[%add3A_85, %dma_start3A_91] : memref<640000x128xf32, #tpu.memory_space<hbm>> -> memref<80x128xf32, #tpu.memory_space<hbm>>
      %dma_start3A_93 = arith.constant 0 : i32
      %dma_start3A_94 = tpu.memref_slice %arg4[%add3A_85, %dma_start3A_93] : memref<640000x128xf32, #tpu.memory_space<hbm>> -> memref<80x128xf32, #tpu.memory_space<hbm>>
      %dma_start3A_95 = arith.constant 0 : i32
      %dma_start3A_96 = arith.constant 0 : i32
      %dma_start3A_97 = tpu.memref_slice %arg6[%dma_start3A_86, %dma_start3A_95, %dma_start3A_96] : memref<5x80x128xf32, #tpu.memory_space<vmem>> -> memref<1x80x128xf32, #tpu.memory_space<vmem>>
      %dma_start3A_98 = tpu.memref_squeeze %dma_start3A_97 : memref<1x80x128xf32, #tpu.memory_space<vmem>> -> memref<80x128xf32, #tpu.memory_space<vmem>>
      tpu.enqueue_dma source(%dma_start3A_98 : memref<80x128xf32, #tpu.memory_space<vmem>>) target(%dma_start3A_94 : memref<80x128xf32, #tpu.memory_space<hbm>>) target_semaphore(%arg8 : memref<!tpu.dma_semaphore, #tpu.memory_space<semaphore_mem>>)
      %dma_wait3A_99 = arith.constant 0 : i32
      %dma_wait3A_100 = arith.constant 0 : i32
      %dma_wait3A_101 = arith.constant 0 : i32
      %dma_wait3A_102 = tpu.memref_slice %arg6[%dma_wait3A_99, %dma_wait3A_100, %dma_wait3A_101] : memref<5x80x128xf32, #tpu.memory_space<vmem>> -> memref<1x80x128xf32, #tpu.memory_space<vmem>>
      %dma_wait3A_103 = tpu.memref_squeeze %dma_wait3A_102 : memref<1x80x128xf32, #tpu.memory_space<vmem>> -> memref<80x128xf32, #tpu.memory_space<vmem>>
      %dma_wait3A_104 = arith.constant 0 : i32
      %dma_wait3A_105 = tpu.memref_slice %arg4[%mul3A_2, %dma_wait3A_104] : memref<640000x128xf32, #tpu.memory_space<hbm>> -> memref<80x128xf32, #tpu.memory_space<hbm>>
      %dma_wait3A_106 = arith.constant 0 : i32
      %dma_wait3A_107 = tpu.memref_slice %arg4[%mul3A_2, %dma_wait3A_106] : memref<640000x128xf32, #tpu.memory_space<hbm>> -> memref<80x128xf32, #tpu.memory_space<hbm>>
      %dma_wait3A_108 = arith.constant 0 : i32
      %dma_wait3A_109 = arith.constant 0 : i32
      %dma_wait3A_110 = tpu.memref_slice %arg6[%dma_wait3A_99, %dma_wait3A_108, %dma_wait3A_109] : memref<5x80x128xf32, #tpu.memory_space<vmem>> -> memref<1x80x128xf32, #tpu.memory_space<vmem>>
      %dma_wait3A_111 = tpu.memref_squeeze %dma_wait3A_110 : memref<1x80x128xf32, #tpu.memory_space<vmem>> -> memref<80x128xf32, #tpu.memory_space<vmem>>
      tpu.wait_dma2 semaphore(%arg8 : memref<!tpu.dma_semaphore, #tpu.memory_space<semaphore_mem>>) src(%dma_wait3A_111 : memref<80x128xf32, #tpu.memory_space<vmem>>) dst(%dma_wait3A_107 : memref<80x128xf32, #tpu.memory_space<hbm>>)
      %add3A_112 = arith.constant 5 : i32
      %add3A_113 = arith.addi %add3A_71, %add3A_112 : i32
      %lt3A = arith.constant 250 : i32
      %lt3A_114 = arith.cmpi slt, %add3A_113, %lt3A : i32
      %convert_element_type3A = arith.extui %lt3A_114 : i1 to i32
      %cond3A = arith.constant 0 : i32
      %cond3A_115 = arith.cmpi ne, %convert_element_type3A, %cond3A : i32
      scf.if %cond3A_115 {
        %dma_start3A_324 = arith.constant 0 : i32
        %dma_start3A_325 = arith.constant 0 : i32
        %dma_start3A_326 = arith.constant 0 : i32
        %dma_start3A_327 = tpu.memref_slice %arg6[%dma_start3A_324, %dma_start3A_325, %dma_start3A_326] : memref<5x80x128xf32, #tpu.memory_space<vmem>> -> memref<1x80x128xf32, #tpu.memory_space<vmem>>
        %dma_start3A_328 = tpu.memref_squeeze %dma_start3A_327 : memref<1x80x128xf32, #tpu.memory_space<vmem>> -> memref<80x128xf32, #tpu.memory_space<vmem>>
        %dma_start3A_329 = arith.constant 0 : i32
        %dma_start3A_330 = tpu.memref_slice %arg5[%add3A_113, %dma_start3A_329] : memref<250x80xi32, #tpu.memory_space<vmem>> -> memref<1x80xi32, #tpu.memory_space<vmem>>
        %dma_start3A_331 = tpu.memref_squeeze %dma_start3A_330 : memref<1x80xi32, #tpu.memory_space<vmem>> -> memref<80xi32, #tpu.memory_space<vmem>>
        %dma_start3A_332 = arith.constant 0 : i32
        %dma_start3A_333 = arith.constant 0 : i32
        %dma_start3A_334 = tpu.memref_slice %arg2[%dma_start3A_332, %dma_start3A_333] : memref<10000x128xf32, #tpu.memory_space<hbm>> -> memref<10000x128xf32, #tpu.memory_space<hbm>>
        tpu.enqueue_indirect_dma source(%dma_start3A_334 : memref<10000x128xf32, #tpu.memory_space<hbm>>) target(%dma_start3A_328 : memref<80x128xf32, #tpu.memory_space<vmem>>) offsets(%dma_start3A_331 : memref<80xi32, #tpu.memory_space<vmem>>) semaphore(%arg7 : memref<!tpu.dma_semaphore, #tpu.memory_space<semaphore_mem>>)
      } else {
      }
      %mul3A_116 = arith.constant 5 : i32
      %mul3A_117 = arith.muli %scan3A_67, %mul3A_116 : i32
      %add3A_118 = arith.constant 1 : i32
      %add3A_119 = arith.addi %mul3A_117, %add3A_118 : i32
      %dma_wait3A_120 = arith.constant 0 : i32
      %dma_wait3A_121 = arith.constant 1 : i32
      %dma_wait3A_122 = arith.constant 0 : i32
      %dma_wait3A_123 = arith.constant 0 : i32
      %dma_wait3A_124 = tpu.memref_slice %arg6[%dma_wait3A_121, %dma_wait3A_122, %dma_wait3A_123] : memref<5x80x128xf32, #tpu.memory_space<vmem>> -> memref<1x80x128xf32, #tpu.memory_space<vmem>>
      %dma_wait3A_125 = tpu.memref_squeeze %dma_wait3A_124 : memref<1x80x128xf32, #tpu.memory_space<vmem>> -> memref<80x128xf32, #tpu.memory_space<vmem>>
      %dma_wait3A_126 = arith.constant 0 : i32
      %dma_wait3A_127 = tpu.memref_slice %arg5[%dma_wait3A_120, %dma_wait3A_126] : memref<250x80xi32, #tpu.memory_space<vmem>> -> memref<1x80xi32, #tpu.memory_space<vmem>>
      %dma_wait3A_128 = tpu.memref_squeeze %dma_wait3A_127 : memref<1x80xi32, #tpu.memory_space<vmem>> -> memref<80xi32, #tpu.memory_space<vmem>>
      %dma_wait3A_129 = arith.constant 0 : i32
      %dma_wait3A_130 = arith.constant 0 : i32
      %dma_wait3A_131 = tpu.memref_slice %arg2[%dma_wait3A_129, %dma_wait3A_130] : memref<10000x128xf32, #tpu.memory_space<hbm>> -> memref<10000x128xf32, #tpu.memory_space<hbm>>
      tpu.wait_indirect_dma semaphore(%arg7 : memref<!tpu.dma_semaphore, #tpu.memory_space<semaphore_mem>>) src(%dma_wait3A_131 : memref<10000x128xf32, #tpu.memory_space<hbm>>) dst(%dma_wait3A_125 : memref<80x128xf32, #tpu.memory_space<vmem>>)
      %mul3A_132 = arith.constant 80 : i32
      %mul3A_133 = arith.muli %add3A_119, %mul3A_132 : i32
      %add3A_134 = arith.addi %mul3A_2, %mul3A_133 : i32
      %dma_start3A_135 = arith.constant 1 : i32
      %dma_start3A_136 = arith.constant 0 : i32
      %dma_start3A_137 = arith.constant 0 : i32
      %dma_start3A_138 = tpu.memref_slice %arg6[%dma_start3A_135, %dma_start3A_136, %dma_start3A_137] : memref<5x80x128xf32, #tpu.memory_space<vmem>> -> memref<1x80x128xf32, #tpu.memory_space<vmem>>
      %dma_start3A_139 = tpu.memref_squeeze %dma_start3A_138 : memref<1x80x128xf32, #tpu.memory_space<vmem>> -> memref<80x128xf32, #tpu.memory_space<vmem>>
      %dma_start3A_140 = arith.constant 0 : i32
      %dma_start3A_141 = tpu.memref_slice %arg4[%add3A_134, %dma_start3A_140] : memref<640000x128xf32, #tpu.memory_space<hbm>> -> memref<80x128xf32, #tpu.memory_space<hbm>>
      %dma_start3A_142 = arith.constant 0 : i32
      %dma_start3A_143 = tpu.memref_slice %arg4[%add3A_134, %dma_start3A_142] : memref<640000x128xf32, #tpu.memory_space<hbm>> -> memref<80x128xf32, #tpu.memory_space<hbm>>
      %dma_start3A_144 = arith.constant 0 : i32
      %dma_start3A_145 = arith.constant 0 : i32
      %dma_start3A_146 = tpu.memref_slice %arg6[%dma_start3A_135, %dma_start3A_144, %dma_start3A_145] : memref<5x80x128xf32, #tpu.memory_space<vmem>> -> memref<1x80x128xf32, #tpu.memory_space<vmem>>
      %dma_start3A_147 = tpu.memref_squeeze %dma_start3A_146 : memref<1x80x128xf32, #tpu.memory_space<vmem>> -> memref<80x128xf32, #tpu.memory_space<vmem>>
      tpu.enqueue_dma source(%dma_start3A_147 : memref<80x128xf32, #tpu.memory_space<vmem>>) target(%dma_start3A_143 : memref<80x128xf32, #tpu.memory_space<hbm>>) target_semaphore(%arg8 : memref<!tpu.dma_semaphore, #tpu.memory_space<semaphore_mem>>)
      %dma_wait3A_148 = arith.constant 1 : i32
      %dma_wait3A_149 = arith.constant 0 : i32
      %dma_wait3A_150 = arith.constant 0 : i32
      %dma_wait3A_151 = tpu.memref_slice %arg6[%dma_wait3A_148, %dma_wait3A_149, %dma_wait3A_150] : memref<5x80x128xf32, #tpu.memory_space<vmem>> -> memref<1x80x128xf32, #tpu.memory_space<vmem>>
      %dma_wait3A_152 = tpu.memref_squeeze %dma_wait3A_151 : memref<1x80x128xf32, #tpu.memory_space<vmem>> -> memref<80x128xf32, #tpu.memory_space<vmem>>
      %dma_wait3A_153 = arith.constant 0 : i32
      %dma_wait3A_154 = tpu.memref_slice %arg4[%mul3A_2, %dma_wait3A_153] : memref<640000x128xf32, #tpu.memory_space<hbm>> -> memref<80x128xf32, #tpu.memory_space<hbm>>
      %dma_wait3A_155 = arith.constant 0 : i32
      %dma_wait3A_156 = tpu.memref_slice %arg4[%mul3A_2, %dma_wait3A_155] : memref<640000x128xf32, #tpu.memory_space<hbm>> -> memref<80x128xf32, #tpu.memory_space<hbm>>
      %dma_wait3A_157 = arith.constant 0 : i32
      %dma_wait3A_158 = arith.constant 0 : i32
      %dma_wait3A_159 = tpu.memref_slice %arg6[%dma_wait3A_148, %dma_wait3A_157, %dma_wait3A_158] : memref<5x80x128xf32, #tpu.memory_space<vmem>> -> memref<1x80x128xf32, #tpu.memory_space<vmem>>
      %dma_wait3A_160 = tpu.memref_squeeze %dma_wait3A_159 : memref<1x80x128xf32, #tpu.memory_space<vmem>> -> memref<80x128xf32, #tpu.memory_space<vmem>>
      tpu.wait_dma2 semaphore(%arg8 : memref<!tpu.dma_semaphore, #tpu.memory_space<semaphore_mem>>) src(%dma_wait3A_160 : memref<80x128xf32, #tpu.memory_space<vmem>>) dst(%dma_wait3A_156 : memref<80x128xf32, #tpu.memory_space<hbm>>)
      %add3A_161 = arith.constant 5 : i32
      %add3A_162 = arith.addi %add3A_119, %add3A_161 : i32
      %lt3A_163 = arith.constant 250 : i32
      %lt3A_164 = arith.cmpi slt, %add3A_162, %lt3A_163 : i32
      %convert_element_type3A_165 = arith.extui %lt3A_164 : i1 to i32
      %cond3A_166 = arith.constant 0 : i32
      %cond3A_167 = arith.cmpi ne, %convert_element_type3A_165, %cond3A_166 : i32
      scf.if %cond3A_167 {
        %dma_start3A_324 = arith.constant 1 : i32
        %dma_start3A_325 = arith.constant 0 : i32
        %dma_start3A_326 = arith.constant 0 : i32
        %dma_start3A_327 = tpu.memref_slice %arg6[%dma_start3A_324, %dma_start3A_325, %dma_start3A_326] : memref<5x80x128xf32, #tpu.memory_space<vmem>> -> memref<1x80x128xf32, #tpu.memory_space<vmem>>
        %dma_start3A_328 = tpu.memref_squeeze %dma_start3A_327 : memref<1x80x128xf32, #tpu.memory_space<vmem>> -> memref<80x128xf32, #tpu.memory_space<vmem>>
        %dma_start3A_329 = arith.constant 0 : i32
        %dma_start3A_330 = tpu.memref_slice %arg5[%add3A_162, %dma_start3A_329] : memref<250x80xi32, #tpu.memory_space<vmem>> -> memref<1x80xi32, #tpu.memory_space<vmem>>
        %dma_start3A_331 = tpu.memref_squeeze %dma_start3A_330 : memref<1x80xi32, #tpu.memory_space<vmem>> -> memref<80xi32, #tpu.memory_space<vmem>>
        %dma_start3A_332 = arith.constant 0 : i32
        %dma_start3A_333 = arith.constant 0 : i32
        %dma_start3A_334 = tpu.memref_slice %arg2[%dma_start3A_332, %dma_start3A_333] : memref<10000x128xf32, #tpu.memory_space<hbm>> -> memref<10000x128xf32, #tpu.memory_space<hbm>>
        tpu.enqueue_indirect_dma source(%dma_start3A_334 : memref<10000x128xf32, #tpu.memory_space<hbm>>) target(%dma_start3A_328 : memref<80x128xf32, #tpu.memory_space<vmem>>) offsets(%dma_start3A_331 : memref<80xi32, #tpu.memory_space<vmem>>) semaphore(%arg7 : memref<!tpu.dma_semaphore, #tpu.memory_space<semaphore_mem>>)
      } else {
      }
      %mul3A_168 = arith.constant 5 : i32
      %mul3A_169 = arith.muli %scan3A_67, %mul3A_168 : i32
      %add3A_170 = arith.constant 2 : i32
      %add3A_171 = arith.addi %mul3A_169, %add3A_170 : i32
      %dma_wait3A_172 = arith.constant 0 : i32
      %dma_wait3A_173 = arith.constant 2 : i32
      %dma_wait3A_174 = arith.constant 0 : i32
      %dma_wait3A_175 = arith.constant 0 : i32
      %dma_wait3A_176 = tpu.memref_slice %arg6[%dma_wait3A_173, %dma_wait3A_174, %dma_wait3A_175] : memref<5x80x128xf32, #tpu.memory_space<vmem>> -> memref<1x80x128xf32, #tpu.memory_space<vmem>>
      %dma_wait3A_177 = tpu.memref_squeeze %dma_wait3A_176 : memref<1x80x128xf32, #tpu.memory_space<vmem>> -> memref<80x128xf32, #tpu.memory_space<vmem>>
      %dma_wait3A_178 = arith.constant 0 : i32
      %dma_wait3A_179 = tpu.memref_slice %arg5[%dma_wait3A_172, %dma_wait3A_178] : memref<250x80xi32, #tpu.memory_space<vmem>> -> memref<1x80xi32, #tpu.memory_space<vmem>>
      %dma_wait3A_180 = tpu.memref_squeeze %dma_wait3A_179 : memref<1x80xi32, #tpu.memory_space<vmem>> -> memref<80xi32, #tpu.memory_space<vmem>>
      %dma_wait3A_181 = arith.constant 0 : i32
      %dma_wait3A_182 = arith.constant 0 : i32
      %dma_wait3A_183 = tpu.memref_slice %arg2[%dma_wait3A_181, %dma_wait3A_182] : memref<10000x128xf32, #tpu.memory_space<hbm>> -> memref<10000x128xf32, #tpu.memory_space<hbm>>
      tpu.wait_indirect_dma semaphore(%arg7 : memref<!tpu.dma_semaphore, #tpu.memory_space<semaphore_mem>>) src(%dma_wait3A_183 : memref<10000x128xf32, #tpu.memory_space<hbm>>) dst(%dma_wait3A_177 : memref<80x128xf32, #tpu.memory_space<vmem>>)
      %mul3A_184 = arith.constant 80 : i32
      %mul3A_185 = arith.muli %add3A_171, %mul3A_184 : i32
      %add3A_186 = arith.addi %mul3A_2, %mul3A_185 : i32
      %dma_start3A_187 = arith.constant 2 : i32
      %dma_start3A_188 = arith.constant 0 : i32
      %dma_start3A_189 = arith.constant 0 : i32
      %dma_start3A_190 = tpu.memref_slice %arg6[%dma_start3A_187, %dma_start3A_188, %dma_start3A_189] : memref<5x80x128xf32, #tpu.memory_space<vmem>> -> memref<1x80x128xf32, #tpu.memory_space<vmem>>
      %dma_start3A_191 = tpu.memref_squeeze %dma_start3A_190 : memref<1x80x128xf32, #tpu.memory_space<vmem>> -> memref<80x128xf32, #tpu.memory_space<vmem>>
      %dma_start3A_192 = arith.constant 0 : i32
      %dma_start3A_193 = tpu.memref_slice %arg4[%add3A_186, %dma_start3A_192] : memref<640000x128xf32, #tpu.memory_space<hbm>> -> memref<80x128xf32, #tpu.memory_space<hbm>>
      %dma_start3A_194 = arith.constant 0 : i32
      %dma_start3A_195 = tpu.memref_slice %arg4[%add3A_186, %dma_start3A_194] : memref<640000x128xf32, #tpu.memory_space<hbm>> -> memref<80x128xf32, #tpu.memory_space<hbm>>
      %dma_start3A_196 = arith.constant 0 : i32
      %dma_start3A_197 = arith.constant 0 : i32
      %dma_start3A_198 = tpu.memref_slice %arg6[%dma_start3A_187, %dma_start3A_196, %dma_start3A_197] : memref<5x80x128xf32, #tpu.memory_space<vmem>> -> memref<1x80x128xf32, #tpu.memory_space<vmem>>
      %dma_start3A_199 = tpu.memref_squeeze %dma_start3A_198 : memref<1x80x128xf32, #tpu.memory_space<vmem>> -> memref<80x128xf32, #tpu.memory_space<vmem>>
      tpu.enqueue_dma source(%dma_start3A_199 : memref<80x128xf32, #tpu.memory_space<vmem>>) target(%dma_start3A_195 : memref<80x128xf32, #tpu.memory_space<hbm>>) target_semaphore(%arg8 : memref<!tpu.dma_semaphore, #tpu.memory_space<semaphore_mem>>)
      %dma_wait3A_200 = arith.constant 2 : i32
      %dma_wait3A_201 = arith.constant 0 : i32
      %dma_wait3A_202 = arith.constant 0 : i32
      %dma_wait3A_203 = tpu.memref_slice %arg6[%dma_wait3A_200, %dma_wait3A_201, %dma_wait3A_202] : memref<5x80x128xf32, #tpu.memory_space<vmem>> -> memref<1x80x128xf32, #tpu.memory_space<vmem>>
      %dma_wait3A_204 = tpu.memref_squeeze %dma_wait3A_203 : memref<1x80x128xf32, #tpu.memory_space<vmem>> -> memref<80x128xf32, #tpu.memory_space<vmem>>
      %dma_wait3A_205 = arith.constant 0 : i32
      %dma_wait3A_206 = tpu.memref_slice %arg4[%mul3A_2, %dma_wait3A_205] : memref<640000x128xf32, #tpu.memory_space<hbm>> -> memref<80x128xf32, #tpu.memory_space<hbm>>
      %dma_wait3A_207 = arith.constant 0 : i32
      %dma_wait3A_208 = tpu.memref_slice %arg4[%mul3A_2, %dma_wait3A_207] : memref<640000x128xf32, #tpu.memory_space<hbm>> -> memref<80x128xf32, #tpu.memory_space<hbm>>
      %dma_wait3A_209 = arith.constant 0 : i32
      %dma_wait3A_210 = arith.constant 0 : i32
      %dma_wait3A_211 = tpu.memref_slice %arg6[%dma_wait3A_200, %dma_wait3A_209, %dma_wait3A_210] : memref<5x80x128xf32, #tpu.memory_space<vmem>> -> memref<1x80x128xf32, #tpu.memory_space<vmem>>
      %dma_wait3A_212 = tpu.memref_squeeze %dma_wait3A_211 : memref<1x80x128xf32, #tpu.memory_space<vmem>> -> memref<80x128xf32, #tpu.memory_space<vmem>>
      tpu.wait_dma2 semaphore(%arg8 : memref<!tpu.dma_semaphore, #tpu.memory_space<semaphore_mem>>) src(%dma_wait3A_212 : memref<80x128xf32, #tpu.memory_space<vmem>>) dst(%dma_wait3A_208 : memref<80x128xf32, #tpu.memory_space<hbm>>)
      %add3A_213 = arith.constant 5 : i32
      %add3A_214 = arith.addi %add3A_171, %add3A_213 : i32
      %lt3A_215 = arith.constant 250 : i32
      %lt3A_216 = arith.cmpi slt, %add3A_214, %lt3A_215 : i32
      %convert_element_type3A_217 = arith.extui %lt3A_216 : i1 to i32
      %cond3A_218 = arith.constant 0 : i32
      %cond3A_219 = arith.cmpi ne, %convert_element_type3A_217, %cond3A_218 : i32
      scf.if %cond3A_219 {
        %dma_start3A_324 = arith.constant 2 : i32
        %dma_start3A_325 = arith.constant 0 : i32
        %dma_start3A_326 = arith.constant 0 : i32
        %dma_start3A_327 = tpu.memref_slice %arg6[%dma_start3A_324, %dma_start3A_325, %dma_start3A_326] : memref<5x80x128xf32, #tpu.memory_space<vmem>> -> memref<1x80x128xf32, #tpu.memory_space<vmem>>
        %dma_start3A_328 = tpu.memref_squeeze %dma_start3A_327 : memref<1x80x128xf32, #tpu.memory_space<vmem>> -> memref<80x128xf32, #tpu.memory_space<vmem>>
        %dma_start3A_329 = arith.constant 0 : i32
        %dma_start3A_330 = tpu.memref_slice %arg5[%add3A_214, %dma_start3A_329] : memref<250x80xi32, #tpu.memory_space<vmem>> -> memref<1x80xi32, #tpu.memory_space<vmem>>
        %dma_start3A_331 = tpu.memref_squeeze %dma_start3A_330 : memref<1x80xi32, #tpu.memory_space<vmem>> -> memref<80xi32, #tpu.memory_space<vmem>>
        %dma_start3A_332 = arith.constant 0 : i32
        %dma_start3A_333 = arith.constant 0 : i32
        %dma_start3A_334 = tpu.memref_slice %arg2[%dma_start3A_332, %dma_start3A_333] : memref<10000x128xf32, #tpu.memory_space<hbm>> -> memref<10000x128xf32, #tpu.memory_space<hbm>>
        tpu.enqueue_indirect_dma source(%dma_start3A_334 : memref<10000x128xf32, #tpu.memory_space<hbm>>) target(%dma_start3A_328 : memref<80x128xf32, #tpu.memory_space<vmem>>) offsets(%dma_start3A_331 : memref<80xi32, #tpu.memory_space<vmem>>) semaphore(%arg7 : memref<!tpu.dma_semaphore, #tpu.memory_space<semaphore_mem>>)
      } else {
      }
      %mul3A_220 = arith.constant 5 : i32
      %mul3A_221 = arith.muli %scan3A_67, %mul3A_220 : i32
      %add3A_222 = arith.constant 3 : i32
      %add3A_223 = arith.addi %mul3A_221, %add3A_222 : i32
      %dma_wait3A_224 = arith.constant 0 : i32
      %dma_wait3A_225 = arith.constant 3 : i32
      %dma_wait3A_226 = arith.constant 0 : i32
      %dma_wait3A_227 = arith.constant 0 : i32
      %dma_wait3A_228 = tpu.memref_slice %arg6[%dma_wait3A_225, %dma_wait3A_226, %dma_wait3A_227] : memref<5x80x128xf32, #tpu.memory_space<vmem>> -> memref<1x80x128xf32, #tpu.memory_space<vmem>>
      %dma_wait3A_229 = tpu.memref_squeeze %dma_wait3A_228 : memref<1x80x128xf32, #tpu.memory_space<vmem>> -> memref<80x128xf32, #tpu.memory_space<vmem>>
      %dma_wait3A_230 = arith.constant 0 : i32
      %dma_wait3A_231 = tpu.memref_slice %arg5[%dma_wait3A_224, %dma_wait3A_230] : memref<250x80xi32, #tpu.memory_space<vmem>> -> memref<1x80xi32, #tpu.memory_space<vmem>>
      %dma_wait3A_232 = tpu.memref_squeeze %dma_wait3A_231 : memref<1x80xi32, #tpu.memory_space<vmem>> -> memref<80xi32, #tpu.memory_space<vmem>>
      %dma_wait3A_233 = arith.constant 0 : i32
      %dma_wait3A_234 = arith.constant 0 : i32
      %dma_wait3A_235 = tpu.memref_slice %arg2[%dma_wait3A_233, %dma_wait3A_234] : memref<10000x128xf32, #tpu.memory_space<hbm>> -> memref<10000x128xf32, #tpu.memory_space<hbm>>
      tpu.wait_indirect_dma semaphore(%arg7 : memref<!tpu.dma_semaphore, #tpu.memory_space<semaphore_mem>>) src(%dma_wait3A_235 : memref<10000x128xf32, #tpu.memory_space<hbm>>) dst(%dma_wait3A_229 : memref<80x128xf32, #tpu.memory_space<vmem>>)
      %mul3A_236 = arith.constant 80 : i32
      %mul3A_237 = arith.muli %add3A_223, %mul3A_236 : i32
      %add3A_238 = arith.addi %mul3A_2, %mul3A_237 : i32
      %dma_start3A_239 = arith.constant 3 : i32
      %dma_start3A_240 = arith.constant 0 : i32
      %dma_start3A_241 = arith.constant 0 : i32
      %dma_start3A_242 = tpu.memref_slice %arg6[%dma_start3A_239, %dma_start3A_240, %dma_start3A_241] : memref<5x80x128xf32, #tpu.memory_space<vmem>> -> memref<1x80x128xf32, #tpu.memory_space<vmem>>
      %dma_start3A_243 = tpu.memref_squeeze %dma_start3A_242 : memref<1x80x128xf32, #tpu.memory_space<vmem>> -> memref<80x128xf32, #tpu.memory_space<vmem>>
      %dma_start3A_244 = arith.constant 0 : i32
      %dma_start3A_245 = tpu.memref_slice %arg4[%add3A_238, %dma_start3A_244] : memref<640000x128xf32, #tpu.memory_space<hbm>> -> memref<80x128xf32, #tpu.memory_space<hbm>>
      %dma_start3A_246 = arith.constant 0 : i32
      %dma_start3A_247 = tpu.memref_slice %arg4[%add3A_238, %dma_start3A_246] : memref<640000x128xf32, #tpu.memory_space<hbm>> -> memref<80x128xf32, #tpu.memory_space<hbm>>
      %dma_start3A_248 = arith.constant 0 : i32
      %dma_start3A_249 = arith.constant 0 : i32
      %dma_start3A_250 = tpu.memref_slice %arg6[%dma_start3A_239, %dma_start3A_248, %dma_start3A_249] : memref<5x80x128xf32, #tpu.memory_space<vmem>> -> memref<1x80x128xf32, #tpu.memory_space<vmem>>
      %dma_start3A_251 = tpu.memref_squeeze %dma_start3A_250 : memref<1x80x128xf32, #tpu.memory_space<vmem>> -> memref<80x128xf32, #tpu.memory_space<vmem>>
      tpu.enqueue_dma source(%dma_start3A_251 : memref<80x128xf32, #tpu.memory_space<vmem>>) target(%dma_start3A_247 : memref<80x128xf32, #tpu.memory_space<hbm>>) target_semaphore(%arg8 : memref<!tpu.dma_semaphore, #tpu.memory_space<semaphore_mem>>)
      %dma_wait3A_252 = arith.constant 3 : i32
      %dma_wait3A_253 = arith.constant 0 : i32
      %dma_wait3A_254 = arith.constant 0 : i32
      %dma_wait3A_255 = tpu.memref_slice %arg6[%dma_wait3A_252, %dma_wait3A_253, %dma_wait3A_254] : memref<5x80x128xf32, #tpu.memory_space<vmem>> -> memref<1x80x128xf32, #tpu.memory_space<vmem>>
      %dma_wait3A_256 = tpu.memref_squeeze %dma_wait3A_255 : memref<1x80x128xf32, #tpu.memory_space<vmem>> -> memref<80x128xf32, #tpu.memory_space<vmem>>
      %dma_wait3A_257 = arith.constant 0 : i32
      %dma_wait3A_258 = tpu.memref_slice %arg4[%mul3A_2, %dma_wait3A_257] : memref<640000x128xf32, #tpu.memory_space<hbm>> -> memref<80x128xf32, #tpu.memory_space<hbm>>
      %dma_wait3A_259 = arith.constant 0 : i32
      %dma_wait3A_260 = tpu.memref_slice %arg4[%mul3A_2, %dma_wait3A_259] : memref<640000x128xf32, #tpu.memory_space<hbm>> -> memref<80x128xf32, #tpu.memory_space<hbm>>
      %dma_wait3A_261 = arith.constant 0 : i32
      %dma_wait3A_262 = arith.constant 0 : i32
      %dma_wait3A_263 = tpu.memref_slice %arg6[%dma_wait3A_252, %dma_wait3A_261, %dma_wait3A_262] : memref<5x80x128xf32, #tpu.memory_space<vmem>> -> memref<1x80x128xf32, #tpu.memory_space<vmem>>
      %dma_wait3A_264 = tpu.memref_squeeze %dma_wait3A_263 : memref<1x80x128xf32, #tpu.memory_space<vmem>> -> memref<80x128xf32, #tpu.memory_space<vmem>>
      tpu.wait_dma2 semaphore(%arg8 : memref<!tpu.dma_semaphore, #tpu.memory_space<semaphore_mem>>) src(%dma_wait3A_264 : memref<80x128xf32, #tpu.memory_space<vmem>>) dst(%dma_wait3A_260 : memref<80x128xf32, #tpu.memory_space<hbm>>)
      %add3A_265 = arith.constant 5 : i32
      %add3A_266 = arith.addi %add3A_223, %add3A_265 : i32
      %lt3A_267 = arith.constant 250 : i32
      %lt3A_268 = arith.cmpi slt, %add3A_266, %lt3A_267 : i32
      %convert_element_type3A_269 = arith.extui %lt3A_268 : i1 to i32
      %cond3A_270 = arith.constant 0 : i32
      %cond3A_271 = arith.cmpi ne, %convert_element_type3A_269, %cond3A_270 : i32
      scf.if %cond3A_271 {
        %dma_start3A_324 = arith.constant 3 : i32
        %dma_start3A_325 = arith.constant 0 : i32
        %dma_start3A_326 = arith.constant 0 : i32
        %dma_start3A_327 = tpu.memref_slice %arg6[%dma_start3A_324, %dma_start3A_325, %dma_start3A_326] : memref<5x80x128xf32, #tpu.memory_space<vmem>> -> memref<1x80x128xf32, #tpu.memory_space<vmem>>
        %dma_start3A_328 = tpu.memref_squeeze %dma_start3A_327 : memref<1x80x128xf32, #tpu.memory_space<vmem>> -> memref<80x128xf32, #tpu.memory_space<vmem>>
        %dma_start3A_329 = arith.constant 0 : i32
        %dma_start3A_330 = tpu.memref_slice %arg5[%add3A_266, %dma_start3A_329] : memref<250x80xi32, #tpu.memory_space<vmem>> -> memref<1x80xi32, #tpu.memory_space<vmem>>
        %dma_start3A_331 = tpu.memref_squeeze %dma_start3A_330 : memref<1x80xi32, #tpu.memory_space<vmem>> -> memref<80xi32, #tpu.memory_space<vmem>>
        %dma_start3A_332 = arith.constant 0 : i32
        %dma_start3A_333 = arith.constant 0 : i32
        %dma_start3A_334 = tpu.memref_slice %arg2[%dma_start3A_332, %dma_start3A_333] : memref<10000x128xf32, #tpu.memory_space<hbm>> -> memref<10000x128xf32, #tpu.memory_space<hbm>>
        tpu.enqueue_indirect_dma source(%dma_start3A_334 : memref<10000x128xf32, #tpu.memory_space<hbm>>) target(%dma_start3A_328 : memref<80x128xf32, #tpu.memory_space<vmem>>) offsets(%dma_start3A_331 : memref<80xi32, #tpu.memory_space<vmem>>) semaphore(%arg7 : memref<!tpu.dma_semaphore, #tpu.memory_space<semaphore_mem>>)
      } else {
      }
      %mul3A_272 = arith.constant 5 : i32
      %mul3A_273 = arith.muli %scan3A_67, %mul3A_272 : i32
      %add3A_274 = arith.constant 4 : i32
      %add3A_275 = arith.addi %mul3A_273, %add3A_274 : i32
      %dma_wait3A_276 = arith.constant 0 : i32
      %dma_wait3A_277 = arith.constant 4 : i32
      %dma_wait3A_278 = arith.constant 0 : i32
      %dma_wait3A_279 = arith.constant 0 : i32
      %dma_wait3A_280 = tpu.memref_slice %arg6[%dma_wait3A_277, %dma_wait3A_278, %dma_wait3A_279] : memref<5x80x128xf32, #tpu.memory_space<vmem>> -> memref<1x80x128xf32, #tpu.memory_space<vmem>>
      %dma_wait3A_281 = tpu.memref_squeeze %dma_wait3A_280 : memref<1x80x128xf32, #tpu.memory_space<vmem>> -> memref<80x128xf32, #tpu.memory_space<vmem>>
      %dma_wait3A_282 = arith.constant 0 : i32
      %dma_wait3A_283 = tpu.memref_slice %arg5[%dma_wait3A_276, %dma_wait3A_282] : memref<250x80xi32, #tpu.memory_space<vmem>> -> memref<1x80xi32, #tpu.memory_space<vmem>>
      %dma_wait3A_284 = tpu.memref_squeeze %dma_wait3A_283 : memref<1x80xi32, #tpu.memory_space<vmem>> -> memref<80xi32, #tpu.memory_space<vmem>>
      %dma_wait3A_285 = arith.constant 0 : i32
      %dma_wait3A_286 = arith.constant 0 : i32
      %dma_wait3A_287 = tpu.memref_slice %arg2[%dma_wait3A_285, %dma_wait3A_286] : memref<10000x128xf32, #tpu.memory_space<hbm>> -> memref<10000x128xf32, #tpu.memory_space<hbm>>
      tpu.wait_indirect_dma semaphore(%arg7 : memref<!tpu.dma_semaphore, #tpu.memory_space<semaphore_mem>>) src(%dma_wait3A_287 : memref<10000x128xf32, #tpu.memory_space<hbm>>) dst(%dma_wait3A_281 : memref<80x128xf32, #tpu.memory_space<vmem>>)
      %mul3A_288 = arith.constant 80 : i32
      %mul3A_289 = arith.muli %add3A_275, %mul3A_288 : i32
      %add3A_290 = arith.addi %mul3A_2, %mul3A_289 : i32
      %dma_start3A_291 = arith.constant 4 : i32
      %dma_start3A_292 = arith.constant 0 : i32
      %dma_start3A_293 = arith.constant 0 : i32
      %dma_start3A_294 = tpu.memref_slice %arg6[%dma_start3A_291, %dma_start3A_292, %dma_start3A_293] : memref<5x80x128xf32, #tpu.memory_space<vmem>> -> memref<1x80x128xf32, #tpu.memory_space<vmem>>
      %dma_start3A_295 = tpu.memref_squeeze %dma_start3A_294 : memref<1x80x128xf32, #tpu.memory_space<vmem>> -> memref<80x128xf32, #tpu.memory_space<vmem>>
      %dma_start3A_296 = arith.constant 0 : i32
      %dma_start3A_297 = tpu.memref_slice %arg4[%add3A_290, %dma_start3A_296] : memref<640000x128xf32, #tpu.memory_space<hbm>> -> memref<80x128xf32, #tpu.memory_space<hbm>>
      %dma_start3A_298 = arith.constant 0 : i32
      %dma_start3A_299 = tpu.memref_slice %arg4[%add3A_290, %dma_start3A_298] : memref<640000x128xf32, #tpu.memory_space<hbm>> -> memref<80x128xf32, #tpu.memory_space<hbm>>
      %dma_start3A_300 = arith.constant 0 : i32
      %dma_start3A_301 = arith.constant 0 : i32
      %dma_start3A_302 = tpu.memref_slice %arg6[%dma_start3A_291, %dma_start3A_300, %dma_start3A_301] : memref<5x80x128xf32, #tpu.memory_space<vmem>> -> memref<1x80x128xf32, #tpu.memory_space<vmem>>
      %dma_start3A_303 = tpu.memref_squeeze %dma_start3A_302 : memref<1x80x128xf32, #tpu.memory_space<vmem>> -> memref<80x128xf32, #tpu.memory_space<vmem>>
      tpu.enqueue_dma source(%dma_start3A_303 : memref<80x128xf32, #tpu.memory_space<vmem>>) target(%dma_start3A_299 : memref<80x128xf32, #tpu.memory_space<hbm>>) target_semaphore(%arg8 : memref<!tpu.dma_semaphore, #tpu.memory_space<semaphore_mem>>)
      %dma_wait3A_304 = arith.constant 4 : i32
      %dma_wait3A_305 = arith.constant 0 : i32
      %dma_wait3A_306 = arith.constant 0 : i32
      %dma_wait3A_307 = tpu.memref_slice %arg6[%dma_wait3A_304, %dma_wait3A_305, %dma_wait3A_306] : memref<5x80x128xf32, #tpu.memory_space<vmem>> -> memref<1x80x128xf32, #tpu.memory_space<vmem>>
      %dma_wait3A_308 = tpu.memref_squeeze %dma_wait3A_307 : memref<1x80x128xf32, #tpu.memory_space<vmem>> -> memref<80x128xf32, #tpu.memory_space<vmem>>
      %dma_wait3A_309 = arith.constant 0 : i32
      %dma_wait3A_310 = tpu.memref_slice %arg4[%mul3A_2, %dma_wait3A_309] : memref<640000x128xf32, #tpu.memory_space<hbm>> -> memref<80x128xf32, #tpu.memory_space<hbm>>
      %dma_wait3A_311 = arith.constant 0 : i32
      %dma_wait3A_312 = tpu.memref_slice %arg4[%mul3A_2, %dma_wait3A_311] : memref<640000x128xf32, #tpu.memory_space<hbm>> -> memref<80x128xf32, #tpu.memory_space<hbm>>
      %dma_wait3A_313 = arith.constant 0 : i32
      %dma_wait3A_314 = arith.constant 0 : i32
      %dma_wait3A_315 = tpu.memref_slice %arg6[%dma_wait3A_304, %dma_wait3A_313, %dma_wait3A_314] : memref<5x80x128xf32, #tpu.memory_space<vmem>> -> memref<1x80x128xf32, #tpu.memory_space<vmem>>
      %dma_wait3A_316 = tpu.memref_squeeze %dma_wait3A_315 : memref<1x80x128xf32, #tpu.memory_space<vmem>> -> memref<80x128xf32, #tpu.memory_space<vmem>>
      tpu.wait_dma2 semaphore(%arg8 : memref<!tpu.dma_semaphore, #tpu.memory_space<semaphore_mem>>) src(%dma_wait3A_316 : memref<80x128xf32, #tpu.memory_space<vmem>>) dst(%dma_wait3A_312 : memref<80x128xf32, #tpu.memory_space<hbm>>)
      %add3A_317 = arith.constant 5 : i32
      %add3A_318 = arith.addi %add3A_275, %add3A_317 : i32
      %lt3A_319 = arith.constant 250 : i32
      %lt3A_320 = arith.cmpi slt, %add3A_318, %lt3A_319 : i32
      %convert_element_type3A_321 = arith.extui %lt3A_320 : i1 to i32
      %cond3A_322 = arith.constant 0 : i32
      %cond3A_323 = arith.cmpi ne, %convert_element_type3A_321, %cond3A_322 : i32
      scf.if %cond3A_323 {
        %dma_start3A_324 = arith.constant 4 : i32
        %dma_start3A_325 = arith.constant 0 : i32
        %dma_start3A_326 = arith.constant 0 : i32
        %dma_start3A_327 = tpu.memref_slice %arg6[%dma_start3A_324, %dma_start3A_325, %dma_start3A_326] : memref<5x80x128xf32, #tpu.memory_space<vmem>> -> memref<1x80x128xf32, #tpu.memory_space<vmem>>
        %dma_start3A_328 = tpu.memref_squeeze %dma_start3A_327 : memref<1x80x128xf32, #tpu.memory_space<vmem>> -> memref<80x128xf32, #tpu.memory_space<vmem>>
        %dma_start3A_329 = arith.constant 0 : i32
        %dma_start3A_330 = tpu.memref_slice %arg5[%add3A_318, %dma_start3A_329] : memref<250x80xi32, #tpu.memory_space<vmem>> -> memref<1x80xi32, #tpu.memory_space<vmem>>
        %dma_start3A_331 = tpu.memref_squeeze %dma_start3A_330 : memref<1x80xi32, #tpu.memory_space<vmem>> -> memref<80xi32, #tpu.memory_space<vmem>>
        %dma_start3A_332 = arith.constant 0 : i32
        %dma_start3A_333 = arith.constant 0 : i32
        %dma_start3A_334 = tpu.memref_slice %arg2[%dma_start3A_332, %dma_start3A_333] : memref<10000x128xf32, #tpu.memory_space<hbm>> -> memref<10000x128xf32, #tpu.memory_space<hbm>>
        tpu.enqueue_indirect_dma source(%dma_start3A_334 : memref<10000x128xf32, #tpu.memory_space<hbm>>) target(%dma_start3A_328 : memref<80x128xf32, #tpu.memory_space<vmem>>) offsets(%dma_start3A_331 : memref<80xi32, #tpu.memory_space<vmem>>) semaphore(%arg7 : memref<!tpu.dma_semaphore, #tpu.memory_space<semaphore_mem>>)
      } else {
      }
    }
    %scan3A_66 = arith.constant 50 : i32
    return
  }
}

#map = affine_map<(d0, d1) -> (0, 0)>
#map1 = affine_map<(d0, d1) -> (0, 0, 0)>
module attributes {stable_mosaic.version = 14 : i64} {
  func.func @scatter_kernel(%arg0: i32, %arg1: i32, %arg2: memref<320000x128xf32, #tpu.memory_space<hbm>>, %arg3: memref<32x125x80xi32, #tpu.memory_space<hbm>>, %arg4: memref<10240x128xf32, #tpu.memory_space<hbm>>, %arg5: memref<20480x128xf32, #tpu.memory_space<hbm>>, %arg6: memref<125x80xi32, #tpu.memory_space<vmem>>, %arg7: memref<3x80x128xf32, #tpu.memory_space<vmem>>, %arg8: memref<10240x128xf32, #tpu.memory_space<vmem_shared>>, %arg9: memref<!tpu.dma_semaphore, #tpu.memory_space<semaphore_mem>>, %arg10: memref<!tpu.dma_semaphore, #tpu.memory_space<semaphore_mem>>) attributes {dimension_semantics = [#tpu.dimension_semantics<core_parallel>, #tpu.dimension_semantics<subcore_parallel>], iteration_bounds = array<i64: 2, 16>, scalar_prefetch = 0 : i64, scratch_operands = 5 : i64, tpu.core_type = #tpu.core_type<sc_vector_subcore>, window_params = [{transform_indices = #map}, {transform_indices = #map1}, {transform_indices = #map}, {transform_indices = #map}]} {
    %mul3A = arith.constant 16 : i32
    %mul3A_0 = arith.muli %arg0, %mul3A : i32
    %add3A = arith.addi %mul3A_0, %arg1 : i32
    %mul3A_1 = arith.constant 10000 : i32
    %mul3A_2 = arith.muli %add3A, %mul3A_1 : i32
    %mul3A_3 = arith.constant 640 : i32
    %mul3A_4 = arith.muli %arg1, %mul3A_3 : i32
    %mul3A_5 = arith.constant 640 : i32
    %mul3A_6 = arith.muli %arg1, %mul3A_5 : i32
    "tpu.region"() ({
      %run_scoped3A = tpu.sem_alloc : memref<!tpu.dma_semaphore, #tpu.memory_space<semaphore_mem>>
      %dma_start3A_137 = arith.constant 0 : i32
      %dma_start3A_138 = tpu.memref_slice %arg8[%mul3A_6, %dma_start3A_137] : memref<10240x128xf32, #tpu.memory_space<vmem_shared>> -> memref<640x128xf32, #tpu.memory_space<vmem_shared>>
      %dma_start3A_139 = arith.constant 0 : i32
      %dma_start3A_140 = tpu.memref_slice %arg4[%mul3A_4, %dma_start3A_139] : memref<10240x128xf32, #tpu.memory_space<hbm>> -> memref<640x128xf32, #tpu.memory_space<hbm>>
      tpu.enqueue_dma source(%dma_start3A_140 : memref<640x128xf32, #tpu.memory_space<hbm>>) target(%dma_start3A_138 : memref<640x128xf32, #tpu.memory_space<vmem_shared>>) target_semaphore(%run_scoped3A : memref<!tpu.dma_semaphore, #tpu.memory_space<semaphore_mem>>)
      %dma_wait3A_141 = arith.constant 0 : i32
      %dma_wait3A_142 = tpu.memref_slice %arg8[%mul3A_6, %dma_wait3A_141] : memref<10240x128xf32, #tpu.memory_space<vmem_shared>> -> memref<640x128xf32, #tpu.memory_space<vmem_shared>>
      %dma_wait3A_143 = arith.constant 0 : i32
      %dma_wait3A_144 = tpu.memref_slice %arg4[%mul3A_4, %dma_wait3A_143] : memref<10240x128xf32, #tpu.memory_space<hbm>> -> memref<640x128xf32, #tpu.memory_space<hbm>>
      tpu.wait_dma2 semaphore(%run_scoped3A : memref<!tpu.dma_semaphore, #tpu.memory_space<semaphore_mem>>) src(%dma_wait3A_144 : memref<640x128xf32, #tpu.memory_space<hbm>>) dst(%dma_wait3A_142 : memref<640x128xf32, #tpu.memory_space<vmem_shared>>)
      tpu.yield
    }) : () -> ()
    "tpu.region"() ({
      %run_scoped3A = tpu.sem_alloc : memref<!tpu.dma_semaphore, #tpu.memory_space<semaphore_mem>>
      %dma_start3A_137 = arith.constant 0 : i32
      %dma_start3A_138 = arith.constant 0 : i32
      %dma_start3A_139 = tpu.memref_slice %arg3[%add3A, %dma_start3A_137, %dma_start3A_138] : memref<32x125x80xi32, #tpu.memory_space<hbm>> -> memref<1x125x80xi32, #tpu.memory_space<hbm>>
      %dma_start3A_140 = tpu.memref_squeeze %dma_start3A_139 : memref<1x125x80xi32, #tpu.memory_space<hbm>> -> memref<125x80xi32, #tpu.memory_space<hbm>>
      %dma_start3A_141 = arith.constant 0 : i32
      %dma_start3A_142 = arith.constant 0 : i32
      %dma_start3A_143 = tpu.memref_slice %arg3[%add3A, %dma_start3A_141, %dma_start3A_142] : memref<32x125x80xi32, #tpu.memory_space<hbm>> -> memref<1x125x80xi32, #tpu.memory_space<hbm>>
      %dma_start3A_144 = tpu.memref_squeeze %dma_start3A_143 : memref<1x125x80xi32, #tpu.memory_space<hbm>> -> memref<125x80xi32, #tpu.memory_space<hbm>>
      tpu.enqueue_dma source(%dma_start3A_144 : memref<125x80xi32, #tpu.memory_space<hbm>>) target(%arg6 : memref<125x80xi32, #tpu.memory_space<vmem>>) target_semaphore(%run_scoped3A : memref<!tpu.dma_semaphore, #tpu.memory_space<semaphore_mem>>)
      %dma_wait3A_145 = arith.constant 0 : i32
      %dma_wait3A_146 = arith.constant 0 : i32
      %dma_wait3A_147 = tpu.memref_slice %arg3[%add3A, %dma_wait3A_145, %dma_wait3A_146] : memref<32x125x80xi32, #tpu.memory_space<hbm>> -> memref<1x125x80xi32, #tpu.memory_space<hbm>>
      %dma_wait3A_148 = tpu.memref_squeeze %dma_wait3A_147 : memref<1x125x80xi32, #tpu.memory_space<hbm>> -> memref<125x80xi32, #tpu.memory_space<hbm>>
      %dma_wait3A_149 = arith.constant 0 : i32
      %dma_wait3A_150 = arith.constant 0 : i32
      %dma_wait3A_151 = tpu.memref_slice %arg3[%add3A, %dma_wait3A_149, %dma_wait3A_150] : memref<32x125x80xi32, #tpu.memory_space<hbm>> -> memref<1x125x80xi32, #tpu.memory_space<hbm>>
      %dma_wait3A_152 = tpu.memref_squeeze %dma_wait3A_151 : memref<1x125x80xi32, #tpu.memory_space<hbm>> -> memref<125x80xi32, #tpu.memory_space<hbm>>
      tpu.wait_dma2 semaphore(%run_scoped3A : memref<!tpu.dma_semaphore, #tpu.memory_space<semaphore_mem>>) src(%dma_wait3A_152 : memref<125x80xi32, #tpu.memory_space<hbm>>) dst(%arg6 : memref<125x80xi32, #tpu.memory_space<vmem>>)
      tpu.yield
    }) : () -> ()
    %barrier3A = arith.constant 0 : index
    tpu.barrier barrier_id(%barrier3A)
    %add3A_7 = arith.constant 0 : i32
    %add3A_8 = arith.addi %mul3A_2, %add3A_7 : i32
    %dma_start3A = arith.constant 0 : i32
    %dma_start3A_9 = arith.constant 0 : i32
    %dma_start3A_10 = arith.constant 0 : i32
    %dma_start3A_11 = tpu.memref_slice %arg7[%dma_start3A, %dma_start3A_9, %dma_start3A_10] : memref<3x80x128xf32, #tpu.memory_space<vmem>> -> memref<1x80x128xf32, #tpu.memory_space<vmem>>
    %dma_start3A_12 = tpu.memref_squeeze %dma_start3A_11 : memref<1x80x128xf32, #tpu.memory_space<vmem>> -> memref<80x128xf32, #tpu.memory_space<vmem>>
    %dma_start3A_13 = arith.constant 0 : i32
    %dma_start3A_14 = tpu.memref_slice %arg2[%add3A_8, %dma_start3A_13] : memref<320000x128xf32, #tpu.memory_space<hbm>> -> memref<80x128xf32, #tpu.memory_space<hbm>>
    %dma_start3A_15 = arith.constant 0 : i32
    %dma_start3A_16 = arith.constant 0 : i32
    %dma_start3A_17 = tpu.memref_slice %arg7[%dma_start3A, %dma_start3A_15, %dma_start3A_16] : memref<3x80x128xf32, #tpu.memory_space<vmem>> -> memref<1x80x128xf32, #tpu.memory_space<vmem>>
    %dma_start3A_18 = tpu.memref_squeeze %dma_start3A_17 : memref<1x80x128xf32, #tpu.memory_space<vmem>> -> memref<80x128xf32, #tpu.memory_space<vmem>>
    %dma_start3A_19 = arith.constant 0 : i32
    %dma_start3A_20 = tpu.memref_slice %arg2[%add3A_8, %dma_start3A_19] : memref<320000x128xf32, #tpu.memory_space<hbm>> -> memref<80x128xf32, #tpu.memory_space<hbm>>
    tpu.enqueue_dma source(%dma_start3A_20 : memref<80x128xf32, #tpu.memory_space<hbm>>) target(%dma_start3A_18 : memref<80x128xf32, #tpu.memory_space<vmem>>) target_semaphore(%arg9 : memref<!tpu.dma_semaphore, #tpu.memory_space<semaphore_mem>>)
    %add3A_21 = arith.constant 80 : i32
    %add3A_22 = arith.addi %mul3A_2, %add3A_21 : i32
    %dma_start3A_23 = arith.constant 1 : i32
    %dma_start3A_24 = arith.constant 0 : i32
    %dma_start3A_25 = arith.constant 0 : i32
    %dma_start3A_26 = tpu.memref_slice %arg7[%dma_start3A_23, %dma_start3A_24, %dma_start3A_25] : memref<3x80x128xf32, #tpu.memory_space<vmem>> -> memref<1x80x128xf32, #tpu.memory_space<vmem>>
    %dma_start3A_27 = tpu.memref_squeeze %dma_start3A_26 : memref<1x80x128xf32, #tpu.memory_space<vmem>> -> memref<80x128xf32, #tpu.memory_space<vmem>>
    %dma_start3A_28 = arith.constant 0 : i32
    %dma_start3A_29 = tpu.memref_slice %arg2[%add3A_22, %dma_start3A_28] : memref<320000x128xf32, #tpu.memory_space<hbm>> -> memref<80x128xf32, #tpu.memory_space<hbm>>
    %dma_start3A_30 = arith.constant 0 : i32
    %dma_start3A_31 = arith.constant 0 : i32
    %dma_start3A_32 = tpu.memref_slice %arg7[%dma_start3A_23, %dma_start3A_30, %dma_start3A_31] : memref<3x80x128xf32, #tpu.memory_space<vmem>> -> memref<1x80x128xf32, #tpu.memory_space<vmem>>
    %dma_start3A_33 = tpu.memref_squeeze %dma_start3A_32 : memref<1x80x128xf32, #tpu.memory_space<vmem>> -> memref<80x128xf32, #tpu.memory_space<vmem>>
    %dma_start3A_34 = arith.constant 0 : i32
    %dma_start3A_35 = tpu.memref_slice %arg2[%add3A_22, %dma_start3A_34] : memref<320000x128xf32, #tpu.memory_space<hbm>> -> memref<80x128xf32, #tpu.memory_space<hbm>>
    tpu.enqueue_dma source(%dma_start3A_35 : memref<80x128xf32, #tpu.memory_space<hbm>>) target(%dma_start3A_33 : memref<80x128xf32, #tpu.memory_space<vmem>>) target_semaphore(%arg9 : memref<!tpu.dma_semaphore, #tpu.memory_space<semaphore_mem>>)
    %add3A_36 = arith.constant 160 : i32
    %add3A_37 = arith.addi %mul3A_2, %add3A_36 : i32
    %dma_start3A_38 = arith.constant 2 : i32
    %dma_start3A_39 = arith.constant 0 : i32
    %dma_start3A_40 = arith.constant 0 : i32
    %dma_start3A_41 = tpu.memref_slice %arg7[%dma_start3A_38, %dma_start3A_39, %dma_start3A_40] : memref<3x80x128xf32, #tpu.memory_space<vmem>> -> memref<1x80x128xf32, #tpu.memory_space<vmem>>
    %dma_start3A_42 = tpu.memref_squeeze %dma_start3A_41 : memref<1x80x128xf32, #tpu.memory_space<vmem>> -> memref<80x128xf32, #tpu.memory_space<vmem>>
    %dma_start3A_43 = arith.constant 0 : i32
    %dma_start3A_44 = tpu.memref_slice %arg2[%add3A_37, %dma_start3A_43] : memref<320000x128xf32, #tpu.memory_space<hbm>> -> memref<80x128xf32, #tpu.memory_space<hbm>>
    %dma_start3A_45 = arith.constant 0 : i32
    %dma_start3A_46 = arith.constant 0 : i32
    %dma_start3A_47 = tpu.memref_slice %arg7[%dma_start3A_38, %dma_start3A_45, %dma_start3A_46] : memref<3x80x128xf32, #tpu.memory_space<vmem>> -> memref<1x80x128xf32, #tpu.memory_space<vmem>>
    %dma_start3A_48 = tpu.memref_squeeze %dma_start3A_47 : memref<1x80x128xf32, #tpu.memory_space<vmem>> -> memref<80x128xf32, #tpu.memory_space<vmem>>
    %dma_start3A_49 = arith.constant 0 : i32
    %dma_start3A_50 = tpu.memref_slice %arg2[%add3A_37, %dma_start3A_49] : memref<320000x128xf32, #tpu.memory_space<hbm>> -> memref<80x128xf32, #tpu.memory_space<hbm>>
    tpu.enqueue_dma source(%dma_start3A_50 : memref<80x128xf32, #tpu.memory_space<hbm>>) target(%dma_start3A_48 : memref<80x128xf32, #tpu.memory_space<vmem>>) target_semaphore(%arg9 : memref<!tpu.dma_semaphore, #tpu.memory_space<semaphore_mem>>)
    %scan3A = arith.constant 0 : i32
    %scan3A_51 = arith.constant 0 : i32
    %scan3A_52 = arith.constant 41 : i32
    %scan3A_53 = arith.addi %scan3A_51, %scan3A_52 : i32
    %scan3A_54 = arith.constant 1 : i32
    scf.for %scan3A_137 = %scan3A_51 to %scan3A_53 step %scan3A_54  : i32 {
      %mul3A_138 = arith.constant 3 : i32
      %mul3A_139 = arith.muli %scan3A_137, %mul3A_138 : i32
      %add3A_140 = arith.constant 0 : i32
      %add3A_141 = arith.addi %mul3A_139, %add3A_140 : i32
      %dma_wait3A_142 = arith.constant 0 : i32
      %dma_wait3A_143 = arith.constant 0 : i32
      %dma_wait3A_144 = arith.constant 0 : i32
      %dma_wait3A_145 = tpu.memref_slice %arg7[%dma_wait3A_142, %dma_wait3A_143, %dma_wait3A_144] : memref<3x80x128xf32, #tpu.memory_space<vmem>> -> memref<1x80x128xf32, #tpu.memory_space<vmem>>
      %dma_wait3A_146 = tpu.memref_squeeze %dma_wait3A_145 : memref<1x80x128xf32, #tpu.memory_space<vmem>> -> memref<80x128xf32, #tpu.memory_space<vmem>>
      %dma_wait3A_147 = arith.constant 0 : i32
      %dma_wait3A_148 = tpu.memref_slice %arg2[%mul3A_2, %dma_wait3A_147] : memref<320000x128xf32, #tpu.memory_space<hbm>> -> memref<80x128xf32, #tpu.memory_space<hbm>>
      %dma_wait3A_149 = arith.constant 0 : i32
      %dma_wait3A_150 = arith.constant 0 : i32
      %dma_wait3A_151 = tpu.memref_slice %arg7[%dma_wait3A_142, %dma_wait3A_149, %dma_wait3A_150] : memref<3x80x128xf32, #tpu.memory_space<vmem>> -> memref<1x80x128xf32, #tpu.memory_space<vmem>>
      %dma_wait3A_152 = tpu.memref_squeeze %dma_wait3A_151 : memref<1x80x128xf32, #tpu.memory_space<vmem>> -> memref<80x128xf32, #tpu.memory_space<vmem>>
      %dma_wait3A_153 = arith.constant 0 : i32
      %dma_wait3A_154 = tpu.memref_slice %arg2[%mul3A_2, %dma_wait3A_153] : memref<320000x128xf32, #tpu.memory_space<hbm>> -> memref<80x128xf32, #tpu.memory_space<hbm>>
      tpu.wait_dma2 semaphore(%arg9 : memref<!tpu.dma_semaphore, #tpu.memory_space<semaphore_mem>>) src(%dma_wait3A_154 : memref<80x128xf32, #tpu.memory_space<hbm>>) dst(%dma_wait3A_152 : memref<80x128xf32, #tpu.memory_space<vmem>>)
      %dma_start3A_155 = arith.constant 0 : i32
      %dma_start3A_156 = arith.constant 0 : i32
      %dma_start3A_157 = arith.constant 0 : i32
      %dma_start3A_158 = tpu.memref_slice %arg7[%dma_start3A_155, %dma_start3A_156, %dma_start3A_157] : memref<3x80x128xf32, #tpu.memory_space<vmem>> -> memref<1x80x128xf32, #tpu.memory_space<vmem>>
      %dma_start3A_159 = tpu.memref_squeeze %dma_start3A_158 : memref<1x80x128xf32, #tpu.memory_space<vmem>> -> memref<80x128xf32, #tpu.memory_space<vmem>>
      %dma_start3A_160 = arith.constant 0 : i32
      %dma_start3A_161 = tpu.memref_slice %arg6[%add3A_141, %dma_start3A_160] : memref<125x80xi32, #tpu.memory_space<vmem>> -> memref<1x80xi32, #tpu.memory_space<vmem>>
      %dma_start3A_162 = tpu.memref_squeeze %dma_start3A_161 : memref<1x80xi32, #tpu.memory_space<vmem>> -> memref<80xi32, #tpu.memory_space<vmem>>
      %dma_start3A_163 = arith.constant 0 : i32
      %dma_start3A_164 = arith.constant 0 : i32
      %dma_start3A_165 = tpu.memref_slice %arg8[%dma_start3A_163, %dma_start3A_164] : memref<10240x128xf32, #tpu.memory_space<vmem_shared>> -> memref<10240x128xf32, #tpu.memory_space<vmem_shared>>
      tpu.enqueue_indirect_dma source(%dma_start3A_159 : memref<80x128xf32, #tpu.memory_space<vmem>>) target(%dma_start3A_165 : memref<10240x128xf32, #tpu.memory_space<vmem_shared>>) offsets(%dma_start3A_162 : memref<80xi32, #tpu.memory_space<vmem>>) semaphore(%arg10 : memref<!tpu.dma_semaphore, #tpu.memory_space<semaphore_mem>>) {add = true}
      %dma_wait3A_166 = arith.constant 0 : i32
      %dma_wait3A_167 = arith.constant 0 : i32
      %dma_wait3A_168 = arith.constant 0 : i32
      %dma_wait3A_169 = arith.constant 0 : i32
      %dma_wait3A_170 = tpu.memref_slice %arg7[%dma_wait3A_166, %dma_wait3A_168, %dma_wait3A_169] : memref<3x80x128xf32, #tpu.memory_space<vmem>> -> memref<1x80x128xf32, #tpu.memory_space<vmem>>
      %dma_wait3A_171 = tpu.memref_squeeze %dma_wait3A_170 : memref<1x80x128xf32, #tpu.memory_space<vmem>> -> memref<80x128xf32, #tpu.memory_space<vmem>>
      %dma_wait3A_172 = arith.constant 0 : i32
      %dma_wait3A_173 = tpu.memref_slice %arg6[%dma_wait3A_167, %dma_wait3A_172] : memref<125x80xi32, #tpu.memory_space<vmem>> -> memref<1x80xi32, #tpu.memory_space<vmem>>
      %dma_wait3A_174 = tpu.memref_squeeze %dma_wait3A_173 : memref<1x80xi32, #tpu.memory_space<vmem>> -> memref<80xi32, #tpu.memory_space<vmem>>
      %dma_wait3A_175 = arith.constant 0 : i32
      %dma_wait3A_176 = arith.constant 0 : i32
      %dma_wait3A_177 = tpu.memref_slice %arg8[%dma_wait3A_175, %dma_wait3A_176] : memref<10240x128xf32, #tpu.memory_space<vmem_shared>> -> memref<10240x128xf32, #tpu.memory_space<vmem_shared>>
      tpu.wait_indirect_dma semaphore(%arg10 : memref<!tpu.dma_semaphore, #tpu.memory_space<semaphore_mem>>) src(%dma_wait3A_171 : memref<80x128xf32, #tpu.memory_space<vmem>>) dst(%dma_wait3A_177 : memref<10240x128xf32, #tpu.memory_space<vmem_shared>>)
      %add3A_178 = arith.constant 3 : i32
      %add3A_179 = arith.addi %add3A_141, %add3A_178 : i32
      %lt3A = arith.constant 125 : i32
      %lt3A_180 = arith.cmpi slt, %add3A_179, %lt3A : i32
      %convert_element_type3A = arith.extui %lt3A_180 : i1 to i32
      %cond3A = arith.constant 0 : i32
      %cond3A_181 = arith.cmpi ne, %convert_element_type3A, %cond3A : i32
      scf.if %cond3A_181 {
        %mul3A_276 = arith.constant 80 : i32
        %mul3A_277 = arith.muli %add3A_179, %mul3A_276 : i32
        %add3A_278 = arith.addi %mul3A_2, %mul3A_277 : i32
        %dma_start3A_279 = arith.constant 0 : i32
        %dma_start3A_280 = arith.constant 0 : i32
        %dma_start3A_281 = arith.constant 0 : i32
        %dma_start3A_282 = tpu.memref_slice %arg7[%dma_start3A_279, %dma_start3A_280, %dma_start3A_281] : memref<3x80x128xf32, #tpu.memory_space<vmem>> -> memref<1x80x128xf32, #tpu.memory_space<vmem>>
        %dma_start3A_283 = tpu.memref_squeeze %dma_start3A_282 : memref<1x80x128xf32, #tpu.memory_space<vmem>> -> memref<80x128xf32, #tpu.memory_space<vmem>>
        %dma_start3A_284 = arith.constant 0 : i32
        %dma_start3A_285 = tpu.memref_slice %arg2[%add3A_278, %dma_start3A_284] : memref<320000x128xf32, #tpu.memory_space<hbm>> -> memref<80x128xf32, #tpu.memory_space<hbm>>
        %dma_start3A_286 = arith.constant 0 : i32
        %dma_start3A_287 = arith.constant 0 : i32
        %dma_start3A_288 = tpu.memref_slice %arg7[%dma_start3A_279, %dma_start3A_286, %dma_start3A_287] : memref<3x80x128xf32, #tpu.memory_space<vmem>> -> memref<1x80x128xf32, #tpu.memory_space<vmem>>
        %dma_start3A_289 = tpu.memref_squeeze %dma_start3A_288 : memref<1x80x128xf32, #tpu.memory_space<vmem>> -> memref<80x128xf32, #tpu.memory_space<vmem>>
        %dma_start3A_290 = arith.constant 0 : i32
        %dma_start3A_291 = tpu.memref_slice %arg2[%add3A_278, %dma_start3A_290] : memref<320000x128xf32, #tpu.memory_space<hbm>> -> memref<80x128xf32, #tpu.memory_space<hbm>>
        tpu.enqueue_dma source(%dma_start3A_291 : memref<80x128xf32, #tpu.memory_space<hbm>>) target(%dma_start3A_289 : memref<80x128xf32, #tpu.memory_space<vmem>>) target_semaphore(%arg9 : memref<!tpu.dma_semaphore, #tpu.memory_space<semaphore_mem>>)
      } else {
      }
      %mul3A_182 = arith.constant 3 : i32
      %mul3A_183 = arith.muli %scan3A_137, %mul3A_182 : i32
      %add3A_184 = arith.constant 1 : i32
      %add3A_185 = arith.addi %mul3A_183, %add3A_184 : i32
      %dma_wait3A_186 = arith.constant 1 : i32
      %dma_wait3A_187 = arith.constant 0 : i32
      %dma_wait3A_188 = arith.constant 0 : i32
      %dma_wait3A_189 = tpu.memref_slice %arg7[%dma_wait3A_186, %dma_wait3A_187, %dma_wait3A_188] : memref<3x80x128xf32, #tpu.memory_space<vmem>> -> memref<1x80x128xf32, #tpu.memory_space<vmem>>
      %dma_wait3A_190 = tpu.memref_squeeze %dma_wait3A_189 : memref<1x80x128xf32, #tpu.memory_space<vmem>> -> memref<80x128xf32, #tpu.memory_space<vmem>>
      %dma_wait3A_191 = arith.constant 0 : i32
      %dma_wait3A_192 = tpu.memref_slice %arg2[%mul3A_2, %dma_wait3A_191] : memref<320000x128xf32, #tpu.memory_space<hbm>> -> memref<80x128xf32, #tpu.memory_space<hbm>>
      %dma_wait3A_193 = arith.constant 0 : i32
      %dma_wait3A_194 = arith.constant 0 : i32
      %dma_wait3A_195 = tpu.memref_slice %arg7[%dma_wait3A_186, %dma_wait3A_193, %dma_wait3A_194] : memref<3x80x128xf32, #tpu.memory_space<vmem>> -> memref<1x80x128xf32, #tpu.memory_space<vmem>>
      %dma_wait3A_196 = tpu.memref_squeeze %dma_wait3A_195 : memref<1x80x128xf32, #tpu.memory_space<vmem>> -> memref<80x128xf32, #tpu.memory_space<vmem>>
      %dma_wait3A_197 = arith.constant 0 : i32
      %dma_wait3A_198 = tpu.memref_slice %arg2[%mul3A_2, %dma_wait3A_197] : memref<320000x128xf32, #tpu.memory_space<hbm>> -> memref<80x128xf32, #tpu.memory_space<hbm>>
      tpu.wait_dma2 semaphore(%arg9 : memref<!tpu.dma_semaphore, #tpu.memory_space<semaphore_mem>>) src(%dma_wait3A_198 : memref<80x128xf32, #tpu.memory_space<hbm>>) dst(%dma_wait3A_196 : memref<80x128xf32, #tpu.memory_space<vmem>>)
      %dma_start3A_199 = arith.constant 1 : i32
      %dma_start3A_200 = arith.constant 0 : i32
      %dma_start3A_201 = arith.constant 0 : i32
      %dma_start3A_202 = tpu.memref_slice %arg7[%dma_start3A_199, %dma_start3A_200, %dma_start3A_201] : memref<3x80x128xf32, #tpu.memory_space<vmem>> -> memref<1x80x128xf32, #tpu.memory_space<vmem>>
      %dma_start3A_203 = tpu.memref_squeeze %dma_start3A_202 : memref<1x80x128xf32, #tpu.memory_space<vmem>> -> memref<80x128xf32, #tpu.memory_space<vmem>>
      %dma_start3A_204 = arith.constant 0 : i32
      %dma_start3A_205 = tpu.memref_slice %arg6[%add3A_185, %dma_start3A_204] : memref<125x80xi32, #tpu.memory_space<vmem>> -> memref<1x80xi32, #tpu.memory_space<vmem>>
      %dma_start3A_206 = tpu.memref_squeeze %dma_start3A_205 : memref<1x80xi32, #tpu.memory_space<vmem>> -> memref<80xi32, #tpu.memory_space<vmem>>
      %dma_start3A_207 = arith.constant 0 : i32
      %dma_start3A_208 = arith.constant 0 : i32
      %dma_start3A_209 = tpu.memref_slice %arg8[%dma_start3A_207, %dma_start3A_208] : memref<10240x128xf32, #tpu.memory_space<vmem_shared>> -> memref<10240x128xf32, #tpu.memory_space<vmem_shared>>
      tpu.enqueue_indirect_dma source(%dma_start3A_203 : memref<80x128xf32, #tpu.memory_space<vmem>>) target(%dma_start3A_209 : memref<10240x128xf32, #tpu.memory_space<vmem_shared>>) offsets(%dma_start3A_206 : memref<80xi32, #tpu.memory_space<vmem>>) semaphore(%arg10 : memref<!tpu.dma_semaphore, #tpu.memory_space<semaphore_mem>>) {add = true}
      %dma_wait3A_210 = arith.constant 1 : i32
      %dma_wait3A_211 = arith.constant 0 : i32
      %dma_wait3A_212 = arith.constant 0 : i32
      %dma_wait3A_213 = arith.constant 0 : i32
      %dma_wait3A_214 = tpu.memref_slice %arg7[%dma_wait3A_210, %dma_wait3A_212, %dma_wait3A_213] : memref<3x80x128xf32, #tpu.memory_space<vmem>> -> memref<1x80x128xf32, #tpu.memory_space<vmem>>
      %dma_wait3A_215 = tpu.memref_squeeze %dma_wait3A_214 : memref<1x80x128xf32, #tpu.memory_space<vmem>> -> memref<80x128xf32, #tpu.memory_space<vmem>>
      %dma_wait3A_216 = arith.constant 0 : i32
      %dma_wait3A_217 = tpu.memref_slice %arg6[%dma_wait3A_211, %dma_wait3A_216] : memref<125x80xi32, #tpu.memory_space<vmem>> -> memref<1x80xi32, #tpu.memory_space<vmem>>
      %dma_wait3A_218 = tpu.memref_squeeze %dma_wait3A_217 : memref<1x80xi32, #tpu.memory_space<vmem>> -> memref<80xi32, #tpu.memory_space<vmem>>
      %dma_wait3A_219 = arith.constant 0 : i32
      %dma_wait3A_220 = arith.constant 0 : i32
      %dma_wait3A_221 = tpu.memref_slice %arg8[%dma_wait3A_219, %dma_wait3A_220] : memref<10240x128xf32, #tpu.memory_space<vmem_shared>> -> memref<10240x128xf32, #tpu.memory_space<vmem_shared>>
      tpu.wait_indirect_dma semaphore(%arg10 : memref<!tpu.dma_semaphore, #tpu.memory_space<semaphore_mem>>) src(%dma_wait3A_215 : memref<80x128xf32, #tpu.memory_space<vmem>>) dst(%dma_wait3A_221 : memref<10240x128xf32, #tpu.memory_space<vmem_shared>>)
      %add3A_222 = arith.constant 3 : i32
      %add3A_223 = arith.addi %add3A_185, %add3A_222 : i32
      %lt3A_224 = arith.constant 125 : i32
      %lt3A_225 = arith.cmpi slt, %add3A_223, %lt3A_224 : i32
      %convert_element_type3A_226 = arith.extui %lt3A_225 : i1 to i32
      %cond3A_227 = arith.constant 0 : i32
      %cond3A_228 = arith.cmpi ne, %convert_element_type3A_226, %cond3A_227 : i32
      scf.if %cond3A_228 {
        %mul3A_276 = arith.constant 80 : i32
        %mul3A_277 = arith.muli %add3A_223, %mul3A_276 : i32
        %add3A_278 = arith.addi %mul3A_2, %mul3A_277 : i32
        %dma_start3A_279 = arith.constant 1 : i32
        %dma_start3A_280 = arith.constant 0 : i32
        %dma_start3A_281 = arith.constant 0 : i32
        %dma_start3A_282 = tpu.memref_slice %arg7[%dma_start3A_279, %dma_start3A_280, %dma_start3A_281] : memref<3x80x128xf32, #tpu.memory_space<vmem>> -> memref<1x80x128xf32, #tpu.memory_space<vmem>>
        %dma_start3A_283 = tpu.memref_squeeze %dma_start3A_282 : memref<1x80x128xf32, #tpu.memory_space<vmem>> -> memref<80x128xf32, #tpu.memory_space<vmem>>
        %dma_start3A_284 = arith.constant 0 : i32
        %dma_start3A_285 = tpu.memref_slice %arg2[%add3A_278, %dma_start3A_284] : memref<320000x128xf32, #tpu.memory_space<hbm>> -> memref<80x128xf32, #tpu.memory_space<hbm>>
        %dma_start3A_286 = arith.constant 0 : i32
        %dma_start3A_287 = arith.constant 0 : i32
        %dma_start3A_288 = tpu.memref_slice %arg7[%dma_start3A_279, %dma_start3A_286, %dma_start3A_287] : memref<3x80x128xf32, #tpu.memory_space<vmem>> -> memref<1x80x128xf32, #tpu.memory_space<vmem>>
        %dma_start3A_289 = tpu.memref_squeeze %dma_start3A_288 : memref<1x80x128xf32, #tpu.memory_space<vmem>> -> memref<80x128xf32, #tpu.memory_space<vmem>>
        %dma_start3A_290 = arith.constant 0 : i32
        %dma_start3A_291 = tpu.memref_slice %arg2[%add3A_278, %dma_start3A_290] : memref<320000x128xf32, #tpu.memory_space<hbm>> -> memref<80x128xf32, #tpu.memory_space<hbm>>
        tpu.enqueue_dma source(%dma_start3A_291 : memref<80x128xf32, #tpu.memory_space<hbm>>) target(%dma_start3A_289 : memref<80x128xf32, #tpu.memory_space<vmem>>) target_semaphore(%arg9 : memref<!tpu.dma_semaphore, #tpu.memory_space<semaphore_mem>>)
      } else {
      }
      %mul3A_229 = arith.constant 3 : i32
      %mul3A_230 = arith.muli %scan3A_137, %mul3A_229 : i32
      %add3A_231 = arith.constant 2 : i32
      %add3A_232 = arith.addi %mul3A_230, %add3A_231 : i32
      %dma_wait3A_233 = arith.constant 2 : i32
      %dma_wait3A_234 = arith.constant 0 : i32
      %dma_wait3A_235 = arith.constant 0 : i32
      %dma_wait3A_236 = tpu.memref_slice %arg7[%dma_wait3A_233, %dma_wait3A_234, %dma_wait3A_235] : memref<3x80x128xf32, #tpu.memory_space<vmem>> -> memref<1x80x128xf32, #tpu.memory_space<vmem>>
      %dma_wait3A_237 = tpu.memref_squeeze %dma_wait3A_236 : memref<1x80x128xf32, #tpu.memory_space<vmem>> -> memref<80x128xf32, #tpu.memory_space<vmem>>
      %dma_wait3A_238 = arith.constant 0 : i32
      %dma_wait3A_239 = tpu.memref_slice %arg2[%mul3A_2, %dma_wait3A_238] : memref<320000x128xf32, #tpu.memory_space<hbm>> -> memref<80x128xf32, #tpu.memory_space<hbm>>
      %dma_wait3A_240 = arith.constant 0 : i32
      %dma_wait3A_241 = arith.constant 0 : i32
      %dma_wait3A_242 = tpu.memref_slice %arg7[%dma_wait3A_233, %dma_wait3A_240, %dma_wait3A_241] : memref<3x80x128xf32, #tpu.memory_space<vmem>> -> memref<1x80x128xf32, #tpu.memory_space<vmem>>
      %dma_wait3A_243 = tpu.memref_squeeze %dma_wait3A_242 : memref<1x80x128xf32, #tpu.memory_space<vmem>> -> memref<80x128xf32, #tpu.memory_space<vmem>>
      %dma_wait3A_244 = arith.constant 0 : i32
      %dma_wait3A_245 = tpu.memref_slice %arg2[%mul3A_2, %dma_wait3A_244] : memref<320000x128xf32, #tpu.memory_space<hbm>> -> memref<80x128xf32, #tpu.memory_space<hbm>>
      tpu.wait_dma2 semaphore(%arg9 : memref<!tpu.dma_semaphore, #tpu.memory_space<semaphore_mem>>) src(%dma_wait3A_245 : memref<80x128xf32, #tpu.memory_space<hbm>>) dst(%dma_wait3A_243 : memref<80x128xf32, #tpu.memory_space<vmem>>)
      %dma_start3A_246 = arith.constant 2 : i32
      %dma_start3A_247 = arith.constant 0 : i32
      %dma_start3A_248 = arith.constant 0 : i32
      %dma_start3A_249 = tpu.memref_slice %arg7[%dma_start3A_246, %dma_start3A_247, %dma_start3A_248] : memref<3x80x128xf32, #tpu.memory_space<vmem>> -> memref<1x80x128xf32, #tpu.memory_space<vmem>>
      %dma_start3A_250 = tpu.memref_squeeze %dma_start3A_249 : memref<1x80x128xf32, #tpu.memory_space<vmem>> -> memref<80x128xf32, #tpu.memory_space<vmem>>
      %dma_start3A_251 = arith.constant 0 : i32
      %dma_start3A_252 = tpu.memref_slice %arg6[%add3A_232, %dma_start3A_251] : memref<125x80xi32, #tpu.memory_space<vmem>> -> memref<1x80xi32, #tpu.memory_space<vmem>>
      %dma_start3A_253 = tpu.memref_squeeze %dma_start3A_252 : memref<1x80xi32, #tpu.memory_space<vmem>> -> memref<80xi32, #tpu.memory_space<vmem>>
      %dma_start3A_254 = arith.constant 0 : i32
      %dma_start3A_255 = arith.constant 0 : i32
      %dma_start3A_256 = tpu.memref_slice %arg8[%dma_start3A_254, %dma_start3A_255] : memref<10240x128xf32, #tpu.memory_space<vmem_shared>> -> memref<10240x128xf32, #tpu.memory_space<vmem_shared>>
      tpu.enqueue_indirect_dma source(%dma_start3A_250 : memref<80x128xf32, #tpu.memory_space<vmem>>) target(%dma_start3A_256 : memref<10240x128xf32, #tpu.memory_space<vmem_shared>>) offsets(%dma_start3A_253 : memref<80xi32, #tpu.memory_space<vmem>>) semaphore(%arg10 : memref<!tpu.dma_semaphore, #tpu.memory_space<semaphore_mem>>) {add = true}
      %dma_wait3A_257 = arith.constant 2 : i32
      %dma_wait3A_258 = arith.constant 0 : i32
      %dma_wait3A_259 = arith.constant 0 : i32
      %dma_wait3A_260 = arith.constant 0 : i32
      %dma_wait3A_261 = tpu.memref_slice %arg7[%dma_wait3A_257, %dma_wait3A_259, %dma_wait3A_260] : memref<3x80x128xf32, #tpu.memory_space<vmem>> -> memref<1x80x128xf32, #tpu.memory_space<vmem>>
      %dma_wait3A_262 = tpu.memref_squeeze %dma_wait3A_261 : memref<1x80x128xf32, #tpu.memory_space<vmem>> -> memref<80x128xf32, #tpu.memory_space<vmem>>
      %dma_wait3A_263 = arith.constant 0 : i32
      %dma_wait3A_264 = tpu.memref_slice %arg6[%dma_wait3A_258, %dma_wait3A_263] : memref<125x80xi32, #tpu.memory_space<vmem>> -> memref<1x80xi32, #tpu.memory_space<vmem>>
      %dma_wait3A_265 = tpu.memref_squeeze %dma_wait3A_264 : memref<1x80xi32, #tpu.memory_space<vmem>> -> memref<80xi32, #tpu.memory_space<vmem>>
      %dma_wait3A_266 = arith.constant 0 : i32
      %dma_wait3A_267 = arith.constant 0 : i32
      %dma_wait3A_268 = tpu.memref_slice %arg8[%dma_wait3A_266, %dma_wait3A_267] : memref<10240x128xf32, #tpu.memory_space<vmem_shared>> -> memref<10240x128xf32, #tpu.memory_space<vmem_shared>>
      tpu.wait_indirect_dma semaphore(%arg10 : memref<!tpu.dma_semaphore, #tpu.memory_space<semaphore_mem>>) src(%dma_wait3A_262 : memref<80x128xf32, #tpu.memory_space<vmem>>) dst(%dma_wait3A_268 : memref<10240x128xf32, #tpu.memory_space<vmem_shared>>)
      %add3A_269 = arith.constant 3 : i32
      %add3A_270 = arith.addi %add3A_232, %add3A_269 : i32
      %lt3A_271 = arith.constant 125 : i32
      %lt3A_272 = arith.cmpi slt, %add3A_270, %lt3A_271 : i32
      %convert_element_type3A_273 = arith.extui %lt3A_272 : i1 to i32
      %cond3A_274 = arith.constant 0 : i32
      %cond3A_275 = arith.cmpi ne, %convert_element_type3A_273, %cond3A_274 : i32
      scf.if %cond3A_275 {
        %mul3A_276 = arith.constant 80 : i32
        %mul3A_277 = arith.muli %add3A_270, %mul3A_276 : i32
        %add3A_278 = arith.addi %mul3A_2, %mul3A_277 : i32
        %dma_start3A_279 = arith.constant 2 : i32
        %dma_start3A_280 = arith.constant 0 : i32
        %dma_start3A_281 = arith.constant 0 : i32
        %dma_start3A_282 = tpu.memref_slice %arg7[%dma_start3A_279, %dma_start3A_280, %dma_start3A_281] : memref<3x80x128xf32, #tpu.memory_space<vmem>> -> memref<1x80x128xf32, #tpu.memory_space<vmem>>
        %dma_start3A_283 = tpu.memref_squeeze %dma_start3A_282 : memref<1x80x128xf32, #tpu.memory_space<vmem>> -> memref<80x128xf32, #tpu.memory_space<vmem>>
        %dma_start3A_284 = arith.constant 0 : i32
        %dma_start3A_285 = tpu.memref_slice %arg2[%add3A_278, %dma_start3A_284] : memref<320000x128xf32, #tpu.memory_space<hbm>> -> memref<80x128xf32, #tpu.memory_space<hbm>>
        %dma_start3A_286 = arith.constant 0 : i32
        %dma_start3A_287 = arith.constant 0 : i32
        %dma_start3A_288 = tpu.memref_slice %arg7[%dma_start3A_279, %dma_start3A_286, %dma_start3A_287] : memref<3x80x128xf32, #tpu.memory_space<vmem>> -> memref<1x80x128xf32, #tpu.memory_space<vmem>>
        %dma_start3A_289 = tpu.memref_squeeze %dma_start3A_288 : memref<1x80x128xf32, #tpu.memory_space<vmem>> -> memref<80x128xf32, #tpu.memory_space<vmem>>
        %dma_start3A_290 = arith.constant 0 : i32
        %dma_start3A_291 = tpu.memref_slice %arg2[%add3A_278, %dma_start3A_290] : memref<320000x128xf32, #tpu.memory_space<hbm>> -> memref<80x128xf32, #tpu.memory_space<hbm>>
        tpu.enqueue_dma source(%dma_start3A_291 : memref<80x128xf32, #tpu.memory_space<hbm>>) target(%dma_start3A_289 : memref<80x128xf32, #tpu.memory_space<vmem>>) target_semaphore(%arg9 : memref<!tpu.dma_semaphore, #tpu.memory_space<semaphore_mem>>)
      } else {
      }
    }
    %scan3A_55 = arith.constant 41 : i32
    %dma_wait3A = arith.constant 0 : i32
    %dma_wait3A_56 = arith.constant 0 : i32
    %dma_wait3A_57 = arith.constant 0 : i32
    %dma_wait3A_58 = tpu.memref_slice %arg7[%dma_wait3A, %dma_wait3A_56, %dma_wait3A_57] : memref<3x80x128xf32, #tpu.memory_space<vmem>> -> memref<1x80x128xf32, #tpu.memory_space<vmem>>
    %dma_wait3A_59 = tpu.memref_squeeze %dma_wait3A_58 : memref<1x80x128xf32, #tpu.memory_space<vmem>> -> memref<80x128xf32, #tpu.memory_space<vmem>>
    %dma_wait3A_60 = arith.constant 0 : i32
    %dma_wait3A_61 = tpu.memref_slice %arg2[%mul3A_2, %dma_wait3A_60] : memref<320000x128xf32, #tpu.memory_space<hbm>> -> memref<80x128xf32, #tpu.memory_space<hbm>>
    %dma_wait3A_62 = arith.constant 0 : i32
    %dma_wait3A_63 = arith.constant 0 : i32
    %dma_wait3A_64 = tpu.memref_slice %arg7[%dma_wait3A, %dma_wait3A_62, %dma_wait3A_63] : memref<3x80x128xf32, #tpu.memory_space<vmem>> -> memref<1x80x128xf32, #tpu.memory_space<vmem>>
    %dma_wait3A_65 = tpu.memref_squeeze %dma_wait3A_64 : memref<1x80x128xf32, #tpu.memory_space<vmem>> -> memref<80x128xf32, #tpu.memory_space<vmem>>
    %dma_wait3A_66 = arith.constant 0 : i32
    %dma_wait3A_67 = tpu.memref_slice %arg2[%mul3A_2, %dma_wait3A_66] : memref<320000x128xf32, #tpu.memory_space<hbm>> -> memref<80x128xf32, #tpu.memory_space<hbm>>
    tpu.wait_dma2 semaphore(%arg9 : memref<!tpu.dma_semaphore, #tpu.memory_space<semaphore_mem>>) src(%dma_wait3A_67 : memref<80x128xf32, #tpu.memory_space<hbm>>) dst(%dma_wait3A_65 : memref<80x128xf32, #tpu.memory_space<vmem>>)
    %dma_start3A_68 = arith.constant 0 : i32
    %dma_start3A_69 = arith.constant 123 : i32
    %dma_start3A_70 = arith.constant 0 : i32
    %dma_start3A_71 = arith.constant 0 : i32
    %dma_start3A_72 = tpu.memref_slice %arg7[%dma_start3A_68, %dma_start3A_70, %dma_start3A_71] : memref<3x80x128xf32, #tpu.memory_space<vmem>> -> memref<1x80x128xf32, #tpu.memory_space<vmem>>
    %dma_start3A_73 = tpu.memref_squeeze %dma_start3A_72 : memref<1x80x128xf32, #tpu.memory_space<vmem>> -> memref<80x128xf32, #tpu.memory_space<vmem>>
    %dma_start3A_74 = arith.constant 0 : i32
    %dma_start3A_75 = tpu.memref_slice %arg6[%dma_start3A_69, %dma_start3A_74] : memref<125x80xi32, #tpu.memory_space<vmem>> -> memref<1x80xi32, #tpu.memory_space<vmem>>
    %dma_start3A_76 = tpu.memref_squeeze %dma_start3A_75 : memref<1x80xi32, #tpu.memory_space<vmem>> -> memref<80xi32, #tpu.memory_space<vmem>>
    %dma_start3A_77 = arith.constant 0 : i32
    %dma_start3A_78 = arith.constant 0 : i32
    %dma_start3A_79 = tpu.memref_slice %arg8[%dma_start3A_77, %dma_start3A_78] : memref<10240x128xf32, #tpu.memory_space<vmem_shared>> -> memref<10240x128xf32, #tpu.memory_space<vmem_shared>>
    tpu.enqueue_indirect_dma source(%dma_start3A_73 : memref<80x128xf32, #tpu.memory_space<vmem>>) target(%dma_start3A_79 : memref<10240x128xf32, #tpu.memory_space<vmem_shared>>) offsets(%dma_start3A_76 : memref<80xi32, #tpu.memory_space<vmem>>) semaphore(%arg10 : memref<!tpu.dma_semaphore, #tpu.memory_space<semaphore_mem>>) {add = true}
    %dma_wait3A_80 = arith.constant 0 : i32
    %dma_wait3A_81 = arith.constant 0 : i32
    %dma_wait3A_82 = arith.constant 0 : i32
    %dma_wait3A_83 = arith.constant 0 : i32
    %dma_wait3A_84 = tpu.memref_slice %arg7[%dma_wait3A_80, %dma_wait3A_82, %dma_wait3A_83] : memref<3x80x128xf32, #tpu.memory_space<vmem>> -> memref<1x80x128xf32, #tpu.memory_space<vmem>>
    %dma_wait3A_85 = tpu.memref_squeeze %dma_wait3A_84 : memref<1x80x128xf32, #tpu.memory_space<vmem>> -> memref<80x128xf32, #tpu.memory_space<vmem>>
    %dma_wait3A_86 = arith.constant 0 : i32
    %dma_wait3A_87 = tpu.memref_slice %arg6[%dma_wait3A_81, %dma_wait3A_86] : memref<125x80xi32, #tpu.memory_space<vmem>> -> memref<1x80xi32, #tpu.memory_space<vmem>>
    %dma_wait3A_88 = tpu.memref_squeeze %dma_wait3A_87 : memref<1x80xi32, #tpu.memory_space<vmem>> -> memref<80xi32, #tpu.memory_space<vmem>>
    %dma_wait3A_89 = arith.constant 0 : i32
    %dma_wait3A_90 = arith.constant 0 : i32
    %dma_wait3A_91 = tpu.memref_slice %arg8[%dma_wait3A_89, %dma_wait3A_90] : memref<10240x128xf32, #tpu.memory_space<vmem_shared>> -> memref<10240x128xf32, #tpu.memory_space<vmem_shared>>
    tpu.wait_indirect_dma semaphore(%arg10 : memref<!tpu.dma_semaphore, #tpu.memory_space<semaphore_mem>>) src(%dma_wait3A_85 : memref<80x128xf32, #tpu.memory_space<vmem>>) dst(%dma_wait3A_91 : memref<10240x128xf32, #tpu.memory_space<vmem_shared>>)
    %dma_wait3A_92 = arith.constant 1 : i32
    %dma_wait3A_93 = arith.constant 0 : i32
    %dma_wait3A_94 = arith.constant 0 : i32
    %dma_wait3A_95 = tpu.memref_slice %arg7[%dma_wait3A_92, %dma_wait3A_93, %dma_wait3A_94] : memref<3x80x128xf32, #tpu.memory_space<vmem>> -> memref<1x80x128xf32, #tpu.memory_space<vmem>>
    %dma_wait3A_96 = tpu.memref_squeeze %dma_wait3A_95 : memref<1x80x128xf32, #tpu.memory_space<vmem>> -> memref<80x128xf32, #tpu.memory_space<vmem>>
    %dma_wait3A_97 = arith.constant 0 : i32
    %dma_wait3A_98 = tpu.memref_slice %arg2[%mul3A_2, %dma_wait3A_97] : memref<320000x128xf32, #tpu.memory_space<hbm>> -> memref<80x128xf32, #tpu.memory_space<hbm>>
    %dma_wait3A_99 = arith.constant 0 : i32
    %dma_wait3A_100 = arith.constant 0 : i32
    %dma_wait3A_101 = tpu.memref_slice %arg7[%dma_wait3A_92, %dma_wait3A_99, %dma_wait3A_100] : memref<3x80x128xf32, #tpu.memory_space<vmem>> -> memref<1x80x128xf32, #tpu.memory_space<vmem>>
    %dma_wait3A_102 = tpu.memref_squeeze %dma_wait3A_101 : memref<1x80x128xf32, #tpu.memory_space<vmem>> -> memref<80x128xf32, #tpu.memory_space<vmem>>
    %dma_wait3A_103 = arith.constant 0 : i32
    %dma_wait3A_104 = tpu.memref_slice %arg2[%mul3A_2, %dma_wait3A_103] : memref<320000x128xf32, #tpu.memory_space<hbm>> -> memref<80x128xf32, #tpu.memory_space<hbm>>
    tpu.wait_dma2 semaphore(%arg9 : memref<!tpu.dma_semaphore, #tpu.memory_space<semaphore_mem>>) src(%dma_wait3A_104 : memref<80x128xf32, #tpu.memory_space<hbm>>) dst(%dma_wait3A_102 : memref<80x128xf32, #tpu.memory_space<vmem>>)
    %dma_start3A_105 = arith.constant 1 : i32
    %dma_start3A_106 = arith.constant 124 : i32
    %dma_start3A_107 = arith.constant 0 : i32
    %dma_start3A_108 = arith.constant 0 : i32
    %dma_start3A_109 = tpu.memref_slice %arg7[%dma_start3A_105, %dma_start3A_107, %dma_start3A_108] : memref<3x80x128xf32, #tpu.memory_space<vmem>> -> memref<1x80x128xf32, #tpu.memory_space<vmem>>
    %dma_start3A_110 = tpu.memref_squeeze %dma_start3A_109 : memref<1x80x128xf32, #tpu.memory_space<vmem>> -> memref<80x128xf32, #tpu.memory_space<vmem>>
    %dma_start3A_111 = arith.constant 0 : i32
    %dma_start3A_112 = tpu.memref_slice %arg6[%dma_start3A_106, %dma_start3A_111] : memref<125x80xi32, #tpu.memory_space<vmem>> -> memref<1x80xi32, #tpu.memory_space<vmem>>
    %dma_start3A_113 = tpu.memref_squeeze %dma_start3A_112 : memref<1x80xi32, #tpu.memory_space<vmem>> -> memref<80xi32, #tpu.memory_space<vmem>>
    %dma_start3A_114 = arith.constant 0 : i32
    %dma_start3A_115 = arith.constant 0 : i32
    %dma_start3A_116 = tpu.memref_slice %arg8[%dma_start3A_114, %dma_start3A_115] : memref<10240x128xf32, #tpu.memory_space<vmem_shared>> -> memref<10240x128xf32, #tpu.memory_space<vmem_shared>>
    tpu.enqueue_indirect_dma source(%dma_start3A_110 : memref<80x128xf32, #tpu.memory_space<vmem>>) target(%dma_start3A_116 : memref<10240x128xf32, #tpu.memory_space<vmem_shared>>) offsets(%dma_start3A_113 : memref<80xi32, #tpu.memory_space<vmem>>) semaphore(%arg10 : memref<!tpu.dma_semaphore, #tpu.memory_space<semaphore_mem>>) {add = true}
    %dma_wait3A_117 = arith.constant 1 : i32
    %dma_wait3A_118 = arith.constant 0 : i32
    %dma_wait3A_119 = arith.constant 0 : i32
    %dma_wait3A_120 = arith.constant 0 : i32
    %dma_wait3A_121 = tpu.memref_slice %arg7[%dma_wait3A_117, %dma_wait3A_119, %dma_wait3A_120] : memref<3x80x128xf32, #tpu.memory_space<vmem>> -> memref<1x80x128xf32, #tpu.memory_space<vmem>>
    %dma_wait3A_122 = tpu.memref_squeeze %dma_wait3A_121 : memref<1x80x128xf32, #tpu.memory_space<vmem>> -> memref<80x128xf32, #tpu.memory_space<vmem>>
    %dma_wait3A_123 = arith.constant 0 : i32
    %dma_wait3A_124 = tpu.memref_slice %arg6[%dma_wait3A_118, %dma_wait3A_123] : memref<125x80xi32, #tpu.memory_space<vmem>> -> memref<1x80xi32, #tpu.memory_space<vmem>>
    %dma_wait3A_125 = tpu.memref_squeeze %dma_wait3A_124 : memref<1x80xi32, #tpu.memory_space<vmem>> -> memref<80xi32, #tpu.memory_space<vmem>>
    %dma_wait3A_126 = arith.constant 0 : i32
    %dma_wait3A_127 = arith.constant 0 : i32
    %dma_wait3A_128 = tpu.memref_slice %arg8[%dma_wait3A_126, %dma_wait3A_127] : memref<10240x128xf32, #tpu.memory_space<vmem_shared>> -> memref<10240x128xf32, #tpu.memory_space<vmem_shared>>
    tpu.wait_indirect_dma semaphore(%arg10 : memref<!tpu.dma_semaphore, #tpu.memory_space<semaphore_mem>>) src(%dma_wait3A_122 : memref<80x128xf32, #tpu.memory_space<vmem>>) dst(%dma_wait3A_128 : memref<10240x128xf32, #tpu.memory_space<vmem_shared>>)
    %barrier3A_129 = arith.constant 0 : index
    tpu.barrier barrier_id(%barrier3A_129)
    %mul3A_130 = arith.constant 640 : i32
    %mul3A_131 = arith.muli %arg1, %mul3A_130 : i32
    %mul3A_132 = arith.constant 10240 : i32
    %mul3A_133 = arith.muli %arg0, %mul3A_132 : i32
    %mul3A_134 = arith.constant 640 : i32
    %mul3A_135 = arith.muli %arg1, %mul3A_134 : i32
    %add3A_136 = arith.addi %mul3A_133, %mul3A_135 : i32
    "tpu.region"() ({
      %run_scoped3A = tpu.sem_alloc : memref<!tpu.dma_semaphore, #tpu.memory_space<semaphore_mem>>
      %dma_start3A_137 = arith.constant 0 : i32
      %dma_start3A_138 = tpu.memref_slice %arg5[%add3A_136, %dma_start3A_137] : memref<20480x128xf32, #tpu.memory_space<hbm>> -> memref<640x128xf32, #tpu.memory_space<hbm>>
      %dma_start3A_139 = arith.constant 0 : i32
      %dma_start3A_140 = tpu.memref_slice %arg8[%mul3A_131, %dma_start3A_139] : memref<10240x128xf32, #tpu.memory_space<vmem_shared>> -> memref<640x128xf32, #tpu.memory_space<vmem_shared>>
      tpu.enqueue_dma source(%dma_start3A_140 : memref<640x128xf32, #tpu.memory_space<vmem_shared>>) target(%dma_start3A_138 : memref<640x128xf32, #tpu.memory_space<hbm>>) target_semaphore(%run_scoped3A : memref<!tpu.dma_semaphore, #tpu.memory_space<semaphore_mem>>)
      %dma_wait3A_141 = arith.constant 0 : i32
      %dma_wait3A_142 = tpu.memref_slice %arg5[%add3A_136, %dma_wait3A_141] : memref<20480x128xf32, #tpu.memory_space<hbm>> -> memref<640x128xf32, #tpu.memory_space<hbm>>
      %dma_wait3A_143 = arith.constant 0 : i32
      %dma_wait3A_144 = tpu.memref_slice %arg8[%mul3A_131, %dma_wait3A_143] : memref<10240x128xf32, #tpu.memory_space<vmem_shared>> -> memref<640x128xf32, #tpu.memory_space<vmem_shared>>
      tpu.wait_dma2 semaphore(%run_scoped3A : memref<!tpu.dma_semaphore, #tpu.memory_space<semaphore_mem>>) src(%dma_wait3A_144 : memref<640x128xf32, #tpu.memory_space<vmem_shared>>) dst(%dma_wait3A_142 : memref<640x128xf32, #tpu.memory_space<hbm>>)
      tpu.yield
    }) : () -> ()
    return
  }
}

module attributes {stable_mosaic.version = 14 : i64} {
  func.func @_linear_body(%arg0: i32, %arg1: memref<10000x128xf32, #tpu.memory_space<vmem>>, %arg2: memref<128x128xf32, #tpu.memory_space<vmem>>, %arg3: memref<1x128xf32, #tpu.memory_space<vmem>>, %arg4: memref<10000x128xf32, #tpu.memory_space<vmem>>) attributes {dimension_semantics = [#tpu.dimension_semantics<arbitrary>], iteration_bounds = array<i64: 1>, scalar_prefetch = 0 : i64, scratch_operands = 0 : i64, tpu.core_type = #tpu.core_type<tc>, window_params = [{transform_indices = @transform_0, window_bounds = array<i64: 10000, 128>}, {pipeline_mode = #tpu.pipeline_mode<synchronous>, transform_indices = @transform_1, window_bounds = array<i64: 128, 128>}, {pipeline_mode = #tpu.pipeline_mode<synchronous>, transform_indices = @transform_2, window_bounds = array<i64: 1, 128>}, {transform_indices = @transform_3, window_bounds = array<i64: 10000, 128>}]} {
    %get3A = arith.constant 0 : index
    %get3A_0 = arith.constant 0 : index
    %get3A_1 = vector.load %arg1[%get3A, %get3A_0] : memref<10000x128xf32, #tpu.memory_space<vmem>>, vector<10000x128xf32>
    %get3A_2 = arith.constant 0 : index
    %get3A_3 = arith.constant 0 : index
    %get3A_4 = vector.load %arg2[%get3A_2, %get3A_3] : memref<128x128xf32, #tpu.memory_space<vmem>>, vector<128x128xf32>
    %dot_general3A = arith.constant dense<0.000000e+00> : vector<10000x128xf32>
    %dot_general3A_5 = tpu.matmul %get3A_1, %get3A_4, %dot_general3A {dimension_numbers = #tpu.dot_dimension_numbers<[1], [0], [0], [1], [0, 0, 1, 1], [], []>, transpose_lhs_hint = false} : vector<10000x128xf32>, vector<128x128xf32>, vector<10000x128xf32> -> vector<10000x128xf32>
    %get3A_6 = arith.constant 0 : index
    %get3A_7 = arith.constant 0 : index
    %get3A_8 = vector.load %arg3[%get3A_6, %get3A_7] : memref<1x128xf32, #tpu.memory_space<vmem>>, vector<1x128xf32>
    %add3A = vector.broadcast %get3A_8 : vector<1x128xf32> to vector<10000x128xf32>
    %add3A_9 = arith.addf %dot_general3A_5, %add3A : vector<10000x128xf32>
    %swap3A = arith.constant 0 : index
    %swap3A_10 = arith.constant 0 : index
    %swap3A_11 = vector.load %arg4[%swap3A, %swap3A_10] : memref<10000x128xf32, #tpu.memory_space<vmem>>, vector<10000x128xf32>
    tpu.vector_store %arg4[%swap3A, %swap3A_10], %add3A_9 {strides = array<i32>} : memref<10000x128xf32, #tpu.memory_space<vmem>>, vector<10000x128xf32>,
    return
  }
  func.func @transform_0(%arg0: i32) -> (i32, i32) {
    %c0_i32 = arith.constant 0 : i32
    %c0_i32_0 = arith.constant 0 : i32
    return %arg0, %c0_i32 : i32, i32
  }
  func.func @transform_1(%arg0: i32) -> (i32, i32) {
    %c0_i32 = arith.constant 0 : i32
    %c0_i32_0 = arith.constant 0 : i32
    %c0_i32_1 = arith.constant 0 : i32
    return %c0_i32, %c0_i32_0 : i32, i32
  }
  func.func @transform_2(%arg0: i32) -> (i32, i32) {
    %c0_i32 = arith.constant 0 : i32
    %c0_i32_0 = arith.constant 0 : i32
    %c0_i32_1 = arith.constant 0 : i32
    return %c0_i32, %c0_i32_0 : i32, i32
  }
  func.func @transform_3(%arg0: i32) -> (i32, i32) {
    %c0_i32 = arith.constant 0 : i32
    %c0_i32_0 = arith.constant 0 : i32
    return %arg0, %c0_i32 : i32, i32
  }
}

module attributes {stable_mosaic.version = 14 : i64} {
  func.func @_linear_body(%arg0: i32, %arg1: memref<4000x16xf32, #tpu.memory_space<vmem>>, %arg2: memref<16x128xf32, #tpu.memory_space<vmem>>, %arg3: memref<1x128xf32, #tpu.memory_space<vmem>>, %arg4: memref<4000x128xf32, #tpu.memory_space<vmem>>) attributes {dimension_semantics = [#tpu.dimension_semantics<arbitrary>], iteration_bounds = array<i64: 80>, scalar_prefetch = 0 : i64, scratch_operands = 0 : i64, tpu.core_type = #tpu.core_type<tc>, window_params = [{transform_indices = @transform_0, window_bounds = array<i64: 4000, 16>}, {pipeline_mode = #tpu.pipeline_mode<synchronous>, transform_indices = @transform_1, window_bounds = array<i64: 16, 128>}, {pipeline_mode = #tpu.pipeline_mode<synchronous>, transform_indices = @transform_2, window_bounds = array<i64: 1, 128>}, {transform_indices = @transform_3, window_bounds = array<i64: 4000, 128>}]} {
    %get3A = arith.constant 0 : index
    %get3A_0 = arith.constant 0 : index
    %get3A_1 = vector.load %arg1[%get3A, %get3A_0] : memref<4000x16xf32, #tpu.memory_space<vmem>>, vector<4000x16xf32>
    %get3A_2 = arith.constant 0 : index
    %get3A_3 = arith.constant 0 : index
    %get3A_4 = vector.load %arg2[%get3A_2, %get3A_3] : memref<16x128xf32, #tpu.memory_space<vmem>>, vector<16x128xf32>
    %dot_general3A = arith.constant dense<0.000000e+00> : vector<4000x128xf32>
    %dot_general3A_5 = tpu.matmul %get3A_1, %get3A_4, %dot_general3A {dimension_numbers = #tpu.dot_dimension_numbers<[1], [0], [0], [1], [0, 0, 1, 1], [], []>, transpose_lhs_hint = false} : vector<4000x16xf32>, vector<16x128xf32>, vector<4000x128xf32> -> vector<4000x128xf32>
    %get3A_6 = arith.constant 0 : index
    %get3A_7 = arith.constant 0 : index
    %get3A_8 = vector.load %arg3[%get3A_6, %get3A_7] : memref<1x128xf32, #tpu.memory_space<vmem>>, vector<1x128xf32>
    %add3A = vector.broadcast %get3A_8 : vector<1x128xf32> to vector<4000x128xf32>
    %add3A_9 = arith.addf %dot_general3A_5, %add3A : vector<4000x128xf32>
    %swap3A = arith.constant 0 : index
    %swap3A_10 = arith.constant 0 : index
    %swap3A_11 = vector.load %arg4[%swap3A, %swap3A_10] : memref<4000x128xf32, #tpu.memory_space<vmem>>, vector<4000x128xf32>
    tpu.vector_store %arg4[%swap3A, %swap3A_10], %add3A_9 {strides = array<i32>} : memref<4000x128xf32, #tpu.memory_space<vmem>>, vector<4000x128xf32>,
    return
  }
  func.func @transform_0(%arg0: i32) -> (i32, i32) {
    %c0_i32 = arith.constant 0 : i32
    %c0_i32_0 = arith.constant 0 : i32
    return %arg0, %c0_i32 : i32, i32
  }
  func.func @transform_1(%arg0: i32) -> (i32, i32) {
    %c0_i32 = arith.constant 0 : i32
    %c0_i32_0 = arith.constant 0 : i32
    %c0_i32_1 = arith.constant 0 : i32
    return %c0_i32, %c0_i32_0 : i32, i32
  }
  func.func @transform_2(%arg0: i32) -> (i32, i32) {
    %c0_i32 = arith.constant 0 : i32
    %c0_i32_0 = arith.constant 0 : i32
    %c0_i32_1 = arith.constant 0 : i32
    return %c0_i32, %c0_i32_0 : i32, i32
  }
  func.func @transform_3(%arg0: i32) -> (i32, i32) {
    %c0_i32 = arith.constant 0 : i32
    %c0_i32_0 = arith.constant 0 : i32
    return %arg0, %c0_i32 : i32, i32
  }
}

module attributes {stable_mosaic.version = 14 : i64} {
  func.func @_edge_body(%arg0: i32, %arg1: memref<2560x128xf32, #tpu.memory_space<vmem>>, %arg2: memref<2560x128xf32, #tpu.memory_space<vmem>>, %arg3: memref<2560x128xf32, #tpu.memory_space<vmem>>, %arg4: memref<128x256xf32, #tpu.memory_space<vmem>>, %arg5: memref<128x256xf32, #tpu.memory_space<vmem>>, %arg6: memref<128x384xf32, #tpu.memory_space<vmem>>, %arg7: memref<1x128xf32, #tpu.memory_space<vmem>>, %arg8: memref<1x128xf32, #tpu.memory_space<vmem>>, %arg9: memref<1x128xf32, #tpu.memory_space<vmem>>, %arg10: memref<2560x128xf32, #tpu.memory_space<vmem>>, %arg11: memref<2560x128xf32, #tpu.memory_space<vmem>>) attributes {dimension_semantics = [#tpu.dimension_semantics<arbitrary>], iteration_bounds = array<i64: 125>, scalar_prefetch = 0 : i64, scratch_operands = 0 : i64, tpu.core_type = #tpu.core_type<tc>, window_params = [{transform_indices = @transform_0, window_bounds = array<i64: 2560, 128>}, {transform_indices = @transform_1, window_bounds = array<i64: 2560, 128>}, {transform_indices = @transform_2, window_bounds = array<i64: 2560, 128>}, {pipeline_mode = #tpu.pipeline_mode<synchronous>, transform_indices = @transform_3, window_bounds = array<i64: 128, 256>}, {pipeline_mode = #tpu.pipeline_mode<synchronous>, transform_indices = @transform_4, window_bounds = array<i64: 128, 256>}, {pipeline_mode = #tpu.pipeline_mode<synchronous>, transform_indices = @transform_5, window_bounds = array<i64: 128, 384>}, {pipeline_mode = #tpu.pipeline_mode<synchronous>, transform_indices = @transform_6, window_bounds = array<i64: 1, 128>}, {pipeline_mode = #tpu.pipeline_mode<synchronous>, transform_indices = @transform_7, window_bounds = array<i64: 1, 128>}, {pipeline_mode = #tpu.pipeline_mode<synchronous>, transform_indices = @transform_8, window_bounds = array<i64: 1, 128>}, {transform_indices = @transform_9, window_bounds = array<i64: 2560, 128>}, {transform_indices = @transform_10, window_bounds = array<i64: 2560, 128>}]} {
    %get3A = arith.constant 0 : index
    %get3A_0 = arith.constant 0 : index
    %get3A_1 = vector.load %arg2[%get3A, %get3A_0] : memref<2560x128xf32, #tpu.memory_space<vmem>>, vector<2560x128xf32>
    %get3A_2 = arith.constant 0 : index
    %get3A_3 = arith.constant 0 : index
    %get3A_4 = vector.load %arg4[%get3A_2, %get3A_3] : memref<128x256xf32, #tpu.memory_space<vmem>>, vector<128x256xf32>
    %dot_general3A = arith.constant dense<0.000000e+00> : vector<2560x256xf32>
    %dot_general3A_5 = tpu.matmul %get3A_1, %get3A_4, %dot_general3A {dimension_numbers = #tpu.dot_dimension_numbers<[1], [0], [0], [1], [0, 0, 1, 1], [], []>, transpose_lhs_hint = false} : vector<2560x128xf32>, vector<128x256xf32>, vector<2560x256xf32> -> vector<2560x256xf32>
    %get3A_6 = arith.constant 0 : index
    %get3A_7 = arith.constant 0 : index
    %get3A_8 = vector.load %arg1[%get3A_6, %get3A_7] : memref<2560x128xf32, #tpu.memory_space<vmem>>, vector<2560x128xf32>
    %get3A_9 = arith.constant 0 : index
    %get3A_10 = arith.constant 0 : index
    %get3A_11 = vector.load %arg5[%get3A_9, %get3A_10] : memref<128x256xf32, #tpu.memory_space<vmem>>, vector<128x256xf32>
    %dot_general3A_12 = arith.constant dense<0.000000e+00> : vector<2560x256xf32>
    %dot_general3A_13 = tpu.matmul %get3A_8, %get3A_11, %dot_general3A_12 {dimension_numbers = #tpu.dot_dimension_numbers<[1], [0], [0], [1], [0, 0, 1, 1], [], []>, transpose_lhs_hint = false} : vector<2560x128xf32>, vector<128x256xf32>, vector<2560x256xf32> -> vector<2560x256xf32>
    %get3A_14 = arith.constant 0 : index
    %get3A_15 = arith.constant 0 : index
    %get3A_16 = vector.load %arg3[%get3A_14, %get3A_15] : memref<2560x128xf32, #tpu.memory_space<vmem>>, vector<2560x128xf32>
    %get3A_17 = arith.constant 0 : index
    %get3A_18 = arith.constant 0 : index
    %get3A_19 = vector.load %arg6[%get3A_17, %get3A_18] : memref<128x384xf32, #tpu.memory_space<vmem>>, vector<128x384xf32>
    %dot_general3A_20 = arith.constant dense<0.000000e+00> : vector<2560x384xf32>
    %dot_general3A_21 = tpu.matmul %get3A_16, %get3A_19, %dot_general3A_20 {dimension_numbers = #tpu.dot_dimension_numbers<[1], [0], [0], [1], [0, 0, 1, 1], [], []>, transpose_lhs_hint = false} : vector<2560x128xf32>, vector<128x384xf32>, vector<2560x384xf32> -> vector<2560x384xf32>
    %slice3A = vector.extract_strided_slice %dot_general3A_5 {offsets = [0, 0], sizes = [2560, 128], strides = [1, 1]} : vector<2560x256xf32> to vector<2560x128xf32>
    %slice3A_22 = vector.extract_strided_slice %dot_general3A_21 {offsets = [0, 0], sizes = [2560, 128], strides = [1, 1]} : vector<2560x384xf32> to vector<2560x128xf32>
    %add3A = arith.addf %slice3A, %slice3A_22 : vector<2560x128xf32>
    %get3A_23 = arith.constant 0 : index
    %get3A_24 = arith.constant 0 : index
    %get3A_25 = vector.load %arg7[%get3A_23, %get3A_24] : memref<1x128xf32, #tpu.memory_space<vmem>>, vector<1x128xf32>
    %add3A_26 = vector.broadcast %get3A_25 : vector<1x128xf32> to vector<2560x128xf32>
    %add3A_27 = arith.addf %add3A, %add3A_26 : vector<2560x128xf32>
    %logistic3A = arith.negf %add3A_27 : vector<2560x128xf32>
    %logistic3A_28 = math.exp %logistic3A : vector<2560x128xf32>
    %logistic3A_29 = arith.constant 1.000000e+00 : f32
    %logistic3A_30 = vector.broadcast %logistic3A_29 : f32 to vector<2560x128xf32>
    %logistic3A_31 = arith.addf %logistic3A_30, %logistic3A_28 : vector<2560x128xf32>
    %logistic3A_32 = arith.divf %logistic3A_30, %logistic3A_31 : vector<2560x128xf32>
    %slice3A_33 = vector.extract_strided_slice %dot_general3A_13 {offsets = [0, 0], sizes = [2560, 128], strides = [1, 1]} : vector<2560x256xf32> to vector<2560x128xf32>
    %slice3A_34 = vector.extract_strided_slice %dot_general3A_21 {offsets = [0, 128], sizes = [2560, 128], strides = [1, 1]} : vector<2560x384xf32> to vector<2560x128xf32>
    %add3A_35 = arith.addf %slice3A_33, %slice3A_34 : vector<2560x128xf32>
    %get3A_36 = arith.constant 0 : index
    %get3A_37 = arith.constant 0 : index
    %get3A_38 = vector.load %arg8[%get3A_36, %get3A_37] : memref<1x128xf32, #tpu.memory_space<vmem>>, vector<1x128xf32>
    %add3A_39 = vector.broadcast %get3A_38 : vector<1x128xf32> to vector<2560x128xf32>
    %add3A_40 = arith.addf %add3A_35, %add3A_39 : vector<2560x128xf32>
    %mul3A = arith.mulf %logistic3A_32, %add3A_40 : vector<2560x128xf32>
    %swap3A = arith.constant 0 : index
    %swap3A_41 = arith.constant 0 : index
    %swap3A_42 = vector.load %arg10[%swap3A, %swap3A_41] : memref<2560x128xf32, #tpu.memory_space<vmem>>, vector<2560x128xf32>
    tpu.vector_store %arg10[%swap3A, %swap3A_41], %mul3A {strides = array<i32>} : memref<2560x128xf32, #tpu.memory_space<vmem>>, vector<2560x128xf32>,
    %slice3A_43 = vector.extract_strided_slice %dot_general3A_5 {offsets = [0, 128], sizes = [2560, 128], strides = [1, 1]} : vector<2560x256xf32> to vector<2560x128xf32>
    %slice3A_44 = vector.extract_strided_slice %dot_general3A_13 {offsets = [0, 128], sizes = [2560, 128], strides = [1, 1]} : vector<2560x256xf32> to vector<2560x128xf32>
    %add3A_45 = arith.addf %slice3A_43, %slice3A_44 : vector<2560x128xf32>
    %slice3A_46 = vector.extract_strided_slice %dot_general3A_21 {offsets = [0, 256], sizes = [2560, 128], strides = [1, 1]} : vector<2560x384xf32> to vector<2560x128xf32>
    %add3A_47 = arith.addf %add3A_45, %slice3A_46 : vector<2560x128xf32>
    %get3A_48 = arith.constant 0 : index
    %get3A_49 = arith.constant 0 : index
    %get3A_50 = vector.load %arg9[%get3A_48, %get3A_49] : memref<1x128xf32, #tpu.memory_space<vmem>>, vector<1x128xf32>
    %add3A_51 = vector.broadcast %get3A_50 : vector<1x128xf32> to vector<2560x128xf32>
    %add3A_52 = arith.addf %add3A_47, %add3A_51 : vector<2560x128xf32>
    %get3A_53 = arith.constant 0 : index
    %get3A_54 = arith.constant 0 : index
    %get3A_55 = vector.load %arg3[%get3A_53, %get3A_54] : memref<2560x128xf32, #tpu.memory_space<vmem>>, vector<2560x128xf32>
    %max3A = arith.constant 0.000000e+00 : f32
    %max3A_56 = vector.broadcast %max3A : f32 to vector<2560x128xf32>
    %max3A_57 = arith.maximumf %add3A_52, %max3A_56 : vector<2560x128xf32>
    %add3A_58 = arith.addf %get3A_55, %max3A_57 : vector<2560x128xf32>
    %swap3A_59 = arith.constant 0 : index
    %swap3A_60 = arith.constant 0 : index
    %swap3A_61 = vector.load %arg11[%swap3A_59, %swap3A_60] : memref<2560x128xf32, #tpu.memory_space<vmem>>, vector<2560x128xf32>
    tpu.vector_store %arg11[%swap3A_59, %swap3A_60], %add3A_58 {strides = array<i32>} : memref<2560x128xf32, #tpu.memory_space<vmem>>, vector<2560x128xf32>,
    return
  }
  func.func @transform_0(%arg0: i32) -> (i32, i32) {
    %c0_i32 = arith.constant 0 : i32
    %c0_i32_0 = arith.constant 0 : i32
    return %arg0, %c0_i32 : i32, i32
  }
  func.func @transform_1(%arg0: i32) -> (i32, i32) {
    %add3A = arith.constant 125 : i32
    %add3A_0 = arith.addi %arg0, %add3A : i32
    %c0_i32 = arith.constant 0 : i32
    %c0_i32_1 = arith.constant 0 : i32
    return %add3A_0, %c0_i32 : i32, i32
  }
  func.func @transform_2(%arg0: i32) -> (i32, i32) {
    %c0_i32 = arith.constant 0 : i32
    %c0_i32_0 = arith.constant 0 : i32
    return %arg0, %c0_i32 : i32, i32
  }
  func.func @transform_3(%arg0: i32) -> (i32, i32) {
    %c0_i32 = arith.constant 0 : i32
    %c0_i32_0 = arith.constant 0 : i32
    %c0_i32_1 = arith.constant 0 : i32
    return %c0_i32, %c0_i32_0 : i32, i32
  }
  func.func @transform_4(%arg0: i32) -> (i32, i32) {
    %c0_i32 = arith.constant 0 : i32
    %c0_i32_0 = arith.constant 0 : i32
    %c0_i32_1 = arith.constant 0 : i32
    return %c0_i32, %c0_i32_0 : i32, i32
  }
  func.func @transform_5(%arg0: i32) -> (i32, i32) {
    %c0_i32 = arith.constant 0 : i32
    %c0_i32_0 = arith.constant 0 : i32
    %c0_i32_1 = arith.constant 0 : i32
    return %c0_i32, %c0_i32_0 : i32, i32
  }
  func.func @transform_6(%arg0: i32) -> (i32, i32) {
    %c0_i32 = arith.constant 0 : i32
    %c0_i32_0 = arith.constant 0 : i32
    %c0_i32_1 = arith.constant 0 : i32
    return %c0_i32, %c0_i32_0 : i32, i32
  }
  func.func @transform_7(%arg0: i32) -> (i32, i32) {
    %c0_i32 = arith.constant 0 : i32
    %c0_i32_0 = arith.constant 0 : i32
    %c0_i32_1 = arith.constant 0 : i32
    return %c0_i32, %c0_i32_0 : i32, i32
  }
  func.func @transform_8(%arg0: i32) -> (i32, i32) {
    %c0_i32 = arith.constant 0 : i32
    %c0_i32_0 = arith.constant 0 : i32
    %c0_i32_1 = arith.constant 0 : i32
    return %c0_i32, %c0_i32_0 : i32, i32
  }
  func.func @transform_9(%arg0: i32) -> (i32, i32) {
    %c0_i32 = arith.constant 0 : i32
    %c0_i32_0 = arith.constant 0 : i32
    return %arg0, %c0_i32 : i32, i32
  }
  func.func @transform_10(%arg0: i32) -> (i32, i32) {
    %c0_i32 = arith.constant 0 : i32
    %c0_i32_0 = arith.constant 0 : i32
    return %arg0, %c0_i32 : i32, i32
  }
}

module attributes {stable_mosaic.version = 14 : i64} {
  func.func @_node_update_body(%arg0: i32, %arg1: memref<80x128xf32, #tpu.memory_space<vmem>>, %arg2: memref<80x128xf32, #tpu.memory_space<vmem>>, %arg3: memref<80x128xf32, #tpu.memory_space<vmem>>, %arg4: memref<80x128xf32, #tpu.memory_space<vmem>>) attributes {dimension_semantics = [#tpu.dimension_semantics<arbitrary>], iteration_bounds = array<i64: 125>, scalar_prefetch = 0 : i64, scratch_operands = 0 : i64, tpu.core_type = #tpu.core_type<tc>, window_params = [{transform_indices = @transform_0, window_bounds = array<i64: 80, 128>}, {transform_indices = @transform_1, window_bounds = array<i64: 80, 128>}, {transform_indices = @transform_2, window_bounds = array<i64: 80, 128>}, {transform_indices = @transform_3, window_bounds = array<i64: 80, 128>}]} {
    %get3A = arith.constant 0 : index
    %get3A_0 = arith.constant 0 : index
    %get3A_1 = vector.load %arg1[%get3A, %get3A_0] : memref<80x128xf32, #tpu.memory_space<vmem>>, vector<80x128xf32>
    %get3A_2 = arith.constant 0 : index
    %get3A_3 = arith.constant 0 : index
    %get3A_4 = vector.load %arg2[%get3A_2, %get3A_3] : memref<80x128xf32, #tpu.memory_space<vmem>>, vector<80x128xf32>
    %get3A_5 = arith.constant 0 : index
    %get3A_6 = arith.constant 0 : index
    %get3A_7 = vector.load %arg3[%get3A_5, %get3A_6] : memref<80x128xf32, #tpu.memory_space<vmem>>, vector<80x128xf32>
    %add3A = arith.addf %get3A_4, %get3A_7 : vector<80x128xf32>
    %max3A = arith.constant 0.000000e+00 : f32
    %max3A_8 = vector.broadcast %max3A : f32 to vector<80x128xf32>
    %max3A_9 = arith.maximumf %add3A, %max3A_8 : vector<80x128xf32>
    %add3A_10 = arith.addf %get3A_1, %max3A_9 : vector<80x128xf32>
    %swap3A = arith.constant 0 : index
    %swap3A_11 = arith.constant 0 : index
    %swap3A_12 = vector.load %arg4[%swap3A, %swap3A_11] : memref<80x128xf32, #tpu.memory_space<vmem>>, vector<80x128xf32>
    tpu.vector_store %arg4[%swap3A, %swap3A_11], %add3A_10 {strides = array<i32>} : memref<80x128xf32, #tpu.memory_space<vmem>>, vector<80x128xf32>,
    return
  }
  func.func @transform_0(%arg0: i32) -> (i32, i32) {
    %c0_i32 = arith.constant 0 : i32
    %c0_i32_0 = arith.constant 0 : i32
    return %arg0, %c0_i32 : i32, i32
  }
  func.func @transform_1(%arg0: i32) -> (i32, i32) {
    %c0_i32 = arith.constant 0 : i32
    %c0_i32_0 = arith.constant 0 : i32
    return %arg0, %c0_i32 : i32, i32
  }
  func.func @transform_2(%arg0: i32) -> (i32, i32) {
    %add3A = arith.constant 128 : i32
    %add3A_0 = arith.addi %arg0, %add3A : i32
    %c0_i32 = arith.constant 0 : i32
    %c0_i32_1 = arith.constant 0 : i32
    return %add3A_0, %c0_i32 : i32, i32
  }
  func.func @transform_3(%arg0: i32) -> (i32, i32) {
    %c0_i32 = arith.constant 0 : i32
    %c0_i32_0 = arith.constant 0 : i32
    return %arg0, %c0_i32 : i32, i32
  }
}

module attributes {stable_mosaic.version = 14 : i64} {
  func.func @_edge_last_body(%arg0: i32, %arg1: memref<2560x128xf32, #tpu.memory_space<vmem>>, %arg2: memref<2560x128xf32, #tpu.memory_space<vmem>>, %arg3: memref<2560x128xf32, #tpu.memory_space<vmem>>, %arg4: memref<128x128xf32, #tpu.memory_space<vmem>>, %arg5: memref<128x128xf32, #tpu.memory_space<vmem>>, %arg6: memref<128x256xf32, #tpu.memory_space<vmem>>, %arg7: memref<1x128xf32, #tpu.memory_space<vmem>>, %arg8: memref<1x128xf32, #tpu.memory_space<vmem>>, %arg9: memref<2560x128xf32, #tpu.memory_space<vmem>>) attributes {dimension_semantics = [#tpu.dimension_semantics<arbitrary>], iteration_bounds = array<i64: 125>, scalar_prefetch = 0 : i64, scratch_operands = 0 : i64, tpu.core_type = #tpu.core_type<tc>, window_params = [{transform_indices = @transform_0, window_bounds = array<i64: 2560, 128>}, {transform_indices = @transform_1, window_bounds = array<i64: 2560, 128>}, {transform_indices = @transform_2, window_bounds = array<i64: 2560, 128>}, {pipeline_mode = #tpu.pipeline_mode<synchronous>, transform_indices = @transform_3, window_bounds = array<i64: 128, 128>}, {pipeline_mode = #tpu.pipeline_mode<synchronous>, transform_indices = @transform_4, window_bounds = array<i64: 128, 128>}, {pipeline_mode = #tpu.pipeline_mode<synchronous>, transform_indices = @transform_5, window_bounds = array<i64: 128, 256>}, {pipeline_mode = #tpu.pipeline_mode<synchronous>, transform_indices = @transform_6, window_bounds = array<i64: 1, 128>}, {pipeline_mode = #tpu.pipeline_mode<synchronous>, transform_indices = @transform_7, window_bounds = array<i64: 1, 128>}, {transform_indices = @transform_8, window_bounds = array<i64: 2560, 128>}]} {
    %get3A = arith.constant 0 : index
    %get3A_0 = arith.constant 0 : index
    %get3A_1 = vector.load %arg2[%get3A, %get3A_0] : memref<2560x128xf32, #tpu.memory_space<vmem>>, vector<2560x128xf32>
    %get3A_2 = arith.constant 0 : index
    %get3A_3 = arith.constant 0 : index
    %get3A_4 = vector.load %arg4[%get3A_2, %get3A_3] : memref<128x128xf32, #tpu.memory_space<vmem>>, vector<128x128xf32>
    %dot_general3A = arith.constant dense<0.000000e+00> : vector<2560x128xf32>
    %dot_general3A_5 = tpu.matmul %get3A_1, %get3A_4, %dot_general3A {dimension_numbers = #tpu.dot_dimension_numbers<[1], [0], [0], [1], [0, 0, 1, 1], [], []>, transpose_lhs_hint = false} : vector<2560x128xf32>, vector<128x128xf32>, vector<2560x128xf32> -> vector<2560x128xf32>
    %get3A_6 = arith.constant 0 : index
    %get3A_7 = arith.constant 0 : index
    %get3A_8 = vector.load %arg1[%get3A_6, %get3A_7] : memref<2560x128xf32, #tpu.memory_space<vmem>>, vector<2560x128xf32>
    %get3A_9 = arith.constant 0 : index
    %get3A_10 = arith.constant 0 : index
    %get3A_11 = vector.load %arg5[%get3A_9, %get3A_10] : memref<128x128xf32, #tpu.memory_space<vmem>>, vector<128x128xf32>
    %dot_general3A_12 = arith.constant dense<0.000000e+00> : vector<2560x128xf32>
    %dot_general3A_13 = tpu.matmul %get3A_8, %get3A_11, %dot_general3A_12 {dimension_numbers = #tpu.dot_dimension_numbers<[1], [0], [0], [1], [0, 0, 1, 1], [], []>, transpose_lhs_hint = false} : vector<2560x128xf32>, vector<128x128xf32>, vector<2560x128xf32> -> vector<2560x128xf32>
    %get3A_14 = arith.constant 0 : index
    %get3A_15 = arith.constant 0 : index
    %get3A_16 = vector.load %arg3[%get3A_14, %get3A_15] : memref<2560x128xf32, #tpu.memory_space<vmem>>, vector<2560x128xf32>
    %get3A_17 = arith.constant 0 : index
    %get3A_18 = arith.constant 0 : index
    %get3A_19 = vector.load %arg6[%get3A_17, %get3A_18] : memref<128x256xf32, #tpu.memory_space<vmem>>, vector<128x256xf32>
    %dot_general3A_20 = arith.constant dense<0.000000e+00> : vector<2560x256xf32>
    %dot_general3A_21 = tpu.matmul %get3A_16, %get3A_19, %dot_general3A_20 {dimension_numbers = #tpu.dot_dimension_numbers<[1], [0], [0], [1], [0, 0, 1, 1], [], []>, transpose_lhs_hint = false} : vector<2560x128xf32>, vector<128x256xf32>, vector<2560x256xf32> -> vector<2560x256xf32>
    %slice3A = vector.extract_strided_slice %dot_general3A_21 {offsets = [0, 0], sizes = [2560, 128], strides = [1, 1]} : vector<2560x256xf32> to vector<2560x128xf32>
    %add3A = arith.addf %dot_general3A_5, %slice3A : vector<2560x128xf32>
    %get3A_22 = arith.constant 0 : index
    %get3A_23 = arith.constant 0 : index
    %get3A_24 = vector.load %arg7[%get3A_22, %get3A_23] : memref<1x128xf32, #tpu.memory_space<vmem>>, vector<1x128xf32>
    %add3A_25 = vector.broadcast %get3A_24 : vector<1x128xf32> to vector<2560x128xf32>
    %add3A_26 = arith.addf %add3A, %add3A_25 : vector<2560x128xf32>
    %logistic3A = arith.negf %add3A_26 : vector<2560x128xf32>
    %logistic3A_27 = math.exp %logistic3A : vector<2560x128xf32>
    %logistic3A_28 = arith.constant 1.000000e+00 : f32
    %logistic3A_29 = vector.broadcast %logistic3A_28 : f32 to vector<2560x128xf32>
    %logistic3A_30 = arith.addf %logistic3A_29, %logistic3A_27 : vector<2560x128xf32>
    %logistic3A_31 = arith.divf %logistic3A_29, %logistic3A_30 : vector<2560x128xf32>
    %slice3A_32 = vector.extract_strided_slice %dot_general3A_21 {offsets = [0, 128], sizes = [2560, 128], strides = [1, 1]} : vector<2560x256xf32> to vector<2560x128xf32>
    %add3A_33 = arith.addf %dot_general3A_13, %slice3A_32 : vector<2560x128xf32>
    %get3A_34 = arith.constant 0 : index
    %get3A_35 = arith.constant 0 : index
    %get3A_36 = vector.load %arg8[%get3A_34, %get3A_35] : memref<1x128xf32, #tpu.memory_space<vmem>>, vector<1x128xf32>
    %add3A_37 = vector.broadcast %get3A_36 : vector<1x128xf32> to vector<2560x128xf32>
    %add3A_38 = arith.addf %add3A_33, %add3A_37 : vector<2560x128xf32>
    %mul3A = arith.mulf %logistic3A_31, %add3A_38 : vector<2560x128xf32>
    %swap3A = arith.constant 0 : index
    %swap3A_39 = arith.constant 0 : index
    %swap3A_40 = vector.load %arg9[%swap3A, %swap3A_39] : memref<2560x128xf32, #tpu.memory_space<vmem>>, vector<2560x128xf32>
    tpu.vector_store %arg9[%swap3A, %swap3A_39], %mul3A {strides = array<i32>} : memref<2560x128xf32, #tpu.memory_space<vmem>>, vector<2560x128xf32>,
    return
  }
  func.func @transform_0(%arg0: i32) -> (i32, i32) {
    %c0_i32 = arith.constant 0 : i32
    %c0_i32_0 = arith.constant 0 : i32
    return %arg0, %c0_i32 : i32, i32
  }
  func.func @transform_1(%arg0: i32) -> (i32, i32) {
    %add3A = arith.constant 125 : i32
    %add3A_0 = arith.addi %arg0, %add3A : i32
    %c0_i32 = arith.constant 0 : i32
    %c0_i32_1 = arith.constant 0 : i32
    return %add3A_0, %c0_i32 : i32, i32
  }
  func.func @transform_2(%arg0: i32) -> (i32, i32) {
    %c0_i32 = arith.constant 0 : i32
    %c0_i32_0 = arith.constant 0 : i32
    return %arg0, %c0_i32 : i32, i32
  }
  func.func @transform_3(%arg0: i32) -> (i32, i32) {
    %c0_i32 = arith.constant 0 : i32
    %c0_i32_0 = arith.constant 0 : i32
    %c0_i32_1 = arith.constant 0 : i32
    return %c0_i32, %c0_i32_0 : i32, i32
  }
  func.func @transform_4(%arg0: i32) -> (i32, i32) {
    %c0_i32 = arith.constant 0 : i32
    %c0_i32_0 = arith.constant 0 : i32
    %c0_i32_1 = arith.constant 0 : i32
    return %c0_i32, %c0_i32_0 : i32, i32
  }
  func.func @transform_5(%arg0: i32) -> (i32, i32) {
    %c0_i32 = arith.constant 0 : i32
    %c0_i32_0 = arith.constant 0 : i32
    %c0_i32_1 = arith.constant 0 : i32
    return %c0_i32, %c0_i32_0 : i32, i32
  }
  func.func @transform_6(%arg0: i32) -> (i32, i32) {
    %c0_i32 = arith.constant 0 : i32
    %c0_i32_0 = arith.constant 0 : i32
    %c0_i32_1 = arith.constant 0 : i32
    return %c0_i32, %c0_i32_0 : i32, i32
  }
  func.func @transform_7(%arg0: i32) -> (i32, i32) {
    %c0_i32 = arith.constant 0 : i32
    %c0_i32_0 = arith.constant 0 : i32
    %c0_i32_1 = arith.constant 0 : i32
    return %c0_i32, %c0_i32_0 : i32, i32
  }
  func.func @transform_8(%arg0: i32) -> (i32, i32) {
    %c0_i32 = arith.constant 0 : i32
    %c0_i32_0 = arith.constant 0 : i32
    return %arg0, %c0_i32 : i32, i32
  }
}

module attributes {stable_mosaic.version = 14 : i64} {
  func.func @_final_body(%arg0: i32, %arg1: memref<80x128xf32, #tpu.memory_space<vmem>>, %arg2: memref<80x128xf32, #tpu.memory_space<vmem>>, %arg3: memref<80x128xf32, #tpu.memory_space<vmem>>, %arg4: memref<128x64xf32, #tpu.memory_space<vmem>>, %arg5: memref<1x64xf32, #tpu.memory_space<vmem>>, %arg6: memref<1x64xf32, #tpu.memory_space<vmem>>, %arg7: memref<1x1xf32, #tpu.memory_space<vmem>>, %arg8: memref<80x1xf32, #tpu.memory_space<vmem>>) attributes {dimension_semantics = [#tpu.dimension_semantics<arbitrary>], iteration_bounds = array<i64: 125>, scalar_prefetch = 0 : i64, scratch_operands = 0 : i64, tpu.core_type = #tpu.core_type<tc>, window_params = [{transform_indices = @transform_0, window_bounds = array<i64: 80, 128>}, {transform_indices = @transform_1, window_bounds = array<i64: 80, 128>}, {transform_indices = @transform_2, window_bounds = array<i64: 80, 128>}, {pipeline_mode = #tpu.pipeline_mode<synchronous>, transform_indices = @transform_3, window_bounds = array<i64: 128, 64>}, {pipeline_mode = #tpu.pipeline_mode<synchronous>, transform_indices = @transform_4, window_bounds = array<i64: 1, 64>}, {pipeline_mode = #tpu.pipeline_mode<synchronous>, transform_indices = @transform_5, window_bounds = array<i64: 1, 64>}, {pipeline_mode = #tpu.pipeline_mode<synchronous>, transform_indices = @transform_6, window_bounds = array<i64: 1, 1>}, {transform_indices = @transform_7, window_bounds = array<i64: 80, 1>}]} {
    %get3A = arith.constant 0 : index
    %get3A_0 = arith.constant 0 : index
    %get3A_1 = vector.load %arg1[%get3A, %get3A_0] : memref<80x128xf32, #tpu.memory_space<vmem>>, vector<80x128xf32>
    %get3A_2 = arith.constant 0 : index
    %get3A_3 = arith.constant 0 : index
    %get3A_4 = vector.load %arg2[%get3A_2, %get3A_3] : memref<80x128xf32, #tpu.memory_space<vmem>>, vector<80x128xf32>
    %get3A_5 = arith.constant 0 : index
    %get3A_6 = arith.constant 0 : index
    %get3A_7 = vector.load %arg3[%get3A_5, %get3A_6] : memref<80x128xf32, #tpu.memory_space<vmem>>, vector<80x128xf32>
    %add3A = arith.addf %get3A_4, %get3A_7 : vector<80x128xf32>
    %max3A = arith.constant 0.000000e+00 : f32
    %max3A_8 = vector.broadcast %max3A : f32 to vector<80x128xf32>
    %max3A_9 = arith.maximumf %add3A, %max3A_8 : vector<80x128xf32>
    %add3A_10 = arith.addf %get3A_1, %max3A_9 : vector<80x128xf32>
    %get3A_11 = arith.constant 0 : index
    %get3A_12 = arith.constant 0 : index
    %get3A_13 = vector.load %arg4[%get3A_11, %get3A_12] : memref<128x64xf32, #tpu.memory_space<vmem>>, vector<128x64xf32>
    %dot_general3A = arith.constant dense<0.000000e+00> : vector<80x64xf32>
    %dot_general3A_14 = tpu.matmul %add3A_10, %get3A_13, %dot_general3A {dimension_numbers = #tpu.dot_dimension_numbers<[1], [0], [0], [1], [0, 0, 1, 1], [], []>, transpose_lhs_hint = false} : vector<80x128xf32>, vector<128x64xf32>, vector<80x64xf32> -> vector<80x64xf32>
    %get3A_15 = arith.constant 0 : index
    %get3A_16 = arith.constant 0 : index
    %get3A_17 = vector.load %arg5[%get3A_15, %get3A_16] : memref<1x64xf32, #tpu.memory_space<vmem>>, vector<1x64xf32>
    %add3A_18 = vector.broadcast %get3A_17 : vector<1x64xf32> to vector<80x64xf32>
    %add3A_19 = arith.addf %dot_general3A_14, %add3A_18 : vector<80x64xf32>
    %max3A_20 = arith.constant 0.000000e+00 : f32
    %max3A_21 = vector.broadcast %max3A_20 : f32 to vector<80x64xf32>
    %max3A_22 = arith.maximumf %add3A_19, %max3A_21 : vector<80x64xf32>
    %get3A_23 = arith.constant 0 : index
    %get3A_24 = arith.constant 0 : index
    %get3A_25 = vector.load %arg6[%get3A_23, %get3A_24] : memref<1x64xf32, #tpu.memory_space<vmem>>, vector<1x64xf32>
    %mul3A = vector.broadcast %get3A_25 : vector<1x64xf32> to vector<80x64xf32>
    %mul3A_26 = arith.mulf %max3A_22, %mul3A : vector<80x64xf32>
    %reduce_sum3A = arith.constant dense<0.000000e+00> : vector<80xf32>
    %reduce_sum3A_27 = vector.multi_reduction <add>, %mul3A_26, %reduce_sum3A [1] : vector<80x64xf32> to vector<80xf32>
    %broadcast_in_dim3A = vector.shape_cast %reduce_sum3A_27 : vector<80xf32> to vector<80x1xf32>
    %get3A_28 = arith.constant 0 : index
    %get3A_29 = arith.constant 0 : index
    %get3A_30 = vector.load %arg7[%get3A_28, %get3A_29] : memref<1x1xf32, #tpu.memory_space<vmem>>, vector<1x1xf32>
    %add3A_31 = vector.broadcast %get3A_30 : vector<1x1xf32> to vector<80x1xf32>
    %add3A_32 = arith.addf %broadcast_in_dim3A, %add3A_31 : vector<80x1xf32>
    %swap3A = arith.constant 0 : index
    %swap3A_33 = arith.constant 0 : index
    %swap3A_34 = vector.load %arg8[%swap3A, %swap3A_33] : memref<80x1xf32, #tpu.memory_space<vmem>>, vector<80x1xf32>
    tpu.vector_store %arg8[%swap3A, %swap3A_33], %add3A_32 {strides = array<i32>} : memref<80x1xf32, #tpu.memory_space<vmem>>, vector<80x1xf32>,
    return
  }
  func.func @transform_0(%arg0: i32) -> (i32, i32) {
    %c0_i32 = arith.constant 0 : i32
    %c0_i32_0 = arith.constant 0 : i32
    return %arg0, %c0_i32 : i32, i32
  }
  func.func @transform_1(%arg0: i32) -> (i32, i32) {
    %c0_i32 = arith.constant 0 : i32
    %c0_i32_0 = arith.constant 0 : i32
    return %arg0, %c0_i32 : i32, i32
  }
  func.func @transform_2(%arg0: i32) -> (i32, i32) {
    %add3A = arith.constant 128 : i32
    %add3A_0 = arith.addi %arg0, %add3A : i32
    %c0_i32 = arith.constant 0 : i32
    %c0_i32_1 = arith.constant 0 : i32
    return %add3A_0, %c0_i32 : i32, i32
  }
  func.func @transform_3(%arg0: i32) -> (i32, i32) {
    %c0_i32 = arith.constant 0 : i32
    %c0_i32_0 = arith.constant 0 : i32
    %c0_i32_1 = arith.constant 0 : i32
    return %c0_i32, %c0_i32_0 : i32, i32
  }
  func.func @transform_4(%arg0: i32) -> (i32, i32) {
    %c0_i32 = arith.constant 0 : i32
    %c0_i32_0 = arith.constant 0 : i32
    %c0_i32_1 = arith.constant 0 : i32
    return %c0_i32, %c0_i32_0 : i32, i32
  }
  func.func @transform_5(%arg0: i32) -> (i32, i32) {
    %c0_i32 = arith.constant 0 : i32
    %c0_i32_0 = arith.constant 0 : i32
    %c0_i32_1 = arith.constant 0 : i32
    return %c0_i32, %c0_i32_0 : i32, i32
  }
  func.func @transform_6(%arg0: i32) -> (i32, i32) {
    %c0_i32 = arith.constant 0 : i32
    %c0_i32_0 = arith.constant 0 : i32
    %c0_i32_1 = arith.constant 0 : i32
    return %c0_i32, %c0_i32_0 : i32, i32
  }
  func.func @transform_7(%arg0: i32) -> (i32, i32) {
    %c0_i32 = arith.constant 0 : i32
    %c0_i32_0 = arith.constant 0 : i32
    return %arg0, %c0_i32 : i32, i32
  }
}

</mosaic_0001>

<sc_bundles>
// kernel: kernel.16.cloned.1.call-start
scs
__scs_entry_jumppad:
0x0: {  	(pc) =	sbr.rel $0x88, $3  }
0x1: {  	(tag) =	ssettag $0x0;
	lr =	simm.s32 $0x1  }
0x2: {  	[smem:$0x3F90] =	sst lr;
	_ =	strace $0xD0000000  }
0x3: {  	_ = 	snop  }
0x4: {  	_ = 	snop  }
0x5: {  	_ = 	snop  }
0x6: {  	_ = 	snop  }
0x7: {  	_ = 	snop  }
__scs_overlays_trampoline_lowered:
0x8: {  	[smem:$0x3F9F] =	sst s0  }
0x9: {  	[smem:$0x3FA0] =	sst s1  }
0xa: {  	[smem:$0x3FA1] =	sst s2  }
0xb: {  	[smem:$0x3FA2] =	sst s3  }
0xc: {  	[smem:$0x3FA3] =	sst s4  }
0xd: {  	[smem:$0x3FA4] =	sst s5  }
0xe: {  	[smem:$0x3FA5] =	sst s6  }
0xf: {  	[smem:$0x3FA6] =	sst s7  }
0x10: {  	[smem:$0x3FA7] =	sst s8  }
0x11: {  	[smem:$0x3FA8] =	sst s9;
	s0 =	simm.s32 @!p0 $0x0  }
0x12: {  	s1 =	sld [smem:$0x3F8E];
	s0 =	simm.s32 @p0 $0x1  }
0x13: {  	[smem:$0x3FA9] =	sst s0;
	s0 =	simm.s32 @!p1 $0x0  }
0x14: {  	s2 =	sld [smem:$0x3F8D];
	s0 =	simm.s32 @p1 $0x1  }
0x15: {  	[smem:$0x3FAA] =	sst s0;
	s0 =	simm.s32 @!p2 $0x0  }
0x16: {  	s3 =	sld [smem:$0x3FDB];
	s0 =	simm.s32 @p2 $0x1  }
0x17: {  	s4 =	simm.s32 $0x1BF5;
	[smem:$0x3FAC] =	sst s0  }
0x18: {  	s0 =	sld [smem:$0x3F8F];
	_ =	swait.ge [sflag:s4], $0x0  }
0x19: {  	s7 =	sld [smem:$0x3F90]  }
0x1a: {  	s8 =	sadd.s32 $0xFFFFE003, lr  }
0x1b: {  	s9 =	sadd.s32 $0xFFFFFEF7, lr;
	s5 =	simm.s32 $0xFFFFFFFF;
	p2 =	slt.u32 s8, $0xFFFFF086  }
0x1c: {  	p1 =	slt.u32 s9, $0xF7A;
	s5 =	simm.s32 @!p2 $0x0  }
0x1d: {  	s5 =	simm.s32 @p1 $0x1;
	p0 =	seq.s32 s7, s2  }
0x1e: {  	s7 =	smul.u32 @!p0 $0xF7A, s2;
	p2 =	seq.s32 @!p0 s5, $0x0  }
0x1f: {  	s9 =	smul.u32 $0xF7A, s1;
	s8 =	simm.s32 @!p0 $0x1BF5;
	p2 =	por !p2, p0  }
0x20: {  	[sflag:s8] =	ssyncset.s32 @!p0 $0xFFFFF086;
	s6 =	sadd.s32 @!p0 s3, s7;
	s7 =	simm.s32 @!p0 $0x108  }
0x21: {  	s3 =	sadd.s32 s3, s9;
	s6 =	sadd.s32 @!p0 $0x88, s6;
	s7 =	simm.s32 @p2 $0x1082  }
0x22: {  	[simem:s7], [sflag:s8] =	dma.local @!p0 [hbm:s6], $0xF7A  }
0x23: {  	s9 =	sor.u32 $0xD0000000, s2;
	s6 =	simm.s32 $0x108;
	_ =	swait.ge @!p0 [sflag:s8], $0x0  }
0x24: {  	s3 =	sadd.s32 $0x88, s3;
	s6 =	simm.s32 @!p1 $0x1082;
	[sflag:s4] =	ssyncset.s32 $0xFFFFF086  }
0x25: {  	[simem:s6], [sflag:s4] =	dma.local [hbm:s3], $0xF7A  }
0x26: {  	[smem:$0x3F90] =	sst s1;
	(tag) =	ssettag s2;
	_ =	strace s9  }
0x27: {  	s1 =	sld [smem:$0x3FA0]  }
0x28: {  	s2 =	sld [smem:$0x3FA1]  }
0x29: {  	s4 =	sld [smem:$0x3FA3]  }
0x2a: {  	p0 =	seq.s32 s5, $0x0;
	s5 =	sld [smem:$0x3FA4]  }
0x2b: {  	s6 =	sld [smem:$0x3FA5]  }
0x2c: {  	s7 =	sld [smem:$0x3FA6]  }
0x2d: {  	s3 =	simm.s32 $0x108;
	s8 =	sld [smem:$0x3FA7]  }
0x2e: {  	s3 =	simm.s32 @!p0 $0x1082;
	s9 =	sld [smem:$0x3FA8]  }
0x2f: {  	lr =	sadd.s32 s0, s3;
	s0 =	sld [smem:$0x3F9F]  }
0x30: {  	s3 =	sld [smem:$0x3FA2]  }
0x31: {  	[smem:$0x3FAB] =	sst s10  }
0x32: {  	s10 =	sld [smem:$0x3FA9];
	_ =	sdelay $0x3  }
0x33: {  	p0 =	seq.s32 s10, $0x1;
	s10 =	sld [smem:$0x3FAB];
	_ =	sdelay $0x3  }
0x34: {  	[smem:$0x3FAB] =	sst s10  }
0x35: {  	s10 =	sld [smem:$0x3FAA];
	_ =	sdelay $0x3  }
0x36: {  	p1 =	seq.s32 s10, $0x1;
	s10 =	sld [smem:$0x3FAB];
	_ =	sdelay $0x3  }
0x37: {  	[smem:$0x3FAB] =	sst s10  }
0x38: {  	s10 =	sld [smem:$0x3FAC]  }
0x39: {  	_ = 	snop;
	(pc) =	sbr.ind lr, $3  }
0x3a: {  	_ = 	snop  }
0x3b: {  	_ = 	snop  }
0x3c: {  	p2 =	seq.s32 s10, $0x1;
	s10 =	sld [smem:$0x3FAB]  }
0x3d: {  	_ =	shalt  }
0x3e: {  	_ =	shalt  }
0x3f: {  	_ =	shalt  }
0x40: {  	_ =	shalt  }
0x41: {  	_ =	shalt  }
0x42: {  	_ =	shalt  }
0x43: {  	_ =	shalt  }
0x44: {  	_ =	shalt  }
0x45: {  	_ =	shalt  }
0x46: {  	_ =	shalt  }
0x47: {  	_ =	shalt  }
0x48: {  	_ =	shalt  }
0x49: {  	_ =	shalt  }
0x4a: {  	_ =	shalt  }
0x4b: {  	_ =	shalt  }
0x4c: {  	_ =	shalt  }
0x4d: {  	_ =	shalt  }
0x4e: {  	_ =	shalt  }
0x4f: {  	_ =	shalt  }
0x50: {  	_ =	shalt  }
0x51: {  	_ =	shalt  }
0x52: {  	_ =	shalt  }
0x53: {  	_ =	shalt  }
0x54: {  	_ =	shalt  }
0x55: {  	_ =	shalt  }
0x56: {  	_ =	shalt  }
0x57: {  	_ =	shalt  }
0x58: {  	_ =	shalt  }
0x59: {  	_ =	shalt  }
0x5a: {  	_ =	shalt  }
0x5b: {  	_ =	shalt  }
0x5c: {  	_ =	shalt  }
0x5d: {  	_ =	shalt  }
0x5e: {  	_ =	shalt  }
0x5f: {  	_ =	shalt  }
0x60: {  	_ =	shalt  }
0x61: {  	_ =	shalt  }
0x62: {  	_ =	shalt  }
0x63: {  	_ =	shalt  }
0x64: {  	_ =	shalt  }
0x65: {  	_ =	shalt  }
0x66: {  	_ =	shalt  }
0x67: {  	_ =	shalt  }
0x68: {  	_ =	shalt  }
0x69: {  	_ =	shalt  }
0x6a: {  	_ =	shalt  }
0x6b: {  	_ =	shalt  }
0x6c: {  	_ =	shalt  }
0x6d: {  	_ =	shalt  }
0x6e: {  	_ =	shalt  }
0x6f: {  	_ =	shalt  }
0x70: {  	_ =	shalt  }
0x71: {  	_ =	shalt  }
0x72: {  	_ =	shalt  }
0x73: {  	_ =	shalt  }
0x74: {  	_ =	shalt  }
0x75: {  	_ =	shalt  }
0x76: {  	_ =	shalt  }
0x77: {  	_ =	shalt  }
0x78: {  	_ =	shalt  }
0x79: {  	_ =	shalt  }
0x7a: {  	_ =	shalt  }
0x7b: {  	_ =	shalt  }
0x7c: {  	_ =	shalt  }
0x7d: {  	_ =	shalt  }
0x7e: {  	_ =	shalt  }
0x7f: {  	_ =	shalt  }
0x80: {  	_ =	shalt  }
0x81: {  	_ =	shalt  }
0x82: {  	_ =	shalt  }
0x83: {  	_ =	shalt  }
0x84: {  	_ =	shalt  }
0x85: {  	_ =	shalt  }
0x86: {  	_ =	shalt  }
0x87: {  	_ =	shalt  }
.Lfunc_end0:
.L_simem_size_0:
called_computation_lowered:
.L_overlay_start_0:
0x88: {  	s2 =	sld [smem:$0x3FD9]  }
0x89: {  	s3 =	sld [smem:$0x3FFE];
	_ =	sdelay $0x1  }
0x8a: {  	s1 =	srdreg.scid  }
0x8b: {  	s0 =	sand.u32 $0x1, s1  }
0x8c: {  	s16 =	sshll.u32 s0, $0xA;
	s2 =	sadd.s32 s3, s2  }
0x8d: {  	s2 =	sadd.s32 s2, s16  }
0x8e: {  	[smem:$0x3FB7] =	sst s2  }
0x8f: {  	_ = 	snop  }
0x90: {  	(tm) =	ssettm $0x1  }
0x91: {  	s17 =	sld [smem:$0x3FFB];
	_ =	sdelay $0x3  }
0x92: {  	_ =	strace s17  }
0x93: {  	s2 =	sld [smem:$0x3FFC];
	_ =	sdelay $0x3  }
0x94: {  	_ =	strace s2  }
0x95: {  	s2 =	sld [smem:$0x3FFD];
	_ =	sdelay $0x3  }
0x96: {  	_ =	strace s2  }
0x97: {  	_ =	strace $0x8FFFFFFF  }
0x98: {  	s18 =	sld [smem:$0x3FDB];
	_ =	sdelay $0x1  }
0x99: {  	s19 =	simm.s32 $_scs_section_size  }
0x9a: {  	s4 =	simm.s32 $_size__tile_overlayer_lowered;
	s5 =	simm.s32 $_tile_overlayer_lowered  }
0x9b: {  	s22 =	simm.s32 $0x1BFF;
	s21 =	sshll.u32 s5, $0x1;
	s2 =	sadd.s32 s19, s18  }
0x9c: {  	s6 =	simm.s32 $0x0;
	s20 =	sshll.u32 s4, $0x1;
	s4 =	sadd.s32 s21, s2  }
0x9d: {  	[timem:s6], [sflag:s22] =	dma.local [hbm:s4], s20  }
0x9e: {  	_ =	swait.ge [sflag:s22], s20  }
0x9f: {  	s3 =	ssub.s32 $0x0, s20;
	[sflag:s22] =	ssyncset.done $0x0  }
0xa0: {  	[sflag:s22] =	ssyncadd.s32 s3;
	_ =	sdelay $0x1  }
0xa1: {  	s23 =	simm.s32 $0x1B8B  }
0xa2: {  	_ =	swait.ge [sflag:s23], $0x1  }
0xa3: {  	[sflag:s23] =	ssyncset.done $0x0  }
0xa4: {  	s25 =	simm.s32 $0x1B8E;
	s24 =	sld [smem:$0x3FFE];
	[sflag:s23] =	ssyncadd.s32 $0xFFFFFFFF  }
0xa5: {  	s26 =	simm.s32 $execute0_lowered;
	[smem:$0x3FD2] =	sst s25  }
0xa6: {  	s4 =	sshll.u32 s26, $0x1;
	_ =	strace $0x80000046;
	[dreg:$0x1] =	wrdreg $0xFFFFFFFF  }
0xa7: {  	s28 =	simm.s32 $_size_execute0_lowered;
	s2 =	sadd.s32 s2, s4;
	[dreg:$0x0] =	wrdreg $0x0  }
0xa8: {  	s4 =	sshll.u32 s28, $0x1;
	[dreg:$0x2] =	wrdreg s2  }
0xa9: {  	[dreg:$0x3] =	wrdreg s4  }
0xaa: {  	[dreg:$0x4] =	wrdreg $0xC0  }
0xab: {  	_ =	task [dreg:s6], $0x5FFFF  }
0xac: {  	[dreg:$0x1] =	wrdreg $0xFFFFFFFF  }
0xad: {  	[dreg:$0x0] =	wrdreg $0x60  }
0xae: {  	[dreg:$0x2] =	wrdreg s24  }
0xaf: {  	[dreg:$0x3] =	wrdreg $0x9  }
0xb0: {  	_ =	task.clear_ibuf [dreg:s6], $0x4FFFF;
	_ =	strace $0x90000046  }
0xb1: {  	s29 =	simm.s32 $0x9;
	_ =	strace $0x80000048  }
0xb2: {  	_ =	swait.ge [sflag:s29], $0x1  }
0xb3: {  	[sflag:s29] =	ssyncadd.s32 $0xFFFFFFFF  }
0xb4: {  	_ =	strace $0x90000048  }
0xb5: {  	_ =	sfence  }
0xb6: {  	s30 =	sld [smem:$0x0];
	_ =	sdelay $0x2  }
0xb7: {  	s31 =	sshll.u32 s1, $0xD;
	s1 =	sshrl.u32 s1, $0x2  }
0xb8: {  	s3 =	sand.u32 $0x4000, s31;
	s1 =	sadd.s32 s1, s30  }
0xb9: {  	s0 =	sor.u32 s3, s0;
	s1 =	sshll.u32 s1, $0x11  }
0xba: {  	s0 =	sor.u32 s1, s0  }
0xbb: {  	s0 =	sadd.s32 $0x8F2B, s0  }
0xbc: {  	[sflag:s0] =	ssyncadd.remote.s32 $0x1  }
0xbd: {  	_ =	sfence.sel $0xFFFF  }
0xbe: {  	[dreg:$0x0] =	wrdreg $0xFFFFFFFF;
	(pc) =	sbr.abs _section_cstart, $3  }
0xbf: {  	[dreg:$0x1] =	wrdreg $0xFFFFFFFF  }
0xc0: {  	_ =	task.clear_ibuf [dreg:s6], $0x2FFFF;
	_ =	strace $0x9FFFFFFF  }
0xc1: {  	(tm) =	ssettm $0x7FFFFFFF  }
tec
execute0_lowered:
.L_overlay_start_1:
0x0: {  	(tag) =	ssettag $0x1  }
0x1: {  	s4 =	rddreg [dreg:$0x0]  }
0x2: {  	s0 =	rddreg [dreg:$0x1]  }
0x3: {  	s2 =	simm.s32 $0x0;
	s5 =	srdreg.scid;
	s1 =	stileid.u32  }
0x4: {  	s10 =	simm.s32 $0x80;
	s11 =	simm.s32 $0xA800;
	s12 =	simm.s32 $0x100  }
0x5: {  	s13 =	simm.s32 $0xD000;
	s14 =	simm.s32 $0x180;
	s15 =	simm.s32 $0xF800  }
0x6: {  	s16 =	simm.s32 $0x200;
	s17 =	simm.s32 $0x12000;
	s18 =	simm.s32 $0x1  }
0x7: {  	s19 =	simm.s32 $0x2;
	s20 =	simm.s32 $0x0;
	[smem:$0x7FF] =	sst s2  }
0x8: {  	s3 =	sadd.s32 $0x31800, s4;
	s5 =	sand.u32 $0x1, s5;
	s9 =	smul.u32 $0x4E200, s1  }
0x9: {  	s6 =	sshll.u32 s1, $0xC;
	_ =	strace $0x80000047;
	s8 =	smul.u32 $0x4E2000, s5  }
.Ltmp0:
0xa: {  	s7 =	sshll.u32 s5, $0x10;
	s5 =	ssub.s32 $0x2, s5;
	(pc) =	sbr.rel .LBB2_1-.Ltmp0, $4  }
0xb: {  	s6 =	sor.u32 s6, s7;
	s30 =	sshrl.u32 s5, $0x1;
	s7 =	simm.s32 $0x3  }
0xc: {  	s6 =	sadd.s32 s6, s4;
	s8 =	sadd.s32 s8, s4;
	s5 =	ssub.s32 s5, s30  }
0xd: {  	s4 =	sadd.s32 $0x11800, s6;
	s5 =	smax.u32 s5, $0x1;
	s31 =	sadd.s32 s9, s8  }
0xe: {  	s8 =	simm.s32 $0x50;
	s9 =	simm.s32 $0x8000;
	s6 =	sadd.s32 $0x59E00, s31  }
.LBB2_4:
0xf: {  	s20 =	sadd.s32 $0x1, s20  }
0x10: {  	p0 =	sne.s32 s20, s5  }
.Ltmp1:
0x11: {  	_ = 	snop;
	(pc) =	sbr.rel @!p0 .LBB2_5-.Ltmp1, $1  }
0x12: {  	_ =	sdelay $0x3  }
.LBB2_1:
0x13: {  	[tilespmem:s2], [sflag:$0x3] =	stream.linear.gather [hbm4b:s4+s2], $0x7D00, $0x38;
	[tilespmem:$0x14800] =	vst v63  }
0x14: {  	_ =	swait.ge [sflag:s7], $0x7D00  }
0x15: {  	[sflag:s7] =	ssyncset.done $0x0  }
0x16: {  	[sflag:s7] =	ssyncadd.s32 $0xFFFF8300  }
0x17: {  	[tilespmem:s9], [sflag:$0x1] =	stream.indirect.gather [hbm4b:s3+s8], $0x80, s2, s8, $0xb8;
	[tilespmem:$0x14800] =	vst v63  }
0x18: {  	_ = 	snop  }
0x19: {  	[tilespmem:s11], [sflag:$0x1] =	stream.indirect.gather [hbm4b:s3+s8], $0x80, s10, s8, $0xb8;
	[tilespmem:$0x14800] =	vst v63  }
0x1a: {  	_ = 	snop  }
0x1b: {  	[tilespmem:s13], [sflag:$0x1] =	stream.indirect.gather [hbm4b:s3+s8], $0x80, s12, s8, $0xb8;
	[tilespmem:$0x14800] =	vst v63  }
0x1c: {  	_ = 	snop  }
0x1d: {  	[tilespmem:s15], [sflag:$0x1] =	stream.indirect.gather [hbm4b:s3+s8], $0x80, s14, s8, $0xb8;
	[tilespmem:$0x14800] =	vst v63  }
0x1e: {  	s21 =	smov.u32 s6;
	s22 =	simm.s32 $0x0  }
0x1f: {  	[tilespmem:s17], [sflag:$0x1] =	stream.indirect.gather [hbm4b:s3+s8], $0x80, s16, s8, $0xb8;
	[tilespmem:$0x14800] =	vst v63  }
.LBB2_2:
0x20: {  	_ =	swait.ge [sflag:s18], $0x2800  }
0x21: {  	[sflag:s18] =	ssyncset.done $0x0  }
0x22: {  	s23 =	sadd.s32 $0xFFFFEC00, s21;
	[sflag:s18] =	ssyncadd.s32 $0xFFFFD800  }
0x23: {  	[hbm4b:s23+s2] =	stream.linear.scatter [tilespmem:s9], [sflag:$0x2], $0x2800, $0x38;
	[tilespmem:$0x14800] =	vst v63  }
0x24: {  	p0 =	seq.s32 s22, $0x1EA00;
	_ =	swait.ge [sflag:s19], $0x2800  }
0x25: {  	s25 =	simm.s32 @!p0 $0x50;
	s23 =	sshra.s32 @!p0 s22, $0x2;
	[sflag:s19] =	ssyncset.done $0x0  }
0x26: {  	s26 =	simm.s32 @!p0 $0x8000;
	s24 =	sadd.s32 @!p0 $0x280, s23;
	[sflag:s19] =	ssyncadd.s32 $0xFFFFD800  }
0x27: {  	[tilespmem:s26], [sflag:$0x1] =	stream.indirect.gather @!p0 [hbm4b:s3+s25], $0x80, s24, s25, $0xb8;
	[tilespmem:$0x14800] =	vst v63  }
0x28: {  	_ =	swait.ge [sflag:s18], $0x2800  }
0x29: {  	[sflag:s18] =	ssyncset.done $0x0  }
0x2a: {  	s29 =	sadd.s32 $0xFFFFF100, s21;
	[sflag:s18] =	ssyncadd.s32 $0xFFFFD800  }
0x2b: {  	[hbm4b:s29+s2] =	stream.linear.scatter [tilespmem:s11], [sflag:$0x2], $0x2800, $0x38;
	[tilespmem:$0x14800] =	vst v63  }
0x2c: {  	_ =	swait.ge [sflag:s19], $0x2800  }
0x2d: {  	[sflag:s19] =	ssyncset.done $0x0  }
0x2e: {  	s24 =	sadd.s32 @!p0 $0x300, s23;
	s26 =	simm.s32 @!p0 $0xA800;
	[sflag:s19] =	ssyncadd.s32 $0xFFFFD800  }
0x2f: {  	[tilespmem:s26], [sflag:$0x1] =	stream.indirect.gather @!p0 [hbm4b:s3+s25], $0x80, s24, s25, $0xb8;
	[tilespmem:$0x14800] =	vst v63  }
0x30: {  	_ =	swait.ge [sflag:s18], $0x2800  }
0x31: {  	[sflag:s18] =	ssyncset.done $0x0  }
0x32: {  	s30 =	sadd.s32 $0xFFFFF600, s21;
	[sflag:s18] =	ssyncadd.s32 $0xFFFFD800  }
0x33: {  	[hbm4b:s30+s2] =	stream.linear.scatter [tilespmem:s13], [sflag:$0x2], $0x2800, $0x38;
	[tilespmem:$0x14800] =	vst v63  }
0x34: {  	_ =	swait.ge [sflag:s19], $0x2800  }
0x35: {  	[sflag:s19] =	ssyncset.done $0x0  }
0x36: {  	s24 =	sadd.s32 @!p0 $0x380, s23;
	s26 =	simm.s32 @!p0 $0xD000;
	[sflag:s19] =	ssyncadd.s32 $0xFFFFD800  }
0x37: {  	[tilespmem:s26], [sflag:$0x1] =	stream.indirect.gather @!p0 [hbm4b:s3+s25], $0x80, s24, s25, $0xb8;
	[tilespmem:$0x14800] =	vst v63  }
0x38: {  	_ =	swait.ge [sflag:s18], $0x2800  }
0x39: {  	[sflag:s18] =	ssyncset.done $0x0  }
0x3a: {  	s31 =	sadd.s32 $0xFFFFFB00, s21;
	[sflag:s18] =	ssyncadd.s32 $0xFFFFD800  }
0x3b: {  	[hbm4b:s31+s2] =	stream.linear.scatter [tilespmem:s15], [sflag:$0x2], $0x2800, $0x38;
	[tilespmem:$0x14800] =	vst v63  }
0x3c: {  	_ =	swait.ge [sflag:s19], $0x2800  }
0x3d: {  	[sflag:s19] =	ssyncset.done $0x0  }
0x3e: {  	s23 =	sadd.s32 @!p0 $0x400, s23;
	s24 =	simm.s32 @!p0 $0xF800;
	[sflag:s19] =	ssyncadd.s32 $0xFFFFD800  }
0x3f: {  	[tilespmem:s24], [sflag:$0x1] =	stream.indirect.gather @!p0 [hbm4b:s3+s25], $0x80, s23, s25, $0xb8;
	[tilespmem:$0x14800] =	vst v63  }
0x40: {  	_ =	swait.ge [sflag:s18], $0x2800  }
0x41: {  	[sflag:s18] =	ssyncset.done $0x0  }
.Ltmp2:
0x42: {  	[sflag:s18] =	ssyncadd.s32 $0xFFFFD800;
	(pc) =	sbr.rel @p0 .LBB2_4-.Ltmp2, $4  }
0x43: {  	[hbm4b:s21+s2] =	stream.linear.scatter [tilespmem:s17], [sflag:$0x2], $0x2800, $0x38;
	[tilespmem:$0x14800] =	vst v63  }
0x44: {  	_ =	swait.ge [sflag:s19], $0x2800  }
0x45: {  	[sflag:s19] =	ssyncset.done $0x0  }
0x46: {  	[sflag:s19] =	ssyncadd.s32 $0xFFFFD800  }
.Ltmp3:
0x47: {  	(pc) =	sbr.rel .LBB2_2-.Ltmp3, $4  }
0x48: {  	_ = 	snop  }
0x49: {  	s23 =	sshra.s32 s22, $0x2  }
0x4a: {  	s22 =	sadd.s32 $0xA00, s22;
	s21 =	sadd.s32 $0x1900, s21;
	s23 =	sadd.s32 $0x480, s23  }
0x4b: {  	[tilespmem:s17], [sflag:$0x1] =	stream.indirect.gather [hbm4b:s3+s8], $0x80, s23, s8, $0xb8;
	[tilespmem:$0x14800] =	vst v63  }
.LBB2_5:
0x4c: {  	_ =	sfence.sel $0x180000  }
0x4d: {  	[bflag:$0x0] =	sbarrier.arrive $0xFFFF  }
0x4e: {  	p0 =	sne.s32 s1, $0x0;
	_ =	strace $0x90000047  }
0x4f: {  	s0 =	sadd.s32 @!p0 $0x100000, s0;
	[bflag:$0x2] =	sbarrier.arrive $0xFFFF  }
0x50: {  	[sflag:s0] =	ssyncadd.tile.s32 @!p0 $0x1;
	_ =	shalt  }
.Lfunc_end2:
_tile_overlayer_lowered:
.L_overlay_start_2:
0x51: {  	(tag) =	ssettag $0x2  }
0x52: {  	s0 =	rddreg [dreg:$0x0];
	s2 =	stileid.u32  }
0x53: {  	s1 =	rddreg [dreg:$0x1];
	p0 =	sne.s32 s2, $0x0  }
0x54: {  	s3 =	rddreg [dreg:$0x2];
	[bflag:$0x3] =	sbarrier.arrive $0xFFFF;
	s2 =	simm.s32 @!p0 $0x1C03  }
0x55: {  	[timem:s3], [sflag:s2] =	dma.local @!p0 [hbm:s0], s1  }
0x56: {  	s0 =	simm.s32 @!p0 $0x3  }
0x57: {  	_ =	swait.ge @!p0 [sflag:s0], s1  }
0x58: {  	s1 =	ssub.s32 @!p0 $0x0, s1;
	[sflag:s0] =	ssyncset.done @!p0 $0x0  }
0x59: {  	[sflag:s0] =	ssyncadd.s32 @!p0 s1  }
0x5a: {  	[bflag:$0x3] =	sbarrier.arrive $0xFFFF  }
0x5b: {  	_ =	shalt  }

// kernel: kernel.19.cloned.1.call-start
scs
__scs_entry_jumppad:
0x0: {  	(pc) =	sbr.rel $0x88, $3  }
0x1: {  	(tag) =	ssettag $0x0;
	lr =	simm.s32 $0x1  }
0x2: {  	[smem:$0x3F90] =	sst lr;
	_ =	strace $0xD0000000  }
0x3: {  	_ = 	snop  }
0x4: {  	_ = 	snop  }
0x5: {  	_ = 	snop  }
0x6: {  	_ = 	snop  }
0x7: {  	_ = 	snop  }
__scs_overlays_trampoline_lowered:
0x8: {  	[smem:$0x3F9F] =	sst s0  }
0x9: {  	[smem:$0x3FA0] =	sst s1  }
0xa: {  	[smem:$0x3FA1] =	sst s2  }
0xb: {  	[smem:$0x3FA2] =	sst s3  }
0xc: {  	[smem:$0x3FA3] =	sst s4  }
0xd: {  	[smem:$0x3FA4] =	sst s5  }
0xe: {  	[smem:$0x3FA5] =	sst s6  }
0xf: {  	[smem:$0x3FA6] =	sst s7  }
0x10: {  	[smem:$0x3FA7] =	sst s8  }
0x11: {  	[smem:$0x3FA8] =	sst s9;
	s0 =	simm.s32 @!p0 $0x0  }
0x12: {  	s1 =	sld [smem:$0x3F8E];
	s0 =	simm.s32 @p0 $0x1  }
0x13: {  	[smem:$0x3FA9] =	sst s0;
	s0 =	simm.s32 @!p1 $0x0  }
0x14: {  	s2 =	sld [smem:$0x3F8D];
	s0 =	simm.s32 @p1 $0x1  }
0x15: {  	[smem:$0x3FAA] =	sst s0;
	s0 =	simm.s32 @!p2 $0x0  }
0x16: {  	s3 =	sld [smem:$0x3FDB];
	s0 =	simm.s32 @p2 $0x1  }
0x17: {  	s4 =	simm.s32 $0x1BF5;
	[smem:$0x3FAC] =	sst s0  }
0x18: {  	s0 =	sld [smem:$0x3F8F];
	_ =	swait.ge [sflag:s4], $0x0  }
0x19: {  	s7 =	sld [smem:$0x3F90]  }
0x1a: {  	s8 =	sadd.s32 $0xFFFFE003, lr  }
0x1b: {  	s9 =	sadd.s32 $0xFFFFFEF7, lr;
	s5 =	simm.s32 $0xFFFFFFFF;
	p2 =	slt.u32 s8, $0xFFFFF086  }
0x1c: {  	p1 =	slt.u32 s9, $0xF7A;
	s5 =	simm.s32 @!p2 $0x0  }
0x1d: {  	s5 =	simm.s32 @p1 $0x1;
	p0 =	seq.s32 s7, s2  }
0x1e: {  	s7 =	smul.u32 @!p0 $0xF7A, s2;
	p2 =	seq.s32 @!p0 s5, $0x0  }
0x1f: {  	s9 =	smul.u32 $0xF7A, s1;
	s8 =	simm.s32 @!p0 $0x1BF5;
	p2 =	por !p2, p0  }
0x20: {  	[sflag:s8] =	ssyncset.s32 @!p0 $0xFFFFF086;
	s6 =	sadd.s32 @!p0 s3, s7;
	s7 =	simm.s32 @!p0 $0x108  }
0x21: {  	s3 =	sadd.s32 s3, s9;
	s6 =	sadd.s32 @!p0 $0x88, s6;
	s7 =	simm.s32 @p2 $0x1082  }
0x22: {  	[simem:s7], [sflag:s8] =	dma.local @!p0 [hbm:s6], $0xF7A  }
0x23: {  	s9 =	sor.u32 $0xD0000000, s2;
	s6 =	simm.s32 $0x108;
	_ =	swait.ge @!p0 [sflag:s8], $0x0  }
0x24: {  	s3 =	sadd.s32 $0x88, s3;
	s6 =	simm.s32 @!p1 $0x1082;
	[sflag:s4] =	ssyncset.s32 $0xFFFFF086  }
0x25: {  	[simem:s6], [sflag:s4] =	dma.local [hbm:s3], $0xF7A  }
0x26: {  	[smem:$0x3F90] =	sst s1;
	(tag) =	ssettag s2;
	_ =	strace s9  }
0x27: {  	s1 =	sld [smem:$0x3FA0]  }
0x28: {  	s2 =	sld [smem:$0x3FA1]  }
0x29: {  	s4 =	sld [smem:$0x3FA3]  }
0x2a: {  	p0 =	seq.s32 s5, $0x0;
	s5 =	sld [smem:$0x3FA4]  }
0x2b: {  	s6 =	sld [smem:$0x3FA5]  }
0x2c: {  	s7 =	sld [smem:$0x3FA6]  }
0x2d: {  	s3 =	simm.s32 $0x108;
	s8 =	sld [smem:$0x3FA7]  }
0x2e: {  	s3 =	simm.s32 @!p0 $0x1082;
	s9 =	sld [smem:$0x3FA8]  }
0x2f: {  	lr =	sadd.s32 s0, s3;
	s0 =	sld [smem:$0x3F9F]  }
0x30: {  	s3 =	sld [smem:$0x3FA2]  }
0x31: {  	[smem:$0x3FAB] =	sst s10  }
0x32: {  	s10 =	sld [smem:$0x3FA9];
	_ =	sdelay $0x3  }
0x33: {  	p0 =	seq.s32 s10, $0x1;
	s10 =	sld [smem:$0x3FAB];
	_ =	sdelay $0x3  }
0x34: {  	[smem:$0x3FAB] =	sst s10  }
0x35: {  	s10 =	sld [smem:$0x3FAA];
	_ =	sdelay $0x3  }
0x36: {  	p1 =	seq.s32 s10, $0x1;
	s10 =	sld [smem:$0x3FAB];
	_ =	sdelay $0x3  }
0x37: {  	[smem:$0x3FAB] =	sst s10  }
0x38: {  	s10 =	sld [smem:$0x3FAC]  }
0x39: {  	_ = 	snop;
	(pc) =	sbr.ind lr, $3  }
0x3a: {  	_ = 	snop  }
0x3b: {  	_ = 	snop  }
0x3c: {  	p2 =	seq.s32 s10, $0x1;
	s10 =	sld [smem:$0x3FAB]  }
0x3d: {  	_ =	shalt  }
0x3e: {  	_ =	shalt  }
0x3f: {  	_ =	shalt  }
0x40: {  	_ =	shalt  }
0x41: {  	_ =	shalt  }
0x42: {  	_ =	shalt  }
0x43: {  	_ =	shalt  }
0x44: {  	_ =	shalt  }
0x45: {  	_ =	shalt  }
0x46: {  	_ =	shalt  }
0x47: {  	_ =	shalt  }
0x48: {  	_ =	shalt  }
0x49: {  	_ =	shalt  }
0x4a: {  	_ =	shalt  }
0x4b: {  	_ =	shalt  }
0x4c: {  	_ =	shalt  }
0x4d: {  	_ =	shalt  }
0x4e: {  	_ =	shalt  }
0x4f: {  	_ =	shalt  }
0x50: {  	_ =	shalt  }
0x51: {  	_ =	shalt  }
0x52: {  	_ =	shalt  }
0x53: {  	_ =	shalt  }
0x54: {  	_ =	shalt  }
0x55: {  	_ =	shalt  }
0x56: {  	_ =	shalt  }
0x57: {  	_ =	shalt  }
0x58: {  	_ =	shalt  }
0x59: {  	_ =	shalt  }
0x5a: {  	_ =	shalt  }
0x5b: {  	_ =	shalt  }
0x5c: {  	_ =	shalt  }
0x5d: {  	_ =	shalt  }
0x5e: {  	_ =	shalt  }
0x5f: {  	_ =	shalt  }
0x60: {  	_ =	shalt  }
0x61: {  	_ =	shalt  }
0x62: {  	_ =	shalt  }
0x63: {  	_ =	shalt  }
0x64: {  	_ =	shalt  }
0x65: {  	_ =	shalt  }
0x66: {  	_ =	shalt  }
0x67: {  	_ =	shalt  }
0x68: {  	_ =	shalt  }
0x69: {  	_ =	shalt  }
0x6a: {  	_ =	shalt  }
0x6b: {  	_ =	shalt  }
0x6c: {  	_ =	shalt  }
0x6d: {  	_ =	shalt  }
0x6e: {  	_ =	shalt  }
0x6f: {  	_ =	shalt  }
0x70: {  	_ =	shalt  }
0x71: {  	_ =	shalt  }
0x72: {  	_ =	shalt  }
0x73: {  	_ =	shalt  }
0x74: {  	_ =	shalt  }
0x75: {  	_ =	shalt  }
0x76: {  	_ =	shalt  }
0x77: {  	_ =	shalt  }
0x78: {  	_ =	shalt  }
0x79: {  	_ =	shalt  }
0x7a: {  	_ =	shalt  }
0x7b: {  	_ =	shalt  }
0x7c: {  	_ =	shalt  }
0x7d: {  	_ =	shalt  }
0x7e: {  	_ =	shalt  }
0x7f: {  	_ =	shalt  }
0x80: {  	_ =	shalt  }
0x81: {  	_ =	shalt  }
0x82: {  	_ =	shalt  }
0x83: {  	_ =	shalt  }
0x84: {  	_ =	shalt  }
0x85: {  	_ =	shalt  }
0x86: {  	_ =	shalt  }
0x87: {  	_ =	shalt  }
.Lfunc_end0:
.L_simem_size_0:
called_computation.1_lowered:
.L_overlay_start_0:
0x88: {  	s2 =	sld [smem:$0x3FD9]  }
0x89: {  	s3 =	sld [smem:$0x3FFE];
	_ =	sdelay $0x1  }
0x8a: {  	s1 =	srdreg.scid  }
0x8b: {  	s0 =	sand.u32 $0x1, s1  }
0x8c: {  	s16 =	sshll.u32 s0, $0xA;
	s2 =	sadd.s32 s3, s2  }
0x8d: {  	s2 =	sadd.s32 s2, s16  }
0x8e: {  	[smem:$0x3FB7] =	sst s2  }
0x8f: {  	_ = 	snop  }
0x90: {  	(tm) =	ssettm $0x1  }
0x91: {  	s17 =	sld [smem:$0x3FFB];
	_ =	sdelay $0x3  }
0x92: {  	_ =	strace s17  }
0x93: {  	s2 =	sld [smem:$0x3FFC];
	_ =	sdelay $0x3  }
0x94: {  	_ =	strace s2  }
0x95: {  	s2 =	sld [smem:$0x3FFD];
	_ =	sdelay $0x3  }
0x96: {  	_ =	strace s2  }
0x97: {  	_ =	strace $0x8FFFFFFF  }
0x98: {  	s18 =	sld [smem:$0x3FDB];
	_ =	sdelay $0x1  }
0x99: {  	s19 =	simm.s32 $_scs_section_size  }
0x9a: {  	s4 =	simm.s32 $_size__tile_overlayer_lowered;
	s5 =	simm.s32 $_tile_overlayer_lowered  }
0x9b: {  	s22 =	simm.s32 $0x1BFF;
	s21 =	sshll.u32 s5, $0x1;
	s2 =	sadd.s32 s19, s18  }
0x9c: {  	s6 =	simm.s32 $0x0;
	s20 =	sshll.u32 s4, $0x1;
	s4 =	sadd.s32 s21, s2  }
0x9d: {  	[timem:s6], [sflag:s22] =	dma.local [hbm:s4], s20  }
0x9e: {  	_ =	swait.ge [sflag:s22], s20  }
0x9f: {  	s3 =	ssub.s32 $0x0, s20;
	[sflag:s22] =	ssyncset.done $0x0  }
0xa0: {  	[sflag:s22] =	ssyncadd.s32 s3;
	_ =	sdelay $0x1  }
0xa1: {  	s23 =	simm.s32 $0x1B8B  }
0xa2: {  	_ =	swait.ge [sflag:s23], $0x1  }
0xa3: {  	[sflag:s23] =	ssyncset.done $0x0  }
0xa4: {  	s25 =	simm.s32 $0x1B8E;
	s24 =	sld [smem:$0x3FFE];
	[sflag:s23] =	ssyncadd.s32 $0xFFFFFFFF  }
0xa5: {  	s26 =	simm.s32 $execute0_lowered;
	[smem:$0x3FD2] =	sst s25  }
0xa6: {  	s4 =	sshll.u32 s26, $0x1;
	_ =	strace $0x80000049;
	[dreg:$0x1] =	wrdreg $0xFFFFFFFF  }
0xa7: {  	s28 =	simm.s32 $_size_execute0_lowered;
	s2 =	sadd.s32 s2, s4;
	[dreg:$0x0] =	wrdreg $0x0  }
0xa8: {  	s4 =	sshll.u32 s28, $0x1;
	[dreg:$0x2] =	wrdreg s2  }
0xa9: {  	[dreg:$0x3] =	wrdreg s4  }
0xaa: {  	[dreg:$0x4] =	wrdreg $0xC0  }
0xab: {  	_ =	task [dreg:s6], $0x5FFFF  }
0xac: {  	[dreg:$0x1] =	wrdreg $0xFFFFFFFF  }
0xad: {  	[dreg:$0x0] =	wrdreg $0x60  }
0xae: {  	[dreg:$0x2] =	wrdreg s24  }
0xaf: {  	[dreg:$0x3] =	wrdreg $0xB8000  }
0xb0: {  	[dreg:$0x4] =	wrdreg $0x9  }
0xb1: {  	_ =	task.clear_ibuf [dreg:s6], $0x5FFFF;
	_ =	strace $0x90000049  }
0xb2: {  	s29 =	simm.s32 $0x9;
	_ =	strace $0x8000004B  }
0xb3: {  	_ =	swait.ge [sflag:s29], $0x1  }
0xb4: {  	[sflag:s29] =	ssyncadd.s32 $0xFFFFFFFF  }
0xb5: {  	_ =	strace $0x9000004B  }
0xb6: {  	_ =	sfence  }
0xb7: {  	s30 =	sld [smem:$0x0];
	_ =	sdelay $0x2  }
0xb8: {  	s31 =	sshll.u32 s1, $0xD;
	s1 =	sshrl.u32 s1, $0x2  }
0xb9: {  	s3 =	sand.u32 $0x4000, s31;
	s1 =	sadd.s32 s1, s30  }
0xba: {  	s0 =	sor.u32 s3, s0;
	s1 =	sshll.u32 s1, $0x11  }
0xbb: {  	s0 =	sor.u32 s1, s0  }
0xbc: {  	s0 =	sadd.s32 $0x8F2B, s0  }
0xbd: {  	[sflag:s0] =	ssyncadd.remote.s32 $0x1  }
0xbe: {  	_ =	sfence.sel $0xFFFF  }
0xbf: {  	[dreg:$0x0] =	wrdreg $0xFFFFFFFF;
	(pc) =	sbr.abs _section_cstart, $3  }
0xc0: {  	[dreg:$0x1] =	wrdreg $0xFFFFFFFF  }
0xc1: {  	_ =	task.clear_ibuf [dreg:s6], $0x2FFFF;
	_ =	strace $0x9FFFFFFF  }
0xc2: {  	(tm) =	ssettm $0x7FFFFFFF  }
0xc3: {  	_ =	shalt  }
tec
execute0_lowered:
.L_overlay_start_1:
0x0: {  	(tag) =	ssettag $0x1  }
0x1: {  	s0 =	rddreg [dreg:$0x0]  }
0x2: {  	s1 =	rddreg [dreg:$0x1];
	s2 =	srdreg.scid  }
0x3: {  	s3 =	simm.s32 $0x0;
	s20 =	stileid.u32;
	s16 =	simm.s32 $0x3  }
0x4: {  	s17 =	simm.s32 $0x4000;
	s18 =	simm.s32 $0x6800;
	s19 =	simm.s32 $0x9000  }
0x5: {  	s28 =	simm.s32 $0x3E00;
	s29 =	simm.s32 $0x0;
	s21 =	smul.u32 $0x2800, s20  }
0x6: {  	s8 =	sand.u32 $0x1, s2;
	[smem:$0x7FF] =	sst s3;
	s9 =	smul.u32 $0x50000, s20  }
0x7: {  	s12 =	sadd.s32 $0xA2CA00, s0;
	s25 =	sshll.u32 s20, $0x6;
	s15 =	smul.u32 $0x27100, s20  }
0x8: {  	s4 =	sshll.u32 s8, $0x4;
	_ =	strace $0x8000004A;
	s7 =	smul.u32 $0x28000, s8  }
0x9: {  	s22 =	ssub.s32 $0x2, s8;
	s13 =	smul.u32 $0x271000, s8;
	s5 =	sor.u32 s20, s4  }
0xa: {  	s10 =	sadd.s32 s21, s0;
	s23 =	sshrl.u32 s22, $0x1;
	s9 =	sshrl.u32 s9, $0x2  }
0xb: {  	s20 =	simm.s32 $0x1;
	s6 =	sshll.u32 s5, $0xB;
	s4 =	sadd.s32 s21, s7  }
0xc: {  	s11 =	ssub.s32 s22, s23;
	s14 =	sadd.s32 s9, s1;
	s24 =	smul.u32 $0x138800, s5  }
0xd: {  	s26 =	smul.u32 $0x27100, s5;
	s5 =	sor.u32 $0x1C03, s25;
	s31 =	sadd.s32 s13, s12  }
0xe: {  	s21 =	simm.s32 $0x50;
	s22 =	simm.s32 $0x2;
	s25 =	simm.s32 $0x3D00  }
0xf: {  	s6 =	sadd.s32 s6, s0;
	s0 =	sadd.s32 s4, s0;
	s4 =	sadd.s32 $0xF0EA00, s10  }
0x10: {  	s11 =	smax.u32 s11, $0x1;
	s6 =	sadd.s32 $0xA1CA00, s6;
	s30 =	sshrl.u32 s24, $0x3  }
0x11: {  	s7 =	sadd.s32 s12, s26;
	s10 =	sadd.s32 $0xF36A00, s0;
	s0 =	sadd.s32 s15, s31  }
0x12: {  	s15 =	sshrl.u32 s14, $0x3;
	s24 =	simm.s32 $0x3C80;
	s26 =	simm.s32 $0x3D80  }
0x13: {  	s9 =	sadd.s32 s12, s30;
	s12 =	sadd.s32 $0x26700, s7;
	s13 =	sadd.s32 $0x26C00, s7  }
0x14: {  	s0 =	sadd.s32 $0x1900, s0;
	s8 =	sadd.s32 $0x500, s9;
	s9 =	sadd.s32 $0xA00, s9  }
.LBB2_1:
0x15: {  	[spmem:s15], [sflag:s5] =	dma.local [hbm:s4], $0x2800  }
0x16: {  	_ =	swait.ge [sflag:s16], $0x2800  }
0x17: {  	[sflag:s16] =	ssyncset.done $0x0  }
0x18: {  	[sflag:s16] =	ssyncadd.s32 $0xFFFFD800  }
0x19: {  	[tilespmem:s3], [sflag:$0x3] =	stream.linear.gather [hbm4b:s6+s3], $0x3E80, $0x38;
	[tilespmem:$0x1F800] =	vst v63  }
0x1a: {  	_ =	swait.ge [sflag:s16], $0x3E80  }
0x1b: {  	[sflag:s16] =	ssyncset.done $0x0  }
0x1c: {  	[sflag:s16] =	ssyncadd.s32 $0xFFFFC180  }
0x1d: {  	[bflag:$0x0] =	sbarrier.arrive $0xFFFF  }
0x1e: {  	[tilespmem:s17], [sflag:$0x1] =	stream.linear.gather [hbm4b:s7+s3], $0x2800, $0x38;
	[tilespmem:$0x1F800] =	vst v63  }
0x1f: {  	_ = 	snop  }
0x20: {  	[tilespmem:s18], [sflag:$0x1] =	stream.linear.gather [hbm4b:s8+s3], $0x2800, $0x38;
	[tilespmem:$0x1F800] =	vst v63  }
0x21: {  	_ = 	snop  }
0x22: {  	[tilespmem:s19], [sflag:$0x1] =	stream.linear.gather [hbm4b:s9+s3], $0x2800, $0x38;
	[tilespmem:$0x1F800] =	vst v63  }
0x23: {  	_ =	swait.ge [sflag:s20], $0x2800  }
0x24: {  	[sflag:s20] =	ssyncset.done $0x0  }
0x25: {  	s14 =	simm.s32 $0x0;
	[sflag:s20] =	ssyncadd.s32 $0xFFFFD800  }
0x26: {  	[spmem:s1] =	stream.indirect.scatter.add.f32 [tilespmem:s17], [sflag:$0x2], $0x80, s14, s21, $0xb8;
	[tilespmem:$0x1F800] =	vst v63  }
0x27: {  	_ =	swait.ge [sflag:s22], $0x2800  }
0x28: {  	[sflag:s22] =	ssyncset.done $0x0  }
0x29: {  	s2 =	sadd.s32 $0xFFFFF600, s0;
	[sflag:s22] =	ssyncadd.s32 $0xFFFFD800  }
0x2a: {  	[tilespmem:s17], [sflag:$0x1] =	stream.linear.gather [hbm4b:s2+s3], $0x2800, $0x38;
	[tilespmem:$0x1F800] =	vst v63  }
0x2b: {  	_ =	swait.ge [sflag:s20], $0x2800  }
0x2c: {  	[sflag:s20] =	ssyncset.done $0x0  }
0x2d: {  	s23 =	simm.s32 $0x80;
	[sflag:s20] =	ssyncadd.s32 $0xFFFFD800  }
0x2e: {  	[spmem:s1] =	stream.indirect.scatter.add.f32 [tilespmem:s18], [sflag:$0x2], $0x80, s23, s21, $0xb8;
	[tilespmem:$0x1F800] =	vst v63  }
0x2f: {  	_ =	swait.ge [sflag:s22], $0x2800  }
0x30: {  	[sflag:s22] =	ssyncset.done $0x0  }
0x31: {  	s2 =	sadd.s32 $0xFFFFFB00, s0;
	[sflag:s22] =	ssyncadd.s32 $0xFFFFD800  }
0x32: {  	[tilespmem:s18], [sflag:$0x1] =	stream.linear.gather [hbm4b:s2+s3], $0x2800, $0x38;
	[tilespmem:$0x1F800] =	vst v63  }
0x33: {  	_ =	swait.ge [sflag:s20], $0x2800  }
0x34: {  	[sflag:s20] =	ssyncset.done $0x0  }
0x35: {  	s23 =	simm.s32 $0x100;
	[sflag:s20] =	ssyncadd.s32 $0xFFFFD800  }
0x36: {  	[spmem:s1] =	stream.indirect.scatter.add.f32 [tilespmem:s19], [sflag:$0x2], $0x80, s23, s21, $0xb8;
	[tilespmem:$0x1F800] =	vst v63  }
0x37: {  	_ =	swait.ge [sflag:s22], $0x2800  }
0x38: {  	s30 =	simm.s32 $0x600;
	[sflag:s22] =	ssyncset.done $0x0  }
0x39: {  	s31 =	sadd.s32 $0xF00, s0;
	s14 =	smov.u32 s0;
	[sflag:s22] =	ssyncadd.s32 $0xFFFFD800  }
.LBB2_2:
0x3a: {  	[tilespmem:s19], [sflag:$0x1] =	stream.linear.gather [hbm4b:s14+s3], $0x2800, $0x38;
	[tilespmem:$0x1F800] =	vst v63  }
0x3b: {  	s2 =	smov.u32 s30;
	s14 =	smov.u32 s31  }
0x3c: {  	p0 =	sne.s32 s30, $0xEA00;
	s30 =	sadd.s32 $0x600, s30;
	_ =	swait.ge [sflag:s20], $0x2800  }
0x3d: {  	[sflag:s20] =	ssyncset.done $0x0  }
0x3e: {  	s2 =	sshra.s32 s2, $0x2;
	[sflag:s20] =	ssyncadd.s32 $0xFFFFD800  }
0x3f: {  	[spmem:s1] =	stream.indirect.scatter.add.f32 [tilespmem:s17], [sflag:$0x2], $0x80, s2, s21, $0xb8;
	[tilespmem:$0x1F800] =	vst v63  }
0x40: {  	_ =	swait.ge [sflag:s22], $0x2800  }
0x41: {  	[sflag:s22] =	ssyncset.done $0x0  }
0x42: {  	s23 =	sadd.s32 $0xFFFFF600, s31;
	[sflag:s22] =	ssyncadd.s32 $0xFFFFD800  }
0x43: {  	[tilespmem:s17], [sflag:$0x1] =	stream.linear.gather [hbm4b:s23+s3], $0x2800, $0x38;
	[tilespmem:$0x1F800] =	vst v63  }
0x44: {  	_ =	swait.ge [sflag:s20], $0x2800  }
0x45: {  	[sflag:s20] =	ssyncset.done $0x0  }
0x46: {  	s23 =	sadd.s32 $0x80, s2;
	[sflag:s20] =	ssyncadd.s32 $0xFFFFD800  }
0x47: {  	[spmem:s1] =	stream.indirect.scatter.add.f32 [tilespmem:s18], [sflag:$0x2], $0x80, s23, s21, $0xb8;
	[tilespmem:$0x1F800] =	vst v63  }
0x48: {  	_ =	swait.ge [sflag:s22], $0x2800  }
0x49: {  	[sflag:s22] =	ssyncset.done $0x0  }
0x4a: {  	s23 =	sadd.s32 $0xFFFFFB00, s31;
	[sflag:s22] =	ssyncadd.s32 $0xFFFFD800  }
0x4b: {  	[tilespmem:s18], [sflag:$0x1] =	stream.linear.gather [hbm4b:s23+s3], $0x2800, $0x38;
	[tilespmem:$0x1F800] =	vst v63  }
0x4c: {  	_ =	swait.ge [sflag:s20], $0x2800  }
0x4d: {  	[sflag:s20] =	ssyncset.done $0x0  }
.Ltmp0:
0x4e: {  	s2 =	sadd.s32 $0x100, s2;
	[sflag:s20] =	ssyncadd.s32 $0xFFFFD800;
	(pc) =	sbr.rel @p0 .LBB2_2-.Ltmp0, $4  }
0x4f: {  	[spmem:s1] =	stream.indirect.scatter.add.f32 [tilespmem:s19], [sflag:$0x2], $0x80, s2, s21, $0xb8;
	[tilespmem:$0x1F800] =	vst v63  }
0x50: {  	_ =	swait.ge [sflag:s22], $0x2800  }
0x51: {  	[sflag:s22] =	ssyncset.done $0x0  }
0x52: {  	s31 =	sadd.s32 $0xF00, s31;
	[sflag:s22] =	ssyncadd.s32 $0xFFFFD800  }
0x53: {  	[tilespmem:s19], [sflag:$0x1] =	stream.linear.gather [hbm4b:s14+s3], $0x2800, $0x38;
	[tilespmem:$0x1F800] =	vst v63  }
0x54: {  	_ =	swait.ge [sflag:s20], $0x2800  }
0x55: {  	[sflag:s20] =	ssyncset.done $0x0  }
0x56: {  	s2 =	simm.s32 $0x3C00;
	[sflag:s20] =	ssyncadd.s32 $0xFFFFD800  }
0x57: {  	[spmem:s1] =	stream.indirect.scatter.add.f32 [tilespmem:s17], [sflag:$0x2], $0x80, s2, s21, $0xb8;
	[tilespmem:$0x1F800] =	vst v63  }
0x58: {  	_ =	swait.ge [sflag:s22], $0x2800  }
0x59: {  	[sflag:s22] =	ssyncset.done $0x0  }
0x5a: {  	[sflag:s22] =	ssyncadd.s32 $0xFFFFD800  }
0x5b: {  	[tilespmem:s17], [sflag:$0x1] =	stream.linear.gather [hbm4b:s12+s3], $0x2800, $0x38;
	[tilespmem:$0x1F800] =	vst v63  }
0x5c: {  	_ =	swait.ge [sflag:s20], $0x2800  }
0x5d: {  	[sflag:s20] =	ssyncset.done $0x0  }
0x5e: {  	[sflag:s20] =	ssyncadd.s32 $0xFFFFD800  }
0x5f: {  	[spmem:s1] =	stream.indirect.scatter.add.f32 [tilespmem:s18], [sflag:$0x2], $0x80, s24, s21, $0xb8;
	[tilespmem:$0x1F800] =	vst v63  }
0x60: {  	_ =	swait.ge [sflag:s22], $0x2800  }
0x61: {  	[sflag:s22] =	ssyncset.done $0x0  }
0x62: {  	[sflag:s22] =	ssyncadd.s32 $0xFFFFD800  }
0x63: {  	[tilespmem:s18], [sflag:$0x1] =	stream.linear.gather [hbm4b:s13+s3], $0x2800, $0x38;
	[tilespmem:$0x1F800] =	vst v63  }
0x64: {  	_ =	swait.ge [sflag:s20], $0x2800  }
0x65: {  	[sflag:s20] =	ssyncset.done $0x0  }
0x66: {  	[sflag:s20] =	ssyncadd.s32 $0xFFFFD800  }
0x67: {  	[spmem:s1] =	stream.indirect.scatter.add.f32 [tilespmem:s19], [sflag:$0x2], $0x80, s25, s21, $0xb8;
	[tilespmem:$0x1F800] =	vst v63  }
0x68: {  	_ =	swait.ge [sflag:s22], $0x2800  }
0x69: {  	[sflag:s22] =	ssyncset.done $0x0  }
0x6a: {  	[sflag:s22] =	ssyncadd.s32 $0xFFFFD800  }
0x6b: {  	_ =	swait.ge [sflag:s20], $0x2800  }
0x6c: {  	[sflag:s20] =	ssyncset.done $0x0  }
0x6d: {  	[sflag:s20] =	ssyncadd.s32 $0xFFFFD800  }
0x6e: {  	[spmem:s1] =	stream.indirect.scatter.add.f32 [tilespmem:s17], [sflag:$0x2], $0x80, s26, s21, $0xb8;
	[tilespmem:$0x1F800] =	vst v63  }
0x6f: {  	_ =	swait.ge [sflag:s22], $0x2800  }
0x70: {  	[sflag:s22] =	ssyncset.done $0x0  }
0x71: {  	[sflag:s22] =	ssyncadd.s32 $0xFFFFD800  }
0x72: {  	_ =	swait.ge [sflag:s20], $0x2800  }
0x73: {  	[sflag:s20] =	ssyncset.done $0x0  }
0x74: {  	[sflag:s20] =	ssyncadd.s32 $0xFFFFD800  }
0x75: {  	[spmem:s1] =	stream.indirect.scatter.add.f32 [tilespmem:s18], [sflag:$0x2], $0x80, s28, s21, $0xb8;
	[tilespmem:$0x1F800] =	vst v63  }
0x76: {  	_ =	swait.ge [sflag:s22], $0x2800  }
0x77: {  	s29 =	sadd.s32 $0x1, s29;
	[sflag:s22] =	ssyncset.done $0x0  }
0x78: {  	p0 =	sne.s32 s29, s11;
	[sflag:s22] =	ssyncadd.s32 $0xFFFFD800  }
.Ltmp1:
0x79: {  	[bflag:$0x0] =	sbarrier.arrive $0xFFFF;
	(pc) =	sbr.rel @p0 .LBB2_1-.Ltmp1, $4  }
0x7a: {  	[hbm:s10], [sflag:s5] =	dma.local [spmem:s15], $0x2800  }
0x7b: {  	_ =	swait.ge [sflag:s16], $0x2800  }
0x7c: {  	[sflag:s16] =	ssyncset.done $0x0  }
0x7d: {  	[sflag:s16] =	ssyncadd.s32 $0xFFFFD800  }
0x7e: {  	_ =	sfence.sel $0x180000  }
0x7f: {  	[bflag:$0x0] =	sbarrier.arrive $0xFFFF  }
0x80: {  	_ =	strace $0x9000004A  }
0x81: {  	s0 =	stileid.u32;
	[bflag:$0x2] =	sbarrier.arrive $0xFFFF  }
0x82: {  	p0 =	sne.s32 s0, $0x0;
	s0 =	rddreg [dreg:$0x2]  }
0x83: {  	s0 =	sadd.s32 @!p0 $0x100000, s0  }
0x84: {  	[sflag:s0] =	ssyncadd.tile.s32 @!p0 $0x1;
	_ =	shalt  }
.Lfunc_end2:
_tile_overlayer_lowered:
.L_overlay_start_2:
0x85: {  	(tag) =	ssettag $0x2  }
0x86: {  	s0 =	rddreg [dreg:$0x0];
	s2 =	stileid.u32  }
0x87: {  	s1 =	rddreg [dreg:$0x1];
	p0 =	sne.s32 s2, $0x0  }
0x88: {  	s3 =	rddreg [dreg:$0x2];
	[bflag:$0x3] =	sbarrier.arrive $0xFFFF;
	s2 =	simm.s32 @!p0 $0x1C03  }
0x89: {  	[timem:s3], [sflag:s2] =	dma.local @!p0 [hbm:s0], s1  }
0x8a: {  	s0 =	simm.s32 @!p0 $0x3  }
0x8b: {  	_ =	swait.ge @!p0 [sflag:s0], s1  }
0x8c: {  	s1 =	ssub.s32 @!p0 $0x0, s1;
	[sflag:s0] =	ssyncset.done @!p0 $0x0  }
0x8d: {  	[sflag:s0] =	ssyncadd.s32 @!p0 s1  }
0x8e: {  	[bflag:$0x3] =	sbarrier.arrive $0xFFFF  }
0x8f: {  	_ =	shalt  }

// kernel: kernel.22.cloned.1.call-start
scs
__scs_entry_jumppad:
0x0: {  	(pc) =	sbr.rel $0x88, $3  }
0x1: {  	(tag) =	ssettag $0x0;
	lr =	simm.s32 $0x1  }
0x2: {  	[smem:$0x3F90] =	sst lr;
	_ =	strace $0xD0000000  }
0x3: {  	_ = 	snop  }
0x4: {  	_ = 	snop  }
0x5: {  	_ = 	snop  }
0x6: {  	_ = 	snop  }
0x7: {  	_ = 	snop  }
__scs_overlays_trampoline_lowered:
0x8: {  	[smem:$0x3F9F] =	sst s0  }
0x9: {  	[smem:$0x3FA0] =	sst s1  }
0xa: {  	[smem:$0x3FA1] =	sst s2  }
0xb: {  	[smem:$0x3FA2] =	sst s3  }
0xc: {  	[smem:$0x3FA3] =	sst s4  }
0xd: {  	[smem:$0x3FA4] =	sst s5  }
0xe: {  	[smem:$0x3FA5] =	sst s6  }
0xf: {  	[smem:$0x3FA6] =	sst s7  }
0x10: {  	[smem:$0x3FA7] =	sst s8  }
0x11: {  	[smem:$0x3FA8] =	sst s9;
	s0 =	simm.s32 @!p0 $0x0  }
0x12: {  	s1 =	sld [smem:$0x3F8E];
	s0 =	simm.s32 @p0 $0x1  }
0x13: {  	[smem:$0x3FA9] =	sst s0;
	s0 =	simm.s32 @!p1 $0x0  }
0x14: {  	s2 =	sld [smem:$0x3F8D];
	s0 =	simm.s32 @p1 $0x1  }
0x15: {  	[smem:$0x3FAA] =	sst s0;
	s0 =	simm.s32 @!p2 $0x0  }
0x16: {  	s3 =	sld [smem:$0x3FDB];
	s0 =	simm.s32 @p2 $0x1  }
0x17: {  	s4 =	simm.s32 $0x1BF5;
	[smem:$0x3FAC] =	sst s0  }
0x18: {  	s0 =	sld [smem:$0x3F8F];
	_ =	swait.ge [sflag:s4], $0x0  }
0x19: {  	s7 =	sld [smem:$0x3F90]  }
0x1a: {  	s8 =	sadd.s32 $0xFFFFE003, lr  }
0x1b: {  	s9 =	sadd.s32 $0xFFFFFEF7, lr;
	s5 =	simm.s32 $0xFFFFFFFF;
	p2 =	slt.u32 s8, $0xFFFFF086  }
0x1c: {  	p1 =	slt.u32 s9, $0xF7A;
	s5 =	simm.s32 @!p2 $0x0  }
0x1d: {  	s5 =	simm.s32 @p1 $0x1;
	p0 =	seq.s32 s7, s2  }
0x1e: {  	s7 =	smul.u32 @!p0 $0xF7A, s2;
	p2 =	seq.s32 @!p0 s5, $0x0  }
0x1f: {  	s9 =	smul.u32 $0xF7A, s1;
	s8 =	simm.s32 @!p0 $0x1BF5;
	p2 =	por !p2, p0  }
0x20: {  	[sflag:s8] =	ssyncset.s32 @!p0 $0xFFFFF086;
	s6 =	sadd.s32 @!p0 s3, s7;
	s7 =	simm.s32 @!p0 $0x108  }
0x21: {  	s3 =	sadd.s32 s3, s9;
	s6 =	sadd.s32 @!p0 $0x88, s6;
	s7 =	simm.s32 @p2 $0x1082  }
0x22: {  	[simem:s7], [sflag:s8] =	dma.local @!p0 [hbm:s6], $0xF7A  }
0x23: {  	s9 =	sor.u32 $0xD0000000, s2;
	s6 =	simm.s32 $0x108;
	_ =	swait.ge @!p0 [sflag:s8], $0x0  }
0x24: {  	s3 =	sadd.s32 $0x88, s3;
	s6 =	simm.s32 @!p1 $0x1082;
	[sflag:s4] =	ssyncset.s32 $0xFFFFF086  }
0x25: {  	[simem:s6], [sflag:s4] =	dma.local [hbm:s3], $0xF7A  }
0x26: {  	[smem:$0x3F90] =	sst s1;
	(tag) =	ssettag s2;
	_ =	strace s9  }
0x27: {  	s1 =	sld [smem:$0x3FA0]  }
0x28: {  	s2 =	sld [smem:$0x3FA1]  }
0x29: {  	s4 =	sld [smem:$0x3FA3]  }
0x2a: {  	p0 =	seq.s32 s5, $0x0;
	s5 =	sld [smem:$0x3FA4]  }
0x2b: {  	s6 =	sld [smem:$0x3FA5]  }
0x2c: {  	s7 =	sld [smem:$0x3FA6]  }
0x2d: {  	s3 =	simm.s32 $0x108;
	s8 =	sld [smem:$0x3FA7]  }
0x2e: {  	s3 =	simm.s32 @!p0 $0x1082;
	s9 =	sld [smem:$0x3FA8]  }
0x2f: {  	lr =	sadd.s32 s0, s3;
	s0 =	sld [smem:$0x3F9F]  }
0x30: {  	s3 =	sld [smem:$0x3FA2]  }
0x31: {  	[smem:$0x3FAB] =	sst s10  }
0x32: {  	s10 =	sld [smem:$0x3FA9];
	_ =	sdelay $0x3  }
0x33: {  	p0 =	seq.s32 s10, $0x1;
	s10 =	sld [smem:$0x3FAB];
	_ =	sdelay $0x3  }
0x34: {  	[smem:$0x3FAB] =	sst s10  }
0x35: {  	s10 =	sld [smem:$0x3FAA];
	_ =	sdelay $0x3  }
0x36: {  	p1 =	seq.s32 s10, $0x1;
	s10 =	sld [smem:$0x3FAB];
	_ =	sdelay $0x3  }
0x37: {  	[smem:$0x3FAB] =	sst s10  }
0x38: {  	s10 =	sld [smem:$0x3FAC]  }
0x39: {  	_ = 	snop;
	(pc) =	sbr.ind lr, $3  }
0x3a: {  	_ = 	snop  }
0x3b: {  	_ = 	snop  }
0x3c: {  	p2 =	seq.s32 s10, $0x1;
	s10 =	sld [smem:$0x3FAB]  }
0x3d: {  	_ =	shalt  }
0x3e: {  	_ =	shalt  }
0x3f: {  	_ =	shalt  }
0x40: {  	_ =	shalt  }
0x41: {  	_ =	shalt  }
0x42: {  	_ =	shalt  }
0x43: {  	_ =	shalt  }
0x44: {  	_ =	shalt  }
0x45: {  	_ =	shalt  }
0x46: {  	_ =	shalt  }
0x47: {  	_ =	shalt  }
0x48: {  	_ =	shalt  }
0x49: {  	_ =	shalt  }
0x4a: {  	_ =	shalt  }
0x4b: {  	_ =	shalt  }
0x4c: {  	_ =	shalt  }
0x4d: {  	_ =	shalt  }
0x4e: {  	_ =	shalt  }
0x4f: {  	_ =	shalt  }
0x50: {  	_ =	shalt  }
0x51: {  	_ =	shalt  }
0x52: {  	_ =	shalt  }
0x53: {  	_ =	shalt  }
0x54: {  	_ =	shalt  }
0x55: {  	_ =	shalt  }
0x56: {  	_ =	shalt  }
0x57: {  	_ =	shalt  }
0x58: {  	_ =	shalt  }
0x59: {  	_ =	shalt  }
0x5a: {  	_ =	shalt  }
0x5b: {  	_ =	shalt  }
0x5c: {  	_ =	shalt  }
0x5d: {  	_ =	shalt  }
0x5e: {  	_ =	shalt  }
0x5f: {  	_ =	shalt  }
0x60: {  	_ =	shalt  }
0x61: {  	_ =	shalt  }
0x62: {  	_ =	shalt  }
0x63: {  	_ =	shalt  }
0x64: {  	_ =	shalt  }
0x65: {  	_ =	shalt  }
0x66: {  	_ =	shalt  }
0x67: {  	_ =	shalt  }
0x68: {  	_ =	shalt  }
0x69: {  	_ =	shalt  }
0x6a: {  	_ =	shalt  }
0x6b: {  	_ =	shalt  }
0x6c: {  	_ =	shalt  }
0x6d: {  	_ =	shalt  }
0x6e: {  	_ =	shalt  }
0x6f: {  	_ =	shalt  }
0x70: {  	_ =	shalt  }
0x71: {  	_ =	shalt  }
0x72: {  	_ =	shalt  }
0x73: {  	_ =	shalt  }
0x74: {  	_ =	shalt  }
0x75: {  	_ =	shalt  }
0x76: {  	_ =	shalt  }
0x77: {  	_ =	shalt  }
0x78: {  	_ =	shalt  }
0x79: {  	_ =	shalt  }
0x7a: {  	_ =	shalt  }
0x7b: {  	_ =	shalt  }
0x7c: {  	_ =	shalt  }
0x7d: {  	_ =	shalt  }
0x7e: {  	_ =	shalt  }
0x7f: {  	_ =	shalt  }
0x80: {  	_ =	shalt  }
0x81: {  	_ =	shalt  }
0x82: {  	_ =	shalt  }
0x83: {  	_ =	shalt  }
0x84: {  	_ =	shalt  }
0x85: {  	_ =	shalt  }
0x86: {  	_ =	shalt  }
0x87: {  	_ =	shalt  }
.Lfunc_end0:
.L_simem_size_0:
called_computation.2_lowered:
.L_overlay_start_0:
0x88: {  	s2 =	sld [smem:$0x3FD9]  }
0x89: {  	s3 =	sld [smem:$0x3FFE];
	_ =	sdelay $0x1  }
0x8a: {  	s1 =	srdreg.scid  }
0x8b: {  	s0 =	sand.u32 $0x1, s1  }
0x8c: {  	s16 =	sshll.u32 s0, $0xA;
	s2 =	sadd.s32 s3, s2  }
0x8d: {  	s2 =	sadd.s32 s2, s16  }
0x8e: {  	[smem:$0x3FB7] =	sst s2  }
0x8f: {  	_ = 	snop  }
0x90: {  	(tm) =	ssettm $0x1  }
0x91: {  	s17 =	sld [smem:$0x3FFB];
	_ =	sdelay $0x3  }
0x92: {  	_ =	strace s17  }
0x93: {  	s2 =	sld [smem:$0x3FFC];
	_ =	sdelay $0x3  }
0x94: {  	_ =	strace s2  }
0x95: {  	s2 =	sld [smem:$0x3FFD];
	_ =	sdelay $0x3  }
0x96: {  	_ =	strace s2  }
0x97: {  	_ =	strace $0x8FFFFFFF  }
0x98: {  	s18 =	sld [smem:$0x3FDB];
	_ =	sdelay $0x1  }
0x99: {  	s19 =	simm.s32 $_scs_section_size  }
0x9a: {  	s4 =	simm.s32 $_size__tile_overlayer_lowered;
	s5 =	simm.s32 $_tile_overlayer_lowered  }
0x9b: {  	s22 =	simm.s32 $0x1BFF;
	s21 =	sshll.u32 s5, $0x1;
	s2 =	sadd.s32 s19, s18  }
0x9c: {  	s6 =	simm.s32 $0x0;
	s20 =	sshll.u32 s4, $0x1;
	s4 =	sadd.s32 s21, s2  }
0x9d: {  	[timem:s6], [sflag:s22] =	dma.local [hbm:s4], s20  }
0x9e: {  	_ =	swait.ge [sflag:s22], s20  }
0x9f: {  	s3 =	ssub.s32 $0x0, s20;
	[sflag:s22] =	ssyncset.done $0x0  }
0xa0: {  	[sflag:s22] =	ssyncadd.s32 s3;
	_ =	sdelay $0x1  }
0xa1: {  	s23 =	simm.s32 $0x1B8B  }
0xa2: {  	_ =	swait.ge [sflag:s23], $0x1  }
0xa3: {  	[sflag:s23] =	ssyncset.done $0x0  }
0xa4: {  	s25 =	simm.s32 $0x1B8E;
	s24 =	sld [smem:$0x3FFE];
	[sflag:s23] =	ssyncadd.s32 $0xFFFFFFFF  }
0xa5: {  	s26 =	simm.s32 $execute0_lowered;
	[smem:$0x3FD2] =	sst s25  }
0xa6: {  	s4 =	sshll.u32 s26, $0x1;
	_ =	strace $0x8000004C;
	[dreg:$0x1] =	wrdreg $0xFFFFFFFF  }
0xa7: {  	s28 =	simm.s32 $_size_execute0_lowered;
	s2 =	sadd.s32 s2, s4;
	[dreg:$0x0] =	wrdreg $0x0  }
0xa8: {  	s4 =	sshll.u32 s28, $0x1;
	[dreg:$0x2] =	wrdreg s2  }
0xa9: {  	[dreg:$0x3] =	wrdreg s4  }
0xaa: {  	[dreg:$0x4] =	wrdreg $0xC0  }
0xab: {  	_ =	task [dreg:s6], $0x5FFFF  }
0xac: {  	[dreg:$0x1] =	wrdreg $0xFFFFFFFF  }
0xad: {  	[dreg:$0x0] =	wrdreg $0x60  }
0xae: {  	[dreg:$0x2] =	wrdreg s24  }
0xaf: {  	[dreg:$0x3] =	wrdreg $0x9  }
0xb0: {  	_ =	task.clear_ibuf [dreg:s6], $0x4FFFF;
	_ =	strace $0x9000004C  }
0xb1: {  	s29 =	simm.s32 $0x9;
	_ =	strace $0x8000004E  }
0xb2: {  	_ =	swait.ge [sflag:s29], $0x1  }
0xb3: {  	[sflag:s29] =	ssyncadd.s32 $0xFFFFFFFF  }
0xb4: {  	_ =	strace $0x9000004E  }
0xb5: {  	_ =	sfence  }
0xb6: {  	s30 =	sld [smem:$0x0];
	_ =	sdelay $0x2  }
0xb7: {  	s31 =	sshll.u32 s1, $0xD;
	s1 =	sshrl.u32 s1, $0x2  }
0xb8: {  	s3 =	sand.u32 $0x4000, s31;
	s1 =	sadd.s32 s1, s30  }
0xb9: {  	s0 =	sor.u32 s3, s0;
	s1 =	sshll.u32 s1, $0x11  }
0xba: {  	s0 =	sor.u32 s1, s0  }
0xbb: {  	s0 =	sadd.s32 $0x8F2B, s0  }
0xbc: {  	[sflag:s0] =	ssyncadd.remote.s32 $0x1  }
0xbd: {  	_ =	sfence.sel $0xFFFF  }
0xbe: {  	[dreg:$0x0] =	wrdreg $0xFFFFFFFF;
	(pc) =	sbr.abs _section_cstart, $3  }
0xbf: {  	[dreg:$0x1] =	wrdreg $0xFFFFFFFF  }
0xc0: {  	_ =	task.clear_ibuf [dreg:s6], $0x2FFFF;
	_ =	strace $0x9FFFFFFF  }
0xc1: {  	(tm) =	ssettm $0x7FFFFFFF  }
tec
execute0_lowered:
.L_overlay_start_1:
0x0: {  	(tag) =	ssettag $0x1  }
0x1: {  	s4 =	rddreg [dreg:$0x0]  }
0x2: {  	s0 =	rddreg [dreg:$0x1]  }
0x3: {  	s2 =	simm.s32 $0x0;
	s5 =	srdreg.scid;
	s1 =	stileid.u32  }
0x4: {  	s10 =	simm.s32 $0x80;
	s11 =	simm.s32 $0xA800;
	s12 =	simm.s32 $0x100  }
0x5: {  	s13 =	simm.s32 $0xD000;
	s14 =	simm.s32 $0x180;
	s15 =	simm.s32 $0xF800  }
0x6: {  	s16 =	simm.s32 $0x200;
	s17 =	simm.s32 $0x12000;
	s18 =	simm.s32 $0x1  }
0x7: {  	s19 =	simm.s32 $0x2;
	s20 =	simm.s32 $0x0;
	[smem:$0x7FF] =	sst s2  }
0x8: {  	s3 =	sadd.s32 $0xF36A00, s4;
	s5 =	sand.u32 $0x1, s5;
	s9 =	smul.u32 $0x4E200, s1  }
0x9: {  	s6 =	sshll.u32 s1, $0xC;
	_ =	strace $0x8000004D;
	s8 =	smul.u32 $0x4E2000, s5  }
.Ltmp0:
0xa: {  	s7 =	sshll.u32 s5, $0x10;
	s5 =	ssub.s32 $0x2, s5;
	(pc) =	sbr.rel .LBB2_1-.Ltmp0, $4  }
0xb: {  	s6 =	sor.u32 s6, s7;
	s30 =	sshrl.u32 s5, $0x1;
	s7 =	simm.s32 $0x3  }
0xc: {  	s6 =	sadd.s32 s6, s4;
	s8 =	sadd.s32 s8, s4;
	s5 =	ssub.s32 s5, s30  }
0xd: {  	s4 =	sadd.s32 $0x11800, s6;
	s5 =	smax.u32 s5, $0x1;
	s31 =	sadd.s32 s9, s8  }
0xe: {  	s8 =	simm.s32 $0x50;
	s9 =	simm.s32 $0x8000;
	s6 =	sadd.s32 $0x32C00, s31  }
.LBB2_4:
0xf: {  	s20 =	sadd.s32 $0x1, s20  }
0x10: {  	p0 =	sne.s32 s20, s5  }
.Ltmp1:
0x11: {  	_ = 	snop;
	(pc) =	sbr.rel @!p0 .LBB2_5-.Ltmp1, $1  }
0x12: {  	_ =	sdelay $0x3  }
.LBB2_1:
0x13: {  	[tilespmem:s2], [sflag:$0x3] =	stream.linear.gather [hbm4b:s4+s2], $0x7D00, $0x38;
	[tilespmem:$0x14800] =	vst v63  }
0x14: {  	_ =	swait.ge [sflag:s7], $0x7D00  }
0x15: {  	[sflag:s7] =	ssyncset.done $0x0  }
0x16: {  	[sflag:s7] =	ssyncadd.s32 $0xFFFF8300  }
0x17: {  	[tilespmem:s9], [sflag:$0x1] =	stream.indirect.gather [hbm4b:s3+s8], $0x80, s2, s8, $0xb8;
	[tilespmem:$0x14800] =	vst v63  }
0x18: {  	_ = 	snop  }
0x19: {  	[tilespmem:s11], [sflag:$0x1] =	stream.indirect.gather [hbm4b:s3+s8], $0x80, s10, s8, $0xb8;
	[tilespmem:$0x14800] =	vst v63  }
0x1a: {  	_ = 	snop  }
0x1b: {  	[tilespmem:s13], [sflag:$0x1] =	stream.indirect.gather [hbm4b:s3+s8], $0x80, s12, s8, $0xb8;
	[tilespmem:$0x14800] =	vst v63  }
0x1c: {  	_ = 	snop  }
0x1d: {  	[tilespmem:s15], [sflag:$0x1] =	stream.indirect.gather [hbm4b:s3+s8], $0x80, s14, s8, $0xb8;
	[tilespmem:$0x14800] =	vst v63  }
0x1e: {  	s21 =	smov.u32 s6;
	s22 =	simm.s32 $0x0  }
0x1f: {  	[tilespmem:s17], [sflag:$0x1] =	stream.indirect.gather [hbm4b:s3+s8], $0x80, s16, s8, $0xb8;
	[tilespmem:$0x14800] =	vst v63  }
.LBB2_2:
0x20: {  	_ =	swait.ge [sflag:s18], $0x2800  }
0x21: {  	[sflag:s18] =	ssyncset.done $0x0  }
0x22: {  	s23 =	sadd.s32 $0xFFFFEC00, s21;
	[sflag:s18] =	ssyncadd.s32 $0xFFFFD800  }
0x23: {  	[hbm4b:s23+s2] =	stream.linear.scatter [tilespmem:s9], [sflag:$0x2], $0x2800, $0x38;
	[tilespmem:$0x14800] =	vst v63  }
0x24: {  	p0 =	seq.s32 s22, $0x1EA00;
	_ =	swait.ge [sflag:s19], $0x2800  }
0x25: {  	s25 =	simm.s32 @!p0 $0x50;
	s23 =	sshra.s32 @!p0 s22, $0x2;
	[sflag:s19] =	ssyncset.done $0x0  }
0x26: {  	s26 =	simm.s32 @!p0 $0x8000;
	s24 =	sadd.s32 @!p0 $0x280, s23;
	[sflag:s19] =	ssyncadd.s32 $0xFFFFD800  }
0x27: {  	[tilespmem:s26], [sflag:$0x1] =	stream.indirect.gather @!p0 [hbm4b:s3+s25], $0x80, s24, s25, $0xb8;
	[tilespmem:$0x14800] =	vst v63  }
0x28: {  	_ =	swait.ge [sflag:s18], $0x2800  }
0x29: {  	[sflag:s18] =	ssyncset.done $0x0  }
0x2a: {  	s29 =	sadd.s32 $0xFFFFF100, s21;
	[sflag:s18] =	ssyncadd.s32 $0xFFFFD800  }
0x2b: {  	[hbm4b:s29+s2] =	stream.linear.scatter [tilespmem:s11], [sflag:$0x2], $0x2800, $0x38;
	[tilespmem:$0x14800] =	vst v63  }
0x2c: {  	_ =	swait.ge [sflag:s19], $0x2800  }
0x2d: {  	[sflag:s19] =	ssyncset.done $0x0  }
0x2e: {  	s24 =	sadd.s32 @!p0 $0x300, s23;
	s26 =	simm.s32 @!p0 $0xA800;
	[sflag:s19] =	ssyncadd.s32 $0xFFFFD800  }
0x2f: {  	[tilespmem:s26], [sflag:$0x1] =	stream.indirect.gather @!p0 [hbm4b:s3+s25], $0x80, s24, s25, $0xb8;
	[tilespmem:$0x14800] =	vst v63  }
0x30: {  	_ =	swait.ge [sflag:s18], $0x2800  }
0x31: {  	[sflag:s18] =	ssyncset.done $0x0  }
0x32: {  	s30 =	sadd.s32 $0xFFFFF600, s21;
	[sflag:s18] =	ssyncadd.s32 $0xFFFFD800  }
0x33: {  	[hbm4b:s30+s2] =	stream.linear.scatter [tilespmem:s13], [sflag:$0x2], $0x2800, $0x38;
	[tilespmem:$0x14800] =	vst v63  }
0x34: {  	_ =	swait.ge [sflag:s19], $0x2800  }
0x35: {  	[sflag:s19] =	ssyncset.done $0x0  }
0x36: {  	s24 =	sadd.s32 @!p0 $0x380, s23;
	s26 =	simm.s32 @!p0 $0xD000;
	[sflag:s19] =	ssyncadd.s32 $0xFFFFD800  }
0x37: {  	[tilespmem:s26], [sflag:$0x1] =	stream.indirect.gather @!p0 [hbm4b:s3+s25], $0x80, s24, s25, $0xb8;
	[tilespmem:$0x14800] =	vst v63  }
0x38: {  	_ =	swait.ge [sflag:s18], $0x2800  }
0x39: {  	[sflag:s18] =	ssyncset.done $0x0  }
0x3a: {  	s31 =	sadd.s32 $0xFFFFFB00, s21;
	[sflag:s18] =	ssyncadd.s32 $0xFFFFD800  }
0x3b: {  	[hbm4b:s31+s2] =	stream.linear.scatter [tilespmem:s15], [sflag:$0x2], $0x2800, $0x38;
	[tilespmem:$0x14800] =	vst v63  }
0x3c: {  	_ =	swait.ge [sflag:s19], $0x2800  }
0x3d: {  	[sflag:s19] =	ssyncset.done $0x0  }
0x3e: {  	s23 =	sadd.s32 @!p0 $0x400, s23;
	s24 =	simm.s32 @!p0 $0xF800;
	[sflag:s19] =	ssyncadd.s32 $0xFFFFD800  }
0x3f: {  	[tilespmem:s24], [sflag:$0x1] =	stream.indirect.gather @!p0 [hbm4b:s3+s25], $0x80, s23, s25, $0xb8;
	[tilespmem:$0x14800] =	vst v63  }
0x40: {  	_ =	swait.ge [sflag:s18], $0x2800  }
0x41: {  	[sflag:s18] =	ssyncset.done $0x0  }
.Ltmp2:
0x42: {  	[sflag:s18] =	ssyncadd.s32 $0xFFFFD800;
	(pc) =	sbr.rel @p0 .LBB2_4-.Ltmp2, $4  }
0x43: {  	[hbm4b:s21+s2] =	stream.linear.scatter [tilespmem:s17], [sflag:$0x2], $0x2800, $0x38;
	[tilespmem:$0x14800] =	vst v63  }
0x44: {  	_ =	swait.ge [sflag:s19], $0x2800  }
0x45: {  	[sflag:s19] =	ssyncset.done $0x0  }
0x46: {  	[sflag:s19] =	ssyncadd.s32 $0xFFFFD800  }
.Ltmp3:
0x47: {  	(pc) =	sbr.rel .LBB2_2-.Ltmp3, $4  }
0x48: {  	_ = 	snop  }
0x49: {  	s23 =	sshra.s32 s22, $0x2  }
0x4a: {  	s22 =	sadd.s32 $0xA00, s22;
	s21 =	sadd.s32 $0x1900, s21;
	s23 =	sadd.s32 $0x480, s23  }
0x4b: {  	[tilespmem:s17], [sflag:$0x1] =	stream.indirect.gather [hbm4b:s3+s8], $0x80, s23, s8, $0xb8;
	[tilespmem:$0x14800] =	vst v63  }
.LBB2_5:
0x4c: {  	_ =	sfence.sel $0x180000  }
0x4d: {  	[bflag:$0x0] =	sbarrier.arrive $0xFFFF  }
0x4e: {  	p0 =	sne.s32 s1, $0x0;
	_ =	strace $0x9000004D  }
0x4f: {  	s0 =	sadd.s32 @!p0 $0x100000, s0;
	[bflag:$0x2] =	sbarrier.arrive $0xFFFF  }
0x50: {  	[sflag:s0] =	ssyncadd.tile.s32 @!p0 $0x1;
	_ =	shalt  }
.Lfunc_end2:
_tile_overlayer_lowered:
.L_overlay_start_2:
0x51: {  	(tag) =	ssettag $0x2  }
0x52: {  	s0 =	rddreg [dreg:$0x0];
	s2 =	stileid.u32  }
0x53: {  	s1 =	rddreg [dreg:$0x1];
	p0 =	sne.s32 s2, $0x0  }
0x54: {  	s3 =	rddreg [dreg:$0x2];
	[bflag:$0x3] =	sbarrier.arrive $0xFFFF;
	s2 =	simm.s32 @!p0 $0x1C03  }
0x55: {  	[timem:s3], [sflag:s2] =	dma.local @!p0 [hbm:s0], s1  }
0x56: {  	s0 =	simm.s32 @!p0 $0x3  }
0x57: {  	_ =	swait.ge @!p0 [sflag:s0], s1  }
0x58: {  	s1 =	ssub.s32 @!p0 $0x0, s1;
	[sflag:s0] =	ssyncset.done @!p0 $0x0  }
0x59: {  	[sflag:s0] =	ssyncadd.s32 @!p0 s1  }
0x5a: {  	[bflag:$0x3] =	sbarrier.arrive $0xFFFF  }
0x5b: {  	_ =	shalt  }

// kernel: kernel.25.cloned.1.call-start
scs
__scs_entry_jumppad:
0x0: {  	(pc) =	sbr.rel $0x88, $3  }
0x1: {  	(tag) =	ssettag $0x0;
	lr =	simm.s32 $0x1  }
0x2: {  	[smem:$0x3F90] =	sst lr;
	_ =	strace $0xD0000000  }
0x3: {  	_ = 	snop  }
0x4: {  	_ = 	snop  }
0x5: {  	_ = 	snop  }
0x6: {  	_ = 	snop  }
0x7: {  	_ = 	snop  }
__scs_overlays_trampoline_lowered:
0x8: {  	[smem:$0x3F9F] =	sst s0  }
0x9: {  	[smem:$0x3FA0] =	sst s1  }
0xa: {  	[smem:$0x3FA1] =	sst s2  }
0xb: {  	[smem:$0x3FA2] =	sst s3  }
0xc: {  	[smem:$0x3FA3] =	sst s4  }
0xd: {  	[smem:$0x3FA4] =	sst s5  }
0xe: {  	[smem:$0x3FA5] =	sst s6  }
0xf: {  	[smem:$0x3FA6] =	sst s7  }
0x10: {  	[smem:$0x3FA7] =	sst s8  }
0x11: {  	[smem:$0x3FA8] =	sst s9;
	s0 =	simm.s32 @!p0 $0x0  }
0x12: {  	s1 =	sld [smem:$0x3F8E];
	s0 =	simm.s32 @p0 $0x1  }
0x13: {  	[smem:$0x3FA9] =	sst s0;
	s0 =	simm.s32 @!p1 $0x0  }
0x14: {  	s2 =	sld [smem:$0x3F8D];
	s0 =	simm.s32 @p1 $0x1  }
0x15: {  	[smem:$0x3FAA] =	sst s0;
	s0 =	simm.s32 @!p2 $0x0  }
0x16: {  	s3 =	sld [smem:$0x3FDB];
	s0 =	simm.s32 @p2 $0x1  }
0x17: {  	s4 =	simm.s32 $0x1BF5;
	[smem:$0x3FAC] =	sst s0  }
0x18: {  	s0 =	sld [smem:$0x3F8F];
	_ =	swait.ge [sflag:s4], $0x0  }
0x19: {  	s7 =	sld [smem:$0x3F90]  }
0x1a: {  	s8 =	sadd.s32 $0xFFFFE003, lr  }
0x1b: {  	s9 =	sadd.s32 $0xFFFFFEF7, lr;
	s5 =	simm.s32 $0xFFFFFFFF;
	p2 =	slt.u32 s8, $0xFFFFF086  }
0x1c: {  	p1 =	slt.u32 s9, $0xF7A;
	s5 =	simm.s32 @!p2 $0x0  }
0x1d: {  	s5 =	simm.s32 @p1 $0x1;
	p0 =	seq.s32 s7, s2  }
0x1e: {  	s7 =	smul.u32 @!p0 $0xF7A, s2;
	p2 =	seq.s32 @!p0 s5, $0x0  }
0x1f: {  	s9 =	smul.u32 $0xF7A, s1;
	s8 =	simm.s32 @!p0 $0x1BF5;
	p2 =	por !p2, p0  }
0x20: {  	[sflag:s8] =	ssyncset.s32 @!p0 $0xFFFFF086;
	s6 =	sadd.s32 @!p0 s3, s7;
	s7 =	simm.s32 @!p0 $0x108  }
0x21: {  	s3 =	sadd.s32 s3, s9;
	s6 =	sadd.s32 @!p0 $0x88, s6;
	s7 =	simm.s32 @p2 $0x1082  }
0x22: {  	[simem:s7], [sflag:s8] =	dma.local @!p0 [hbm:s6], $0xF7A  }
0x23: {  	s9 =	sor.u32 $0xD0000000, s2;
	s6 =	simm.s32 $0x108;
	_ =	swait.ge @!p0 [sflag:s8], $0x0  }
0x24: {  	s3 =	sadd.s32 $0x88, s3;
	s6 =	simm.s32 @!p1 $0x1082;
	[sflag:s4] =	ssyncset.s32 $0xFFFFF086  }
0x25: {  	[simem:s6], [sflag:s4] =	dma.local [hbm:s3], $0xF7A  }
0x26: {  	[smem:$0x3F90] =	sst s1;
	(tag) =	ssettag s2;
	_ =	strace s9  }
0x27: {  	s1 =	sld [smem:$0x3FA0]  }
0x28: {  	s2 =	sld [smem:$0x3FA1]  }
0x29: {  	s4 =	sld [smem:$0x3FA3]  }
0x2a: {  	p0 =	seq.s32 s5, $0x0;
	s5 =	sld [smem:$0x3FA4]  }
0x2b: {  	s6 =	sld [smem:$0x3FA5]  }
0x2c: {  	s7 =	sld [smem:$0x3FA6]  }
0x2d: {  	s3 =	simm.s32 $0x108;
	s8 =	sld [smem:$0x3FA7]  }
0x2e: {  	s3 =	simm.s32 @!p0 $0x1082;
	s9 =	sld [smem:$0x3FA8]  }
0x2f: {  	lr =	sadd.s32 s0, s3;
	s0 =	sld [smem:$0x3F9F]  }
0x30: {  	s3 =	sld [smem:$0x3FA2]  }
0x31: {  	[smem:$0x3FAB] =	sst s10  }
0x32: {  	s10 =	sld [smem:$0x3FA9];
	_ =	sdelay $0x3  }
0x33: {  	p0 =	seq.s32 s10, $0x1;
	s10 =	sld [smem:$0x3FAB];
	_ =	sdelay $0x3  }
0x34: {  	[smem:$0x3FAB] =	sst s10  }
0x35: {  	s10 =	sld [smem:$0x3FAA];
	_ =	sdelay $0x3  }
0x36: {  	p1 =	seq.s32 s10, $0x1;
	s10 =	sld [smem:$0x3FAB];
	_ =	sdelay $0x3  }
0x37: {  	[smem:$0x3FAB] =	sst s10  }
0x38: {  	s10 =	sld [smem:$0x3FAC]  }
0x39: {  	_ = 	snop;
	(pc) =	sbr.ind lr, $3  }
0x3a: {  	_ = 	snop  }
0x3b: {  	_ = 	snop  }
0x3c: {  	p2 =	seq.s32 s10, $0x1;
	s10 =	sld [smem:$0x3FAB]  }
0x3d: {  	_ =	shalt  }
0x3e: {  	_ =	shalt  }
0x3f: {  	_ =	shalt  }
0x40: {  	_ =	shalt  }
0x41: {  	_ =	shalt  }
0x42: {  	_ =	shalt  }
0x43: {  	_ =	shalt  }
0x44: {  	_ =	shalt  }
0x45: {  	_ =	shalt  }
0x46: {  	_ =	shalt  }
0x47: {  	_ =	shalt  }
0x48: {  	_ =	shalt  }
0x49: {  	_ =	shalt  }
0x4a: {  	_ =	shalt  }
0x4b: {  	_ =	shalt  }
0x4c: {  	_ =	shalt  }
0x4d: {  	_ =	shalt  }
0x4e: {  	_ =	shalt  }
0x4f: {  	_ =	shalt  }
0x50: {  	_ =	shalt  }
0x51: {  	_ =	shalt  }
0x52: {  	_ =	shalt  }
0x53: {  	_ =	shalt  }
0x54: {  	_ =	shalt  }
0x55: {  	_ =	shalt  }
0x56: {  	_ =	shalt  }
0x57: {  	_ =	shalt  }
0x58: {  	_ =	shalt  }
0x59: {  	_ =	shalt  }
0x5a: {  	_ =	shalt  }
0x5b: {  	_ =	shalt  }
0x5c: {  	_ =	shalt  }
0x5d: {  	_ =	shalt  }
0x5e: {  	_ =	shalt  }
0x5f: {  	_ =	shalt  }
0x60: {  	_ =	shalt  }
0x61: {  	_ =	shalt  }
0x62: {  	_ =	shalt  }
0x63: {  	_ =	shalt  }
0x64: {  	_ =	shalt  }
0x65: {  	_ =	shalt  }
0x66: {  	_ =	shalt  }
0x67: {  	_ =	shalt  }
0x68: {  	_ =	shalt  }
0x69: {  	_ =	shalt  }
0x6a: {  	_ =	shalt  }
0x6b: {  	_ =	shalt  }
0x6c: {  	_ =	shalt  }
0x6d: {  	_ =	shalt  }
0x6e: {  	_ =	shalt  }
0x6f: {  	_ =	shalt  }
0x70: {  	_ =	shalt  }
0x71: {  	_ =	shalt  }
0x72: {  	_ =	shalt  }
0x73: {  	_ =	shalt  }
0x74: {  	_ =	shalt  }
0x75: {  	_ =	shalt  }
0x76: {  	_ =	shalt  }
0x77: {  	_ =	shalt  }
0x78: {  	_ =	shalt  }
0x79: {  	_ =	shalt  }
0x7a: {  	_ =	shalt  }
0x7b: {  	_ =	shalt  }
0x7c: {  	_ =	shalt  }
0x7d: {  	_ =	shalt  }
0x7e: {  	_ =	shalt  }
0x7f: {  	_ =	shalt  }
0x80: {  	_ =	shalt  }
0x81: {  	_ =	shalt  }
0x82: {  	_ =	shalt  }
0x83: {  	_ =	shalt  }
0x84: {  	_ =	shalt  }
0x85: {  	_ =	shalt  }
0x86: {  	_ =	shalt  }
0x87: {  	_ =	shalt  }
.Lfunc_end0:
.L_simem_size_0:
called_computation.3_lowered:
.L_overlay_start_0:
0x88: {  	s2 =	sld [smem:$0x3FD9]  }
0x89: {  	s3 =	sld [smem:$0x3FFE];
	_ =	sdelay $0x1  }
0x8a: {  	s1 =	srdreg.scid  }
0x8b: {  	s0 =	sand.u32 $0x1, s1  }
0x8c: {  	s16 =	sshll.u32 s0, $0xA;
	s2 =	sadd.s32 s3, s2  }
0x8d: {  	s2 =	sadd.s32 s2, s16  }
0x8e: {  	[smem:$0x3FB7] =	sst s2  }
0x8f: {  	_ = 	snop  }
0x90: {  	(tm) =	ssettm $0x1  }
0x91: {  	s17 =	sld [smem:$0x3FFB];
	_ =	sdelay $0x3  }
0x92: {  	_ =	strace s17  }
0x93: {  	s2 =	sld [smem:$0x3FFC];
	_ =	sdelay $0x3  }
0x94: {  	_ =	strace s2  }
0x95: {  	s2 =	sld [smem:$0x3FFD];
	_ =	sdelay $0x3  }
0x96: {  	_ =	strace s2  }
0x97: {  	_ =	strace $0x8FFFFFFF  }
0x98: {  	s18 =	sld [smem:$0x3FDB];
	_ =	sdelay $0x1  }
0x99: {  	s19 =	simm.s32 $_scs_section_size  }
0x9a: {  	s4 =	simm.s32 $_size__tile_overlayer_lowered;
	s5 =	simm.s32 $_tile_overlayer_lowered  }
0x9b: {  	s22 =	simm.s32 $0x1BFF;
	s21 =	sshll.u32 s5, $0x1;
	s2 =	sadd.s32 s19, s18  }
0x9c: {  	s6 =	simm.s32 $0x0;
	s20 =	sshll.u32 s4, $0x1;
	s4 =	sadd.s32 s21, s2  }
0x9d: {  	[timem:s6], [sflag:s22] =	dma.local [hbm:s4], s20  }
0x9e: {  	_ =	swait.ge [sflag:s22], s20  }
0x9f: {  	s3 =	ssub.s32 $0x0, s20;
	[sflag:s22] =	ssyncset.done $0x0  }
0xa0: {  	[sflag:s22] =	ssyncadd.s32 s3;
	_ =	sdelay $0x1  }
0xa1: {  	s23 =	simm.s32 $0x1B8B  }
0xa2: {  	_ =	swait.ge [sflag:s23], $0x1  }
0xa3: {  	[sflag:s23] =	ssyncset.done $0x0  }
0xa4: {  	s25 =	simm.s32 $0x1B8E;
	s24 =	sld [smem:$0x3FFE];
	[sflag:s23] =	ssyncadd.s32 $0xFFFFFFFF  }
0xa5: {  	s26 =	simm.s32 $execute0_lowered;
	[smem:$0x3FD2] =	sst s25  }
0xa6: {  	s4 =	sshll.u32 s26, $0x1;
	_ =	strace $0x8000004F;
	[dreg:$0x1] =	wrdreg $0xFFFFFFFF  }
0xa7: {  	s28 =	simm.s32 $_size_execute0_lowered;
	s2 =	sadd.s32 s2, s4;
	[dreg:$0x0] =	wrdreg $0x0  }
0xa8: {  	s4 =	sshll.u32 s28, $0x1;
	[dreg:$0x2] =	wrdreg s2  }
0xa9: {  	[dreg:$0x3] =	wrdreg s4  }
0xaa: {  	[dreg:$0x4] =	wrdreg $0xC0  }
0xab: {  	_ =	task [dreg:s6], $0x5FFFF  }
0xac: {  	[dreg:$0x1] =	wrdreg $0xFFFFFFFF  }
0xad: {  	[dreg:$0x0] =	wrdreg $0x60  }
0xae: {  	[dreg:$0x2] =	wrdreg s24  }
0xaf: {  	[dreg:$0x3] =	wrdreg $0xB8000  }
0xb0: {  	[dreg:$0x4] =	wrdreg $0x9  }
0xb1: {  	_ =	task.clear_ibuf [dreg:s6], $0x5FFFF;
	_ =	strace $0x9000004F  }
0xb2: {  	s29 =	simm.s32 $0x9;
	_ =	strace $0x80000051  }
0xb3: {  	_ =	swait.ge [sflag:s29], $0x1  }
0xb4: {  	[sflag:s29] =	ssyncadd.s32 $0xFFFFFFFF  }
0xb5: {  	_ =	strace $0x90000051  }
0xb6: {  	_ =	sfence  }
0xb7: {  	s30 =	sld [smem:$0x0];
	_ =	sdelay $0x2  }
0xb8: {  	s31 =	sshll.u32 s1, $0xD;
	s1 =	sshrl.u32 s1, $0x2  }
0xb9: {  	s3 =	sand.u32 $0x4000, s31;
	s1 =	sadd.s32 s1, s30  }
0xba: {  	s0 =	sor.u32 s3, s0;
	s1 =	sshll.u32 s1, $0x11  }
0xbb: {  	s0 =	sor.u32 s1, s0  }
0xbc: {  	s0 =	sadd.s32 $0x8F2B, s0  }
0xbd: {  	[sflag:s0] =	ssyncadd.remote.s32 $0x1  }
0xbe: {  	_ =	sfence.sel $0xFFFF  }
0xbf: {  	[dreg:$0x0] =	wrdreg $0xFFFFFFFF;
	(pc) =	sbr.abs _section_cstart, $3  }
0xc0: {  	[dreg:$0x1] =	wrdreg $0xFFFFFFFF  }
0xc1: {  	_ =	task.clear_ibuf [dreg:s6], $0x2FFFF;
	_ =	strace $0x9FFFFFFF  }
0xc2: {  	(tm) =	ssettm $0x7FFFFFFF  }
0xc3: {  	_ =	shalt  }
tec
execute0_lowered:
.L_overlay_start_1:
0x0: {  	(tag) =	ssettag $0x1  }
0x1: {  	s0 =	rddreg [dreg:$0x0]  }
0x2: {  	s1 =	rddreg [dreg:$0x1];
	s2 =	srdreg.scid  }
0x3: {  	s3 =	simm.s32 $0x0;
	s20 =	stileid.u32;
	s16 =	simm.s32 $0x3  }
0x4: {  	s17 =	simm.s32 $0x4000;
	s18 =	simm.s32 $0x6800;
	s19 =	simm.s32 $0x9000  }
0x5: {  	s28 =	simm.s32 $0x3E00;
	s29 =	simm.s32 $0x0;
	s21 =	smul.u32 $0x2800, s20  }
0x6: {  	s8 =	sand.u32 $0x1, s2;
	[smem:$0x7FF] =	sst s3;
	s9 =	smul.u32 $0x50000, s20  }
0x7: {  	s12 =	sadd.s32 $0xA2CA00, s0;
	s25 =	sshll.u32 s20, $0x6;
	s15 =	smul.u32 $0x27100, s20  }
0x8: {  	s4 =	sshll.u32 s8, $0x4;
	_ =	strace $0x80000050;
	s7 =	smul.u32 $0x28000, s8  }
0x9: {  	s22 =	ssub.s32 $0x2, s8;
	s13 =	smul.u32 $0x271000, s8;
	s5 =	sor.u32 s20, s4  }
0xa: {  	s10 =	sadd.s32 s21, s0;
	s23 =	sshrl.u32 s22, $0x1;
	s9 =	sshrl.u32 s9, $0x2  }
0xb: {  	s20 =	simm.s32 $0x1;
	s6 =	sshll.u32 s5, $0xB;
	s4 =	sadd.s32 s21, s7  }
0xc: {  	s11 =	ssub.s32 s22, s23;
	s14 =	sadd.s32 s9, s1;
	s24 =	smul.u32 $0x138800, s5  }
0xd: {  	s26 =	smul.u32 $0x27100, s5;
	s5 =	sor.u32 $0x1C03, s25;
	s31 =	sadd.s32 s13, s12  }
0xe: {  	s21 =	simm.s32 $0x50;
	s22 =	simm.s32 $0x2;
	s25 =	simm.s32 $0x3D00  }
0xf: {  	s6 =	sadd.s32 s6, s0;
	s0 =	sadd.s32 s4, s0;
	s4 =	sadd.s32 $0xF0EA00, s10  }
0x10: {  	s11 =	smax.u32 s11, $0x1;
	s6 =	sadd.s32 $0xA1CA00, s6;
	s30 =	sshrl.u32 s24, $0x3  }
0x11: {  	s7 =	sadd.s32 s12, s26;
	s10 =	sadd.s32 $0xF5DC00, s0;
	s0 =	sadd.s32 s15, s31  }
0x12: {  	s15 =	sshrl.u32 s14, $0x3;
	s24 =	simm.s32 $0x3C80;
	s26 =	simm.s32 $0x3D80  }
0x13: {  	s9 =	sadd.s32 s12, s30;
	s12 =	sadd.s32 $0x26700, s7;
	s13 =	sadd.s32 $0x26C00, s7  }
0x14: {  	s0 =	sadd.s32 $0x1900, s0;
	s8 =	sadd.s32 $0x500, s9;
	s9 =	sadd.s32 $0xA00, s9  }
.LBB2_1:
0x15: {  	[spmem:s15], [sflag:s5] =	dma.local [hbm:s4], $0x2800  }
0x16: {  	_ =	swait.ge [sflag:s16], $0x2800  }
0x17: {  	[sflag:s16] =	ssyncset.done $0x0  }
0x18: {  	[sflag:s16] =	ssyncadd.s32 $0xFFFFD800  }
0x19: {  	[tilespmem:s3], [sflag:$0x3] =	stream.linear.gather [hbm4b:s6+s3], $0x3E80, $0x38;
	[tilespmem:$0x1F800] =	vst v63  }
0x1a: {  	_ =	swait.ge [sflag:s16], $0x3E80  }
0x1b: {  	[sflag:s16] =	ssyncset.done $0x0  }
0x1c: {  	[sflag:s16] =	ssyncadd.s32 $0xFFFFC180  }
0x1d: {  	[bflag:$0x0] =	sbarrier.arrive $0xFFFF  }
0x1e: {  	[tilespmem:s17], [sflag:$0x1] =	stream.linear.gather [hbm4b:s7+s3], $0x2800, $0x38;
	[tilespmem:$0x1F800] =	vst v63  }
0x1f: {  	_ = 	snop  }
0x20: {  	[tilespmem:s18], [sflag:$0x1] =	stream.linear.gather [hbm4b:s8+s3], $0x2800, $0x38;
	[tilespmem:$0x1F800] =	vst v63  }
0x21: {  	_ = 	snop  }
0x22: {  	[tilespmem:s19], [sflag:$0x1] =	stream.linear.gather [hbm4b:s9+s3], $0x2800, $0x38;
	[tilespmem:$0x1F800] =	vst v63  }
0x23: {  	_ =	swait.ge [sflag:s20], $0x2800  }
0x24: {  	[sflag:s20] =	ssyncset.done $0x0  }
0x25: {  	s14 =	simm.s32 $0x0;
	[sflag:s20] =	ssyncadd.s32 $0xFFFFD800  }
0x26: {  	[spmem:s1] =	stream.indirect.scatter.add.f32 [tilespmem:s17], [sflag:$0x2], $0x80, s14, s21, $0xb8;
	[tilespmem:$0x1F800] =	vst v63  }
0x27: {  	_ =	swait.ge [sflag:s22], $0x2800  }
0x28: {  	[sflag:s22] =	ssyncset.done $0x0  }
0x29: {  	s2 =	sadd.s32 $0xFFFFF600, s0;
	[sflag:s22] =	ssyncadd.s32 $0xFFFFD800  }
0x2a: {  	[tilespmem:s17], [sflag:$0x1] =	stream.linear.gather [hbm4b:s2+s3], $0x2800, $0x38;
	[tilespmem:$0x1F800] =	vst v63  }
0x2b: {  	_ =	swait.ge [sflag:s20], $0x2800  }
0x2c: {  	[sflag:s20] =	ssyncset.done $0x0  }
0x2d: {  	s23 =	simm.s32 $0x80;
	[sflag:s20] =	ssyncadd.s32 $0xFFFFD800  }
0x2e: {  	[spmem:s1] =	stream.indirect.scatter.add.f32 [tilespmem:s18], [sflag:$0x2], $0x80, s23, s21, $0xb8;
	[tilespmem:$0x1F800] =	vst v63  }
0x2f: {  	_ =	swait.ge [sflag:s22], $0x2800  }
0x30: {  	[sflag:s22] =	ssyncset.done $0x0  }
0x31: {  	s2 =	sadd.s32 $0xFFFFFB00, s0;
	[sflag:s22] =	ssyncadd.s32 $0xFFFFD800  }
0x32: {  	[tilespmem:s18], [sflag:$0x1] =	stream.linear.gather [hbm4b:s2+s3], $0x2800, $0x38;
	[tilespmem:$0x1F800] =	vst v63  }
0x33: {  	_ =	swait.ge [sflag:s20], $0x2800  }
0x34: {  	[sflag:s20] =	ssyncset.done $0x0  }
0x35: {  	s23 =	simm.s32 $0x100;
	[sflag:s20] =	ssyncadd.s32 $0xFFFFD800  }
0x36: {  	[spmem:s1] =	stream.indirect.scatter.add.f32 [tilespmem:s19], [sflag:$0x2], $0x80, s23, s21, $0xb8;
	[tilespmem:$0x1F800] =	vst v63  }
0x37: {  	_ =	swait.ge [sflag:s22], $0x2800  }
0x38: {  	s30 =	simm.s32 $0x600;
	[sflag:s22] =	ssyncset.done $0x0  }
0x39: {  	s31 =	sadd.s32 $0xF00, s0;
	s14 =	smov.u32 s0;
	[sflag:s22] =	ssyncadd.s32 $0xFFFFD800  }
.LBB2_2:
0x3a: {  	[tilespmem:s19], [sflag:$0x1] =	stream.linear.gather [hbm4b:s14+s3], $0x2800, $0x38;
	[tilespmem:$0x1F800] =	vst v63  }
0x3b: {  	s2 =	smov.u32 s30;
	s14 =	smov.u32 s31  }
0x3c: {  	p0 =	sne.s32 s30, $0xEA00;
	s30 =	sadd.s32 $0x600, s30;
	_ =	swait.ge [sflag:s20], $0x2800  }
0x3d: {  	[sflag:s20] =	ssyncset.done $0x0  }
0x3e: {  	s2 =	sshra.s32 s2, $0x2;
	[sflag:s20] =	ssyncadd.s32 $0xFFFFD800  }
0x3f: {  	[spmem:s1] =	stream.indirect.scatter.add.f32 [tilespmem:s17], [sflag:$0x2], $0x80, s2, s21, $0xb8;
	[tilespmem:$0x1F800] =	vst v63  }
0x40: {  	_ =	swait.ge [sflag:s22], $0x2800  }
0x41: {  	[sflag:s22] =	ssyncset.done $0x0  }
0x42: {  	s23 =	sadd.s32 $0xFFFFF600, s31;
	[sflag:s22] =	ssyncadd.s32 $0xFFFFD800  }
0x43: {  	[tilespmem:s17], [sflag:$0x1] =	stream.linear.gather [hbm4b:s23+s3], $0x2800, $0x38;
	[tilespmem:$0x1F800] =	vst v63  }
0x44: {  	_ =	swait.ge [sflag:s20], $0x2800  }
0x45: {  	[sflag:s20] =	ssyncset.done $0x0  }
0x46: {  	s23 =	sadd.s32 $0x80, s2;
	[sflag:s20] =	ssyncadd.s32 $0xFFFFD800  }
0x47: {  	[spmem:s1] =	stream.indirect.scatter.add.f32 [tilespmem:s18], [sflag:$0x2], $0x80, s23, s21, $0xb8;
	[tilespmem:$0x1F800] =	vst v63  }
0x48: {  	_ =	swait.ge [sflag:s22], $0x2800  }
0x49: {  	[sflag:s22] =	ssyncset.done $0x0  }
0x4a: {  	s23 =	sadd.s32 $0xFFFFFB00, s31;
	[sflag:s22] =	ssyncadd.s32 $0xFFFFD800  }
0x4b: {  	[tilespmem:s18], [sflag:$0x1] =	stream.linear.gather [hbm4b:s23+s3], $0x2800, $0x38;
	[tilespmem:$0x1F800] =	vst v63  }
0x4c: {  	_ =	swait.ge [sflag:s20], $0x2800  }
0x4d: {  	[sflag:s20] =	ssyncset.done $0x0  }
.Ltmp0:
0x4e: {  	s2 =	sadd.s32 $0x100, s2;
	[sflag:s20] =	ssyncadd.s32 $0xFFFFD800;
	(pc) =	sbr.rel @p0 .LBB2_2-.Ltmp0, $4  }
0x4f: {  	[spmem:s1] =	stream.indirect.scatter.add.f32 [tilespmem:s19], [sflag:$0x2], $0x80, s2, s21, $0xb8;
	[tilespmem:$0x1F800] =	vst v63  }
0x50: {  	_ =	swait.ge [sflag:s22], $0x2800  }
0x51: {  	[sflag:s22] =	ssyncset.done $0x0  }
0x52: {  	s31 =	sadd.s32 $0xF00, s31;
	[sflag:s22] =	ssyncadd.s32 $0xFFFFD800  }
0x53: {  	[tilespmem:s19], [sflag:$0x1] =	stream.linear.gather [hbm4b:s14+s3], $0x2800, $0x38;
	[tilespmem:$0x1F800] =	vst v63  }
0x54: {  	_ =	swait.ge [sflag:s20], $0x2800  }
0x55: {  	[sflag:s20] =	ssyncset.done $0x0  }
0x56: {  	s2 =	simm.s32 $0x3C00;
	[sflag:s20] =	ssyncadd.s32 $0xFFFFD800  }
0x57: {  	[spmem:s1] =	stream.indirect.scatter.add.f32 [tilespmem:s17], [sflag:$0x2], $0x80, s2, s21, $0xb8;
	[tilespmem:$0x1F800] =	vst v63  }
0x58: {  	_ =	swait.ge [sflag:s22], $0x2800  }
0x59: {  	[sflag:s22] =	ssyncset.done $0x0  }
0x5a: {  	[sflag:s22] =	ssyncadd.s32 $0xFFFFD800  }
0x5b: {  	[tilespmem:s17], [sflag:$0x1] =	stream.linear.gather [hbm4b:s12+s3], $0x2800, $0x38;
	[tilespmem:$0x1F800] =	vst v63  }
0x5c: {  	_ =	swait.ge [sflag:s20], $0x2800  }
0x5d: {  	[sflag:s20] =	ssyncset.done $0x0  }
0x5e: {  	[sflag:s20] =	ssyncadd.s32 $0xFFFFD800  }
0x5f: {  	[spmem:s1] =	stream.indirect.scatter.add.f32 [tilespmem:s18], [sflag:$0x2], $0x80, s24, s21, $0xb8;
	[tilespmem:$0x1F800] =	vst v63  }
0x60: {  	_ =	swait.ge [sflag:s22], $0x2800  }
0x61: {  	[sflag:s22] =	ssyncset.done $0x0  }
0x62: {  	[sflag:s22] =	ssyncadd.s32 $0xFFFFD800  }
0x63: {  	[tilespmem:s18], [sflag:$0x1] =	stream.linear.gather [hbm4b:s13+s3], $0x2800, $0x38;
	[tilespmem:$0x1F800] =	vst v63  }
0x64: {  	_ =	swait.ge [sflag:s20], $0x2800  }
0x65: {  	[sflag:s20] =	ssyncset.done $0x0  }
0x66: {  	[sflag:s20] =	ssyncadd.s32 $0xFFFFD800  }
0x67: {  	[spmem:s1] =	stream.indirect.scatter.add.f32 [tilespmem:s19], [sflag:$0x2], $0x80, s25, s21, $0xb8;
	[tilespmem:$0x1F800] =	vst v63  }
0x68: {  	_ =	swait.ge [sflag:s22], $0x2800  }
0x69: {  	[sflag:s22] =	ssyncset.done $0x0  }
0x6a: {  	[sflag:s22] =	ssyncadd.s32 $0xFFFFD800  }
0x6b: {  	_ =	swait.ge [sflag:s20], $0x2800  }
0x6c: {  	[sflag:s20] =	ssyncset.done $0x0  }
0x6d: {  	[sflag:s20] =	ssyncadd.s32 $0xFFFFD800  }
0x6e: {  	[spmem:s1] =	stream.indirect.scatter.add.f32 [tilespmem:s17], [sflag:$0x2], $0x80, s26, s21, $0xb8;
	[tilespmem:$0x1F800] =	vst v63  }
0x6f: {  	_ =	swait.ge [sflag:s22], $0x2800  }
0x70: {  	[sflag:s22] =	ssyncset.done $0x0  }
0x71: {  	[sflag:s22] =	ssyncadd.s32 $0xFFFFD800  }
0x72: {  	_ =	swait.ge [sflag:s20], $0x2800  }
0x73: {  	[sflag:s20] =	ssyncset.done $0x0  }
0x74: {  	[sflag:s20] =	ssyncadd.s32 $0xFFFFD800  }
0x75: {  	[spmem:s1] =	stream.indirect.scatter.add.f32 [tilespmem:s18], [sflag:$0x2], $0x80, s28, s21, $0xb8;
	[tilespmem:$0x1F800] =	vst v63  }
0x76: {  	_ =	swait.ge [sflag:s22], $0x2800  }
0x77: {  	s29 =	sadd.s32 $0x1, s29;
	[sflag:s22] =	ssyncset.done $0x0  }
0x78: {  	p0 =	sne.s32 s29, s11;
	[sflag:s22] =	ssyncadd.s32 $0xFFFFD800  }
.Ltmp1:
0x79: {  	[bflag:$0x0] =	sbarrier.arrive $0xFFFF;
	(pc) =	sbr.rel @p0 .LBB2_1-.Ltmp1, $4  }
0x7a: {  	[hbm:s10], [sflag:s5] =	dma.local [spmem:s15], $0x2800  }
0x7b: {  	_ =	swait.ge [sflag:s16], $0x2800  }
0x7c: {  	[sflag:s16] =	ssyncset.done $0x0  }
0x7d: {  	[sflag:s16] =	ssyncadd.s32 $0xFFFFD800  }
0x7e: {  	_ =	sfence.sel $0x180000  }
0x7f: {  	[bflag:$0x0] =	sbarrier.arrive $0xFFFF  }
0x80: {  	_ =	strace $0x90000050  }
0x81: {  	s0 =	stileid.u32;
	[bflag:$0x2] =	sbarrier.arrive $0xFFFF  }
0x82: {  	p0 =	sne.s32 s0, $0x0;
	s0 =	rddreg [dreg:$0x2]  }
0x83: {  	s0 =	sadd.s32 @!p0 $0x100000, s0  }
0x84: {  	[sflag:s0] =	ssyncadd.tile.s32 @!p0 $0x1;
	_ =	shalt  }
.Lfunc_end2:
_tile_overlayer_lowered:
.L_overlay_start_2:
0x85: {  	(tag) =	ssettag $0x2  }
0x86: {  	s0 =	rddreg [dreg:$0x0];
	s2 =	stileid.u32  }
0x87: {  	s1 =	rddreg [dreg:$0x1];
	p0 =	sne.s32 s2, $0x0  }
0x88: {  	s3 =	rddreg [dreg:$0x2];
	[bflag:$0x3] =	sbarrier.arrive $0xFFFF;
	s2 =	simm.s32 @!p0 $0x1C03  }
0x89: {  	[timem:s3], [sflag:s2] =	dma.local @!p0 [hbm:s0], s1  }
0x8a: {  	s0 =	simm.s32 @!p0 $0x3  }
0x8b: {  	_ =	swait.ge @!p0 [sflag:s0], s1  }
0x8c: {  	s1 =	ssub.s32 @!p0 $0x0, s1;
	[sflag:s0] =	ssyncset.done @!p0 $0x0  }
0x8d: {  	[sflag:s0] =	ssyncadd.s32 @!p0 s1  }
0x8e: {  	[bflag:$0x3] =	sbarrier.arrive $0xFFFF  }
0x8f: {  	_ =	shalt  }

// kernel: kernel.28.cloned.1.call-start
scs
__scs_entry_jumppad:
0x0: {  	(pc) =	sbr.rel $0x88, $3  }
0x1: {  	(tag) =	ssettag $0x0;
	lr =	simm.s32 $0x1  }
0x2: {  	[smem:$0x3F90] =	sst lr;
	_ =	strace $0xD0000000  }
0x3: {  	_ = 	snop  }
0x4: {  	_ = 	snop  }
0x5: {  	_ = 	snop  }
0x6: {  	_ = 	snop  }
0x7: {  	_ = 	snop  }
__scs_overlays_trampoline_lowered:
0x8: {  	[smem:$0x3F9F] =	sst s0  }
0x9: {  	[smem:$0x3FA0] =	sst s1  }
0xa: {  	[smem:$0x3FA1] =	sst s2  }
0xb: {  	[smem:$0x3FA2] =	sst s3  }
0xc: {  	[smem:$0x3FA3] =	sst s4  }
0xd: {  	[smem:$0x3FA4] =	sst s5  }
0xe: {  	[smem:$0x3FA5] =	sst s6  }
0xf: {  	[smem:$0x3FA6] =	sst s7  }
0x10: {  	[smem:$0x3FA7] =	sst s8  }
0x11: {  	[smem:$0x3FA8] =	sst s9;
	s0 =	simm.s32 @!p0 $0x0  }
0x12: {  	s1 =	sld [smem:$0x3F8E];
	s0 =	simm.s32 @p0 $0x1  }
0x13: {  	[smem:$0x3FA9] =	sst s0;
	s0 =	simm.s32 @!p1 $0x0  }
0x14: {  	s2 =	sld [smem:$0x3F8D];
	s0 =	simm.s32 @p1 $0x1  }
0x15: {  	[smem:$0x3FAA] =	sst s0;
	s0 =	simm.s32 @!p2 $0x0  }
0x16: {  	s3 =	sld [smem:$0x3FDB];
	s0 =	simm.s32 @p2 $0x1  }
0x17: {  	s4 =	simm.s32 $0x1BF5;
	[smem:$0x3FAC] =	sst s0  }
0x18: {  	s0 =	sld [smem:$0x3F8F];
	_ =	swait.ge [sflag:s4], $0x0  }
0x19: {  	s7 =	sld [smem:$0x3F90]  }
0x1a: {  	s8 =	sadd.s32 $0xFFFFE003, lr  }
0x1b: {  	s9 =	sadd.s32 $0xFFFFFEF7, lr;
	s5 =	simm.s32 $0xFFFFFFFF;
	p2 =	slt.u32 s8, $0xFFFFF086  }
0x1c: {  	p1 =	slt.u32 s9, $0xF7A;
	s5 =	simm.s32 @!p2 $0x0  }
0x1d: {  	s5 =	simm.s32 @p1 $0x1;
	p0 =	seq.s32 s7, s2  }
0x1e: {  	s7 =	smul.u32 @!p0 $0xF7A, s2;
	p2 =	seq.s32 @!p0 s5, $0x0  }
0x1f: {  	s9 =	smul.u32 $0xF7A, s1;
	s8 =	simm.s32 @!p0 $0x1BF5;
	p2 =	por !p2, p0  }
0x20: {  	[sflag:s8] =	ssyncset.s32 @!p0 $0xFFFFF086;
	s6 =	sadd.s32 @!p0 s3, s7;
	s7 =	simm.s32 @!p0 $0x108  }
0x21: {  	s3 =	sadd.s32 s3, s9;
	s6 =	sadd.s32 @!p0 $0x88, s6;
	s7 =	simm.s32 @p2 $0x1082  }
0x22: {  	[simem:s7], [sflag:s8] =	dma.local @!p0 [hbm:s6], $0xF7A  }
0x23: {  	s9 =	sor.u32 $0xD0000000, s2;
	s6 =	simm.s32 $0x108;
	_ =	swait.ge @!p0 [sflag:s8], $0x0  }
0x24: {  	s3 =	sadd.s32 $0x88, s3;
	s6 =	simm.s32 @!p1 $0x1082;
	[sflag:s4] =	ssyncset.s32 $0xFFFFF086  }
0x25: {  	[simem:s6], [sflag:s4] =	dma.local [hbm:s3], $0xF7A  }
0x26: {  	[smem:$0x3F90] =	sst s1;
	(tag) =	ssettag s2;
	_ =	strace s9  }
0x27: {  	s1 =	sld [smem:$0x3FA0]  }
0x28: {  	s2 =	sld [smem:$0x3FA1]  }
0x29: {  	s4 =	sld [smem:$0x3FA3]  }
0x2a: {  	p0 =	seq.s32 s5, $0x0;
	s5 =	sld [smem:$0x3FA4]  }
0x2b: {  	s6 =	sld [smem:$0x3FA5]  }
0x2c: {  	s7 =	sld [smem:$0x3FA6]  }
0x2d: {  	s3 =	simm.s32 $0x108;
	s8 =	sld [smem:$0x3FA7]  }
0x2e: {  	s3 =	simm.s32 @!p0 $0x1082;
	s9 =	sld [smem:$0x3FA8]  }
0x2f: {  	lr =	sadd.s32 s0, s3;
	s0 =	sld [smem:$0x3F9F]  }
0x30: {  	s3 =	sld [smem:$0x3FA2]  }
0x31: {  	[smem:$0x3FAB] =	sst s10  }
0x32: {  	s10 =	sld [smem:$0x3FA9];
	_ =	sdelay $0x3  }
0x33: {  	p0 =	seq.s32 s10, $0x1;
	s10 =	sld [smem:$0x3FAB];
	_ =	sdelay $0x3  }
0x34: {  	[smem:$0x3FAB] =	sst s10  }
0x35: {  	s10 =	sld [smem:$0x3FAA];
	_ =	sdelay $0x3  }
0x36: {  	p1 =	seq.s32 s10, $0x1;
	s10 =	sld [smem:$0x3FAB];
	_ =	sdelay $0x3  }
0x37: {  	[smem:$0x3FAB] =	sst s10  }
0x38: {  	s10 =	sld [smem:$0x3FAC]  }
0x39: {  	_ = 	snop;
	(pc) =	sbr.ind lr, $3  }
0x3a: {  	_ = 	snop  }
0x3b: {  	_ = 	snop  }
0x3c: {  	p2 =	seq.s32 s10, $0x1;
	s10 =	sld [smem:$0x3FAB]  }
0x3d: {  	_ =	shalt  }
0x3e: {  	_ =	shalt  }
0x3f: {  	_ =	shalt  }
0x40: {  	_ =	shalt  }
0x41: {  	_ =	shalt  }
0x42: {  	_ =	shalt  }
0x43: {  	_ =	shalt  }
0x44: {  	_ =	shalt  }
0x45: {  	_ =	shalt  }
0x46: {  	_ =	shalt  }
0x47: {  	_ =	shalt  }
0x48: {  	_ =	shalt  }
0x49: {  	_ =	shalt  }
0x4a: {  	_ =	shalt  }
0x4b: {  	_ =	shalt  }
0x4c: {  	_ =	shalt  }
0x4d: {  	_ =	shalt  }
0x4e: {  	_ =	shalt  }
0x4f: {  	_ =	shalt  }
0x50: {  	_ =	shalt  }
0x51: {  	_ =	shalt  }
0x52: {  	_ =	shalt  }
0x53: {  	_ =	shalt  }
0x54: {  	_ =	shalt  }
0x55: {  	_ =	shalt  }
0x56: {  	_ =	shalt  }
0x57: {  	_ =	shalt  }
0x58: {  	_ =	shalt  }
0x59: {  	_ =	shalt  }
0x5a: {  	_ =	shalt  }
0x5b: {  	_ =	shalt  }
0x5c: {  	_ =	shalt  }
0x5d: {  	_ =	shalt  }
0x5e: {  	_ =	shalt  }
0x5f: {  	_ =	shalt  }
0x60: {  	_ =	shalt  }
0x61: {  	_ =	shalt  }
0x62: {  	_ =	shalt  }
0x63: {  	_ =	shalt  }
0x64: {  	_ =	shalt  }
0x65: {  	_ =	shalt  }
0x66: {  	_ =	shalt  }
0x67: {  	_ =	shalt  }
0x68: {  	_ =	shalt  }
0x69: {  	_ =	shalt  }
0x6a: {  	_ =	shalt  }
0x6b: {  	_ =	shalt  }
0x6c: {  	_ =	shalt  }
0x6d: {  	_ =	shalt  }
0x6e: {  	_ =	shalt  }
0x6f: {  	_ =	shalt  }
0x70: {  	_ =	shalt  }
0x71: {  	_ =	shalt  }
0x72: {  	_ =	shalt  }
0x73: {  	_ =	shalt  }
0x74: {  	_ =	shalt  }
0x75: {  	_ =	shalt  }
0x76: {  	_ =	shalt  }
0x77: {  	_ =	shalt  }
0x78: {  	_ =	shalt  }
0x79: {  	_ =	shalt  }
0x7a: {  	_ =	shalt  }
0x7b: {  	_ =	shalt  }
0x7c: {  	_ =	shalt  }
0x7d: {  	_ =	shalt  }
0x7e: {  	_ =	shalt  }
0x7f: {  	_ =	shalt  }
0x80: {  	_ =	shalt  }
0x81: {  	_ =	shalt  }
0x82: {  	_ =	shalt  }
0x83: {  	_ =	shalt  }
0x84: {  	_ =	shalt  }
0x85: {  	_ =	shalt  }
0x86: {  	_ =	shalt  }
0x87: {  	_ =	shalt  }
.Lfunc_end0:
.L_simem_size_0:
called_computation.4_lowered:
.L_overlay_start_0:
0x88: {  	s2 =	sld [smem:$0x3FD9]  }
0x89: {  	s3 =	sld [smem:$0x3FFE];
	_ =	sdelay $0x1  }
0x8a: {  	s1 =	srdreg.scid  }
0x8b: {  	s0 =	sand.u32 $0x1, s1  }
0x8c: {  	s16 =	sshll.u32 s0, $0xA;
	s2 =	sadd.s32 s3, s2  }
0x8d: {  	s2 =	sadd.s32 s2, s16  }
0x8e: {  	[smem:$0x3FB7] =	sst s2  }
0x8f: {  	_ = 	snop  }
0x90: {  	(tm) =	ssettm $0x1  }
0x91: {  	s17 =	sld [smem:$0x3FFB];
	_ =	sdelay $0x3  }
0x92: {  	_ =	strace s17  }
0x93: {  	s2 =	sld [smem:$0x3FFC];
	_ =	sdelay $0x3  }
0x94: {  	_ =	strace s2  }
0x95: {  	s2 =	sld [smem:$0x3FFD];
	_ =	sdelay $0x3  }
0x96: {  	_ =	strace s2  }
0x97: {  	_ =	strace $0x8FFFFFFF  }
0x98: {  	s18 =	sld [smem:$0x3FDB];
	_ =	sdelay $0x1  }
0x99: {  	s19 =	simm.s32 $_scs_section_size  }
0x9a: {  	s4 =	simm.s32 $_size__tile_overlayer_lowered;
	s5 =	simm.s32 $_tile_overlayer_lowered  }
0x9b: {  	s22 =	simm.s32 $0x1BFF;
	s21 =	sshll.u32 s5, $0x1;
	s2 =	sadd.s32 s19, s18  }
0x9c: {  	s6 =	simm.s32 $0x0;
	s20 =	sshll.u32 s4, $0x1;
	s4 =	sadd.s32 s21, s2  }
0x9d: {  	[timem:s6], [sflag:s22] =	dma.local [hbm:s4], s20  }
0x9e: {  	_ =	swait.ge [sflag:s22], s20  }
0x9f: {  	s3 =	ssub.s32 $0x0, s20;
	[sflag:s22] =	ssyncset.done $0x0  }
0xa0: {  	[sflag:s22] =	ssyncadd.s32 s3;
	_ =	sdelay $0x1  }
0xa1: {  	s23 =	simm.s32 $0x1B8B  }
0xa2: {  	_ =	swait.ge [sflag:s23], $0x1  }
0xa3: {  	[sflag:s23] =	ssyncset.done $0x0  }
0xa4: {  	s25 =	simm.s32 $0x1B8E;
	s24 =	sld [smem:$0x3FFE];
	[sflag:s23] =	ssyncadd.s32 $0xFFFFFFFF  }
0xa5: {  	s26 =	simm.s32 $execute0_lowered;
	[smem:$0x3FD2] =	sst s25  }
0xa6: {  	s4 =	sshll.u32 s26, $0x1;
	_ =	strace $0x80000052;
	[dreg:$0x1] =	wrdreg $0xFFFFFFFF  }
0xa7: {  	s28 =	simm.s32 $_size_execute0_lowered;
	s2 =	sadd.s32 s2, s4;
	[dreg:$0x0] =	wrdreg $0x0  }
0xa8: {  	s4 =	sshll.u32 s28, $0x1;
	[dreg:$0x2] =	wrdreg s2  }
0xa9: {  	[dreg:$0x3] =	wrdreg s4  }
0xaa: {  	[dreg:$0x4] =	wrdreg $0xC0  }
0xab: {  	_ =	task [dreg:s6], $0x5FFFF  }
0xac: {  	[dreg:$0x1] =	wrdreg $0xFFFFFFFF  }
0xad: {  	[dreg:$0x0] =	wrdreg $0x60  }
0xae: {  	[dreg:$0x2] =	wrdreg s24  }
0xaf: {  	[dreg:$0x3] =	wrdreg $0x9  }
0xb0: {  	_ =	task.clear_ibuf [dreg:s6], $0x4FFFF;
	_ =	strace $0x90000052  }
0xb1: {  	s29 =	simm.s32 $0x9;
	_ =	strace $0x80000054  }
0xb2: {  	_ =	swait.ge [sflag:s29], $0x1  }
0xb3: {  	[sflag:s29] =	ssyncadd.s32 $0xFFFFFFFF  }
0xb4: {  	_ =	strace $0x90000054  }
0xb5: {  	_ =	sfence  }
0xb6: {  	s30 =	sld [smem:$0x0];
	_ =	sdelay $0x2  }
0xb7: {  	s31 =	sshll.u32 s1, $0xD;
	s1 =	sshrl.u32 s1, $0x2  }
0xb8: {  	s3 =	sand.u32 $0x4000, s31;
	s1 =	sadd.s32 s1, s30  }
0xb9: {  	s0 =	sor.u32 s3, s0;
	s1 =	sshll.u32 s1, $0x11  }
0xba: {  	s0 =	sor.u32 s1, s0  }
0xbb: {  	s0 =	sadd.s32 $0x8F2B, s0  }
0xbc: {  	[sflag:s0] =	ssyncadd.remote.s32 $0x1  }
0xbd: {  	_ =	sfence.sel $0xFFFF  }
0xbe: {  	[dreg:$0x0] =	wrdreg $0xFFFFFFFF;
	(pc) =	sbr.abs _section_cstart, $3  }
0xbf: {  	[dreg:$0x1] =	wrdreg $0xFFFFFFFF  }
0xc0: {  	_ =	task.clear_ibuf [dreg:s6], $0x2FFFF;
	_ =	strace $0x9FFFFFFF  }
0xc1: {  	(tm) =	ssettm $0x7FFFFFFF  }
tec
execute0_lowered:
.L_overlay_start_1:
0x0: {  	(tag) =	ssettag $0x1  }
0x1: {  	s4 =	rddreg [dreg:$0x0]  }
0x2: {  	s0 =	rddreg [dreg:$0x1]  }
0x3: {  	s2 =	simm.s32 $0x0;
	s5 =	srdreg.scid;
	s1 =	stileid.u32  }
0x4: {  	s10 =	simm.s32 $0x80;
	s11 =	simm.s32 $0xA800;
	s12 =	simm.s32 $0x100  }
0x5: {  	s13 =	simm.s32 $0xD000;
	s14 =	simm.s32 $0x180;
	s15 =	simm.s32 $0xF800  }
0x6: {  	s16 =	simm.s32 $0x200;
	s17 =	simm.s32 $0x12000;
	s18 =	simm.s32 $0x1  }
0x7: {  	s19 =	simm.s32 $0x2;
	s20 =	simm.s32 $0x0;
	[smem:$0x7FF] =	sst s2  }
0x8: {  	s3 =	sadd.s32 $0xA2CA00, s4;
	s5 =	sand.u32 $0x1, s5;
	s9 =	smul.u32 $0x4E200, s1  }
0x9: {  	s6 =	sshll.u32 s1, $0xC;
	_ =	strace $0x80000053;
	s8 =	smul.u32 $0x4E2000, s5  }
.Ltmp0:
0xa: {  	s7 =	sshll.u32 s5, $0x10;
	s5 =	ssub.s32 $0x2, s5;
	(pc) =	sbr.rel .LBB2_1-.Ltmp0, $4  }
0xb: {  	s6 =	sor.u32 s6, s7;
	s30 =	sshrl.u32 s5, $0x1;
	s7 =	simm.s32 $0x3  }
0xc: {  	s6 =	sadd.s32 s6, s4;
	s8 =	sadd.s32 s8, s4;
	s5 =	ssub.s32 s5, s30  }
0xd: {  	s4 =	sadd.s32 $0x11800, s6;
	s5 =	smax.u32 s5, $0x1;
	s31 =	sadd.s32 s9, s8  }
0xe: {  	s8 =	simm.s32 $0x50;
	s9 =	simm.s32 $0x8000;
	s6 =	sadd.s32 $0x32C00, s31  }
.LBB2_4:
0xf: {  	s20 =	sadd.s32 $0x1, s20  }
0x10: {  	p0 =	sne.s32 s20, s5  }
.Ltmp1:
0x11: {  	_ = 	snop;
	(pc) =	sbr.rel @!p0 .LBB2_5-.Ltmp1, $1  }
0x12: {  	_ =	sdelay $0x3  }
.LBB2_1:
0x13: {  	[tilespmem:s2], [sflag:$0x3] =	stream.linear.gather [hbm4b:s4+s2], $0x7D00, $0x38;
	[tilespmem:$0x14800] =	vst v63  }
0x14: {  	_ =	swait.ge [sflag:s7], $0x7D00  }
0x15: {  	[sflag:s7] =	ssyncset.done $0x0  }
0x16: {  	[sflag:s7] =	ssyncadd.s32 $0xFFFF8300  }
0x17: {  	[tilespmem:s9], [sflag:$0x1] =	stream.indirect.gather [hbm4b:s3+s8], $0x80, s2, s8, $0xb8;
	[tilespmem:$0x14800] =	vst v63  }
0x18: {  	_ = 	snop  }
0x19: {  	[tilespmem:s11], [sflag:$0x1] =	stream.indirect.gather [hbm4b:s3+s8], $0x80, s10, s8, $0xb8;
	[tilespmem:$0x14800] =	vst v63  }
0x1a: {  	_ = 	snop  }
0x1b: {  	[tilespmem:s13], [sflag:$0x1] =	stream.indirect.gather [hbm4b:s3+s8], $0x80, s12, s8, $0xb8;
	[tilespmem:$0x14800] =	vst v63  }
0x1c: {  	_ = 	snop  }
0x1d: {  	[tilespmem:s15], [sflag:$0x1] =	stream.indirect.gather [hbm4b:s3+s8], $0x80, s14, s8, $0xb8;
	[tilespmem:$0x14800] =	vst v63  }
0x1e: {  	s21 =	smov.u32 s6;
	s22 =	simm.s32 $0x0  }
0x1f: {  	[tilespmem:s17], [sflag:$0x1] =	stream.indirect.gather [hbm4b:s3+s8], $0x80, s16, s8, $0xb8;
	[tilespmem:$0x14800] =	vst v63  }
.LBB2_2:
0x20: {  	_ =	swait.ge [sflag:s18], $0x2800  }
0x21: {  	[sflag:s18] =	ssyncset.done $0x0  }
0x22: {  	s23 =	sadd.s32 $0xFFFFEC00, s21;
	[sflag:s18] =	ssyncadd.s32 $0xFFFFD800  }
0x23: {  	[hbm4b:s23+s2] =	stream.linear.scatter [tilespmem:s9], [sflag:$0x2], $0x2800, $0x38;
	[tilespmem:$0x14800] =	vst v63  }
0x24: {  	p0 =	seq.s32 s22, $0x1EA00;
	_ =	swait.ge [sflag:s19], $0x2800  }
0x25: {  	s25 =	simm.s32 @!p0 $0x50;
	s23 =	sshra.s32 @!p0 s22, $0x2;
	[sflag:s19] =	ssyncset.done $0x0  }
0x26: {  	s26 =	simm.s32 @!p0 $0x8000;
	s24 =	sadd.s32 @!p0 $0x280, s23;
	[sflag:s19] =	ssyncadd.s32 $0xFFFFD800  }
0x27: {  	[tilespmem:s26], [sflag:$0x1] =	stream.indirect.gather @!p0 [hbm4b:s3+s25], $0x80, s24, s25, $0xb8;
	[tilespmem:$0x14800] =	vst v63  }
0x28: {  	_ =	swait.ge [sflag:s18], $0x2800  }
0x29: {  	[sflag:s18] =	ssyncset.done $0x0  }
0x2a: {  	s29 =	sadd.s32 $0xFFFFF100, s21;
	[sflag:s18] =	ssyncadd.s32 $0xFFFFD800  }
0x2b: {  	[hbm4b:s29+s2] =	stream.linear.scatter [tilespmem:s11], [sflag:$0x2], $0x2800, $0x38;
	[tilespmem:$0x14800] =	vst v63  }
0x2c: {  	_ =	swait.ge [sflag:s19], $0x2800  }
0x2d: {  	[sflag:s19] =	ssyncset.done $0x0  }
0x2e: {  	s24 =	sadd.s32 @!p0 $0x300, s23;
	s26 =	simm.s32 @!p0 $0xA800;
	[sflag:s19] =	ssyncadd.s32 $0xFFFFD800  }
0x2f: {  	[tilespmem:s26], [sflag:$0x1] =	stream.indirect.gather @!p0 [hbm4b:s3+s25], $0x80, s24, s25, $0xb8;
	[tilespmem:$0x14800] =	vst v63  }
0x30: {  	_ =	swait.ge [sflag:s18], $0x2800  }
0x31: {  	[sflag:s18] =	ssyncset.done $0x0  }
0x32: {  	s30 =	sadd.s32 $0xFFFFF600, s21;
	[sflag:s18] =	ssyncadd.s32 $0xFFFFD800  }
0x33: {  	[hbm4b:s30+s2] =	stream.linear.scatter [tilespmem:s13], [sflag:$0x2], $0x2800, $0x38;
	[tilespmem:$0x14800] =	vst v63  }
0x34: {  	_ =	swait.ge [sflag:s19], $0x2800  }
0x35: {  	[sflag:s19] =	ssyncset.done $0x0  }
0x36: {  	s24 =	sadd.s32 @!p0 $0x380, s23;
	s26 =	simm.s32 @!p0 $0xD000;
	[sflag:s19] =	ssyncadd.s32 $0xFFFFD800  }
0x37: {  	[tilespmem:s26], [sflag:$0x1] =	stream.indirect.gather @!p0 [hbm4b:s3+s25], $0x80, s24, s25, $0xb8;
	[tilespmem:$0x14800] =	vst v63  }
0x38: {  	_ =	swait.ge [sflag:s18], $0x2800  }
0x39: {  	[sflag:s18] =	ssyncset.done $0x0  }
0x3a: {  	s31 =	sadd.s32 $0xFFFFFB00, s21;
	[sflag:s18] =	ssyncadd.s32 $0xFFFFD800  }
0x3b: {  	[hbm4b:s31+s2] =	stream.linear.scatter [tilespmem:s15], [sflag:$0x2], $0x2800, $0x38;
	[tilespmem:$0x14800] =	vst v63  }
0x3c: {  	_ =	swait.ge [sflag:s19], $0x2800  }
0x3d: {  	[sflag:s19] =	ssyncset.done $0x0  }
0x3e: {  	s23 =	sadd.s32 @!p0 $0x400, s23;
	s24 =	simm.s32 @!p0 $0xF800;
	[sflag:s19] =	ssyncadd.s32 $0xFFFFD800  }
0x3f: {  	[tilespmem:s24], [sflag:$0x1] =	stream.indirect.gather @!p0 [hbm4b:s3+s25], $0x80, s23, s25, $0xb8;
	[tilespmem:$0x14800] =	vst v63  }
0x40: {  	_ =	swait.ge [sflag:s18], $0x2800  }
0x41: {  	[sflag:s18] =	ssyncset.done $0x0  }
.Ltmp2:
0x42: {  	[sflag:s18] =	ssyncadd.s32 $0xFFFFD800;
	(pc) =	sbr.rel @p0 .LBB2_4-.Ltmp2, $4  }
0x43: {  	[hbm4b:s21+s2] =	stream.linear.scatter [tilespmem:s17], [sflag:$0x2], $0x2800, $0x38;
	[tilespmem:$0x14800] =	vst v63  }
0x44: {  	_ =	swait.ge [sflag:s19], $0x2800  }
0x45: {  	[sflag:s19] =	ssyncset.done $0x0  }
0x46: {  	[sflag:s19] =	ssyncadd.s32 $0xFFFFD800  }
.Ltmp3:
0x47: {  	(pc) =	sbr.rel .LBB2_2-.Ltmp3, $4  }
0x48: {  	_ = 	snop  }
0x49: {  	s23 =	sshra.s32 s22, $0x2  }
0x4a: {  	s22 =	sadd.s32 $0xA00, s22;
	s21 =	sadd.s32 $0x1900, s21;
	s23 =	sadd.s32 $0x480, s23  }
0x4b: {  	[tilespmem:s17], [sflag:$0x1] =	stream.indirect.gather [hbm4b:s3+s8], $0x80, s23, s8, $0xb8;
	[tilespmem:$0x14800] =	vst v63  }
.LBB2_5:
0x4c: {  	_ =	sfence.sel $0x180000  }
0x4d: {  	[bflag:$0x0] =	sbarrier.arrive $0xFFFF  }
0x4e: {  	p0 =	sne.s32 s1, $0x0;
	_ =	strace $0x90000053  }
0x4f: {  	s0 =	sadd.s32 @!p0 $0x100000, s0;
	[bflag:$0x2] =	sbarrier.arrive $0xFFFF  }
0x50: {  	[sflag:s0] =	ssyncadd.tile.s32 @!p0 $0x1;
	_ =	shalt  }
.Lfunc_end2:
_tile_overlayer_lowered:
.L_overlay_start_2:
0x51: {  	(tag) =	ssettag $0x2  }
0x52: {  	s0 =	rddreg [dreg:$0x0];
	s2 =	stileid.u32  }
0x53: {  	s1 =	rddreg [dreg:$0x1];
	p0 =	sne.s32 s2, $0x0  }
0x54: {  	s3 =	rddreg [dreg:$0x2];
	[bflag:$0x3] =	sbarrier.arrive $0xFFFF;
	s2 =	simm.s32 @!p0 $0x1C03  }
0x55: {  	[timem:s3], [sflag:s2] =	dma.local @!p0 [hbm:s0], s1  }
0x56: {  	s0 =	simm.s32 @!p0 $0x3  }
0x57: {  	_ =	swait.ge @!p0 [sflag:s0], s1  }
0x58: {  	s1 =	ssub.s32 @!p0 $0x0, s1;
	[sflag:s0] =	ssyncset.done @!p0 $0x0  }
0x59: {  	[sflag:s0] =	ssyncadd.s32 @!p0 s1  }
0x5a: {  	[bflag:$0x3] =	sbarrier.arrive $0xFFFF  }
0x5b: {  	_ =	shalt  }

// kernel: kernel.31.cloned.1.call-start
scs
__scs_entry_jumppad:
0x0: {  	(pc) =	sbr.rel $0x88, $3  }
0x1: {  	(tag) =	ssettag $0x0;
	lr =	simm.s32 $0x1  }
0x2: {  	[smem:$0x3F90] =	sst lr;
	_ =	strace $0xD0000000  }
0x3: {  	_ = 	snop  }
0x4: {  	_ = 	snop  }
0x5: {  	_ = 	snop  }
0x6: {  	_ = 	snop  }
0x7: {  	_ = 	snop  }
__scs_overlays_trampoline_lowered:
0x8: {  	[smem:$0x3F9F] =	sst s0  }
0x9: {  	[smem:$0x3FA0] =	sst s1  }
0xa: {  	[smem:$0x3FA1] =	sst s2  }
0xb: {  	[smem:$0x3FA2] =	sst s3  }
0xc: {  	[smem:$0x3FA3] =	sst s4  }
0xd: {  	[smem:$0x3FA4] =	sst s5  }
0xe: {  	[smem:$0x3FA5] =	sst s6  }
0xf: {  	[smem:$0x3FA6] =	sst s7  }
0x10: {  	[smem:$0x3FA7] =	sst s8  }
0x11: {  	[smem:$0x3FA8] =	sst s9;
	s0 =	simm.s32 @!p0 $0x0  }
0x12: {  	s1 =	sld [smem:$0x3F8E];
	s0 =	simm.s32 @p0 $0x1  }
0x13: {  	[smem:$0x3FA9] =	sst s0;
	s0 =	simm.s32 @!p1 $0x0  }
0x14: {  	s2 =	sld [smem:$0x3F8D];
	s0 =	simm.s32 @p1 $0x1  }
0x15: {  	[smem:$0x3FAA] =	sst s0;
	s0 =	simm.s32 @!p2 $0x0  }
0x16: {  	s3 =	sld [smem:$0x3FDB];
	s0 =	simm.s32 @p2 $0x1  }
0x17: {  	s4 =	simm.s32 $0x1BF5;
	[smem:$0x3FAC] =	sst s0  }
0x18: {  	s0 =	sld [smem:$0x3F8F];
	_ =	swait.ge [sflag:s4], $0x0  }
0x19: {  	s7 =	sld [smem:$0x3F90]  }
0x1a: {  	s8 =	sadd.s32 $0xFFFFE003, lr  }
0x1b: {  	s9 =	sadd.s32 $0xFFFFFEF7, lr;
	s5 =	simm.s32 $0xFFFFFFFF;
	p2 =	slt.u32 s8, $0xFFFFF086  }
0x1c: {  	p1 =	slt.u32 s9, $0xF7A;
	s5 =	simm.s32 @!p2 $0x0  }
0x1d: {  	s5 =	simm.s32 @p1 $0x1;
	p0 =	seq.s32 s7, s2  }
0x1e: {  	s7 =	smul.u32 @!p0 $0xF7A, s2;
	p2 =	seq.s32 @!p0 s5, $0x0  }
0x1f: {  	s9 =	smul.u32 $0xF7A, s1;
	s8 =	simm.s32 @!p0 $0x1BF5;
	p2 =	por !p2, p0  }
0x20: {  	[sflag:s8] =	ssyncset.s32 @!p0 $0xFFFFF086;
	s6 =	sadd.s32 @!p0 s3, s7;
	s7 =	simm.s32 @!p0 $0x108  }
0x21: {  	s3 =	sadd.s32 s3, s9;
	s6 =	sadd.s32 @!p0 $0x88, s6;
	s7 =	simm.s32 @p2 $0x1082  }
0x22: {  	[simem:s7], [sflag:s8] =	dma.local @!p0 [hbm:s6], $0xF7A  }
0x23: {  	s9 =	sor.u32 $0xD0000000, s2;
	s6 =	simm.s32 $0x108;
	_ =	swait.ge @!p0 [sflag:s8], $0x0  }
0x24: {  	s3 =	sadd.s32 $0x88, s3;
	s6 =	simm.s32 @!p1 $0x1082;
	[sflag:s4] =	ssyncset.s32 $0xFFFFF086  }
0x25: {  	[simem:s6], [sflag:s4] =	dma.local [hbm:s3], $0xF7A  }
0x26: {  	[smem:$0x3F90] =	sst s1;
	(tag) =	ssettag s2;
	_ =	strace s9  }
0x27: {  	s1 =	sld [smem:$0x3FA0]  }
0x28: {  	s2 =	sld [smem:$0x3FA1]  }
0x29: {  	s4 =	sld [smem:$0x3FA3]  }
0x2a: {  	p0 =	seq.s32 s5, $0x0;
	s5 =	sld [smem:$0x3FA4]  }
0x2b: {  	s6 =	sld [smem:$0x3FA5]  }
0x2c: {  	s7 =	sld [smem:$0x3FA6]  }
0x2d: {  	s3 =	simm.s32 $0x108;
	s8 =	sld [smem:$0x3FA7]  }
0x2e: {  	s3 =	simm.s32 @!p0 $0x1082;
	s9 =	sld [smem:$0x3FA8]  }
0x2f: {  	lr =	sadd.s32 s0, s3;
	s0 =	sld [smem:$0x3F9F]  }
0x30: {  	s3 =	sld [smem:$0x3FA2]  }
0x31: {  	[smem:$0x3FAB] =	sst s10  }
0x32: {  	s10 =	sld [smem:$0x3FA9];
	_ =	sdelay $0x3  }
0x33: {  	p0 =	seq.s32 s10, $0x1;
	s10 =	sld [smem:$0x3FAB];
	_ =	sdelay $0x3  }
0x34: {  	[smem:$0x3FAB] =	sst s10  }
0x35: {  	s10 =	sld [smem:$0x3FAA];
	_ =	sdelay $0x3  }
0x36: {  	p1 =	seq.s32 s10, $0x1;
	s10 =	sld [smem:$0x3FAB];
	_ =	sdelay $0x3  }
0x37: {  	[smem:$0x3FAB] =	sst s10  }
0x38: {  	s10 =	sld [smem:$0x3FAC]  }
0x39: {  	_ = 	snop;
	(pc) =	sbr.ind lr, $3  }
0x3a: {  	_ = 	snop  }
0x3b: {  	_ = 	snop  }
0x3c: {  	p2 =	seq.s32 s10, $0x1;
	s10 =	sld [smem:$0x3FAB]  }
0x3d: {  	_ =	shalt  }
0x3e: {  	_ =	shalt  }
0x3f: {  	_ =	shalt  }
0x40: {  	_ =	shalt  }
0x41: {  	_ =	shalt  }
0x42: {  	_ =	shalt  }
0x43: {  	_ =	shalt  }
0x44: {  	_ =	shalt  }
0x45: {  	_ =	shalt  }
0x46: {  	_ =	shalt  }
0x47: {  	_ =	shalt  }
0x48: {  	_ =	shalt  }
0x49: {  	_ =	shalt  }
0x4a: {  	_ =	shalt  }
0x4b: {  	_ =	shalt  }
0x4c: {  	_ =	shalt  }
0x4d: {  	_ =	shalt  }
0x4e: {  	_ =	shalt  }
0x4f: {  	_ =	shalt  }
0x50: {  	_ =	shalt  }
0x51: {  	_ =	shalt  }
0x52: {  	_ =	shalt  }
0x53: {  	_ =	shalt  }
0x54: {  	_ =	shalt  }
0x55: {  	_ =	shalt  }
0x56: {  	_ =	shalt  }
0x57: {  	_ =	shalt  }
0x58: {  	_ =	shalt  }
0x59: {  	_ =	shalt  }
0x5a: {  	_ =	shalt  }
0x5b: {  	_ =	shalt  }
0x5c: {  	_ =	shalt  }
0x5d: {  	_ =	shalt  }
0x5e: {  	_ =	shalt  }
0x5f: {  	_ =	shalt  }
0x60: {  	_ =	shalt  }
0x61: {  	_ =	shalt  }
0x62: {  	_ =	shalt  }
0x63: {  	_ =	shalt  }
0x64: {  	_ =	shalt  }
0x65: {  	_ =	shalt  }
0x66: {  	_ =	shalt  }
0x67: {  	_ =	shalt  }
0x68: {  	_ =	shalt  }
0x69: {  	_ =	shalt  }
0x6a: {  	_ =	shalt  }
0x6b: {  	_ =	shalt  }
0x6c: {  	_ =	shalt  }
0x6d: {  	_ =	shalt  }
0x6e: {  	_ =	shalt  }
0x6f: {  	_ =	shalt  }
0x70: {  	_ =	shalt  }
0x71: {  	_ =	shalt  }
0x72: {  	_ =	shalt  }
0x73: {  	_ =	shalt  }
0x74: {  	_ =	shalt  }
0x75: {  	_ =	shalt  }
0x76: {  	_ =	shalt  }
0x77: {  	_ =	shalt  }
0x78: {  	_ =	shalt  }
0x79: {  	_ =	shalt  }
0x7a: {  	_ =	shalt  }
0x7b: {  	_ =	shalt  }
0x7c: {  	_ =	shalt  }
0x7d: {  	_ =	shalt  }
0x7e: {  	_ =	shalt  }
0x7f: {  	_ =	shalt  }
0x80: {  	_ =	shalt  }
0x81: {  	_ =	shalt  }
0x82: {  	_ =	shalt  }
0x83: {  	_ =	shalt  }
0x84: {  	_ =	shalt  }
0x85: {  	_ =	shalt  }
0x86: {  	_ =	shalt  }
0x87: {  	_ =	shalt  }
.Lfunc_end0:
.L_simem_size_0:
called_computation.5_lowered:
.L_overlay_start_0:
0x88: {  	s2 =	sld [smem:$0x3FD9]  }
0x89: {  	s3 =	sld [smem:$0x3FFE];
	_ =	sdelay $0x1  }
0x8a: {  	s1 =	srdreg.scid  }
0x8b: {  	s0 =	sand.u32 $0x1, s1  }
0x8c: {  	s16 =	sshll.u32 s0, $0xA;
	s2 =	sadd.s32 s3, s2  }
0x8d: {  	s2 =	sadd.s32 s2, s16  }
0x8e: {  	[smem:$0x3FB7] =	sst s2  }
0x8f: {  	_ = 	snop  }
0x90: {  	(tm) =	ssettm $0x1  }
0x91: {  	s17 =	sld [smem:$0x3FFB];
	_ =	sdelay $0x3  }
0x92: {  	_ =	strace s17  }
0x93: {  	s2 =	sld [smem:$0x3FFC];
	_ =	sdelay $0x3  }
0x94: {  	_ =	strace s2  }
0x95: {  	s2 =	sld [smem:$0x3FFD];
	_ =	sdelay $0x3  }
0x96: {  	_ =	strace s2  }
0x97: {  	_ =	strace $0x8FFFFFFF  }
0x98: {  	s18 =	sld [smem:$0x3FDB];
	_ =	sdelay $0x1  }
0x99: {  	s19 =	simm.s32 $_scs_section_size  }
0x9a: {  	s4 =	simm.s32 $_size__tile_overlayer_lowered;
	s5 =	simm.s32 $_tile_overlayer_lowered  }
0x9b: {  	s22 =	simm.s32 $0x1BFF;
	s21 =	sshll.u32 s5, $0x1;
	s2 =	sadd.s32 s19, s18  }
0x9c: {  	s6 =	simm.s32 $0x0;
	s20 =	sshll.u32 s4, $0x1;
	s4 =	sadd.s32 s21, s2  }
0x9d: {  	[timem:s6], [sflag:s22] =	dma.local [hbm:s4], s20  }
0x9e: {  	_ =	swait.ge [sflag:s22], s20  }
0x9f: {  	s3 =	ssub.s32 $0x0, s20;
	[sflag:s22] =	ssyncset.done $0x0  }
0xa0: {  	[sflag:s22] =	ssyncadd.s32 s3;
	_ =	sdelay $0x1  }
0xa1: {  	s23 =	simm.s32 $0x1B8B  }
0xa2: {  	_ =	swait.ge [sflag:s23], $0x1  }
0xa3: {  	[sflag:s23] =	ssyncset.done $0x0  }
0xa4: {  	s25 =	simm.s32 $0x1B8E;
	s24 =	sld [smem:$0x3FFE];
	[sflag:s23] =	ssyncadd.s32 $0xFFFFFFFF  }
0xa5: {  	s26 =	simm.s32 $execute0_lowered;
	[smem:$0x3FD2] =	sst s25  }
0xa6: {  	s4 =	sshll.u32 s26, $0x1;
	_ =	strace $0x80000055;
	[dreg:$0x1] =	wrdreg $0xFFFFFFFF  }
0xa7: {  	s28 =	simm.s32 $_size_execute0_lowered;
	s2 =	sadd.s32 s2, s4;
	[dreg:$0x0] =	wrdreg $0x0  }
0xa8: {  	s4 =	sshll.u32 s28, $0x1;
	[dreg:$0x2] =	wrdreg s2  }
0xa9: {  	[dreg:$0x3] =	wrdreg s4  }
0xaa: {  	[dreg:$0x4] =	wrdreg $0xC0  }
0xab: {  	_ =	task [dreg:s6], $0x5FFFF  }
0xac: {  	[dreg:$0x1] =	wrdreg $0xFFFFFFFF  }
0xad: {  	[dreg:$0x0] =	wrdreg $0x60  }
0xae: {  	[dreg:$0x2] =	wrdreg s24  }
0xaf: {  	[dreg:$0x3] =	wrdreg $0xB8000  }
0xb0: {  	[dreg:$0x4] =	wrdreg $0x9  }
0xb1: {  	_ =	task.clear_ibuf [dreg:s6], $0x5FFFF;
	_ =	strace $0x90000055  }
0xb2: {  	s29 =	simm.s32 $0x9;
	_ =	strace $0x80000057  }
0xb3: {  	_ =	swait.ge [sflag:s29], $0x1  }
0xb4: {  	[sflag:s29] =	ssyncadd.s32 $0xFFFFFFFF  }
0xb5: {  	_ =	strace $0x90000057  }
0xb6: {  	_ =	sfence  }
0xb7: {  	s30 =	sld [smem:$0x0];
	_ =	sdelay $0x2  }
0xb8: {  	s31 =	sshll.u32 s1, $0xD;
	s1 =	sshrl.u32 s1, $0x2  }
0xb9: {  	s3 =	sand.u32 $0x4000, s31;
	s1 =	sadd.s32 s1, s30  }
0xba: {  	s0 =	sor.u32 s3, s0;
	s1 =	sshll.u32 s1, $0x11  }
0xbb: {  	s0 =	sor.u32 s1, s0  }
0xbc: {  	s0 =	sadd.s32 $0x8F2B, s0  }
0xbd: {  	[sflag:s0] =	ssyncadd.remote.s32 $0x1  }
0xbe: {  	_ =	sfence.sel $0xFFFF  }
0xbf: {  	[dreg:$0x0] =	wrdreg $0xFFFFFFFF;
	(pc) =	sbr.abs _section_cstart, $3  }
0xc0: {  	[dreg:$0x1] =	wrdreg $0xFFFFFFFF  }
0xc1: {  	_ =	task.clear_ibuf [dreg:s6], $0x2FFFF;
	_ =	strace $0x9FFFFFFF  }
0xc2: {  	(tm) =	ssettm $0x7FFFFFFF  }
0xc3: {  	_ =	shalt  }
tec
execute0_lowered:
.L_overlay_start_1:
0x0: {  	(tag) =	ssettag $0x1  }
0x1: {  	s0 =	rddreg [dreg:$0x0]  }
0x2: {  	s1 =	rddreg [dreg:$0x1];
	s2 =	srdreg.scid  }
0x3: {  	s3 =	simm.s32 $0x0;
	s20 =	stileid.u32;
	s16 =	simm.s32 $0x3  }
0x4: {  	s17 =	simm.s32 $0x4000;
	s18 =	simm.s32 $0x6800;
	s19 =	simm.s32 $0x9000  }
0x5: {  	s28 =	simm.s32 $0x3E00;
	s29 =	simm.s32 $0x0;
	s21 =	smul.u32 $0x2800, s20  }
0x6: {  	s8 =	sand.u32 $0x1, s2;
	[smem:$0x7FF] =	sst s3;
	s9 =	smul.u32 $0x50000, s20  }
0x7: {  	s12 =	sadd.s32 $0xF36A00, s0;
	s25 =	sshll.u32 s20, $0x6;
	s15 =	smul.u32 $0x27100, s20  }
0x8: {  	s4 =	sshll.u32 s8, $0x4;
	_ =	strace $0x80000056;
	s7 =	smul.u32 $0x28000, s8  }
0x9: {  	s22 =	ssub.s32 $0x2, s8;
	s13 =	smul.u32 $0x271000, s8;
	s5 =	sor.u32 s20, s4  }
0xa: {  	s10 =	sadd.s32 s21, s0;
	s23 =	sshrl.u32 s22, $0x1;
	s9 =	sshrl.u32 s9, $0x2  }
0xb: {  	s20 =	simm.s32 $0x1;
	s6 =	sshll.u32 s5, $0xB;
	s4 =	sadd.s32 s21, s7  }
0xc: {  	s11 =	ssub.s32 s22, s23;
	s14 =	sadd.s32 s9, s1;
	s24 =	smul.u32 $0x138800, s5  }
0xd: {  	s26 =	smul.u32 $0x27100, s5;
	s5 =	sor.u32 $0x1C03, s25;
	s31 =	sadd.s32 s13, s12  }
0xe: {  	s21 =	simm.s32 $0x50;
	s22 =	simm.s32 $0x2;
	s25 =	simm.s32 $0x3D00  }
0xf: {  	s6 =	sadd.s32 s6, s0;
	s0 =	sadd.s32 s4, s0;
	s4 =	sadd.s32 $0xF0EA00, s10  }
0x10: {  	s11 =	smax.u32 s11, $0x1;
	s6 =	sadd.s32 $0xA1CA00, s6;
	s30 =	sshrl.u32 s24, $0x3  }
0x11: {  	s7 =	sadd.s32 s12, s26;
	s10 =	sadd.s32 $0xA53C00, s0;
	s0 =	sadd.s32 s15, s31  }
0x12: {  	s15 =	sshrl.u32 s14, $0x3;
	s24 =	simm.s32 $0x3C80;
	s26 =	simm.s32 $0x3D80  }
0x13: {  	s9 =	sadd.s32 s12, s30;
	s12 =	sadd.s32 $0x26700, s7;
	s13 =	sadd.s32 $0x26C00, s7  }
0x14: {  	s0 =	sadd.s32 $0x1900, s0;
	s8 =	sadd.s32 $0x500, s9;
	s9 =	sadd.s32 $0xA00, s9  }
.LBB2_1:
0x15: {  	[spmem:s15], [sflag:s5] =	dma.local [hbm:s4], $0x2800  }
0x16: {  	_ =	swait.ge [sflag:s16], $0x2800  }
0x17: {  	[sflag:s16] =	ssyncset.done $0x0  }
0x18: {  	[sflag:s16] =	ssyncadd.s32 $0xFFFFD800  }
0x19: {  	[tilespmem:s3], [sflag:$0x3] =	stream.linear.gather [hbm4b:s6+s3], $0x3E80, $0x38;
	[tilespmem:$0x1F800] =	vst v63  }
0x1a: {  	_ =	swait.ge [sflag:s16], $0x3E80  }
0x1b: {  	[sflag:s16] =	ssyncset.done $0x0  }
0x1c: {  	[sflag:s16] =	ssyncadd.s32 $0xFFFFC180  }
0x1d: {  	[bflag:$0x0] =	sbarrier.arrive $0xFFFF  }
0x1e: {  	[tilespmem:s17], [sflag:$0x1] =	stream.linear.gather [hbm4b:s7+s3], $0x2800, $0x38;
	[tilespmem:$0x1F800] =	vst v63  }
0x1f: {  	_ = 	snop  }
0x20: {  	[tilespmem:s18], [sflag:$0x1] =	stream.linear.gather [hbm4b:s8+s3], $0x2800, $0x38;
	[tilespmem:$0x1F800] =	vst v63  }
0x21: {  	_ = 	snop  }
0x22: {  	[tilespmem:s19], [sflag:$0x1] =	stream.linear.gather [hbm4b:s9+s3], $0x2800, $0x38;
	[tilespmem:$0x1F800] =	vst v63  }
0x23: {  	_ =	swait.ge [sflag:s20], $0x2800  }
0x24: {  	[sflag:s20] =	ssyncset.done $0x0  }
0x25: {  	s14 =	simm.s32 $0x0;
	[sflag:s20] =	ssyncadd.s32 $0xFFFFD800  }
0x26: {  	[spmem:s1] =	stream.indirect.scatter.add.f32 [tilespmem:s17], [sflag:$0x2], $0x80, s14, s21, $0xb8;
	[tilespmem:$0x1F800] =	vst v63  }
0x27: {  	_ =	swait.ge [sflag:s22], $0x2800  }
0x28: {  	[sflag:s22] =	ssyncset.done $0x0  }
0x29: {  	s2 =	sadd.s32 $0xFFFFF600, s0;
	[sflag:s22] =	ssyncadd.s32 $0xFFFFD800  }
0x2a: {  	[tilespmem:s17], [sflag:$0x1] =	stream.linear.gather [hbm4b:s2+s3], $0x2800, $0x38;
	[tilespmem:$0x1F800] =	vst v63  }
0x2b: {  	_ =	swait.ge [sflag:s20], $0x2800  }
0x2c: {  	[sflag:s20] =	ssyncset.done $0x0  }
0x2d: {  	s23 =	simm.s32 $0x80;
	[sflag:s20] =	ssyncadd.s32 $0xFFFFD800  }
0x2e: {  	[spmem:s1] =	stream.indirect.scatter.add.f32 [tilespmem:s18], [sflag:$0x2], $0x80, s23, s21, $0xb8;
	[tilespmem:$0x1F800] =	vst v63  }
0x2f: {  	_ =	swait.ge [sflag:s22], $0x2800  }
0x30: {  	[sflag:s22] =	ssyncset.done $0x0  }
0x31: {  	s2 =	sadd.s32 $0xFFFFFB00, s0;
	[sflag:s22] =	ssyncadd.s32 $0xFFFFD800  }
0x32: {  	[tilespmem:s18], [sflag:$0x1] =	stream.linear.gather [hbm4b:s2+s3], $0x2800, $0x38;
	[tilespmem:$0x1F800] =	vst v63  }
0x33: {  	_ =	swait.ge [sflag:s20], $0x2800  }
0x34: {  	[sflag:s20] =	ssyncset.done $0x0  }
0x35: {  	s23 =	simm.s32 $0x100;
	[sflag:s20] =	ssyncadd.s32 $0xFFFFD800  }
0x36: {  	[spmem:s1] =	stream.indirect.scatter.add.f32 [tilespmem:s19], [sflag:$0x2], $0x80, s23, s21, $0xb8;
	[tilespmem:$0x1F800] =	vst v63  }
0x37: {  	_ =	swait.ge [sflag:s22], $0x2800  }
0x38: {  	s30 =	simm.s32 $0x600;
	[sflag:s22] =	ssyncset.done $0x0  }
0x39: {  	s31 =	sadd.s32 $0xF00, s0;
	s14 =	smov.u32 s0;
	[sflag:s22] =	ssyncadd.s32 $0xFFFFD800  }
.LBB2_2:
0x3a: {  	[tilespmem:s19], [sflag:$0x1] =	stream.linear.gather [hbm4b:s14+s3], $0x2800, $0x38;
	[tilespmem:$0x1F800] =	vst v63  }
0x3b: {  	s2 =	smov.u32 s30;
	s14 =	smov.u32 s31  }
0x3c: {  	p0 =	sne.s32 s30, $0xEA00;
	s30 =	sadd.s32 $0x600, s30;
	_ =	swait.ge [sflag:s20], $0x2800  }
0x3d: {  	[sflag:s20] =	ssyncset.done $0x0  }
0x3e: {  	s2 =	sshra.s32 s2, $0x2;
	[sflag:s20] =	ssyncadd.s32 $0xFFFFD800  }
0x3f: {  	[spmem:s1] =	stream.indirect.scatter.add.f32 [tilespmem:s17], [sflag:$0x2], $0x80, s2, s21, $0xb8;
	[tilespmem:$0x1F800] =	vst v63  }
0x40: {  	_ =	swait.ge [sflag:s22], $0x2800  }
0x41: {  	[sflag:s22] =	ssyncset.done $0x0  }
0x42: {  	s23 =	sadd.s32 $0xFFFFF600, s31;
	[sflag:s22] =	ssyncadd.s32 $0xFFFFD800  }
0x43: {  	[tilespmem:s17], [sflag:$0x1] =	stream.linear.gather [hbm4b:s23+s3], $0x2800, $0x38;
	[tilespmem:$0x1F800] =	vst v63  }
0x44: {  	_ =	swait.ge [sflag:s20], $0x2800  }
0x45: {  	[sflag:s20] =	ssyncset.done $0x0  }
0x46: {  	s23 =	sadd.s32 $0x80, s2;
	[sflag:s20] =	ssyncadd.s32 $0xFFFFD800  }
0x47: {  	[spmem:s1] =	stream.indirect.scatter.add.f32 [tilespmem:s18], [sflag:$0x2], $0x80, s23, s21, $0xb8;
	[tilespmem:$0x1F800] =	vst v63  }
0x48: {  	_ =	swait.ge [sflag:s22], $0x2800  }
0x49: {  	[sflag:s22] =	ssyncset.done $0x0  }
0x4a: {  	s23 =	sadd.s32 $0xFFFFFB00, s31;
	[sflag:s22] =	ssyncadd.s32 $0xFFFFD800  }
0x4b: {  	[tilespmem:s18], [sflag:$0x1] =	stream.linear.gather [hbm4b:s23+s3], $0x2800, $0x38;
	[tilespmem:$0x1F800] =	vst v63  }
0x4c: {  	_ =	swait.ge [sflag:s20], $0x2800  }
0x4d: {  	[sflag:s20] =	ssyncset.done $0x0  }
.Ltmp0:
0x4e: {  	s2 =	sadd.s32 $0x100, s2;
	[sflag:s20] =	ssyncadd.s32 $0xFFFFD800;
	(pc) =	sbr.rel @p0 .LBB2_2-.Ltmp0, $4  }
0x4f: {  	[spmem:s1] =	stream.indirect.scatter.add.f32 [tilespmem:s19], [sflag:$0x2], $0x80, s2, s21, $0xb8;
	[tilespmem:$0x1F800] =	vst v63  }
0x50: {  	_ =	swait.ge [sflag:s22], $0x2800  }
0x51: {  	[sflag:s22] =	ssyncset.done $0x0  }
0x52: {  	s31 =	sadd.s32 $0xF00, s31;
	[sflag:s22] =	ssyncadd.s32 $0xFFFFD800  }
0x53: {  	[tilespmem:s19], [sflag:$0x1] =	stream.linear.gather [hbm4b:s14+s3], $0x2800, $0x38;
	[tilespmem:$0x1F800] =	vst v63  }
0x54: {  	_ =	swait.ge [sflag:s20], $0x2800  }
0x55: {  	[sflag:s20] =	ssyncset.done $0x0  }
0x56: {  	s2 =	simm.s32 $0x3C00;
	[sflag:s20] =	ssyncadd.s32 $0xFFFFD800  }
0x57: {  	[spmem:s1] =	stream.indirect.scatter.add.f32 [tilespmem:s17], [sflag:$0x2], $0x80, s2, s21, $0xb8;
	[tilespmem:$0x1F800] =	vst v63  }
0x58: {  	_ =	swait.ge [sflag:s22], $0x2800  }
0x59: {  	[sflag:s22] =	ssyncset.done $0x0  }
0x5a: {  	[sflag:s22] =	ssyncadd.s32 $0xFFFFD800  }
0x5b: {  	[tilespmem:s17], [sflag:$0x1] =	stream.linear.gather [hbm4b:s12+s3], $0x2800, $0x38;
	[tilespmem:$0x1F800] =	vst v63  }
0x5c: {  	_ =	swait.ge [sflag:s20], $0x2800  }
0x5d: {  	[sflag:s20] =	ssyncset.done $0x0  }
0x5e: {  	[sflag:s20] =	ssyncadd.s32 $0xFFFFD800  }
0x5f: {  	[spmem:s1] =	stream.indirect.scatter.add.f32 [tilespmem:s18], [sflag:$0x2], $0x80, s24, s21, $0xb8;
	[tilespmem:$0x1F800] =	vst v63  }
0x60: {  	_ =	swait.ge [sflag:s22], $0x2800  }
0x61: {  	[sflag:s22] =	ssyncset.done $0x0  }
0x62: {  	[sflag:s22] =	ssyncadd.s32 $0xFFFFD800  }
0x63: {  	[tilespmem:s18], [sflag:$0x1] =	stream.linear.gather [hbm4b:s13+s3], $0x2800, $0x38;
	[tilespmem:$0x1F800] =	vst v63  }
0x64: {  	_ =	swait.ge [sflag:s20], $0x2800  }
0x65: {  	[sflag:s20] =	ssyncset.done $0x0  }
0x66: {  	[sflag:s20] =	ssyncadd.s32 $0xFFFFD800  }
0x67: {  	[spmem:s1] =	stream.indirect.scatter.add.f32 [tilespmem:s19], [sflag:$0x2], $0x80, s25, s21, $0xb8;
	[tilespmem:$0x1F800] =	vst v63  }
0x68: {  	_ =	swait.ge [sflag:s22], $0x2800  }
0x69: {  	[sflag:s22] =	ssyncset.done $0x0  }
0x6a: {  	[sflag:s22] =	ssyncadd.s32 $0xFFFFD800  }
0x6b: {  	_ =	swait.ge [sflag:s20], $0x2800  }
0x6c: {  	[sflag:s20] =	ssyncset.done $0x0  }
0x6d: {  	[sflag:s20] =	ssyncadd.s32 $0xFFFFD800  }
0x6e: {  	[spmem:s1] =	stream.indirect.scatter.add.f32 [tilespmem:s17], [sflag:$0x2], $0x80, s26, s21, $0xb8;
	[tilespmem:$0x1F800] =	vst v63  }
0x6f: {  	_ =	swait.ge [sflag:s22], $0x2800  }
0x70: {  	[sflag:s22] =	ssyncset.done $0x0  }
0x71: {  	[sflag:s22] =	ssyncadd.s32 $0xFFFFD800  }
0x72: {  	_ =	swait.ge [sflag:s20], $0x2800  }
0x73: {  	[sflag:s20] =	ssyncset.done $0x0  }
0x74: {  	[sflag:s20] =	ssyncadd.s32 $0xFFFFD800  }
0x75: {  	[spmem:s1] =	stream.indirect.scatter.add.f32 [tilespmem:s18], [sflag:$0x2], $0x80, s28, s21, $0xb8;
	[tilespmem:$0x1F800] =	vst v63  }
0x76: {  	_ =	swait.ge [sflag:s22], $0x2800  }
0x77: {  	s29 =	sadd.s32 $0x1, s29;
	[sflag:s22] =	ssyncset.done $0x0  }
0x78: {  	p0 =	sne.s32 s29, s11;
	[sflag:s22] =	ssyncadd.s32 $0xFFFFD800  }
.Ltmp1:
0x79: {  	[bflag:$0x0] =	sbarrier.arrive $0xFFFF;
	(pc) =	sbr.rel @p0 .LBB2_1-.Ltmp1, $4  }
0x7a: {  	[hbm:s10], [sflag:s5] =	dma.local [spmem:s15], $0x2800  }
0x7b: {  	_ =	swait.ge [sflag:s16], $0x2800  }
0x7c: {  	[sflag:s16] =	ssyncset.done $0x0  }
0x7d: {  	[sflag:s16] =	ssyncadd.s32 $0xFFFFD800  }
0x7e: {  	_ =	sfence.sel $0x180000  }
0x7f: {  	[bflag:$0x0] =	sbarrier.arrive $0xFFFF  }
0x80: {  	_ =	strace $0x90000056  }
0x81: {  	s0 =	stileid.u32;
	[bflag:$0x2] =	sbarrier.arrive $0xFFFF  }
0x82: {  	p0 =	sne.s32 s0, $0x0;
	s0 =	rddreg [dreg:$0x2]  }
0x83: {  	s0 =	sadd.s32 @!p0 $0x100000, s0  }
0x84: {  	[sflag:s0] =	ssyncadd.tile.s32 @!p0 $0x1;
	_ =	shalt  }
.Lfunc_end2:
_tile_overlayer_lowered:
.L_overlay_start_2:
0x85: {  	(tag) =	ssettag $0x2  }
0x86: {  	s0 =	rddreg [dreg:$0x0];
	s2 =	stileid.u32  }
0x87: {  	s1 =	rddreg [dreg:$0x1];
	p0 =	sne.s32 s2, $0x0  }
0x88: {  	s3 =	rddreg [dreg:$0x2];
	[bflag:$0x3] =	sbarrier.arrive $0xFFFF;
	s2 =	simm.s32 @!p0 $0x1C03  }
0x89: {  	[timem:s3], [sflag:s2] =	dma.local @!p0 [hbm:s0], s1  }
0x8a: {  	s0 =	simm.s32 @!p0 $0x3  }
0x8b: {  	_ =	swait.ge @!p0 [sflag:s0], s1  }
0x8c: {  	s1 =	ssub.s32 @!p0 $0x0, s1;
	[sflag:s0] =	ssyncset.done @!p0 $0x0  }
0x8d: {  	[sflag:s0] =	ssyncadd.s32 @!p0 s1  }
0x8e: {  	[bflag:$0x3] =	sbarrier.arrive $0xFFFF  }
0x8f: {  	_ =	shalt  }

</sc_bundles>
